<compile_context>
chip_gen: v7x
topology: tpu7x:2x2x1
jax: 0.10.2.dev20260603
libtpu: 0.0.44.dev20260713+nightly
codegen_flags: <defaults>
</compile_context>

<pallas_src>
import functools

import jax
import jax.numpy as jnp
from jax import lax
from jax.experimental import pallas as pl
from jax.experimental.pallas import tpu as pltpu
from jax.experimental.pallas import tpu_sc as plsc

N = 10000
E = 320000
D = 128

NC = 2
NS = 16
CHUNK = 128
G = 16
NG = 5
TOT_CH = NC * NS * G * NG
PE = TOT_CH * CHUNK
AGG_ROWS = 10240
ZROWS = AGG_ROWS // NS

_sc_mesh = plsc.VectorSubcoreMesh(core_axis_name="c", subcore_axis_name="s")


@functools.partial(
    pl.kernel,
    out_type=jax.ShapeDtypeStruct((NC, AGG_ROWS, D), jnp.float32),
    mesh=_sc_mesh,
    scratch_types=[
        pltpu.VMEM((G, CHUNK), jnp.int32),
        pltpu.VMEM((G, CHUNK), jnp.int32),
        pltpu.VMEM((CHUNK, D), jnp.float32),
        pltpu.VMEM((CHUNK, D), jnp.float32),
        pltpu.VMEM_SHARED((AGG_ROWS, D), jnp.float32),
        pltpu.SemaphoreType.DMA,
        pltpu.SemaphoreType.DMA,
    ],
)
def _sc_agg(h_hbm, src_hbm, dst_hbm, out_hbm, src_v, dst_v, rows_a, rows_b,
            agg, sem_a, sem_b):
    c = lax.axis_index("c")
    s = lax.axis_index("s")
    tile_chunk_base = (c * NS + s) * (G * NG)

    zv = jnp.zeros((16,), jnp.float32)

    with jax.named_scope("agg_zero"):
        @pl.loop(0, CHUNK)
        def _zero(i):
            for j in range(D // 16):
                rows_a[i, pl.ds(j * 16, 16)] = zv

        for k in range(ZROWS // CHUNK):
            pltpu.sync_copy(rows_a, agg.at[pl.ds(s * ZROWS + k * CHUNK, CHUNK)])
        plsc.subcore_barrier()

    def _start_gather(j, buf, sem):
        pltpu.async_copy(h_hbm.at[src_v.at[j]], buf, sem)

    def _wait_gather(buf, sem):
        pltpu.make_async_copy(h_hbm.at[pl.ds(0, CHUNK)], buf, sem).wait()

    with jax.named_scope("agg_edges"):
        for g in range(NG):
            gbase = tile_chunk_base + g * G
            pltpu.sync_copy(src_hbm.at[pl.ds(gbase, G)], src_v)
            pltpu.sync_copy(dst_hbm.at[pl.ds(gbase, G)], dst_v)
            _start_gather(0, rows_a, sem_a)

            @pl.loop(0, G, step=2)
            def _edges(j):
                _start_gather(j + 1, rows_b, sem_b)
                _wait_gather(rows_a, sem_a)
                pltpu.sync_copy(rows_a, agg.at[dst_v.at[j]], add=True)

                @pl.when(j + 2 < G)
                def _():
                    _start_gather(j + 2, rows_a, sem_a)

                _wait_gather(rows_b, sem_b)
                pltpu.sync_copy(rows_b, agg.at[dst_v.at[j + 1]], add=True)

    with jax.named_scope("agg_wout"):
        plsc.subcore_barrier()
        pltpu.sync_copy(
            agg.at[pl.ds(s * ZROWS, ZROWS)],
            out_hbm.at[c, pl.ds(s * ZROWS, ZROWS)],
        )



BLK = 1000


def _mlp_body(h_ref, p0_ref, p1_ref, wa_ref, ba_ref, wb_ref, bb_ref, o_ref):
    t = h_ref[...] + p0_ref[...] + p1_ref[...]
    t = jnp.dot(t, wa_ref[...], preferred_element_type=jnp.float32) + ba_ref[...]
    o_ref[...] = jnp.dot(t, wb_ref[...], preferred_element_type=jnp.float32) + bb_ref[...]


_row_spec = pl.BlockSpec((BLK, D), lambda i: (i, 0))
_w_spec = pl.BlockSpec((D, D), lambda i: (0, 0))
_b_spec = pl.BlockSpec((1, D), lambda i: (0, 0))

_mlp = pl.pallas_call(
    _mlp_body,
    grid=(N // BLK,),
    in_specs=[_row_spec, _row_spec, _row_spec, _w_spec, _b_spec, _w_spec, _b_spec],
    out_specs=_row_spec,
    out_shape=jax.ShapeDtypeStruct((N, D), jnp.float32),
)


def _mlp_head_body(h_ref, p0_ref, p1_ref, wa_ref, ba_ref, wb_ref, bb_ref,
                   wl1_ref, bl1_ref, wl3_ref, bl3_ref, o_ref):
    t = h_ref[...] + p0_ref[...] + p1_ref[...]
    t = jnp.dot(t, wa_ref[...], preferred_element_type=jnp.float32) + ba_ref[...]
    t = jnp.dot(t, wb_ref[...], preferred_element_type=jnp.float32) + bb_ref[...]
    g = jnp.maximum(
        jnp.dot(t, wl1_ref[...], preferred_element_type=jnp.float32) + bl1_ref[...],
        0.0,
    )
    o_ref[...] = jnp.dot(g, wl3_ref[...], preferred_element_type=jnp.float32) + bl3_ref[...]


_mlp_head = pl.pallas_call(
    _mlp_head_body,
    grid=(N // BLK,),
    in_specs=[
        _row_spec, _row_spec, _row_spec,
        _w_spec, _b_spec, _w_spec, _b_spec,
        _w_spec, _b_spec,
        pl.BlockSpec((D, 1), lambda i: (0, 0)),
        pl.BlockSpec((1, 1), lambda i: (0, 0)),
    ],
    out_specs=pl.BlockSpec((BLK, 1), lambda i: (i, 0)),
    out_shape=jax.ShapeDtypeStruct((N, 1), jnp.float32),
)


def kernel(x, edge_index, W1a, b1a, W1b, b1b, W2a, b2a, W2b, b2b, Wl1, bl1, Wl3, bl3):
    src = edge_index[0].astype(jnp.int32)
    dst = edge_index[1].astype(jnp.int32)
    pad = PE - E
    pad_idx = jnp.arange(pad, dtype=jnp.int32)
    src_p = jnp.concatenate([src, pad_idx % N]).reshape(-1, CHUNK)
    dst_p = jnp.concatenate([dst, N + pad_idx % (AGG_ROWS - N)]).reshape(-1, CHUNK)

    b1a_r = b1a.reshape(1, D)
    b1b_r = b1b.reshape(1, D)
    b2a_r = b2a.reshape(1, D)
    b2b_r = b2b.reshape(1, D)
    bl1_r = bl1.reshape(1, D)
    bl3_r = bl3.reshape(1, 1)

    p = _sc_agg(x, src_p, dst_p)
    h1 = _mlp(x, p[0], p[1], W1a, b1a_r, W1b, b1b_r)
    p = _sc_agg(h1, src_p, dst_p)
    out = _mlp_head(h1, p[0], p[1], W2a, b2a_r, W2b, b2b_r, Wl1, bl1_r, Wl3, bl3_r)
    return out

# --- scband reference (transcript-rebuilt; emitter-appended) ---
"""Pipeline reference for scband-my-model-90323162235465 (READ-ONLY COPY).

The authoritative reference and input builder live on the scoring server;
editing this copy changes nothing except your own understanding.
"""

import jax, jax.numpy as jnp
import numpy as np

N = 10000
E = 320000
D = 128

def _lin_params(key, din, dout):
    k1, k2 = jax.random.split(key)
    W = jax.random.normal(k1, (din, dout), dtype=jnp.float32) * (1.0 / np.sqrt(din))
    b = jax.random.normal(k2, (dout,), dtype=jnp.float32) * 0.01
    return W, b

def setup_inputs(seed: int = 0):
    key = jax.random.key(seed)
    ks = jax.random.split(key, 10)
    x = jax.random.normal(ks[0], (N, D), dtype=jnp.float32)
    edge_index = jax.random.randint(ks[1], (2, E), 0, N, dtype=jnp.int64)
    W1a, b1a = _lin_params(ks[2], D, D)
    W1b, b1b = _lin_params(ks[3], D, D)
    W2a, b2a = _lin_params(ks[4], D, D)
    W2b, b2b = _lin_params(ks[5], D, D)
    Wl1, bl1 = _lin_params(ks[6], D, D)
    Wl3, bl3 = _lin_params(ks[7], D, 1)
    return {"x": x, "edge_index": edge_index,
            "W1a": W1a, "b1a": b1a, "W1b": W1b, "b1b": b1b,
            "W2a": W2a, "b2a": b2a, "W2b": W2b, "b2b": b2b,
            "Wl1": Wl1, "bl1": bl1, "Wl3": Wl3, "bl3": bl3}

def reference(x, edge_index, W1a, b1a, W1b, b1b, W2a, b2a, W2b, b2b, Wl1, bl1, Wl3, bl3):
    src = edge_index[0]
    dst = edge_index[1]
    def gin_conv(h, Wa, ba, Wb, bb):
        # GINConv, eps=0: nn((1+eps)*x + sum_{j->i} x_j), nn = Linear->Linear (no activation between)
        agg = jnp.zeros_like(h).at[dst].add(h[src])
        out = h + agg
        out = out @ Wa + ba
        out = out @ Wb + bb
        return out
    h = gin_conv(x, W1a, b1a, W1b, b1b)
    h = gin_conv(h, W2a, b2a, W2b, b2b)
    h = jax.nn.relu(h @ Wl1 + bl1)
    out = h @ Wl3 + bl3
    return out

if __name__ == "__main__":
    import jax
    _d = setup_inputs()
    print(jax.jit(kernel)(*tuple(_d.values())))

</pallas_src>

<mosaic_0001>
#map = affine_map<(d0, d1) -> (0, 0)>
#map1 = affine_map<(d0, d1) -> (0, 0, 0)>
module attributes {stable_mosaic.version = 14 : i64} {
  func.func @_sc_agg(%arg0: i32, %arg1: i32, %arg2: memref<10000x128xf32, #tpu.memory_space<hbm>>, %arg3: memref<2560x128xi32, #tpu.memory_space<hbm>>, %arg4: memref<2560x128xi32, #tpu.memory_space<hbm>>, %arg5: memref<2x10240x128xf32, #tpu.memory_space<hbm>>, %arg6: memref<16x128xi32, #tpu.memory_space<vmem>>, %arg7: memref<16x128xi32, #tpu.memory_space<vmem>>, %arg8: memref<128x128xf32, #tpu.memory_space<vmem>>, %arg9: memref<128x128xf32, #tpu.memory_space<vmem>>, %arg10: memref<10240x128xf32, #tpu.memory_space<vmem_shared>>, %arg11: memref<!tpu.dma_semaphore, #tpu.memory_space<semaphore_mem>>, %arg12: memref<!tpu.dma_semaphore, #tpu.memory_space<semaphore_mem>>) attributes {dimension_semantics = [#tpu.dimension_semantics<core_parallel>, #tpu.dimension_semantics<subcore_parallel>], iteration_bounds = array<i64: 2, 16>, scalar_prefetch = 0 : i64, scratch_operands = 7 : i64, tpu.core_type = #tpu.core_type<sc_vector_subcore>, window_params = [{transform_indices = #map}, {transform_indices = #map}, {transform_indices = #map}, {transform_indices = #map1}]} {
    %mul3A = arith.constant 16 : i32
    %mul3A_0 = arith.muli %arg0, %mul3A : i32
    %add3A = arith.addi %mul3A_0, %arg1 : i32
    %mul3A_1 = arith.constant 80 : i32
    %mul3A_2 = arith.muli %add3A, %mul3A_1 : i32
    %broadcast_in_dim3A = arith.constant 0.000000e+00 : f32
    %broadcast_in_dim3A_3 = vector.broadcast %broadcast_in_dim3A : f32 to vector<16xf32>
    "tpu.trace_start"() <{level = 10 : i32, message = "agg_zero"}> : () -> ()
    %scan3A = arith.constant 0 : i32
    %scan3A_4 = arith.constant 128 : i32
    %scan3A_5 = arith.addi %scan3A, %scan3A_4 : i32
    %scan3A_6 = arith.constant 1 : i32
    scf.for %scan3A_102 = %scan3A to %scan3A_5 step %scan3A_6  : i32 {
      %mul3A_103 = arith.constant 1 : i32
      %mul3A_104 = arith.muli %scan3A_102, %mul3A_103 : i32
      %add3A_105 = arith.constant 0 : i32
      %add3A_106 = arith.addi %add3A_105, %mul3A_104 : i32
      %swap3A = arith.index_cast %add3A_106 : i32 to index
      %swap3A_107 = arith.constant 0 : index
      %swap3A_108 = tpu.vector_load %arg8[%swap3A, %swap3A_107] {strides = array<i32>} : memref<128x128xf32, #tpu.memory_space<vmem>>, vector<1x16xf32>,
      %swap3A_109 = vector.shape_cast %swap3A_108 : vector<1x16xf32> to vector<16xf32>
      %swap3A_110 = vector.shape_cast %broadcast_in_dim3A_3 : vector<16xf32> to vector<1x16xf32>
      tpu.vector_store %arg8[%swap3A, %swap3A_107], %swap3A_110 {strides = array<i32>} : memref<128x128xf32, #tpu.memory_space<vmem>>, vector<1x16xf32>,
      %swap3A_111 = arith.index_cast %add3A_106 : i32 to index
      %swap3A_112 = arith.constant 16 : index
      %swap3A_113 = tpu.vector_load %arg8[%swap3A_111, %swap3A_112] {strides = array<i32>} : memref<128x128xf32, #tpu.memory_space<vmem>>, vector<1x16xf32>,
      %swap3A_114 = vector.shape_cast %swap3A_113 : vector<1x16xf32> to vector<16xf32>
      %swap3A_115 = vector.shape_cast %broadcast_in_dim3A_3 : vector<16xf32> to vector<1x16xf32>
      tpu.vector_store %arg8[%swap3A_111, %swap3A_112], %swap3A_115 {strides = array<i32>} : memref<128x128xf32, #tpu.memory_space<vmem>>, vector<1x16xf32>,
      %swap3A_116 = arith.index_cast %add3A_106 : i32 to index
      %swap3A_117 = arith.constant 32 : index
      %swap3A_118 = tpu.vector_load %arg8[%swap3A_116, %swap3A_117] {strides = array<i32>} : memref<128x128xf32, #tpu.memory_space<vmem>>, vector<1x16xf32>,
      %swap3A_119 = vector.shape_cast %swap3A_118 : vector<1x16xf32> to vector<16xf32>
      %swap3A_120 = vector.shape_cast %broadcast_in_dim3A_3 : vector<16xf32> to vector<1x16xf32>
      tpu.vector_store %arg8[%swap3A_116, %swap3A_117], %swap3A_120 {strides = array<i32>} : memref<128x128xf32, #tpu.memory_space<vmem>>, vector<1x16xf32>,
      %swap3A_121 = arith.index_cast %add3A_106 : i32 to index
      %swap3A_122 = arith.constant 48 : index
      %swap3A_123 = tpu.vector_load %arg8[%swap3A_121, %swap3A_122] {strides = array<i32>} : memref<128x128xf32, #tpu.memory_space<vmem>>, vector<1x16xf32>,
      %swap3A_124 = vector.shape_cast %swap3A_123 : vector<1x16xf32> to vector<16xf32>
      %swap3A_125 = vector.shape_cast %broadcast_in_dim3A_3 : vector<16xf32> to vector<1x16xf32>
      tpu.vector_store %arg8[%swap3A_121, %swap3A_122], %swap3A_125 {strides = array<i32>} : memref<128x128xf32, #tpu.memory_space<vmem>>, vector<1x16xf32>,
      %swap3A_126 = arith.index_cast %add3A_106 : i32 to index
      %swap3A_127 = arith.constant 64 : index
      %swap3A_128 = tpu.vector_load %arg8[%swap3A_126, %swap3A_127] {strides = array<i32>} : memref<128x128xf32, #tpu.memory_space<vmem>>, vector<1x16xf32>,
      %swap3A_129 = vector.shape_cast %swap3A_128 : vector<1x16xf32> to vector<16xf32>
      %swap3A_130 = vector.shape_cast %broadcast_in_dim3A_3 : vector<16xf32> to vector<1x16xf32>
      tpu.vector_store %arg8[%swap3A_126, %swap3A_127], %swap3A_130 {strides = array<i32>} : memref<128x128xf32, #tpu.memory_space<vmem>>, vector<1x16xf32>,
      %swap3A_131 = arith.index_cast %add3A_106 : i32 to index
      %swap3A_132 = arith.constant 80 : index
      %swap3A_133 = tpu.vector_load %arg8[%swap3A_131, %swap3A_132] {strides = array<i32>} : memref<128x128xf32, #tpu.memory_space<vmem>>, vector<1x16xf32>,
      %swap3A_134 = vector.shape_cast %swap3A_133 : vector<1x16xf32> to vector<16xf32>
      %swap3A_135 = vector.shape_cast %broadcast_in_dim3A_3 : vector<16xf32> to vector<1x16xf32>
      tpu.vector_store %arg8[%swap3A_131, %swap3A_132], %swap3A_135 {strides = array<i32>} : memref<128x128xf32, #tpu.memory_space<vmem>>, vector<1x16xf32>,
      %swap3A_136 = arith.index_cast %add3A_106 : i32 to index
      %swap3A_137 = arith.constant 96 : index
      %swap3A_138 = tpu.vector_load %arg8[%swap3A_136, %swap3A_137] {strides = array<i32>} : memref<128x128xf32, #tpu.memory_space<vmem>>, vector<1x16xf32>,
      %swap3A_139 = vector.shape_cast %swap3A_138 : vector<1x16xf32> to vector<16xf32>
      %swap3A_140 = vector.shape_cast %broadcast_in_dim3A_3 : vector<16xf32> to vector<1x16xf32>
      tpu.vector_store %arg8[%swap3A_136, %swap3A_137], %swap3A_140 {strides = array<i32>} : memref<128x128xf32, #tpu.memory_space<vmem>>, vector<1x16xf32>,
      %swap3A_141 = arith.index_cast %add3A_106 : i32 to index
      %swap3A_142 = arith.constant 112 : index
      %swap3A_143 = tpu.vector_load %arg8[%swap3A_141, %swap3A_142] {strides = array<i32>} : memref<128x128xf32, #tpu.memory_space<vmem>>, vector<1x16xf32>,
      %swap3A_144 = vector.shape_cast %swap3A_143 : vector<1x16xf32> to vector<16xf32>
      %swap3A_145 = vector.shape_cast %broadcast_in_dim3A_3 : vector<16xf32> to vector<1x16xf32>
      tpu.vector_store %arg8[%swap3A_141, %swap3A_142], %swap3A_145 {strides = array<i32>} : memref<128x128xf32, #tpu.memory_space<vmem>>, vector<1x16xf32>,
    }
    %scan3A_7 = arith.constant 128 : i32
    %mul3A_8 = arith.constant 640 : i32
    %mul3A_9 = arith.muli %arg1, %mul3A_8 : i32
    %add3A_10 = arith.constant 0 : i32
    %add3A_11 = arith.addi %mul3A_9, %add3A_10 : i32
    "tpu.region"() ({
      %run_scoped3A = tpu.sem_alloc : memref<!tpu.dma_semaphore, #tpu.memory_space<semaphore_mem>>
      %dma_start3A_102 = arith.constant 0 : i32
      %dma_start3A_103 = tpu.memref_slice %arg10[%add3A_11, %dma_start3A_102] : memref<10240x128xf32, #tpu.memory_space<vmem_shared>> -> memref<128x128xf32, #tpu.memory_space<vmem_shared>>
      %dma_start3A_104 = arith.constant 0 : i32
      %dma_start3A_105 = tpu.memref_slice %arg10[%add3A_11, %dma_start3A_104] : memref<10240x128xf32, #tpu.memory_space<vmem_shared>> -> memref<128x128xf32, #tpu.memory_space<vmem_shared>>
      tpu.enqueue_dma source(%arg8 : memref<128x128xf32, #tpu.memory_space<vmem>>) target(%dma_start3A_105 : memref<128x128xf32, #tpu.memory_space<vmem_shared>>) target_semaphore(%run_scoped3A : memref<!tpu.dma_semaphore, #tpu.memory_space<semaphore_mem>>)
      %dma_wait3A = arith.constant 0 : i32
      %dma_wait3A_106 = tpu.memref_slice %arg10[%add3A_11, %dma_wait3A] : memref<10240x128xf32, #tpu.memory_space<vmem_shared>> -> memref<128x128xf32, #tpu.memory_space<vmem_shared>>
      %dma_wait3A_107 = arith.constant 0 : i32
      %dma_wait3A_108 = tpu.memref_slice %arg10[%add3A_11, %dma_wait3A_107] : memref<10240x128xf32, #tpu.memory_space<vmem_shared>> -> memref<128x128xf32, #tpu.memory_space<vmem_shared>>
      tpu.wait_dma2 semaphore(%run_scoped3A : memref<!tpu.dma_semaphore, #tpu.memory_space<semaphore_mem>>) src(%arg8 : memref<128x128xf32, #tpu.memory_space<vmem>>) dst(%dma_wait3A_108 : memref<128x128xf32, #tpu.memory_space<vmem_shared>>)
      tpu.yield
    }) : () -> ()
    %mul3A_12 = arith.constant 640 : i32
    %mul3A_13 = arith.muli %arg1, %mul3A_12 : i32
    %add3A_14 = arith.constant 128 : i32
    %add3A_15 = arith.addi %mul3A_13, %add3A_14 : i32
    "tpu.region"() ({
      %run_scoped3A = tpu.sem_alloc : memref<!tpu.dma_semaphore, #tpu.memory_space<semaphore_mem>>
      %dma_start3A_102 = arith.constant 0 : i32
      %dma_start3A_103 = tpu.memref_slice %arg10[%add3A_15, %dma_start3A_102] : memref<10240x128xf32, #tpu.memory_space<vmem_shared>> -> memref<128x128xf32, #tpu.memory_space<vmem_shared>>
      %dma_start3A_104 = arith.constant 0 : i32
      %dma_start3A_105 = tpu.memref_slice %arg10[%add3A_15, %dma_start3A_104] : memref<10240x128xf32, #tpu.memory_space<vmem_shared>> -> memref<128x128xf32, #tpu.memory_space<vmem_shared>>
      tpu.enqueue_dma source(%arg8 : memref<128x128xf32, #tpu.memory_space<vmem>>) target(%dma_start3A_105 : memref<128x128xf32, #tpu.memory_space<vmem_shared>>) target_semaphore(%run_scoped3A : memref<!tpu.dma_semaphore, #tpu.memory_space<semaphore_mem>>)
      %dma_wait3A = arith.constant 0 : i32
      %dma_wait3A_106 = tpu.memref_slice %arg10[%add3A_15, %dma_wait3A] : memref<10240x128xf32, #tpu.memory_space<vmem_shared>> -> memref<128x128xf32, #tpu.memory_space<vmem_shared>>
      %dma_wait3A_107 = arith.constant 0 : i32
      %dma_wait3A_108 = tpu.memref_slice %arg10[%add3A_15, %dma_wait3A_107] : memref<10240x128xf32, #tpu.memory_space<vmem_shared>> -> memref<128x128xf32, #tpu.memory_space<vmem_shared>>
      tpu.wait_dma2 semaphore(%run_scoped3A : memref<!tpu.dma_semaphore, #tpu.memory_space<semaphore_mem>>) src(%arg8 : memref<128x128xf32, #tpu.memory_space<vmem>>) dst(%dma_wait3A_108 : memref<128x128xf32, #tpu.memory_space<vmem_shared>>)
      tpu.yield
    }) : () -> ()
    %mul3A_16 = arith.constant 640 : i32
    %mul3A_17 = arith.muli %arg1, %mul3A_16 : i32
    %add3A_18 = arith.constant 256 : i32
    %add3A_19 = arith.addi %mul3A_17, %add3A_18 : i32
    "tpu.region"() ({
      %run_scoped3A = tpu.sem_alloc : memref<!tpu.dma_semaphore, #tpu.memory_space<semaphore_mem>>
      %dma_start3A_102 = arith.constant 0 : i32
      %dma_start3A_103 = tpu.memref_slice %arg10[%add3A_19, %dma_start3A_102] : memref<10240x128xf32, #tpu.memory_space<vmem_shared>> -> memref<128x128xf32, #tpu.memory_space<vmem_shared>>
      %dma_start3A_104 = arith.constant 0 : i32
      %dma_start3A_105 = tpu.memref_slice %arg10[%add3A_19, %dma_start3A_104] : memref<10240x128xf32, #tpu.memory_space<vmem_shared>> -> memref<128x128xf32, #tpu.memory_space<vmem_shared>>
      tpu.enqueue_dma source(%arg8 : memref<128x128xf32, #tpu.memory_space<vmem>>) target(%dma_start3A_105 : memref<128x128xf32, #tpu.memory_space<vmem_shared>>) target_semaphore(%run_scoped3A : memref<!tpu.dma_semaphore, #tpu.memory_space<semaphore_mem>>)
      %dma_wait3A = arith.constant 0 : i32
      %dma_wait3A_106 = tpu.memref_slice %arg10[%add3A_19, %dma_wait3A] : memref<10240x128xf32, #tpu.memory_space<vmem_shared>> -> memref<128x128xf32, #tpu.memory_space<vmem_shared>>
      %dma_wait3A_107 = arith.constant 0 : i32
      %dma_wait3A_108 = tpu.memref_slice %arg10[%add3A_19, %dma_wait3A_107] : memref<10240x128xf32, #tpu.memory_space<vmem_shared>> -> memref<128x128xf32, #tpu.memory_space<vmem_shared>>
      tpu.wait_dma2 semaphore(%run_scoped3A : memref<!tpu.dma_semaphore, #tpu.memory_space<semaphore_mem>>) src(%arg8 : memref<128x128xf32, #tpu.memory_space<vmem>>) dst(%dma_wait3A_108 : memref<128x128xf32, #tpu.memory_space<vmem_shared>>)
      tpu.yield
    }) : () -> ()
    %mul3A_20 = arith.constant 640 : i32
    %mul3A_21 = arith.muli %arg1, %mul3A_20 : i32
    %add3A_22 = arith.constant 384 : i32
    %add3A_23 = arith.addi %mul3A_21, %add3A_22 : i32
    "tpu.region"() ({
      %run_scoped3A = tpu.sem_alloc : memref<!tpu.dma_semaphore, #tpu.memory_space<semaphore_mem>>
      %dma_start3A_102 = arith.constant 0 : i32
      %dma_start3A_103 = tpu.memref_slice %arg10[%add3A_23, %dma_start3A_102] : memref<10240x128xf32, #tpu.memory_space<vmem_shared>> -> memref<128x128xf32, #tpu.memory_space<vmem_shared>>
      %dma_start3A_104 = arith.constant 0 : i32
      %dma_start3A_105 = tpu.memref_slice %arg10[%add3A_23, %dma_start3A_104] : memref<10240x128xf32, #tpu.memory_space<vmem_shared>> -> memref<128x128xf32, #tpu.memory_space<vmem_shared>>
      tpu.enqueue_dma source(%arg8 : memref<128x128xf32, #tpu.memory_space<vmem>>) target(%dma_start3A_105 : memref<128x128xf32, #tpu.memory_space<vmem_shared>>) target_semaphore(%run_scoped3A : memref<!tpu.dma_semaphore, #tpu.memory_space<semaphore_mem>>)
      %dma_wait3A = arith.constant 0 : i32
      %dma_wait3A_106 = tpu.memref_slice %arg10[%add3A_23, %dma_wait3A] : memref<10240x128xf32, #tpu.memory_space<vmem_shared>> -> memref<128x128xf32, #tpu.memory_space<vmem_shared>>
      %dma_wait3A_107 = arith.constant 0 : i32
      %dma_wait3A_108 = tpu.memref_slice %arg10[%add3A_23, %dma_wait3A_107] : memref<10240x128xf32, #tpu.memory_space<vmem_shared>> -> memref<128x128xf32, #tpu.memory_space<vmem_shared>>
      tpu.wait_dma2 semaphore(%run_scoped3A : memref<!tpu.dma_semaphore, #tpu.memory_space<semaphore_mem>>) src(%arg8 : memref<128x128xf32, #tpu.memory_space<vmem>>) dst(%dma_wait3A_108 : memref<128x128xf32, #tpu.memory_space<vmem_shared>>)
      tpu.yield
    }) : () -> ()
    %mul3A_24 = arith.constant 640 : i32
    %mul3A_25 = arith.muli %arg1, %mul3A_24 : i32
    %add3A_26 = arith.constant 512 : i32
    %add3A_27 = arith.addi %mul3A_25, %add3A_26 : i32
    "tpu.region"() ({
      %run_scoped3A = tpu.sem_alloc : memref<!tpu.dma_semaphore, #tpu.memory_space<semaphore_mem>>
      %dma_start3A_102 = arith.constant 0 : i32
      %dma_start3A_103 = tpu.memref_slice %arg10[%add3A_27, %dma_start3A_102] : memref<10240x128xf32, #tpu.memory_space<vmem_shared>> -> memref<128x128xf32, #tpu.memory_space<vmem_shared>>
      %dma_start3A_104 = arith.constant 0 : i32
      %dma_start3A_105 = tpu.memref_slice %arg10[%add3A_27, %dma_start3A_104] : memref<10240x128xf32, #tpu.memory_space<vmem_shared>> -> memref<128x128xf32, #tpu.memory_space<vmem_shared>>
      tpu.enqueue_dma source(%arg8 : memref<128x128xf32, #tpu.memory_space<vmem>>) target(%dma_start3A_105 : memref<128x128xf32, #tpu.memory_space<vmem_shared>>) target_semaphore(%run_scoped3A : memref<!tpu.dma_semaphore, #tpu.memory_space<semaphore_mem>>)
      %dma_wait3A = arith.constant 0 : i32
      %dma_wait3A_106 = tpu.memref_slice %arg10[%add3A_27, %dma_wait3A] : memref<10240x128xf32, #tpu.memory_space<vmem_shared>> -> memref<128x128xf32, #tpu.memory_space<vmem_shared>>
      %dma_wait3A_107 = arith.constant 0 : i32
      %dma_wait3A_108 = tpu.memref_slice %arg10[%add3A_27, %dma_wait3A_107] : memref<10240x128xf32, #tpu.memory_space<vmem_shared>> -> memref<128x128xf32, #tpu.memory_space<vmem_shared>>
      tpu.wait_dma2 semaphore(%run_scoped3A : memref<!tpu.dma_semaphore, #tpu.memory_space<semaphore_mem>>) src(%arg8 : memref<128x128xf32, #tpu.memory_space<vmem>>) dst(%dma_wait3A_108 : memref<128x128xf32, #tpu.memory_space<vmem_shared>>)
      tpu.yield
    }) : () -> ()
    %barrier3A = arith.constant 0 : index
    tpu.barrier barrier_id(%barrier3A)
    "tpu.trace_stop"() : () -> ()
    "tpu.trace_start"() <{level = 10 : i32, message = "agg_edges"}> : () -> ()
    %add3A_28 = arith.constant 0 : i32
    %add3A_29 = arith.addi %mul3A_2, %add3A_28 : i32
    "tpu.region"() ({
      %run_scoped3A = tpu.sem_alloc : memref<!tpu.dma_semaphore, #tpu.memory_space<semaphore_mem>>
      %dma_start3A_102 = arith.constant 0 : i32
      %dma_start3A_103 = tpu.memref_slice %arg3[%add3A_29, %dma_start3A_102] : memref<2560x128xi32, #tpu.memory_space<hbm>> -> memref<16x128xi32, #tpu.memory_space<hbm>>
      %dma_start3A_104 = arith.constant 0 : i32
      %dma_start3A_105 = tpu.memref_slice %arg3[%add3A_29, %dma_start3A_104] : memref<2560x128xi32, #tpu.memory_space<hbm>> -> memref<16x128xi32, #tpu.memory_space<hbm>>
      tpu.enqueue_dma source(%dma_start3A_105 : memref<16x128xi32, #tpu.memory_space<hbm>>) target(%arg6 : memref<16x128xi32, #tpu.memory_space<vmem>>) target_semaphore(%run_scoped3A : memref<!tpu.dma_semaphore, #tpu.memory_space<semaphore_mem>>)
      %dma_wait3A = arith.constant 0 : i32
      %dma_wait3A_106 = tpu.memref_slice %arg3[%add3A_29, %dma_wait3A] : memref<2560x128xi32, #tpu.memory_space<hbm>> -> memref<16x128xi32, #tpu.memory_space<hbm>>
      %dma_wait3A_107 = arith.constant 0 : i32
      %dma_wait3A_108 = tpu.memref_slice %arg3[%add3A_29, %dma_wait3A_107] : memref<2560x128xi32, #tpu.memory_space<hbm>> -> memref<16x128xi32, #tpu.memory_space<hbm>>
      tpu.wait_dma2 semaphore(%run_scoped3A : memref<!tpu.dma_semaphore, #tpu.memory_space<semaphore_mem>>) src(%dma_wait3A_108 : memref<16x128xi32, #tpu.memory_space<hbm>>) dst(%arg6 : memref<16x128xi32, #tpu.memory_space<vmem>>)
      tpu.yield
    }) : () -> ()
    "tpu.region"() ({
      %run_scoped3A = tpu.sem_alloc : memref<!tpu.dma_semaphore, #tpu.memory_space<semaphore_mem>>
      %dma_start3A_102 = arith.constant 0 : i32
      %dma_start3A_103 = tpu.memref_slice %arg4[%add3A_29, %dma_start3A_102] : memref<2560x128xi32, #tpu.memory_space<hbm>> -> memref<16x128xi32, #tpu.memory_space<hbm>>
      %dma_start3A_104 = arith.constant 0 : i32
      %dma_start3A_105 = tpu.memref_slice %arg4[%add3A_29, %dma_start3A_104] : memref<2560x128xi32, #tpu.memory_space<hbm>> -> memref<16x128xi32, #tpu.memory_space<hbm>>
      tpu.enqueue_dma source(%dma_start3A_105 : memref<16x128xi32, #tpu.memory_space<hbm>>) target(%arg7 : memref<16x128xi32, #tpu.memory_space<vmem>>) target_semaphore(%run_scoped3A : memref<!tpu.dma_semaphore, #tpu.memory_space<semaphore_mem>>)
      %dma_wait3A = arith.constant 0 : i32
      %dma_wait3A_106 = tpu.memref_slice %arg4[%add3A_29, %dma_wait3A] : memref<2560x128xi32, #tpu.memory_space<hbm>> -> memref<16x128xi32, #tpu.memory_space<hbm>>
      %dma_wait3A_107 = arith.constant 0 : i32
      %dma_wait3A_108 = tpu.memref_slice %arg4[%add3A_29, %dma_wait3A_107] : memref<2560x128xi32, #tpu.memory_space<hbm>> -> memref<16x128xi32, #tpu.memory_space<hbm>>
      tpu.wait_dma2 semaphore(%run_scoped3A : memref<!tpu.dma_semaphore, #tpu.memory_space<semaphore_mem>>) src(%dma_wait3A_108 : memref<16x128xi32, #tpu.memory_space<hbm>>) dst(%arg7 : memref<16x128xi32, #tpu.memory_space<vmem>>)
      tpu.yield
    }) : () -> ()
    %dma_start3A = arith.constant 0 : i32
    %dma_start3A_30 = arith.constant 0 : i32
    %dma_start3A_31 = tpu.memref_slice %arg6[%dma_start3A, %dma_start3A_30] : memref<16x128xi32, #tpu.memory_space<vmem>> -> memref<1x128xi32, #tpu.memory_space<vmem>>
    %dma_start3A_32 = tpu.memref_squeeze %dma_start3A_31 : memref<1x128xi32, #tpu.memory_space<vmem>> -> memref<128xi32, #tpu.memory_space<vmem>>
    %dma_start3A_33 = arith.constant 0 : i32
    %dma_start3A_34 = arith.constant 0 : i32
    %dma_start3A_35 = tpu.memref_slice %arg2[%dma_start3A_33, %dma_start3A_34] : memref<10000x128xf32, #tpu.memory_space<hbm>> -> memref<10000x128xf32, #tpu.memory_space<hbm>>
    tpu.enqueue_indirect_dma source(%dma_start3A_35 : memref<10000x128xf32, #tpu.memory_space<hbm>>) target(%arg8 : memref<128x128xf32, #tpu.memory_space<vmem>>) offsets(%dma_start3A_32 : memref<128xi32, #tpu.memory_space<vmem>>) semaphore(%arg11 : memref<!tpu.dma_semaphore, #tpu.memory_space<semaphore_mem>>)
    %scan3A_36 = arith.constant 0 : i32
    %scan3A_37 = arith.constant 8 : i32
    %scan3A_38 = arith.addi %scan3A_36, %scan3A_37 : i32
    %scan3A_39 = arith.constant 1 : i32
    scf.for %scan3A_102 = %scan3A_36 to %scan3A_38 step %scan3A_39  : i32 {
      %mul3A_103 = arith.constant 2 : i32
      %mul3A_104 = arith.muli %scan3A_102, %mul3A_103 : i32
      %add3A_105 = arith.constant 0 : i32
      %add3A_106 = arith.addi %add3A_105, %mul3A_104 : i32
      %add3A_107 = arith.constant 1 : i32
      %add3A_108 = arith.addi %add3A_106, %add3A_107 : i32
      %dma_start3A_109 = arith.constant 0 : i32
      %dma_start3A_110 = tpu.memref_slice %arg6[%add3A_108, %dma_start3A_109] : memref<16x128xi32, #tpu.memory_space<vmem>> -> memref<1x128xi32, #tpu.memory_space<vmem>>
      %dma_start3A_111 = tpu.memref_squeeze %dma_start3A_110 : memref<1x128xi32, #tpu.memory_space<vmem>> -> memref<128xi32, #tpu.memory_space<vmem>>
      %dma_start3A_112 = arith.constant 0 : i32
      %dma_start3A_113 = arith.constant 0 : i32
      %dma_start3A_114 = tpu.memref_slice %arg2[%dma_start3A_112, %dma_start3A_113] : memref<10000x128xf32, #tpu.memory_space<hbm>> -> memref<10000x128xf32, #tpu.memory_space<hbm>>
      tpu.enqueue_indirect_dma source(%dma_start3A_114 : memref<10000x128xf32, #tpu.memory_space<hbm>>) target(%arg9 : memref<128x128xf32, #tpu.memory_space<vmem>>) offsets(%dma_start3A_111 : memref<128xi32, #tpu.memory_space<vmem>>) semaphore(%arg12 : memref<!tpu.dma_semaphore, #tpu.memory_space<semaphore_mem>>)
      %dma_wait3A = arith.constant 0 : i32
      %dma_wait3A_115 = arith.constant 0 : i32
      %dma_wait3A_116 = tpu.memref_slice %arg2[%dma_wait3A, %dma_wait3A_115] : memref<10000x128xf32, #tpu.memory_space<hbm>> -> memref<128x128xf32, #tpu.memory_space<hbm>>
      %dma_wait3A_117 = arith.constant 0 : i32
      %dma_wait3A_118 = arith.constant 0 : i32
      %dma_wait3A_119 = tpu.memref_slice %arg2[%dma_wait3A_117, %dma_wait3A_118] : memref<10000x128xf32, #tpu.memory_space<hbm>> -> memref<128x128xf32, #tpu.memory_space<hbm>>
      tpu.wait_dma2 semaphore(%arg11 : memref<!tpu.dma_semaphore, #tpu.memory_space<semaphore_mem>>) src(%dma_wait3A_119 : memref<128x128xf32, #tpu.memory_space<hbm>>) dst(%arg8 : memref<128x128xf32, #tpu.memory_space<vmem>>)
      "tpu.region"() ({
        %run_scoped3A = tpu.sem_alloc : memref<!tpu.dma_semaphore, #tpu.memory_space<semaphore_mem>>
        %dma_start3A_132 = arith.constant 0 : i32
        %dma_start3A_133 = tpu.memref_slice %arg7[%add3A_106, %dma_start3A_132] : memref<16x128xi32, #tpu.memory_space<vmem>> -> memref<1x128xi32, #tpu.memory_space<vmem>>
        %dma_start3A_134 = tpu.memref_squeeze %dma_start3A_133 : memref<1x128xi32, #tpu.memory_space<vmem>> -> memref<128xi32, #tpu.memory_space<vmem>>
        %dma_start3A_135 = arith.constant 0 : i32
        %dma_start3A_136 = arith.constant 0 : i32
        %dma_start3A_137 = tpu.memref_slice %arg10[%dma_start3A_135, %dma_start3A_136] : memref<10240x128xf32, #tpu.memory_space<vmem_shared>> -> memref<10240x128xf32, #tpu.memory_space<vmem_shared>>
        tpu.enqueue_indirect_dma source(%arg8 : memref<128x128xf32, #tpu.memory_space<vmem>>) target(%dma_start3A_137 : memref<10240x128xf32, #tpu.memory_space<vmem_shared>>) offsets(%dma_start3A_134 : memref<128xi32, #tpu.memory_space<vmem>>) semaphore(%run_scoped3A : memref<!tpu.dma_semaphore, #tpu.memory_space<semaphore_mem>>) {add = true}
        %dma_wait3A_138 = arith.constant 0 : i32
        %dma_wait3A_139 = tpu.memref_slice %arg7[%add3A_106, %dma_wait3A_138] : memref<16x128xi32, #tpu.memory_space<vmem>> -> memref<1x128xi32, #tpu.memory_space<vmem>>
        %dma_wait3A_140 = tpu.memref_squeeze %dma_wait3A_139 : memref<1x128xi32, #tpu.memory_space<vmem>> -> memref<128xi32, #tpu.memory_space<vmem>>
        %dma_wait3A_141 = arith.constant 0 : i32
        %dma_wait3A_142 = arith.constant 0 : i32
        %dma_wait3A_143 = tpu.memref_slice %arg10[%dma_wait3A_141, %dma_wait3A_142] : memref<10240x128xf32, #tpu.memory_space<vmem_shared>> -> memref<10240x128xf32, #tpu.memory_space<vmem_shared>>
        tpu.wait_indirect_dma semaphore(%run_scoped3A : memref<!tpu.dma_semaphore, #tpu.memory_space<semaphore_mem>>) src(%arg8 : memref<128x128xf32, #tpu.memory_space<vmem>>) dst(%dma_wait3A_143 : memref<10240x128xf32, #tpu.memory_space<vmem_shared>>)
        tpu.yield
      }) : () -> ()
      %add3A_120 = arith.constant 2 : i32
      %add3A_121 = arith.addi %add3A_106, %add3A_120 : i32
      %lt3A = arith.constant 16 : i32
      %lt3A_122 = arith.cmpi slt, %add3A_121, %lt3A : i32
      %convert_element_type3A = arith.extui %lt3A_122 : i1 to i32
      %cond3A = arith.constant 0 : i32
      %cond3A_123 = arith.cmpi ne, %convert_element_type3A, %cond3A : i32
      scf.if %cond3A_123 {
        %add3A_132 = arith.constant 2 : i32
        %add3A_133 = arith.addi %add3A_106, %add3A_132 : i32
        %dma_start3A_134 = arith.constant 0 : i32
        %dma_start3A_135 = tpu.memref_slice %arg6[%add3A_133, %dma_start3A_134] : memref<16x128xi32, #tpu.memory_space<vmem>> -> memref<1x128xi32, #tpu.memory_space<vmem>>
        %dma_start3A_136 = tpu.memref_squeeze %dma_start3A_135 : memref<1x128xi32, #tpu.memory_space<vmem>> -> memref<128xi32, #tpu.memory_space<vmem>>
        %dma_start3A_137 = arith.constant 0 : i32
        %dma_start3A_138 = arith.constant 0 : i32
        %dma_start3A_139 = tpu.memref_slice %arg2[%dma_start3A_137, %dma_start3A_138] : memref<10000x128xf32, #tpu.memory_space<hbm>> -> memref<10000x128xf32, #tpu.memory_space<hbm>>
        tpu.enqueue_indirect_dma source(%dma_start3A_139 : memref<10000x128xf32, #tpu.memory_space<hbm>>) target(%arg8 : memref<128x128xf32, #tpu.memory_space<vmem>>) offsets(%dma_start3A_136 : memref<128xi32, #tpu.memory_space<vmem>>) semaphore(%arg11 : memref<!tpu.dma_semaphore, #tpu.memory_space<semaphore_mem>>)
      } else {
      }
      %dma_wait3A_124 = arith.constant 0 : i32
      %dma_wait3A_125 = arith.constant 0 : i32
      %dma_wait3A_126 = tpu.memref_slice %arg2[%dma_wait3A_124, %dma_wait3A_125] : memref<10000x128xf32, #tpu.memory_space<hbm>> -> memref<128x128xf32, #tpu.memory_space<hbm>>
      %dma_wait3A_127 = arith.constant 0 : i32
      %dma_wait3A_128 = arith.constant 0 : i32
      %dma_wait3A_129 = tpu.memref_slice %arg2[%dma_wait3A_127, %dma_wait3A_128] : memref<10000x128xf32, #tpu.memory_space<hbm>> -> memref<128x128xf32, #tpu.memory_space<hbm>>
      tpu.wait_dma2 semaphore(%arg12 : memref<!tpu.dma_semaphore, #tpu.memory_space<semaphore_mem>>) src(%dma_wait3A_129 : memref<128x128xf32, #tpu.memory_space<hbm>>) dst(%arg9 : memref<128x128xf32, #tpu.memory_space<vmem>>)
      %add3A_130 = arith.constant 1 : i32
      %add3A_131 = arith.addi %add3A_106, %add3A_130 : i32
      "tpu.region"() ({
        %run_scoped3A = tpu.sem_alloc : memref<!tpu.dma_semaphore, #tpu.memory_space<semaphore_mem>>
        %dma_start3A_132 = arith.constant 0 : i32
        %dma_start3A_133 = tpu.memref_slice %arg7[%add3A_131, %dma_start3A_132] : memref<16x128xi32, #tpu.memory_space<vmem>> -> memref<1x128xi32, #tpu.memory_space<vmem>>
        %dma_start3A_134 = tpu.memref_squeeze %dma_start3A_133 : memref<1x128xi32, #tpu.memory_space<vmem>> -> memref<128xi32, #tpu.memory_space<vmem>>
        %dma_start3A_135 = arith.constant 0 : i32
        %dma_start3A_136 = arith.constant 0 : i32
        %dma_start3A_137 = tpu.memref_slice %arg10[%dma_start3A_135, %dma_start3A_136] : memref<10240x128xf32, #tpu.memory_space<vmem_shared>> -> memref<10240x128xf32, #tpu.memory_space<vmem_shared>>
        tpu.enqueue_indirect_dma source(%arg9 : memref<128x128xf32, #tpu.memory_space<vmem>>) target(%dma_start3A_137 : memref<10240x128xf32, #tpu.memory_space<vmem_shared>>) offsets(%dma_start3A_134 : memref<128xi32, #tpu.memory_space<vmem>>) semaphore(%run_scoped3A : memref<!tpu.dma_semaphore, #tpu.memory_space<semaphore_mem>>) {add = true}
        %dma_wait3A_138 = arith.constant 0 : i32
        %dma_wait3A_139 = tpu.memref_slice %arg7[%add3A_131, %dma_wait3A_138] : memref<16x128xi32, #tpu.memory_space<vmem>> -> memref<1x128xi32, #tpu.memory_space<vmem>>
        %dma_wait3A_140 = tpu.memref_squeeze %dma_wait3A_139 : memref<1x128xi32, #tpu.memory_space<vmem>> -> memref<128xi32, #tpu.memory_space<vmem>>
        %dma_wait3A_141 = arith.constant 0 : i32
        %dma_wait3A_142 = arith.constant 0 : i32
        %dma_wait3A_143 = tpu.memref_slice %arg10[%dma_wait3A_141, %dma_wait3A_142] : memref<10240x128xf32, #tpu.memory_space<vmem_shared>> -> memref<10240x128xf32, #tpu.memory_space<vmem_shared>>
        tpu.wait_indirect_dma semaphore(%run_scoped3A : memref<!tpu.dma_semaphore, #tpu.memory_space<semaphore_mem>>) src(%arg9 : memref<128x128xf32, #tpu.memory_space<vmem>>) dst(%dma_wait3A_143 : memref<10240x128xf32, #tpu.memory_space<vmem_shared>>)
        tpu.yield
      }) : () -> ()
    }
    %scan3A_40 = arith.constant 8 : i32
    %add3A_41 = arith.constant 16 : i32
    %add3A_42 = arith.addi %mul3A_2, %add3A_41 : i32
    "tpu.region"() ({
      %run_scoped3A = tpu.sem_alloc : memref<!tpu.dma_semaphore, #tpu.memory_space<semaphore_mem>>
      %dma_start3A_102 = arith.constant 0 : i32
      %dma_start3A_103 = tpu.memref_slice %arg3[%add3A_42, %dma_start3A_102] : memref<2560x128xi32, #tpu.memory_space<hbm>> -> memref<16x128xi32, #tpu.memory_space<hbm>>
      %dma_start3A_104 = arith.constant 0 : i32
      %dma_start3A_105 = tpu.memref_slice %arg3[%add3A_42, %dma_start3A_104] : memref<2560x128xi32, #tpu.memory_space<hbm>> -> memref<16x128xi32, #tpu.memory_space<hbm>>
      tpu.enqueue_dma source(%dma_start3A_105 : memref<16x128xi32, #tpu.memory_space<hbm>>) target(%arg6 : memref<16x128xi32, #tpu.memory_space<vmem>>) target_semaphore(%run_scoped3A : memref<!tpu.dma_semaphore, #tpu.memory_space<semaphore_mem>>)
      %dma_wait3A = arith.constant 0 : i32
      %dma_wait3A_106 = tpu.memref_slice %arg3[%add3A_42, %dma_wait3A] : memref<2560x128xi32, #tpu.memory_space<hbm>> -> memref<16x128xi32, #tpu.memory_space<hbm>>
      %dma_wait3A_107 = arith.constant 0 : i32
      %dma_wait3A_108 = tpu.memref_slice %arg3[%add3A_42, %dma_wait3A_107] : memref<2560x128xi32, #tpu.memory_space<hbm>> -> memref<16x128xi32, #tpu.memory_space<hbm>>
      tpu.wait_dma2 semaphore(%run_scoped3A : memref<!tpu.dma_semaphore, #tpu.memory_space<semaphore_mem>>) src(%dma_wait3A_108 : memref<16x128xi32, #tpu.memory_space<hbm>>) dst(%arg6 : memref<16x128xi32, #tpu.memory_space<vmem>>)
      tpu.yield
    }) : () -> ()
    "tpu.region"() ({
      %run_scoped3A = tpu.sem_alloc : memref<!tpu.dma_semaphore, #tpu.memory_space<semaphore_mem>>
      %dma_start3A_102 = arith.constant 0 : i32
      %dma_start3A_103 = tpu.memref_slice %arg4[%add3A_42, %dma_start3A_102] : memref<2560x128xi32, #tpu.memory_space<hbm>> -> memref<16x128xi32, #tpu.memory_space<hbm>>
      %dma_start3A_104 = arith.constant 0 : i32
      %dma_start3A_105 = tpu.memref_slice %arg4[%add3A_42, %dma_start3A_104] : memref<2560x128xi32, #tpu.memory_space<hbm>> -> memref<16x128xi32, #tpu.memory_space<hbm>>
      tpu.enqueue_dma source(%dma_start3A_105 : memref<16x128xi32, #tpu.memory_space<hbm>>) target(%arg7 : memref<16x128xi32, #tpu.memory_space<vmem>>) target_semaphore(%run_scoped3A : memref<!tpu.dma_semaphore, #tpu.memory_space<semaphore_mem>>)
      %dma_wait3A = arith.constant 0 : i32
      %dma_wait3A_106 = tpu.memref_slice %arg4[%add3A_42, %dma_wait3A] : memref<2560x128xi32, #tpu.memory_space<hbm>> -> memref<16x128xi32, #tpu.memory_space<hbm>>
      %dma_wait3A_107 = arith.constant 0 : i32
      %dma_wait3A_108 = tpu.memref_slice %arg4[%add3A_42, %dma_wait3A_107] : memref<2560x128xi32, #tpu.memory_space<hbm>> -> memref<16x128xi32, #tpu.memory_space<hbm>>
      tpu.wait_dma2 semaphore(%run_scoped3A : memref<!tpu.dma_semaphore, #tpu.memory_space<semaphore_mem>>) src(%dma_wait3A_108 : memref<16x128xi32, #tpu.memory_space<hbm>>) dst(%arg7 : memref<16x128xi32, #tpu.memory_space<vmem>>)
      tpu.yield
    }) : () -> ()
    %dma_start3A_43 = arith.constant 0 : i32
    %dma_start3A_44 = arith.constant 0 : i32
    %dma_start3A_45 = tpu.memref_slice %arg6[%dma_start3A_43, %dma_start3A_44] : memref<16x128xi32, #tpu.memory_space<vmem>> -> memref<1x128xi32, #tpu.memory_space<vmem>>
    %dma_start3A_46 = tpu.memref_squeeze %dma_start3A_45 : memref<1x128xi32, #tpu.memory_space<vmem>> -> memref<128xi32, #tpu.memory_space<vmem>>
    %dma_start3A_47 = arith.constant 0 : i32
    %dma_start3A_48 = arith.constant 0 : i32
    %dma_start3A_49 = tpu.memref_slice %arg2[%dma_start3A_47, %dma_start3A_48] : memref<10000x128xf32, #tpu.memory_space<hbm>> -> memref<10000x128xf32, #tpu.memory_space<hbm>>
    tpu.enqueue_indirect_dma source(%dma_start3A_49 : memref<10000x128xf32, #tpu.memory_space<hbm>>) target(%arg8 : memref<128x128xf32, #tpu.memory_space<vmem>>) offsets(%dma_start3A_46 : memref<128xi32, #tpu.memory_space<vmem>>) semaphore(%arg11 : memref<!tpu.dma_semaphore, #tpu.memory_space<semaphore_mem>>)
    %scan3A_50 = arith.constant 0 : i32
    %scan3A_51 = arith.constant 8 : i32
    %scan3A_52 = arith.addi %scan3A_50, %scan3A_51 : i32
    %scan3A_53 = arith.constant 1 : i32
    scf.for %scan3A_102 = %scan3A_50 to %scan3A_52 step %scan3A_53  : i32 {
      %mul3A_103 = arith.constant 2 : i32
      %mul3A_104 = arith.muli %scan3A_102, %mul3A_103 : i32
      %add3A_105 = arith.constant 0 : i32
      %add3A_106 = arith.addi %add3A_105, %mul3A_104 : i32
      %add3A_107 = arith.constant 1 : i32
      %add3A_108 = arith.addi %add3A_106, %add3A_107 : i32
      %dma_start3A_109 = arith.constant 0 : i32
      %dma_start3A_110 = tpu.memref_slice %arg6[%add3A_108, %dma_start3A_109] : memref<16x128xi32, #tpu.memory_space<vmem>> -> memref<1x128xi32, #tpu.memory_space<vmem>>
      %dma_start3A_111 = tpu.memref_squeeze %dma_start3A_110 : memref<1x128xi32, #tpu.memory_space<vmem>> -> memref<128xi32, #tpu.memory_space<vmem>>
      %dma_start3A_112 = arith.constant 0 : i32
      %dma_start3A_113 = arith.constant 0 : i32
      %dma_start3A_114 = tpu.memref_slice %arg2[%dma_start3A_112, %dma_start3A_113] : memref<10000x128xf32, #tpu.memory_space<hbm>> -> memref<10000x128xf32, #tpu.memory_space<hbm>>
      tpu.enqueue_indirect_dma source(%dma_start3A_114 : memref<10000x128xf32, #tpu.memory_space<hbm>>) target(%arg9 : memref<128x128xf32, #tpu.memory_space<vmem>>) offsets(%dma_start3A_111 : memref<128xi32, #tpu.memory_space<vmem>>) semaphore(%arg12 : memref<!tpu.dma_semaphore, #tpu.memory_space<semaphore_mem>>)
      %dma_wait3A = arith.constant 0 : i32
      %dma_wait3A_115 = arith.constant 0 : i32
      %dma_wait3A_116 = tpu.memref_slice %arg2[%dma_wait3A, %dma_wait3A_115] : memref<10000x128xf32, #tpu.memory_space<hbm>> -> memref<128x128xf32, #tpu.memory_space<hbm>>
      %dma_wait3A_117 = arith.constant 0 : i32
      %dma_wait3A_118 = arith.constant 0 : i32
      %dma_wait3A_119 = tpu.memref_slice %arg2[%dma_wait3A_117, %dma_wait3A_118] : memref<10000x128xf32, #tpu.memory_space<hbm>> -> memref<128x128xf32, #tpu.memory_space<hbm>>
      tpu.wait_dma2 semaphore(%arg11 : memref<!tpu.dma_semaphore, #tpu.memory_space<semaphore_mem>>) src(%dma_wait3A_119 : memref<128x128xf32, #tpu.memory_space<hbm>>) dst(%arg8 : memref<128x128xf32, #tpu.memory_space<vmem>>)
      "tpu.region"() ({
        %run_scoped3A = tpu.sem_alloc : memref<!tpu.dma_semaphore, #tpu.memory_space<semaphore_mem>>
        %dma_start3A_132 = arith.constant 0 : i32
        %dma_start3A_133 = tpu.memref_slice %arg7[%add3A_106, %dma_start3A_132] : memref<16x128xi32, #tpu.memory_space<vmem>> -> memref<1x128xi32, #tpu.memory_space<vmem>>
        %dma_start3A_134 = tpu.memref_squeeze %dma_start3A_133 : memref<1x128xi32, #tpu.memory_space<vmem>> -> memref<128xi32, #tpu.memory_space<vmem>>
        %dma_start3A_135 = arith.constant 0 : i32
        %dma_start3A_136 = arith.constant 0 : i32
        %dma_start3A_137 = tpu.memref_slice %arg10[%dma_start3A_135, %dma_start3A_136] : memref<10240x128xf32, #tpu.memory_space<vmem_shared>> -> memref<10240x128xf32, #tpu.memory_space<vmem_shared>>
        tpu.enqueue_indirect_dma source(%arg8 : memref<128x128xf32, #tpu.memory_space<vmem>>) target(%dma_start3A_137 : memref<10240x128xf32, #tpu.memory_space<vmem_shared>>) offsets(%dma_start3A_134 : memref<128xi32, #tpu.memory_space<vmem>>) semaphore(%run_scoped3A : memref<!tpu.dma_semaphore, #tpu.memory_space<semaphore_mem>>) {add = true}
        %dma_wait3A_138 = arith.constant 0 : i32
        %dma_wait3A_139 = tpu.memref_slice %arg7[%add3A_106, %dma_wait3A_138] : memref<16x128xi32, #tpu.memory_space<vmem>> -> memref<1x128xi32, #tpu.memory_space<vmem>>
        %dma_wait3A_140 = tpu.memref_squeeze %dma_wait3A_139 : memref<1x128xi32, #tpu.memory_space<vmem>> -> memref<128xi32, #tpu.memory_space<vmem>>
        %dma_wait3A_141 = arith.constant 0 : i32
        %dma_wait3A_142 = arith.constant 0 : i32
        %dma_wait3A_143 = tpu.memref_slice %arg10[%dma_wait3A_141, %dma_wait3A_142] : memref<10240x128xf32, #tpu.memory_space<vmem_shared>> -> memref<10240x128xf32, #tpu.memory_space<vmem_shared>>
        tpu.wait_indirect_dma semaphore(%run_scoped3A : memref<!tpu.dma_semaphore, #tpu.memory_space<semaphore_mem>>) src(%arg8 : memref<128x128xf32, #tpu.memory_space<vmem>>) dst(%dma_wait3A_143 : memref<10240x128xf32, #tpu.memory_space<vmem_shared>>)
        tpu.yield
      }) : () -> ()
      %add3A_120 = arith.constant 2 : i32
      %add3A_121 = arith.addi %add3A_106, %add3A_120 : i32
      %lt3A = arith.constant 16 : i32
      %lt3A_122 = arith.cmpi slt, %add3A_121, %lt3A : i32
      %convert_element_type3A = arith.extui %lt3A_122 : i1 to i32
      %cond3A = arith.constant 0 : i32
      %cond3A_123 = arith.cmpi ne, %convert_element_type3A, %cond3A : i32
      scf.if %cond3A_123 {
        %add3A_132 = arith.constant 2 : i32
        %add3A_133 = arith.addi %add3A_106, %add3A_132 : i32
        %dma_start3A_134 = arith.constant 0 : i32
        %dma_start3A_135 = tpu.memref_slice %arg6[%add3A_133, %dma_start3A_134] : memref<16x128xi32, #tpu.memory_space<vmem>> -> memref<1x128xi32, #tpu.memory_space<vmem>>
        %dma_start3A_136 = tpu.memref_squeeze %dma_start3A_135 : memref<1x128xi32, #tpu.memory_space<vmem>> -> memref<128xi32, #tpu.memory_space<vmem>>
        %dma_start3A_137 = arith.constant 0 : i32
        %dma_start3A_138 = arith.constant 0 : i32
        %dma_start3A_139 = tpu.memref_slice %arg2[%dma_start3A_137, %dma_start3A_138] : memref<10000x128xf32, #tpu.memory_space<hbm>> -> memref<10000x128xf32, #tpu.memory_space<hbm>>
        tpu.enqueue_indirect_dma source(%dma_start3A_139 : memref<10000x128xf32, #tpu.memory_space<hbm>>) target(%arg8 : memref<128x128xf32, #tpu.memory_space<vmem>>) offsets(%dma_start3A_136 : memref<128xi32, #tpu.memory_space<vmem>>) semaphore(%arg11 : memref<!tpu.dma_semaphore, #tpu.memory_space<semaphore_mem>>)
      } else {
      }
      %dma_wait3A_124 = arith.constant 0 : i32
      %dma_wait3A_125 = arith.constant 0 : i32
      %dma_wait3A_126 = tpu.memref_slice %arg2[%dma_wait3A_124, %dma_wait3A_125] : memref<10000x128xf32, #tpu.memory_space<hbm>> -> memref<128x128xf32, #tpu.memory_space<hbm>>
      %dma_wait3A_127 = arith.constant 0 : i32
      %dma_wait3A_128 = arith.constant 0 : i32
      %dma_wait3A_129 = tpu.memref_slice %arg2[%dma_wait3A_127, %dma_wait3A_128] : memref<10000x128xf32, #tpu.memory_space<hbm>> -> memref<128x128xf32, #tpu.memory_space<hbm>>
      tpu.wait_dma2 semaphore(%arg12 : memref<!tpu.dma_semaphore, #tpu.memory_space<semaphore_mem>>) src(%dma_wait3A_129 : memref<128x128xf32, #tpu.memory_space<hbm>>) dst(%arg9 : memref<128x128xf32, #tpu.memory_space<vmem>>)
      %add3A_130 = arith.constant 1 : i32
      %add3A_131 = arith.addi %add3A_106, %add3A_130 : i32
      "tpu.region"() ({
        %run_scoped3A = tpu.sem_alloc : memref<!tpu.dma_semaphore, #tpu.memory_space<semaphore_mem>>
        %dma_start3A_132 = arith.constant 0 : i32
        %dma_start3A_133 = tpu.memref_slice %arg7[%add3A_131, %dma_start3A_132] : memref<16x128xi32, #tpu.memory_space<vmem>> -> memref<1x128xi32, #tpu.memory_space<vmem>>
        %dma_start3A_134 = tpu.memref_squeeze %dma_start3A_133 : memref<1x128xi32, #tpu.memory_space<vmem>> -> memref<128xi32, #tpu.memory_space<vmem>>
        %dma_start3A_135 = arith.constant 0 : i32
        %dma_start3A_136 = arith.constant 0 : i32
        %dma_start3A_137 = tpu.memref_slice %arg10[%dma_start3A_135, %dma_start3A_136] : memref<10240x128xf32, #tpu.memory_space<vmem_shared>> -> memref<10240x128xf32, #tpu.memory_space<vmem_shared>>
        tpu.enqueue_indirect_dma source(%arg9 : memref<128x128xf32, #tpu.memory_space<vmem>>) target(%dma_start3A_137 : memref<10240x128xf32, #tpu.memory_space<vmem_shared>>) offsets(%dma_start3A_134 : memref<128xi32, #tpu.memory_space<vmem>>) semaphore(%run_scoped3A : memref<!tpu.dma_semaphore, #tpu.memory_space<semaphore_mem>>) {add = true}
        %dma_wait3A_138 = arith.constant 0 : i32
        %dma_wait3A_139 = tpu.memref_slice %arg7[%add3A_131, %dma_wait3A_138] : memref<16x128xi32, #tpu.memory_space<vmem>> -> memref<1x128xi32, #tpu.memory_space<vmem>>
        %dma_wait3A_140 = tpu.memref_squeeze %dma_wait3A_139 : memref<1x128xi32, #tpu.memory_space<vmem>> -> memref<128xi32, #tpu.memory_space<vmem>>
        %dma_wait3A_141 = arith.constant 0 : i32
        %dma_wait3A_142 = arith.constant 0 : i32
        %dma_wait3A_143 = tpu.memref_slice %arg10[%dma_wait3A_141, %dma_wait3A_142] : memref<10240x128xf32, #tpu.memory_space<vmem_shared>> -> memref<10240x128xf32, #tpu.memory_space<vmem_shared>>
        tpu.wait_indirect_dma semaphore(%run_scoped3A : memref<!tpu.dma_semaphore, #tpu.memory_space<semaphore_mem>>) src(%arg9 : memref<128x128xf32, #tpu.memory_space<vmem>>) dst(%dma_wait3A_143 : memref<10240x128xf32, #tpu.memory_space<vmem_shared>>)
        tpu.yield
      }) : () -> ()
    }
    %scan3A_54 = arith.constant 8 : i32
    %add3A_55 = arith.constant 32 : i32
    %add3A_56 = arith.addi %mul3A_2, %add3A_55 : i32
    "tpu.region"() ({
      %run_scoped3A = tpu.sem_alloc : memref<!tpu.dma_semaphore, #tpu.memory_space<semaphore_mem>>
      %dma_start3A_102 = arith.constant 0 : i32
      %dma_start3A_103 = tpu.memref_slice %arg3[%add3A_56, %dma_start3A_102] : memref<2560x128xi32, #tpu.memory_space<hbm>> -> memref<16x128xi32, #tpu.memory_space<hbm>>
      %dma_start3A_104 = arith.constant 0 : i32
      %dma_start3A_105 = tpu.memref_slice %arg3[%add3A_56, %dma_start3A_104] : memref<2560x128xi32, #tpu.memory_space<hbm>> -> memref<16x128xi32, #tpu.memory_space<hbm>>
      tpu.enqueue_dma source(%dma_start3A_105 : memref<16x128xi32, #tpu.memory_space<hbm>>) target(%arg6 : memref<16x128xi32, #tpu.memory_space<vmem>>) target_semaphore(%run_scoped3A : memref<!tpu.dma_semaphore, #tpu.memory_space<semaphore_mem>>)
      %dma_wait3A = arith.constant 0 : i32
      %dma_wait3A_106 = tpu.memref_slice %arg3[%add3A_56, %dma_wait3A] : memref<2560x128xi32, #tpu.memory_space<hbm>> -> memref<16x128xi32, #tpu.memory_space<hbm>>
      %dma_wait3A_107 = arith.constant 0 : i32
      %dma_wait3A_108 = tpu.memref_slice %arg3[%add3A_56, %dma_wait3A_107] : memref<2560x128xi32, #tpu.memory_space<hbm>> -> memref<16x128xi32, #tpu.memory_space<hbm>>
      tpu.wait_dma2 semaphore(%run_scoped3A : memref<!tpu.dma_semaphore, #tpu.memory_space<semaphore_mem>>) src(%dma_wait3A_108 : memref<16x128xi32, #tpu.memory_space<hbm>>) dst(%arg6 : memref<16x128xi32, #tpu.memory_space<vmem>>)
      tpu.yield
    }) : () -> ()
    "tpu.region"() ({
      %run_scoped3A = tpu.sem_alloc : memref<!tpu.dma_semaphore, #tpu.memory_space<semaphore_mem>>
      %dma_start3A_102 = arith.constant 0 : i32
      %dma_start3A_103 = tpu.memref_slice %arg4[%add3A_56, %dma_start3A_102] : memref<2560x128xi32, #tpu.memory_space<hbm>> -> memref<16x128xi32, #tpu.memory_space<hbm>>
      %dma_start3A_104 = arith.constant 0 : i32
      %dma_start3A_105 = tpu.memref_slice %arg4[%add3A_56, %dma_start3A_104] : memref<2560x128xi32, #tpu.memory_space<hbm>> -> memref<16x128xi32, #tpu.memory_space<hbm>>
      tpu.enqueue_dma source(%dma_start3A_105 : memref<16x128xi32, #tpu.memory_space<hbm>>) target(%arg7 : memref<16x128xi32, #tpu.memory_space<vmem>>) target_semaphore(%run_scoped3A : memref<!tpu.dma_semaphore, #tpu.memory_space<semaphore_mem>>)
      %dma_wait3A = arith.constant 0 : i32
      %dma_wait3A_106 = tpu.memref_slice %arg4[%add3A_56, %dma_wait3A] : memref<2560x128xi32, #tpu.memory_space<hbm>> -> memref<16x128xi32, #tpu.memory_space<hbm>>
      %dma_wait3A_107 = arith.constant 0 : i32
      %dma_wait3A_108 = tpu.memref_slice %arg4[%add3A_56, %dma_wait3A_107] : memref<2560x128xi32, #tpu.memory_space<hbm>> -> memref<16x128xi32, #tpu.memory_space<hbm>>
      tpu.wait_dma2 semaphore(%run_scoped3A : memref<!tpu.dma_semaphore, #tpu.memory_space<semaphore_mem>>) src(%dma_wait3A_108 : memref<16x128xi32, #tpu.memory_space<hbm>>) dst(%arg7 : memref<16x128xi32, #tpu.memory_space<vmem>>)
      tpu.yield
    }) : () -> ()
    %dma_start3A_57 = arith.constant 0 : i32
    %dma_start3A_58 = arith.constant 0 : i32
    %dma_start3A_59 = tpu.memref_slice %arg6[%dma_start3A_57, %dma_start3A_58] : memref<16x128xi32, #tpu.memory_space<vmem>> -> memref<1x128xi32, #tpu.memory_space<vmem>>
    %dma_start3A_60 = tpu.memref_squeeze %dma_start3A_59 : memref<1x128xi32, #tpu.memory_space<vmem>> -> memref<128xi32, #tpu.memory_space<vmem>>
    %dma_start3A_61 = arith.constant 0 : i32
    %dma_start3A_62 = arith.constant 0 : i32
    %dma_start3A_63 = tpu.memref_slice %arg2[%dma_start3A_61, %dma_start3A_62] : memref<10000x128xf32, #tpu.memory_space<hbm>> -> memref<10000x128xf32, #tpu.memory_space<hbm>>
    tpu.enqueue_indirect_dma source(%dma_start3A_63 : memref<10000x128xf32, #tpu.memory_space<hbm>>) target(%arg8 : memref<128x128xf32, #tpu.memory_space<vmem>>) offsets(%dma_start3A_60 : memref<128xi32, #tpu.memory_space<vmem>>) semaphore(%arg11 : memref<!tpu.dma_semaphore, #tpu.memory_space<semaphore_mem>>)
    %scan3A_64 = arith.constant 0 : i32
    %scan3A_65 = arith.constant 8 : i32
    %scan3A_66 = arith.addi %scan3A_64, %scan3A_65 : i32
    %scan3A_67 = arith.constant 1 : i32
    scf.for %scan3A_102 = %scan3A_64 to %scan3A_66 step %scan3A_67  : i32 {
      %mul3A_103 = arith.constant 2 : i32
      %mul3A_104 = arith.muli %scan3A_102, %mul3A_103 : i32
      %add3A_105 = arith.constant 0 : i32
      %add3A_106 = arith.addi %add3A_105, %mul3A_104 : i32
      %add3A_107 = arith.constant 1 : i32
      %add3A_108 = arith.addi %add3A_106, %add3A_107 : i32
      %dma_start3A_109 = arith.constant 0 : i32
      %dma_start3A_110 = tpu.memref_slice %arg6[%add3A_108, %dma_start3A_109] : memref<16x128xi32, #tpu.memory_space<vmem>> -> memref<1x128xi32, #tpu.memory_space<vmem>>
      %dma_start3A_111 = tpu.memref_squeeze %dma_start3A_110 : memref<1x128xi32, #tpu.memory_space<vmem>> -> memref<128xi32, #tpu.memory_space<vmem>>
      %dma_start3A_112 = arith.constant 0 : i32
      %dma_start3A_113 = arith.constant 0 : i32
      %dma_start3A_114 = tpu.memref_slice %arg2[%dma_start3A_112, %dma_start3A_113] : memref<10000x128xf32, #tpu.memory_space<hbm>> -> memref<10000x128xf32, #tpu.memory_space<hbm>>
      tpu.enqueue_indirect_dma source(%dma_start3A_114 : memref<10000x128xf32, #tpu.memory_space<hbm>>) target(%arg9 : memref<128x128xf32, #tpu.memory_space<vmem>>) offsets(%dma_start3A_111 : memref<128xi32, #tpu.memory_space<vmem>>) semaphore(%arg12 : memref<!tpu.dma_semaphore, #tpu.memory_space<semaphore_mem>>)
      %dma_wait3A = arith.constant 0 : i32
      %dma_wait3A_115 = arith.constant 0 : i32
      %dma_wait3A_116 = tpu.memref_slice %arg2[%dma_wait3A, %dma_wait3A_115] : memref<10000x128xf32, #tpu.memory_space<hbm>> -> memref<128x128xf32, #tpu.memory_space<hbm>>
      %dma_wait3A_117 = arith.constant 0 : i32
      %dma_wait3A_118 = arith.constant 0 : i32
      %dma_wait3A_119 = tpu.memref_slice %arg2[%dma_wait3A_117, %dma_wait3A_118] : memref<10000x128xf32, #tpu.memory_space<hbm>> -> memref<128x128xf32, #tpu.memory_space<hbm>>
      tpu.wait_dma2 semaphore(%arg11 : memref<!tpu.dma_semaphore, #tpu.memory_space<semaphore_mem>>) src(%dma_wait3A_119 : memref<128x128xf32, #tpu.memory_space<hbm>>) dst(%arg8 : memref<128x128xf32, #tpu.memory_space<vmem>>)
      "tpu.region"() ({
        %run_scoped3A = tpu.sem_alloc : memref<!tpu.dma_semaphore, #tpu.memory_space<semaphore_mem>>
        %dma_start3A_132 = arith.constant 0 : i32
        %dma_start3A_133 = tpu.memref_slice %arg7[%add3A_106, %dma_start3A_132] : memref<16x128xi32, #tpu.memory_space<vmem>> -> memref<1x128xi32, #tpu.memory_space<vmem>>
        %dma_start3A_134 = tpu.memref_squeeze %dma_start3A_133 : memref<1x128xi32, #tpu.memory_space<vmem>> -> memref<128xi32, #tpu.memory_space<vmem>>
        %dma_start3A_135 = arith.constant 0 : i32
        %dma_start3A_136 = arith.constant 0 : i32
        %dma_start3A_137 = tpu.memref_slice %arg10[%dma_start3A_135, %dma_start3A_136] : memref<10240x128xf32, #tpu.memory_space<vmem_shared>> -> memref<10240x128xf32, #tpu.memory_space<vmem_shared>>
        tpu.enqueue_indirect_dma source(%arg8 : memref<128x128xf32, #tpu.memory_space<vmem>>) target(%dma_start3A_137 : memref<10240x128xf32, #tpu.memory_space<vmem_shared>>) offsets(%dma_start3A_134 : memref<128xi32, #tpu.memory_space<vmem>>) semaphore(%run_scoped3A : memref<!tpu.dma_semaphore, #tpu.memory_space<semaphore_mem>>) {add = true}
        %dma_wait3A_138 = arith.constant 0 : i32
        %dma_wait3A_139 = tpu.memref_slice %arg7[%add3A_106, %dma_wait3A_138] : memref<16x128xi32, #tpu.memory_space<vmem>> -> memref<1x128xi32, #tpu.memory_space<vmem>>
        %dma_wait3A_140 = tpu.memref_squeeze %dma_wait3A_139 : memref<1x128xi32, #tpu.memory_space<vmem>> -> memref<128xi32, #tpu.memory_space<vmem>>
        %dma_wait3A_141 = arith.constant 0 : i32
        %dma_wait3A_142 = arith.constant 0 : i32
        %dma_wait3A_143 = tpu.memref_slice %arg10[%dma_wait3A_141, %dma_wait3A_142] : memref<10240x128xf32, #tpu.memory_space<vmem_shared>> -> memref<10240x128xf32, #tpu.memory_space<vmem_shared>>
        tpu.wait_indirect_dma semaphore(%run_scoped3A : memref<!tpu.dma_semaphore, #tpu.memory_space<semaphore_mem>>) src(%arg8 : memref<128x128xf32, #tpu.memory_space<vmem>>) dst(%dma_wait3A_143 : memref<10240x128xf32, #tpu.memory_space<vmem_shared>>)
        tpu.yield
      }) : () -> ()
      %add3A_120 = arith.constant 2 : i32
      %add3A_121 = arith.addi %add3A_106, %add3A_120 : i32
      %lt3A = arith.constant 16 : i32
      %lt3A_122 = arith.cmpi slt, %add3A_121, %lt3A : i32
      %convert_element_type3A = arith.extui %lt3A_122 : i1 to i32
      %cond3A = arith.constant 0 : i32
      %cond3A_123 = arith.cmpi ne, %convert_element_type3A, %cond3A : i32
      scf.if %cond3A_123 {
        %add3A_132 = arith.constant 2 : i32
        %add3A_133 = arith.addi %add3A_106, %add3A_132 : i32
        %dma_start3A_134 = arith.constant 0 : i32
        %dma_start3A_135 = tpu.memref_slice %arg6[%add3A_133, %dma_start3A_134] : memref<16x128xi32, #tpu.memory_space<vmem>> -> memref<1x128xi32, #tpu.memory_space<vmem>>
        %dma_start3A_136 = tpu.memref_squeeze %dma_start3A_135 : memref<1x128xi32, #tpu.memory_space<vmem>> -> memref<128xi32, #tpu.memory_space<vmem>>
        %dma_start3A_137 = arith.constant 0 : i32
        %dma_start3A_138 = arith.constant 0 : i32
        %dma_start3A_139 = tpu.memref_slice %arg2[%dma_start3A_137, %dma_start3A_138] : memref<10000x128xf32, #tpu.memory_space<hbm>> -> memref<10000x128xf32, #tpu.memory_space<hbm>>
        tpu.enqueue_indirect_dma source(%dma_start3A_139 : memref<10000x128xf32, #tpu.memory_space<hbm>>) target(%arg8 : memref<128x128xf32, #tpu.memory_space<vmem>>) offsets(%dma_start3A_136 : memref<128xi32, #tpu.memory_space<vmem>>) semaphore(%arg11 : memref<!tpu.dma_semaphore, #tpu.memory_space<semaphore_mem>>)
      } else {
      }
      %dma_wait3A_124 = arith.constant 0 : i32
      %dma_wait3A_125 = arith.constant 0 : i32
      %dma_wait3A_126 = tpu.memref_slice %arg2[%dma_wait3A_124, %dma_wait3A_125] : memref<10000x128xf32, #tpu.memory_space<hbm>> -> memref<128x128xf32, #tpu.memory_space<hbm>>
      %dma_wait3A_127 = arith.constant 0 : i32
      %dma_wait3A_128 = arith.constant 0 : i32
      %dma_wait3A_129 = tpu.memref_slice %arg2[%dma_wait3A_127, %dma_wait3A_128] : memref<10000x128xf32, #tpu.memory_space<hbm>> -> memref<128x128xf32, #tpu.memory_space<hbm>>
      tpu.wait_dma2 semaphore(%arg12 : memref<!tpu.dma_semaphore, #tpu.memory_space<semaphore_mem>>) src(%dma_wait3A_129 : memref<128x128xf32, #tpu.memory_space<hbm>>) dst(%arg9 : memref<128x128xf32, #tpu.memory_space<vmem>>)
      %add3A_130 = arith.constant 1 : i32
      %add3A_131 = arith.addi %add3A_106, %add3A_130 : i32
      "tpu.region"() ({
        %run_scoped3A = tpu.sem_alloc : memref<!tpu.dma_semaphore, #tpu.memory_space<semaphore_mem>>
        %dma_start3A_132 = arith.constant 0 : i32
        %dma_start3A_133 = tpu.memref_slice %arg7[%add3A_131, %dma_start3A_132] : memref<16x128xi32, #tpu.memory_space<vmem>> -> memref<1x128xi32, #tpu.memory_space<vmem>>
        %dma_start3A_134 = tpu.memref_squeeze %dma_start3A_133 : memref<1x128xi32, #tpu.memory_space<vmem>> -> memref<128xi32, #tpu.memory_space<vmem>>
        %dma_start3A_135 = arith.constant 0 : i32
        %dma_start3A_136 = arith.constant 0 : i32
        %dma_start3A_137 = tpu.memref_slice %arg10[%dma_start3A_135, %dma_start3A_136] : memref<10240x128xf32, #tpu.memory_space<vmem_shared>> -> memref<10240x128xf32, #tpu.memory_space<vmem_shared>>
        tpu.enqueue_indirect_dma source(%arg9 : memref<128x128xf32, #tpu.memory_space<vmem>>) target(%dma_start3A_137 : memref<10240x128xf32, #tpu.memory_space<vmem_shared>>) offsets(%dma_start3A_134 : memref<128xi32, #tpu.memory_space<vmem>>) semaphore(%run_scoped3A : memref<!tpu.dma_semaphore, #tpu.memory_space<semaphore_mem>>) {add = true}
        %dma_wait3A_138 = arith.constant 0 : i32
        %dma_wait3A_139 = tpu.memref_slice %arg7[%add3A_131, %dma_wait3A_138] : memref<16x128xi32, #tpu.memory_space<vmem>> -> memref<1x128xi32, #tpu.memory_space<vmem>>
        %dma_wait3A_140 = tpu.memref_squeeze %dma_wait3A_139 : memref<1x128xi32, #tpu.memory_space<vmem>> -> memref<128xi32, #tpu.memory_space<vmem>>
        %dma_wait3A_141 = arith.constant 0 : i32
        %dma_wait3A_142 = arith.constant 0 : i32
        %dma_wait3A_143 = tpu.memref_slice %arg10[%dma_wait3A_141, %dma_wait3A_142] : memref<10240x128xf32, #tpu.memory_space<vmem_shared>> -> memref<10240x128xf32, #tpu.memory_space<vmem_shared>>
        tpu.wait_indirect_dma semaphore(%run_scoped3A : memref<!tpu.dma_semaphore, #tpu.memory_space<semaphore_mem>>) src(%arg9 : memref<128x128xf32, #tpu.memory_space<vmem>>) dst(%dma_wait3A_143 : memref<10240x128xf32, #tpu.memory_space<vmem_shared>>)
        tpu.yield
      }) : () -> ()
    }
    %scan3A_68 = arith.constant 8 : i32
    %add3A_69 = arith.constant 48 : i32
    %add3A_70 = arith.addi %mul3A_2, %add3A_69 : i32
    "tpu.region"() ({
      %run_scoped3A = tpu.sem_alloc : memref<!tpu.dma_semaphore, #tpu.memory_space<semaphore_mem>>
      %dma_start3A_102 = arith.constant 0 : i32
      %dma_start3A_103 = tpu.memref_slice %arg3[%add3A_70, %dma_start3A_102] : memref<2560x128xi32, #tpu.memory_space<hbm>> -> memref<16x128xi32, #tpu.memory_space<hbm>>
      %dma_start3A_104 = arith.constant 0 : i32
      %dma_start3A_105 = tpu.memref_slice %arg3[%add3A_70, %dma_start3A_104] : memref<2560x128xi32, #tpu.memory_space<hbm>> -> memref<16x128xi32, #tpu.memory_space<hbm>>
      tpu.enqueue_dma source(%dma_start3A_105 : memref<16x128xi32, #tpu.memory_space<hbm>>) target(%arg6 : memref<16x128xi32, #tpu.memory_space<vmem>>) target_semaphore(%run_scoped3A : memref<!tpu.dma_semaphore, #tpu.memory_space<semaphore_mem>>)
      %dma_wait3A = arith.constant 0 : i32
      %dma_wait3A_106 = tpu.memref_slice %arg3[%add3A_70, %dma_wait3A] : memref<2560x128xi32, #tpu.memory_space<hbm>> -> memref<16x128xi32, #tpu.memory_space<hbm>>
      %dma_wait3A_107 = arith.constant 0 : i32
      %dma_wait3A_108 = tpu.memref_slice %arg3[%add3A_70, %dma_wait3A_107] : memref<2560x128xi32, #tpu.memory_space<hbm>> -> memref<16x128xi32, #tpu.memory_space<hbm>>
      tpu.wait_dma2 semaphore(%run_scoped3A : memref<!tpu.dma_semaphore, #tpu.memory_space<semaphore_mem>>) src(%dma_wait3A_108 : memref<16x128xi32, #tpu.memory_space<hbm>>) dst(%arg6 : memref<16x128xi32, #tpu.memory_space<vmem>>)
      tpu.yield
    }) : () -> ()
    "tpu.region"() ({
      %run_scoped3A = tpu.sem_alloc : memref<!tpu.dma_semaphore, #tpu.memory_space<semaphore_mem>>
      %dma_start3A_102 = arith.constant 0 : i32
      %dma_start3A_103 = tpu.memref_slice %arg4[%add3A_70, %dma_start3A_102] : memref<2560x128xi32, #tpu.memory_space<hbm>> -> memref<16x128xi32, #tpu.memory_space<hbm>>
      %dma_start3A_104 = arith.constant 0 : i32
      %dma_start3A_105 = tpu.memref_slice %arg4[%add3A_70, %dma_start3A_104] : memref<2560x128xi32, #tpu.memory_space<hbm>> -> memref<16x128xi32, #tpu.memory_space<hbm>>
      tpu.enqueue_dma source(%dma_start3A_105 : memref<16x128xi32, #tpu.memory_space<hbm>>) target(%arg7 : memref<16x128xi32, #tpu.memory_space<vmem>>) target_semaphore(%run_scoped3A : memref<!tpu.dma_semaphore, #tpu.memory_space<semaphore_mem>>)
      %dma_wait3A = arith.constant 0 : i32
      %dma_wait3A_106 = tpu.memref_slice %arg4[%add3A_70, %dma_wait3A] : memref<2560x128xi32, #tpu.memory_space<hbm>> -> memref<16x128xi32, #tpu.memory_space<hbm>>
      %dma_wait3A_107 = arith.constant 0 : i32
      %dma_wait3A_108 = tpu.memref_slice %arg4[%add3A_70, %dma_wait3A_107] : memref<2560x128xi32, #tpu.memory_space<hbm>> -> memref<16x128xi32, #tpu.memory_space<hbm>>
      tpu.wait_dma2 semaphore(%run_scoped3A : memref<!tpu.dma_semaphore, #tpu.memory_space<semaphore_mem>>) src(%dma_wait3A_108 : memref<16x128xi32, #tpu.memory_space<hbm>>) dst(%arg7 : memref<16x128xi32, #tpu.memory_space<vmem>>)
      tpu.yield
    }) : () -> ()
    %dma_start3A_71 = arith.constant 0 : i32
    %dma_start3A_72 = arith.constant 0 : i32
    %dma_start3A_73 = tpu.memref_slice %arg6[%dma_start3A_71, %dma_start3A_72] : memref<16x128xi32, #tpu.memory_space<vmem>> -> memref<1x128xi32, #tpu.memory_space<vmem>>
    %dma_start3A_74 = tpu.memref_squeeze %dma_start3A_73 : memref<1x128xi32, #tpu.memory_space<vmem>> -> memref<128xi32, #tpu.memory_space<vmem>>
    %dma_start3A_75 = arith.constant 0 : i32
    %dma_start3A_76 = arith.constant 0 : i32
    %dma_start3A_77 = tpu.memref_slice %arg2[%dma_start3A_75, %dma_start3A_76] : memref<10000x128xf32, #tpu.memory_space<hbm>> -> memref<10000x128xf32, #tpu.memory_space<hbm>>
    tpu.enqueue_indirect_dma source(%dma_start3A_77 : memref<10000x128xf32, #tpu.memory_space<hbm>>) target(%arg8 : memref<128x128xf32, #tpu.memory_space<vmem>>) offsets(%dma_start3A_74 : memref<128xi32, #tpu.memory_space<vmem>>) semaphore(%arg11 : memref<!tpu.dma_semaphore, #tpu.memory_space<semaphore_mem>>)
    %scan3A_78 = arith.constant 0 : i32
    %scan3A_79 = arith.constant 8 : i32
    %scan3A_80 = arith.addi %scan3A_78, %scan3A_79 : i32
    %scan3A_81 = arith.constant 1 : i32
    scf.for %scan3A_102 = %scan3A_78 to %scan3A_80 step %scan3A_81  : i32 {
      %mul3A_103 = arith.constant 2 : i32
      %mul3A_104 = arith.muli %scan3A_102, %mul3A_103 : i32
      %add3A_105 = arith.constant 0 : i32
      %add3A_106 = arith.addi %add3A_105, %mul3A_104 : i32
      %add3A_107 = arith.constant 1 : i32
      %add3A_108 = arith.addi %add3A_106, %add3A_107 : i32
      %dma_start3A_109 = arith.constant 0 : i32
      %dma_start3A_110 = tpu.memref_slice %arg6[%add3A_108, %dma_start3A_109] : memref<16x128xi32, #tpu.memory_space<vmem>> -> memref<1x128xi32, #tpu.memory_space<vmem>>
      %dma_start3A_111 = tpu.memref_squeeze %dma_start3A_110 : memref<1x128xi32, #tpu.memory_space<vmem>> -> memref<128xi32, #tpu.memory_space<vmem>>
      %dma_start3A_112 = arith.constant 0 : i32
      %dma_start3A_113 = arith.constant 0 : i32
      %dma_start3A_114 = tpu.memref_slice %arg2[%dma_start3A_112, %dma_start3A_113] : memref<10000x128xf32, #tpu.memory_space<hbm>> -> memref<10000x128xf32, #tpu.memory_space<hbm>>
      tpu.enqueue_indirect_dma source(%dma_start3A_114 : memref<10000x128xf32, #tpu.memory_space<hbm>>) target(%arg9 : memref<128x128xf32, #tpu.memory_space<vmem>>) offsets(%dma_start3A_111 : memref<128xi32, #tpu.memory_space<vmem>>) semaphore(%arg12 : memref<!tpu.dma_semaphore, #tpu.memory_space<semaphore_mem>>)
      %dma_wait3A = arith.constant 0 : i32
      %dma_wait3A_115 = arith.constant 0 : i32
      %dma_wait3A_116 = tpu.memref_slice %arg2[%dma_wait3A, %dma_wait3A_115] : memref<10000x128xf32, #tpu.memory_space<hbm>> -> memref<128x128xf32, #tpu.memory_space<hbm>>
      %dma_wait3A_117 = arith.constant 0 : i32
      %dma_wait3A_118 = arith.constant 0 : i32
      %dma_wait3A_119 = tpu.memref_slice %arg2[%dma_wait3A_117, %dma_wait3A_118] : memref<10000x128xf32, #tpu.memory_space<hbm>> -> memref<128x128xf32, #tpu.memory_space<hbm>>
      tpu.wait_dma2 semaphore(%arg11 : memref<!tpu.dma_semaphore, #tpu.memory_space<semaphore_mem>>) src(%dma_wait3A_119 : memref<128x128xf32, #tpu.memory_space<hbm>>) dst(%arg8 : memref<128x128xf32, #tpu.memory_space<vmem>>)
      "tpu.region"() ({
        %run_scoped3A = tpu.sem_alloc : memref<!tpu.dma_semaphore, #tpu.memory_space<semaphore_mem>>
        %dma_start3A_132 = arith.constant 0 : i32
        %dma_start3A_133 = tpu.memref_slice %arg7[%add3A_106, %dma_start3A_132] : memref<16x128xi32, #tpu.memory_space<vmem>> -> memref<1x128xi32, #tpu.memory_space<vmem>>
        %dma_start3A_134 = tpu.memref_squeeze %dma_start3A_133 : memref<1x128xi32, #tpu.memory_space<vmem>> -> memref<128xi32, #tpu.memory_space<vmem>>
        %dma_start3A_135 = arith.constant 0 : i32
        %dma_start3A_136 = arith.constant 0 : i32
        %dma_start3A_137 = tpu.memref_slice %arg10[%dma_start3A_135, %dma_start3A_136] : memref<10240x128xf32, #tpu.memory_space<vmem_shared>> -> memref<10240x128xf32, #tpu.memory_space<vmem_shared>>
        tpu.enqueue_indirect_dma source(%arg8 : memref<128x128xf32, #tpu.memory_space<vmem>>) target(%dma_start3A_137 : memref<10240x128xf32, #tpu.memory_space<vmem_shared>>) offsets(%dma_start3A_134 : memref<128xi32, #tpu.memory_space<vmem>>) semaphore(%run_scoped3A : memref<!tpu.dma_semaphore, #tpu.memory_space<semaphore_mem>>) {add = true}
        %dma_wait3A_138 = arith.constant 0 : i32
        %dma_wait3A_139 = tpu.memref_slice %arg7[%add3A_106, %dma_wait3A_138] : memref<16x128xi32, #tpu.memory_space<vmem>> -> memref<1x128xi32, #tpu.memory_space<vmem>>
        %dma_wait3A_140 = tpu.memref_squeeze %dma_wait3A_139 : memref<1x128xi32, #tpu.memory_space<vmem>> -> memref<128xi32, #tpu.memory_space<vmem>>
        %dma_wait3A_141 = arith.constant 0 : i32
        %dma_wait3A_142 = arith.constant 0 : i32
        %dma_wait3A_143 = tpu.memref_slice %arg10[%dma_wait3A_141, %dma_wait3A_142] : memref<10240x128xf32, #tpu.memory_space<vmem_shared>> -> memref<10240x128xf32, #tpu.memory_space<vmem_shared>>
        tpu.wait_indirect_dma semaphore(%run_scoped3A : memref<!tpu.dma_semaphore, #tpu.memory_space<semaphore_mem>>) src(%arg8 : memref<128x128xf32, #tpu.memory_space<vmem>>) dst(%dma_wait3A_143 : memref<10240x128xf32, #tpu.memory_space<vmem_shared>>)
        tpu.yield
      }) : () -> ()
      %add3A_120 = arith.constant 2 : i32
      %add3A_121 = arith.addi %add3A_106, %add3A_120 : i32
      %lt3A = arith.constant 16 : i32
      %lt3A_122 = arith.cmpi slt, %add3A_121, %lt3A : i32
      %convert_element_type3A = arith.extui %lt3A_122 : i1 to i32
      %cond3A = arith.constant 0 : i32
      %cond3A_123 = arith.cmpi ne, %convert_element_type3A, %cond3A : i32
      scf.if %cond3A_123 {
        %add3A_132 = arith.constant 2 : i32
        %add3A_133 = arith.addi %add3A_106, %add3A_132 : i32
        %dma_start3A_134 = arith.constant 0 : i32
        %dma_start3A_135 = tpu.memref_slice %arg6[%add3A_133, %dma_start3A_134] : memref<16x128xi32, #tpu.memory_space<vmem>> -> memref<1x128xi32, #tpu.memory_space<vmem>>
        %dma_start3A_136 = tpu.memref_squeeze %dma_start3A_135 : memref<1x128xi32, #tpu.memory_space<vmem>> -> memref<128xi32, #tpu.memory_space<vmem>>
        %dma_start3A_137 = arith.constant 0 : i32
        %dma_start3A_138 = arith.constant 0 : i32
        %dma_start3A_139 = tpu.memref_slice %arg2[%dma_start3A_137, %dma_start3A_138] : memref<10000x128xf32, #tpu.memory_space<hbm>> -> memref<10000x128xf32, #tpu.memory_space<hbm>>
        tpu.enqueue_indirect_dma source(%dma_start3A_139 : memref<10000x128xf32, #tpu.memory_space<hbm>>) target(%arg8 : memref<128x128xf32, #tpu.memory_space<vmem>>) offsets(%dma_start3A_136 : memref<128xi32, #tpu.memory_space<vmem>>) semaphore(%arg11 : memref<!tpu.dma_semaphore, #tpu.memory_space<semaphore_mem>>)
      } else {
      }
      %dma_wait3A_124 = arith.constant 0 : i32
      %dma_wait3A_125 = arith.constant 0 : i32
      %dma_wait3A_126 = tpu.memref_slice %arg2[%dma_wait3A_124, %dma_wait3A_125] : memref<10000x128xf32, #tpu.memory_space<hbm>> -> memref<128x128xf32, #tpu.memory_space<hbm>>
      %dma_wait3A_127 = arith.constant 0 : i32
      %dma_wait3A_128 = arith.constant 0 : i32
      %dma_wait3A_129 = tpu.memref_slice %arg2[%dma_wait3A_127, %dma_wait3A_128] : memref<10000x128xf32, #tpu.memory_space<hbm>> -> memref<128x128xf32, #tpu.memory_space<hbm>>
      tpu.wait_dma2 semaphore(%arg12 : memref<!tpu.dma_semaphore, #tpu.memory_space<semaphore_mem>>) src(%dma_wait3A_129 : memref<128x128xf32, #tpu.memory_space<hbm>>) dst(%arg9 : memref<128x128xf32, #tpu.memory_space<vmem>>)
      %add3A_130 = arith.constant 1 : i32
      %add3A_131 = arith.addi %add3A_106, %add3A_130 : i32
      "tpu.region"() ({
        %run_scoped3A = tpu.sem_alloc : memref<!tpu.dma_semaphore, #tpu.memory_space<semaphore_mem>>
        %dma_start3A_132 = arith.constant 0 : i32
        %dma_start3A_133 = tpu.memref_slice %arg7[%add3A_131, %dma_start3A_132] : memref<16x128xi32, #tpu.memory_space<vmem>> -> memref<1x128xi32, #tpu.memory_space<vmem>>
        %dma_start3A_134 = tpu.memref_squeeze %dma_start3A_133 : memref<1x128xi32, #tpu.memory_space<vmem>> -> memref<128xi32, #tpu.memory_space<vmem>>
        %dma_start3A_135 = arith.constant 0 : i32
        %dma_start3A_136 = arith.constant 0 : i32
        %dma_start3A_137 = tpu.memref_slice %arg10[%dma_start3A_135, %dma_start3A_136] : memref<10240x128xf32, #tpu.memory_space<vmem_shared>> -> memref<10240x128xf32, #tpu.memory_space<vmem_shared>>
        tpu.enqueue_indirect_dma source(%arg9 : memref<128x128xf32, #tpu.memory_space<vmem>>) target(%dma_start3A_137 : memref<10240x128xf32, #tpu.memory_space<vmem_shared>>) offsets(%dma_start3A_134 : memref<128xi32, #tpu.memory_space<vmem>>) semaphore(%run_scoped3A : memref<!tpu.dma_semaphore, #tpu.memory_space<semaphore_mem>>) {add = true}
        %dma_wait3A_138 = arith.constant 0 : i32
        %dma_wait3A_139 = tpu.memref_slice %arg7[%add3A_131, %dma_wait3A_138] : memref<16x128xi32, #tpu.memory_space<vmem>> -> memref<1x128xi32, #tpu.memory_space<vmem>>
        %dma_wait3A_140 = tpu.memref_squeeze %dma_wait3A_139 : memref<1x128xi32, #tpu.memory_space<vmem>> -> memref<128xi32, #tpu.memory_space<vmem>>
        %dma_wait3A_141 = arith.constant 0 : i32
        %dma_wait3A_142 = arith.constant 0 : i32
        %dma_wait3A_143 = tpu.memref_slice %arg10[%dma_wait3A_141, %dma_wait3A_142] : memref<10240x128xf32, #tpu.memory_space<vmem_shared>> -> memref<10240x128xf32, #tpu.memory_space<vmem_shared>>
        tpu.wait_indirect_dma semaphore(%run_scoped3A : memref<!tpu.dma_semaphore, #tpu.memory_space<semaphore_mem>>) src(%arg9 : memref<128x128xf32, #tpu.memory_space<vmem>>) dst(%dma_wait3A_143 : memref<10240x128xf32, #tpu.memory_space<vmem_shared>>)
        tpu.yield
      }) : () -> ()
    }
    %scan3A_82 = arith.constant 8 : i32
    %add3A_83 = arith.constant 64 : i32
    %add3A_84 = arith.addi %mul3A_2, %add3A_83 : i32
    "tpu.region"() ({
      %run_scoped3A = tpu.sem_alloc : memref<!tpu.dma_semaphore, #tpu.memory_space<semaphore_mem>>
      %dma_start3A_102 = arith.constant 0 : i32
      %dma_start3A_103 = tpu.memref_slice %arg3[%add3A_84, %dma_start3A_102] : memref<2560x128xi32, #tpu.memory_space<hbm>> -> memref<16x128xi32, #tpu.memory_space<hbm>>
      %dma_start3A_104 = arith.constant 0 : i32
      %dma_start3A_105 = tpu.memref_slice %arg3[%add3A_84, %dma_start3A_104] : memref<2560x128xi32, #tpu.memory_space<hbm>> -> memref<16x128xi32, #tpu.memory_space<hbm>>
      tpu.enqueue_dma source(%dma_start3A_105 : memref<16x128xi32, #tpu.memory_space<hbm>>) target(%arg6 : memref<16x128xi32, #tpu.memory_space<vmem>>) target_semaphore(%run_scoped3A : memref<!tpu.dma_semaphore, #tpu.memory_space<semaphore_mem>>)
      %dma_wait3A = arith.constant 0 : i32
      %dma_wait3A_106 = tpu.memref_slice %arg3[%add3A_84, %dma_wait3A] : memref<2560x128xi32, #tpu.memory_space<hbm>> -> memref<16x128xi32, #tpu.memory_space<hbm>>
      %dma_wait3A_107 = arith.constant 0 : i32
      %dma_wait3A_108 = tpu.memref_slice %arg3[%add3A_84, %dma_wait3A_107] : memref<2560x128xi32, #tpu.memory_space<hbm>> -> memref<16x128xi32, #tpu.memory_space<hbm>>
      tpu.wait_dma2 semaphore(%run_scoped3A : memref<!tpu.dma_semaphore, #tpu.memory_space<semaphore_mem>>) src(%dma_wait3A_108 : memref<16x128xi32, #tpu.memory_space<hbm>>) dst(%arg6 : memref<16x128xi32, #tpu.memory_space<vmem>>)
      tpu.yield
    }) : () -> ()
    "tpu.region"() ({
      %run_scoped3A = tpu.sem_alloc : memref<!tpu.dma_semaphore, #tpu.memory_space<semaphore_mem>>
      %dma_start3A_102 = arith.constant 0 : i32
      %dma_start3A_103 = tpu.memref_slice %arg4[%add3A_84, %dma_start3A_102] : memref<2560x128xi32, #tpu.memory_space<hbm>> -> memref<16x128xi32, #tpu.memory_space<hbm>>
      %dma_start3A_104 = arith.constant 0 : i32
      %dma_start3A_105 = tpu.memref_slice %arg4[%add3A_84, %dma_start3A_104] : memref<2560x128xi32, #tpu.memory_space<hbm>> -> memref<16x128xi32, #tpu.memory_space<hbm>>
      tpu.enqueue_dma source(%dma_start3A_105 : memref<16x128xi32, #tpu.memory_space<hbm>>) target(%arg7 : memref<16x128xi32, #tpu.memory_space<vmem>>) target_semaphore(%run_scoped3A : memref<!tpu.dma_semaphore, #tpu.memory_space<semaphore_mem>>)
      %dma_wait3A = arith.constant 0 : i32
      %dma_wait3A_106 = tpu.memref_slice %arg4[%add3A_84, %dma_wait3A] : memref<2560x128xi32, #tpu.memory_space<hbm>> -> memref<16x128xi32, #tpu.memory_space<hbm>>
      %dma_wait3A_107 = arith.constant 0 : i32
      %dma_wait3A_108 = tpu.memref_slice %arg4[%add3A_84, %dma_wait3A_107] : memref<2560x128xi32, #tpu.memory_space<hbm>> -> memref<16x128xi32, #tpu.memory_space<hbm>>
      tpu.wait_dma2 semaphore(%run_scoped3A : memref<!tpu.dma_semaphore, #tpu.memory_space<semaphore_mem>>) src(%dma_wait3A_108 : memref<16x128xi32, #tpu.memory_space<hbm>>) dst(%arg7 : memref<16x128xi32, #tpu.memory_space<vmem>>)
      tpu.yield
    }) : () -> ()
    %dma_start3A_85 = arith.constant 0 : i32
    %dma_start3A_86 = arith.constant 0 : i32
    %dma_start3A_87 = tpu.memref_slice %arg6[%dma_start3A_85, %dma_start3A_86] : memref<16x128xi32, #tpu.memory_space<vmem>> -> memref<1x128xi32, #tpu.memory_space<vmem>>
    %dma_start3A_88 = tpu.memref_squeeze %dma_start3A_87 : memref<1x128xi32, #tpu.memory_space<vmem>> -> memref<128xi32, #tpu.memory_space<vmem>>
    %dma_start3A_89 = arith.constant 0 : i32
    %dma_start3A_90 = arith.constant 0 : i32
    %dma_start3A_91 = tpu.memref_slice %arg2[%dma_start3A_89, %dma_start3A_90] : memref<10000x128xf32, #tpu.memory_space<hbm>> -> memref<10000x128xf32, #tpu.memory_space<hbm>>
    tpu.enqueue_indirect_dma source(%dma_start3A_91 : memref<10000x128xf32, #tpu.memory_space<hbm>>) target(%arg8 : memref<128x128xf32, #tpu.memory_space<vmem>>) offsets(%dma_start3A_88 : memref<128xi32, #tpu.memory_space<vmem>>) semaphore(%arg11 : memref<!tpu.dma_semaphore, #tpu.memory_space<semaphore_mem>>)
    %scan3A_92 = arith.constant 0 : i32
    %scan3A_93 = arith.constant 8 : i32
    %scan3A_94 = arith.addi %scan3A_92, %scan3A_93 : i32
    %scan3A_95 = arith.constant 1 : i32
    scf.for %scan3A_102 = %scan3A_92 to %scan3A_94 step %scan3A_95  : i32 {
      %mul3A_103 = arith.constant 2 : i32
      %mul3A_104 = arith.muli %scan3A_102, %mul3A_103 : i32
      %add3A_105 = arith.constant 0 : i32
      %add3A_106 = arith.addi %add3A_105, %mul3A_104 : i32
      %add3A_107 = arith.constant 1 : i32
      %add3A_108 = arith.addi %add3A_106, %add3A_107 : i32
      %dma_start3A_109 = arith.constant 0 : i32
      %dma_start3A_110 = tpu.memref_slice %arg6[%add3A_108, %dma_start3A_109] : memref<16x128xi32, #tpu.memory_space<vmem>> -> memref<1x128xi32, #tpu.memory_space<vmem>>
      %dma_start3A_111 = tpu.memref_squeeze %dma_start3A_110 : memref<1x128xi32, #tpu.memory_space<vmem>> -> memref<128xi32, #tpu.memory_space<vmem>>
      %dma_start3A_112 = arith.constant 0 : i32
      %dma_start3A_113 = arith.constant 0 : i32
      %dma_start3A_114 = tpu.memref_slice %arg2[%dma_start3A_112, %dma_start3A_113] : memref<10000x128xf32, #tpu.memory_space<hbm>> -> memref<10000x128xf32, #tpu.memory_space<hbm>>
      tpu.enqueue_indirect_dma source(%dma_start3A_114 : memref<10000x128xf32, #tpu.memory_space<hbm>>) target(%arg9 : memref<128x128xf32, #tpu.memory_space<vmem>>) offsets(%dma_start3A_111 : memref<128xi32, #tpu.memory_space<vmem>>) semaphore(%arg12 : memref<!tpu.dma_semaphore, #tpu.memory_space<semaphore_mem>>)
      %dma_wait3A = arith.constant 0 : i32
      %dma_wait3A_115 = arith.constant 0 : i32
      %dma_wait3A_116 = tpu.memref_slice %arg2[%dma_wait3A, %dma_wait3A_115] : memref<10000x128xf32, #tpu.memory_space<hbm>> -> memref<128x128xf32, #tpu.memory_space<hbm>>
      %dma_wait3A_117 = arith.constant 0 : i32
      %dma_wait3A_118 = arith.constant 0 : i32
      %dma_wait3A_119 = tpu.memref_slice %arg2[%dma_wait3A_117, %dma_wait3A_118] : memref<10000x128xf32, #tpu.memory_space<hbm>> -> memref<128x128xf32, #tpu.memory_space<hbm>>
      tpu.wait_dma2 semaphore(%arg11 : memref<!tpu.dma_semaphore, #tpu.memory_space<semaphore_mem>>) src(%dma_wait3A_119 : memref<128x128xf32, #tpu.memory_space<hbm>>) dst(%arg8 : memref<128x128xf32, #tpu.memory_space<vmem>>)
      "tpu.region"() ({
        %run_scoped3A = tpu.sem_alloc : memref<!tpu.dma_semaphore, #tpu.memory_space<semaphore_mem>>
        %dma_start3A_132 = arith.constant 0 : i32
        %dma_start3A_133 = tpu.memref_slice %arg7[%add3A_106, %dma_start3A_132] : memref<16x128xi32, #tpu.memory_space<vmem>> -> memref<1x128xi32, #tpu.memory_space<vmem>>
        %dma_start3A_134 = tpu.memref_squeeze %dma_start3A_133 : memref<1x128xi32, #tpu.memory_space<vmem>> -> memref<128xi32, #tpu.memory_space<vmem>>
        %dma_start3A_135 = arith.constant 0 : i32
        %dma_start3A_136 = arith.constant 0 : i32
        %dma_start3A_137 = tpu.memref_slice %arg10[%dma_start3A_135, %dma_start3A_136] : memref<10240x128xf32, #tpu.memory_space<vmem_shared>> -> memref<10240x128xf32, #tpu.memory_space<vmem_shared>>
        tpu.enqueue_indirect_dma source(%arg8 : memref<128x128xf32, #tpu.memory_space<vmem>>) target(%dma_start3A_137 : memref<10240x128xf32, #tpu.memory_space<vmem_shared>>) offsets(%dma_start3A_134 : memref<128xi32, #tpu.memory_space<vmem>>) semaphore(%run_scoped3A : memref<!tpu.dma_semaphore, #tpu.memory_space<semaphore_mem>>) {add = true}
        %dma_wait3A_138 = arith.constant 0 : i32
        %dma_wait3A_139 = tpu.memref_slice %arg7[%add3A_106, %dma_wait3A_138] : memref<16x128xi32, #tpu.memory_space<vmem>> -> memref<1x128xi32, #tpu.memory_space<vmem>>
        %dma_wait3A_140 = tpu.memref_squeeze %dma_wait3A_139 : memref<1x128xi32, #tpu.memory_space<vmem>> -> memref<128xi32, #tpu.memory_space<vmem>>
        %dma_wait3A_141 = arith.constant 0 : i32
        %dma_wait3A_142 = arith.constant 0 : i32
        %dma_wait3A_143 = tpu.memref_slice %arg10[%dma_wait3A_141, %dma_wait3A_142] : memref<10240x128xf32, #tpu.memory_space<vmem_shared>> -> memref<10240x128xf32, #tpu.memory_space<vmem_shared>>
        tpu.wait_indirect_dma semaphore(%run_scoped3A : memref<!tpu.dma_semaphore, #tpu.memory_space<semaphore_mem>>) src(%arg8 : memref<128x128xf32, #tpu.memory_space<vmem>>) dst(%dma_wait3A_143 : memref<10240x128xf32, #tpu.memory_space<vmem_shared>>)
        tpu.yield
      }) : () -> ()
      %add3A_120 = arith.constant 2 : i32
      %add3A_121 = arith.addi %add3A_106, %add3A_120 : i32
      %lt3A = arith.constant 16 : i32
      %lt3A_122 = arith.cmpi slt, %add3A_121, %lt3A : i32
      %convert_element_type3A = arith.extui %lt3A_122 : i1 to i32
      %cond3A = arith.constant 0 : i32
      %cond3A_123 = arith.cmpi ne, %convert_element_type3A, %cond3A : i32
      scf.if %cond3A_123 {
        %add3A_132 = arith.constant 2 : i32
        %add3A_133 = arith.addi %add3A_106, %add3A_132 : i32
        %dma_start3A_134 = arith.constant 0 : i32
        %dma_start3A_135 = tpu.memref_slice %arg6[%add3A_133, %dma_start3A_134] : memref<16x128xi32, #tpu.memory_space<vmem>> -> memref<1x128xi32, #tpu.memory_space<vmem>>
        %dma_start3A_136 = tpu.memref_squeeze %dma_start3A_135 : memref<1x128xi32, #tpu.memory_space<vmem>> -> memref<128xi32, #tpu.memory_space<vmem>>
        %dma_start3A_137 = arith.constant 0 : i32
        %dma_start3A_138 = arith.constant 0 : i32
        %dma_start3A_139 = tpu.memref_slice %arg2[%dma_start3A_137, %dma_start3A_138] : memref<10000x128xf32, #tpu.memory_space<hbm>> -> memref<10000x128xf32, #tpu.memory_space<hbm>>
        tpu.enqueue_indirect_dma source(%dma_start3A_139 : memref<10000x128xf32, #tpu.memory_space<hbm>>) target(%arg8 : memref<128x128xf32, #tpu.memory_space<vmem>>) offsets(%dma_start3A_136 : memref<128xi32, #tpu.memory_space<vmem>>) semaphore(%arg11 : memref<!tpu.dma_semaphore, #tpu.memory_space<semaphore_mem>>)
      } else {
      }
      %dma_wait3A_124 = arith.constant 0 : i32
      %dma_wait3A_125 = arith.constant 0 : i32
      %dma_wait3A_126 = tpu.memref_slice %arg2[%dma_wait3A_124, %dma_wait3A_125] : memref<10000x128xf32, #tpu.memory_space<hbm>> -> memref<128x128xf32, #tpu.memory_space<hbm>>
      %dma_wait3A_127 = arith.constant 0 : i32
      %dma_wait3A_128 = arith.constant 0 : i32
      %dma_wait3A_129 = tpu.memref_slice %arg2[%dma_wait3A_127, %dma_wait3A_128] : memref<10000x128xf32, #tpu.memory_space<hbm>> -> memref<128x128xf32, #tpu.memory_space<hbm>>
      tpu.wait_dma2 semaphore(%arg12 : memref<!tpu.dma_semaphore, #tpu.memory_space<semaphore_mem>>) src(%dma_wait3A_129 : memref<128x128xf32, #tpu.memory_space<hbm>>) dst(%arg9 : memref<128x128xf32, #tpu.memory_space<vmem>>)
      %add3A_130 = arith.constant 1 : i32
      %add3A_131 = arith.addi %add3A_106, %add3A_130 : i32
      "tpu.region"() ({
        %run_scoped3A = tpu.sem_alloc : memref<!tpu.dma_semaphore, #tpu.memory_space<semaphore_mem>>
        %dma_start3A_132 = arith.constant 0 : i32
        %dma_start3A_133 = tpu.memref_slice %arg7[%add3A_131, %dma_start3A_132] : memref<16x128xi32, #tpu.memory_space<vmem>> -> memref<1x128xi32, #tpu.memory_space<vmem>>
        %dma_start3A_134 = tpu.memref_squeeze %dma_start3A_133 : memref<1x128xi32, #tpu.memory_space<vmem>> -> memref<128xi32, #tpu.memory_space<vmem>>
        %dma_start3A_135 = arith.constant 0 : i32
        %dma_start3A_136 = arith.constant 0 : i32
        %dma_start3A_137 = tpu.memref_slice %arg10[%dma_start3A_135, %dma_start3A_136] : memref<10240x128xf32, #tpu.memory_space<vmem_shared>> -> memref<10240x128xf32, #tpu.memory_space<vmem_shared>>
        tpu.enqueue_indirect_dma source(%arg9 : memref<128x128xf32, #tpu.memory_space<vmem>>) target(%dma_start3A_137 : memref<10240x128xf32, #tpu.memory_space<vmem_shared>>) offsets(%dma_start3A_134 : memref<128xi32, #tpu.memory_space<vmem>>) semaphore(%run_scoped3A : memref<!tpu.dma_semaphore, #tpu.memory_space<semaphore_mem>>) {add = true}
        %dma_wait3A_138 = arith.constant 0 : i32
        %dma_wait3A_139 = tpu.memref_slice %arg7[%add3A_131, %dma_wait3A_138] : memref<16x128xi32, #tpu.memory_space<vmem>> -> memref<1x128xi32, #tpu.memory_space<vmem>>
        %dma_wait3A_140 = tpu.memref_squeeze %dma_wait3A_139 : memref<1x128xi32, #tpu.memory_space<vmem>> -> memref<128xi32, #tpu.memory_space<vmem>>
        %dma_wait3A_141 = arith.constant 0 : i32
        %dma_wait3A_142 = arith.constant 0 : i32
        %dma_wait3A_143 = tpu.memref_slice %arg10[%dma_wait3A_141, %dma_wait3A_142] : memref<10240x128xf32, #tpu.memory_space<vmem_shared>> -> memref<10240x128xf32, #tpu.memory_space<vmem_shared>>
        tpu.wait_indirect_dma semaphore(%run_scoped3A : memref<!tpu.dma_semaphore, #tpu.memory_space<semaphore_mem>>) src(%arg9 : memref<128x128xf32, #tpu.memory_space<vmem>>) dst(%dma_wait3A_143 : memref<10240x128xf32, #tpu.memory_space<vmem_shared>>)
        tpu.yield
      }) : () -> ()
    }
    %scan3A_96 = arith.constant 8 : i32
    "tpu.trace_stop"() : () -> ()
    "tpu.trace_start"() <{level = 10 : i32, message = "agg_wout"}> : () -> ()
    %barrier3A_97 = arith.constant 0 : index
    tpu.barrier barrier_id(%barrier3A_97)
    %mul3A_98 = arith.constant 640 : i32
    %mul3A_99 = arith.muli %arg1, %mul3A_98 : i32
    %mul3A_100 = arith.constant 640 : i32
    %mul3A_101 = arith.muli %arg1, %mul3A_100 : i32
    "tpu.region"() ({
      %run_scoped3A = tpu.sem_alloc : memref<!tpu.dma_semaphore, #tpu.memory_space<semaphore_mem>>
      %dma_start3A_102 = arith.constant 0 : i32
      %dma_start3A_103 = tpu.memref_slice %arg5[%arg0, %mul3A_101, %dma_start3A_102] : memref<2x10240x128xf32, #tpu.memory_space<hbm>> -> memref<1x640x128xf32, #tpu.memory_space<hbm>>
      %dma_start3A_104 = tpu.memref_squeeze %dma_start3A_103 : memref<1x640x128xf32, #tpu.memory_space<hbm>> -> memref<640x128xf32, #tpu.memory_space<hbm>>
      %dma_start3A_105 = arith.constant 0 : i32
      %dma_start3A_106 = tpu.memref_slice %arg10[%mul3A_99, %dma_start3A_105] : memref<10240x128xf32, #tpu.memory_space<vmem_shared>> -> memref<640x128xf32, #tpu.memory_space<vmem_shared>>
      tpu.enqueue_dma source(%dma_start3A_106 : memref<640x128xf32, #tpu.memory_space<vmem_shared>>) target(%dma_start3A_104 : memref<640x128xf32, #tpu.memory_space<hbm>>) target_semaphore(%run_scoped3A : memref<!tpu.dma_semaphore, #tpu.memory_space<semaphore_mem>>)
      %dma_wait3A = arith.constant 0 : i32
      %dma_wait3A_107 = tpu.memref_slice %arg5[%arg0, %mul3A_101, %dma_wait3A] : memref<2x10240x128xf32, #tpu.memory_space<hbm>> -> memref<1x640x128xf32, #tpu.memory_space<hbm>>
      %dma_wait3A_108 = tpu.memref_squeeze %dma_wait3A_107 : memref<1x640x128xf32, #tpu.memory_space<hbm>> -> memref<640x128xf32, #tpu.memory_space<hbm>>
      %dma_wait3A_109 = arith.constant 0 : i32
      %dma_wait3A_110 = tpu.memref_slice %arg10[%mul3A_99, %dma_wait3A_109] : memref<10240x128xf32, #tpu.memory_space<vmem_shared>> -> memref<640x128xf32, #tpu.memory_space<vmem_shared>>
      tpu.wait_dma2 semaphore(%run_scoped3A : memref<!tpu.dma_semaphore, #tpu.memory_space<semaphore_mem>>) src(%dma_wait3A_110 : memref<640x128xf32, #tpu.memory_space<vmem_shared>>) dst(%dma_wait3A_108 : memref<640x128xf32, #tpu.memory_space<hbm>>)
      tpu.yield
    }) : () -> ()
    "tpu.trace_stop"() : () -> ()
    return
  }
}

#map = affine_map<(d0, d1) -> (0, 0)>
#map1 = affine_map<(d0, d1) -> (0, 0, 0)>
module attributes {stable_mosaic.version = 14 : i64} {
  func.func @_sc_agg(%arg0: i32, %arg1: i32, %arg2: memref<10000x128xf32, #tpu.memory_space<hbm>>, %arg3: memref<2560x128xi32, #tpu.memory_space<hbm>>, %arg4: memref<2560x128xi32, #tpu.memory_space<hbm>>, %arg5: memref<2x10240x128xf32, #tpu.memory_space<hbm>>, %arg6: memref<16x128xi32, #tpu.memory_space<vmem>>, %arg7: memref<16x128xi32, #tpu.memory_space<vmem>>, %arg8: memref<128x128xf32, #tpu.memory_space<vmem>>, %arg9: memref<128x128xf32, #tpu.memory_space<vmem>>, %arg10: memref<10240x128xf32, #tpu.memory_space<vmem_shared>>, %arg11: memref<!tpu.dma_semaphore, #tpu.memory_space<semaphore_mem>>, %arg12: memref<!tpu.dma_semaphore, #tpu.memory_space<semaphore_mem>>) attributes {dimension_semantics = [#tpu.dimension_semantics<core_parallel>, #tpu.dimension_semantics<subcore_parallel>], iteration_bounds = array<i64: 2, 16>, scalar_prefetch = 0 : i64, scratch_operands = 7 : i64, tpu.core_type = #tpu.core_type<sc_vector_subcore>, window_params = [{transform_indices = #map}, {transform_indices = #map}, {transform_indices = #map}, {transform_indices = #map1}]} {
    %mul3A = arith.constant 16 : i32
    %mul3A_0 = arith.muli %arg0, %mul3A : i32
    %add3A = arith.addi %mul3A_0, %arg1 : i32
    %mul3A_1 = arith.constant 80 : i32
    %mul3A_2 = arith.muli %add3A, %mul3A_1 : i32
    %broadcast_in_dim3A = arith.constant 0.000000e+00 : f32
    %broadcast_in_dim3A_3 = vector.broadcast %broadcast_in_dim3A : f32 to vector<16xf32>
    "tpu.trace_start"() <{level = 10 : i32, message = "agg_zero"}> : () -> ()
    %scan3A = arith.constant 0 : i32
    %scan3A_4 = arith.constant 128 : i32
    %scan3A_5 = arith.addi %scan3A, %scan3A_4 : i32
    %scan3A_6 = arith.constant 1 : i32
    scf.for %scan3A_102 = %scan3A to %scan3A_5 step %scan3A_6  : i32 {
      %mul3A_103 = arith.constant 1 : i32
      %mul3A_104 = arith.muli %scan3A_102, %mul3A_103 : i32
      %add3A_105 = arith.constant 0 : i32
      %add3A_106 = arith.addi %add3A_105, %mul3A_104 : i32
      %swap3A = arith.index_cast %add3A_106 : i32 to index
      %swap3A_107 = arith.constant 0 : index
      %swap3A_108 = tpu.vector_load %arg8[%swap3A, %swap3A_107] {strides = array<i32>} : memref<128x128xf32, #tpu.memory_space<vmem>>, vector<1x16xf32>,
      %swap3A_109 = vector.shape_cast %swap3A_108 : vector<1x16xf32> to vector<16xf32>
      %swap3A_110 = vector.shape_cast %broadcast_in_dim3A_3 : vector<16xf32> to vector<1x16xf32>
      tpu.vector_store %arg8[%swap3A, %swap3A_107], %swap3A_110 {strides = array<i32>} : memref<128x128xf32, #tpu.memory_space<vmem>>, vector<1x16xf32>,
      %swap3A_111 = arith.index_cast %add3A_106 : i32 to index
      %swap3A_112 = arith.constant 16 : index
      %swap3A_113 = tpu.vector_load %arg8[%swap3A_111, %swap3A_112] {strides = array<i32>} : memref<128x128xf32, #tpu.memory_space<vmem>>, vector<1x16xf32>,
      %swap3A_114 = vector.shape_cast %swap3A_113 : vector<1x16xf32> to vector<16xf32>
      %swap3A_115 = vector.shape_cast %broadcast_in_dim3A_3 : vector<16xf32> to vector<1x16xf32>
      tpu.vector_store %arg8[%swap3A_111, %swap3A_112], %swap3A_115 {strides = array<i32>} : memref<128x128xf32, #tpu.memory_space<vmem>>, vector<1x16xf32>,
      %swap3A_116 = arith.index_cast %add3A_106 : i32 to index
      %swap3A_117 = arith.constant 32 : index
      %swap3A_118 = tpu.vector_load %arg8[%swap3A_116, %swap3A_117] {strides = array<i32>} : memref<128x128xf32, #tpu.memory_space<vmem>>, vector<1x16xf32>,
      %swap3A_119 = vector.shape_cast %swap3A_118 : vector<1x16xf32> to vector<16xf32>
      %swap3A_120 = vector.shape_cast %broadcast_in_dim3A_3 : vector<16xf32> to vector<1x16xf32>
      tpu.vector_store %arg8[%swap3A_116, %swap3A_117], %swap3A_120 {strides = array<i32>} : memref<128x128xf32, #tpu.memory_space<vmem>>, vector<1x16xf32>,
      %swap3A_121 = arith.index_cast %add3A_106 : i32 to index
      %swap3A_122 = arith.constant 48 : index
      %swap3A_123 = tpu.vector_load %arg8[%swap3A_121, %swap3A_122] {strides = array<i32>} : memref<128x128xf32, #tpu.memory_space<vmem>>, vector<1x16xf32>,
      %swap3A_124 = vector.shape_cast %swap3A_123 : vector<1x16xf32> to vector<16xf32>
      %swap3A_125 = vector.shape_cast %broadcast_in_dim3A_3 : vector<16xf32> to vector<1x16xf32>
      tpu.vector_store %arg8[%swap3A_121, %swap3A_122], %swap3A_125 {strides = array<i32>} : memref<128x128xf32, #tpu.memory_space<vmem>>, vector<1x16xf32>,
      %swap3A_126 = arith.index_cast %add3A_106 : i32 to index
      %swap3A_127 = arith.constant 64 : index
      %swap3A_128 = tpu.vector_load %arg8[%swap3A_126, %swap3A_127] {strides = array<i32>} : memref<128x128xf32, #tpu.memory_space<vmem>>, vector<1x16xf32>,
      %swap3A_129 = vector.shape_cast %swap3A_128 : vector<1x16xf32> to vector<16xf32>
      %swap3A_130 = vector.shape_cast %broadcast_in_dim3A_3 : vector<16xf32> to vector<1x16xf32>
      tpu.vector_store %arg8[%swap3A_126, %swap3A_127], %swap3A_130 {strides = array<i32>} : memref<128x128xf32, #tpu.memory_space<vmem>>, vector<1x16xf32>,
      %swap3A_131 = arith.index_cast %add3A_106 : i32 to index
      %swap3A_132 = arith.constant 80 : index
      %swap3A_133 = tpu.vector_load %arg8[%swap3A_131, %swap3A_132] {strides = array<i32>} : memref<128x128xf32, #tpu.memory_space<vmem>>, vector<1x16xf32>,
      %swap3A_134 = vector.shape_cast %swap3A_133 : vector<1x16xf32> to vector<16xf32>
      %swap3A_135 = vector.shape_cast %broadcast_in_dim3A_3 : vector<16xf32> to vector<1x16xf32>
      tpu.vector_store %arg8[%swap3A_131, %swap3A_132], %swap3A_135 {strides = array<i32>} : memref<128x128xf32, #tpu.memory_space<vmem>>, vector<1x16xf32>,
      %swap3A_136 = arith.index_cast %add3A_106 : i32 to index
      %swap3A_137 = arith.constant 96 : index
      %swap3A_138 = tpu.vector_load %arg8[%swap3A_136, %swap3A_137] {strides = array<i32>} : memref<128x128xf32, #tpu.memory_space<vmem>>, vector<1x16xf32>,
      %swap3A_139 = vector.shape_cast %swap3A_138 : vector<1x16xf32> to vector<16xf32>
      %swap3A_140 = vector.shape_cast %broadcast_in_dim3A_3 : vector<16xf32> to vector<1x16xf32>
      tpu.vector_store %arg8[%swap3A_136, %swap3A_137], %swap3A_140 {strides = array<i32>} : memref<128x128xf32, #tpu.memory_space<vmem>>, vector<1x16xf32>,
      %swap3A_141 = arith.index_cast %add3A_106 : i32 to index
      %swap3A_142 = arith.constant 112 : index
      %swap3A_143 = tpu.vector_load %arg8[%swap3A_141, %swap3A_142] {strides = array<i32>} : memref<128x128xf32, #tpu.memory_space<vmem>>, vector<1x16xf32>,
      %swap3A_144 = vector.shape_cast %swap3A_143 : vector<1x16xf32> to vector<16xf32>
      %swap3A_145 = vector.shape_cast %broadcast_in_dim3A_3 : vector<16xf32> to vector<1x16xf32>
      tpu.vector_store %arg8[%swap3A_141, %swap3A_142], %swap3A_145 {strides = array<i32>} : memref<128x128xf32, #tpu.memory_space<vmem>>, vector<1x16xf32>,
    }
    %scan3A_7 = arith.constant 128 : i32
    %mul3A_8 = arith.constant 640 : i32
    %mul3A_9 = arith.muli %arg1, %mul3A_8 : i32
    %add3A_10 = arith.constant 0 : i32
    %add3A_11 = arith.addi %mul3A_9, %add3A_10 : i32
    "tpu.region"() ({
      %run_scoped3A = tpu.sem_alloc : memref<!tpu.dma_semaphore, #tpu.memory_space<semaphore_mem>>
      %dma_start3A_102 = arith.constant 0 : i32
      %dma_start3A_103 = tpu.memref_slice %arg10[%add3A_11, %dma_start3A_102] : memref<10240x128xf32, #tpu.memory_space<vmem_shared>> -> memref<128x128xf32, #tpu.memory_space<vmem_shared>>
      %dma_start3A_104 = arith.constant 0 : i32
      %dma_start3A_105 = tpu.memref_slice %arg10[%add3A_11, %dma_start3A_104] : memref<10240x128xf32, #tpu.memory_space<vmem_shared>> -> memref<128x128xf32, #tpu.memory_space<vmem_shared>>
      tpu.enqueue_dma source(%arg8 : memref<128x128xf32, #tpu.memory_space<vmem>>) target(%dma_start3A_105 : memref<128x128xf32, #tpu.memory_space<vmem_shared>>) target_semaphore(%run_scoped3A : memref<!tpu.dma_semaphore, #tpu.memory_space<semaphore_mem>>)
      %dma_wait3A = arith.constant 0 : i32
      %dma_wait3A_106 = tpu.memref_slice %arg10[%add3A_11, %dma_wait3A] : memref<10240x128xf32, #tpu.memory_space<vmem_shared>> -> memref<128x128xf32, #tpu.memory_space<vmem_shared>>
      %dma_wait3A_107 = arith.constant 0 : i32
      %dma_wait3A_108 = tpu.memref_slice %arg10[%add3A_11, %dma_wait3A_107] : memref<10240x128xf32, #tpu.memory_space<vmem_shared>> -> memref<128x128xf32, #tpu.memory_space<vmem_shared>>
      tpu.wait_dma2 semaphore(%run_scoped3A : memref<!tpu.dma_semaphore, #tpu.memory_space<semaphore_mem>>) src(%arg8 : memref<128x128xf32, #tpu.memory_space<vmem>>) dst(%dma_wait3A_108 : memref<128x128xf32, #tpu.memory_space<vmem_shared>>)
      tpu.yield
    }) : () -> ()
    %mul3A_12 = arith.constant 640 : i32
    %mul3A_13 = arith.muli %arg1, %mul3A_12 : i32
    %add3A_14 = arith.constant 128 : i32
    %add3A_15 = arith.addi %mul3A_13, %add3A_14 : i32
    "tpu.region"() ({
      %run_scoped3A = tpu.sem_alloc : memref<!tpu.dma_semaphore, #tpu.memory_space<semaphore_mem>>
      %dma_start3A_102 = arith.constant 0 : i32
      %dma_start3A_103 = tpu.memref_slice %arg10[%add3A_15, %dma_start3A_102] : memref<10240x128xf32, #tpu.memory_space<vmem_shared>> -> memref<128x128xf32, #tpu.memory_space<vmem_shared>>
      %dma_start3A_104 = arith.constant 0 : i32
      %dma_start3A_105 = tpu.memref_slice %arg10[%add3A_15, %dma_start3A_104] : memref<10240x128xf32, #tpu.memory_space<vmem_shared>> -> memref<128x128xf32, #tpu.memory_space<vmem_shared>>
      tpu.enqueue_dma source(%arg8 : memref<128x128xf32, #tpu.memory_space<vmem>>) target(%dma_start3A_105 : memref<128x128xf32, #tpu.memory_space<vmem_shared>>) target_semaphore(%run_scoped3A : memref<!tpu.dma_semaphore, #tpu.memory_space<semaphore_mem>>)
      %dma_wait3A = arith.constant 0 : i32
      %dma_wait3A_106 = tpu.memref_slice %arg10[%add3A_15, %dma_wait3A] : memref<10240x128xf32, #tpu.memory_space<vmem_shared>> -> memref<128x128xf32, #tpu.memory_space<vmem_shared>>
      %dma_wait3A_107 = arith.constant 0 : i32
      %dma_wait3A_108 = tpu.memref_slice %arg10[%add3A_15, %dma_wait3A_107] : memref<10240x128xf32, #tpu.memory_space<vmem_shared>> -> memref<128x128xf32, #tpu.memory_space<vmem_shared>>
      tpu.wait_dma2 semaphore(%run_scoped3A : memref<!tpu.dma_semaphore, #tpu.memory_space<semaphore_mem>>) src(%arg8 : memref<128x128xf32, #tpu.memory_space<vmem>>) dst(%dma_wait3A_108 : memref<128x128xf32, #tpu.memory_space<vmem_shared>>)
      tpu.yield
    }) : () -> ()
    %mul3A_16 = arith.constant 640 : i32
    %mul3A_17 = arith.muli %arg1, %mul3A_16 : i32
    %add3A_18 = arith.constant 256 : i32
    %add3A_19 = arith.addi %mul3A_17, %add3A_18 : i32
    "tpu.region"() ({
      %run_scoped3A = tpu.sem_alloc : memref<!tpu.dma_semaphore, #tpu.memory_space<semaphore_mem>>
      %dma_start3A_102 = arith.constant 0 : i32
      %dma_start3A_103 = tpu.memref_slice %arg10[%add3A_19, %dma_start3A_102] : memref<10240x128xf32, #tpu.memory_space<vmem_shared>> -> memref<128x128xf32, #tpu.memory_space<vmem_shared>>
      %dma_start3A_104 = arith.constant 0 : i32
      %dma_start3A_105 = tpu.memref_slice %arg10[%add3A_19, %dma_start3A_104] : memref<10240x128xf32, #tpu.memory_space<vmem_shared>> -> memref<128x128xf32, #tpu.memory_space<vmem_shared>>
      tpu.enqueue_dma source(%arg8 : memref<128x128xf32, #tpu.memory_space<vmem>>) target(%dma_start3A_105 : memref<128x128xf32, #tpu.memory_space<vmem_shared>>) target_semaphore(%run_scoped3A : memref<!tpu.dma_semaphore, #tpu.memory_space<semaphore_mem>>)
      %dma_wait3A = arith.constant 0 : i32
      %dma_wait3A_106 = tpu.memref_slice %arg10[%add3A_19, %dma_wait3A] : memref<10240x128xf32, #tpu.memory_space<vmem_shared>> -> memref<128x128xf32, #tpu.memory_space<vmem_shared>>
      %dma_wait3A_107 = arith.constant 0 : i32
      %dma_wait3A_108 = tpu.memref_slice %arg10[%add3A_19, %dma_wait3A_107] : memref<10240x128xf32, #tpu.memory_space<vmem_shared>> -> memref<128x128xf32, #tpu.memory_space<vmem_shared>>
      tpu.wait_dma2 semaphore(%run_scoped3A : memref<!tpu.dma_semaphore, #tpu.memory_space<semaphore_mem>>) src(%arg8 : memref<128x128xf32, #tpu.memory_space<vmem>>) dst(%dma_wait3A_108 : memref<128x128xf32, #tpu.memory_space<vmem_shared>>)
      tpu.yield
    }) : () -> ()
    %mul3A_20 = arith.constant 640 : i32
    %mul3A_21 = arith.muli %arg1, %mul3A_20 : i32
    %add3A_22 = arith.constant 384 : i32
    %add3A_23 = arith.addi %mul3A_21, %add3A_22 : i32
    "tpu.region"() ({
      %run_scoped3A = tpu.sem_alloc : memref<!tpu.dma_semaphore, #tpu.memory_space<semaphore_mem>>
      %dma_start3A_102 = arith.constant 0 : i32
      %dma_start3A_103 = tpu.memref_slice %arg10[%add3A_23, %dma_start3A_102] : memref<10240x128xf32, #tpu.memory_space<vmem_shared>> -> memref<128x128xf32, #tpu.memory_space<vmem_shared>>
      %dma_start3A_104 = arith.constant 0 : i32
      %dma_start3A_105 = tpu.memref_slice %arg10[%add3A_23, %dma_start3A_104] : memref<10240x128xf32, #tpu.memory_space<vmem_shared>> -> memref<128x128xf32, #tpu.memory_space<vmem_shared>>
      tpu.enqueue_dma source(%arg8 : memref<128x128xf32, #tpu.memory_space<vmem>>) target(%dma_start3A_105 : memref<128x128xf32, #tpu.memory_space<vmem_shared>>) target_semaphore(%run_scoped3A : memref<!tpu.dma_semaphore, #tpu.memory_space<semaphore_mem>>)
      %dma_wait3A = arith.constant 0 : i32
      %dma_wait3A_106 = tpu.memref_slice %arg10[%add3A_23, %dma_wait3A] : memref<10240x128xf32, #tpu.memory_space<vmem_shared>> -> memref<128x128xf32, #tpu.memory_space<vmem_shared>>
      %dma_wait3A_107 = arith.constant 0 : i32
      %dma_wait3A_108 = tpu.memref_slice %arg10[%add3A_23, %dma_wait3A_107] : memref<10240x128xf32, #tpu.memory_space<vmem_shared>> -> memref<128x128xf32, #tpu.memory_space<vmem_shared>>
      tpu.wait_dma2 semaphore(%run_scoped3A : memref<!tpu.dma_semaphore, #tpu.memory_space<semaphore_mem>>) src(%arg8 : memref<128x128xf32, #tpu.memory_space<vmem>>) dst(%dma_wait3A_108 : memref<128x128xf32, #tpu.memory_space<vmem_shared>>)
      tpu.yield
    }) : () -> ()
    %mul3A_24 = arith.constant 640 : i32
    %mul3A_25 = arith.muli %arg1, %mul3A_24 : i32
    %add3A_26 = arith.constant 512 : i32
    %add3A_27 = arith.addi %mul3A_25, %add3A_26 : i32
    "tpu.region"() ({
      %run_scoped3A = tpu.sem_alloc : memref<!tpu.dma_semaphore, #tpu.memory_space<semaphore_mem>>
      %dma_start3A_102 = arith.constant 0 : i32
      %dma_start3A_103 = tpu.memref_slice %arg10[%add3A_27, %dma_start3A_102] : memref<10240x128xf32, #tpu.memory_space<vmem_shared>> -> memref<128x128xf32, #tpu.memory_space<vmem_shared>>
      %dma_start3A_104 = arith.constant 0 : i32
      %dma_start3A_105 = tpu.memref_slice %arg10[%add3A_27, %dma_start3A_104] : memref<10240x128xf32, #tpu.memory_space<vmem_shared>> -> memref<128x128xf32, #tpu.memory_space<vmem_shared>>
      tpu.enqueue_dma source(%arg8 : memref<128x128xf32, #tpu.memory_space<vmem>>) target(%dma_start3A_105 : memref<128x128xf32, #tpu.memory_space<vmem_shared>>) target_semaphore(%run_scoped3A : memref<!tpu.dma_semaphore, #tpu.memory_space<semaphore_mem>>)
      %dma_wait3A = arith.constant 0 : i32
      %dma_wait3A_106 = tpu.memref_slice %arg10[%add3A_27, %dma_wait3A] : memref<10240x128xf32, #tpu.memory_space<vmem_shared>> -> memref<128x128xf32, #tpu.memory_space<vmem_shared>>
      %dma_wait3A_107 = arith.constant 0 : i32
      %dma_wait3A_108 = tpu.memref_slice %arg10[%add3A_27, %dma_wait3A_107] : memref<10240x128xf32, #tpu.memory_space<vmem_shared>> -> memref<128x128xf32, #tpu.memory_space<vmem_shared>>
      tpu.wait_dma2 semaphore(%run_scoped3A : memref<!tpu.dma_semaphore, #tpu.memory_space<semaphore_mem>>) src(%arg8 : memref<128x128xf32, #tpu.memory_space<vmem>>) dst(%dma_wait3A_108 : memref<128x128xf32, #tpu.memory_space<vmem_shared>>)
      tpu.yield
    }) : () -> ()
    %barrier3A = arith.constant 0 : index
    tpu.barrier barrier_id(%barrier3A)
    "tpu.trace_stop"() : () -> ()
    "tpu.trace_start"() <{level = 10 : i32, message = "agg_edges"}> : () -> ()
    %add3A_28 = arith.constant 0 : i32
    %add3A_29 = arith.addi %mul3A_2, %add3A_28 : i32
    "tpu.region"() ({
      %run_scoped3A = tpu.sem_alloc : memref<!tpu.dma_semaphore, #tpu.memory_space<semaphore_mem>>
      %dma_start3A_102 = arith.constant 0 : i32
      %dma_start3A_103 = tpu.memref_slice %arg3[%add3A_29, %dma_start3A_102] : memref<2560x128xi32, #tpu.memory_space<hbm>> -> memref<16x128xi32, #tpu.memory_space<hbm>>
      %dma_start3A_104 = arith.constant 0 : i32
      %dma_start3A_105 = tpu.memref_slice %arg3[%add3A_29, %dma_start3A_104] : memref<2560x128xi32, #tpu.memory_space<hbm>> -> memref<16x128xi32, #tpu.memory_space<hbm>>
      tpu.enqueue_dma source(%dma_start3A_105 : memref<16x128xi32, #tpu.memory_space<hbm>>) target(%arg6 : memref<16x128xi32, #tpu.memory_space<vmem>>) target_semaphore(%run_scoped3A : memref<!tpu.dma_semaphore, #tpu.memory_space<semaphore_mem>>)
      %dma_wait3A = arith.constant 0 : i32
      %dma_wait3A_106 = tpu.memref_slice %arg3[%add3A_29, %dma_wait3A] : memref<2560x128xi32, #tpu.memory_space<hbm>> -> memref<16x128xi32, #tpu.memory_space<hbm>>
      %dma_wait3A_107 = arith.constant 0 : i32
      %dma_wait3A_108 = tpu.memref_slice %arg3[%add3A_29, %dma_wait3A_107] : memref<2560x128xi32, #tpu.memory_space<hbm>> -> memref<16x128xi32, #tpu.memory_space<hbm>>
      tpu.wait_dma2 semaphore(%run_scoped3A : memref<!tpu.dma_semaphore, #tpu.memory_space<semaphore_mem>>) src(%dma_wait3A_108 : memref<16x128xi32, #tpu.memory_space<hbm>>) dst(%arg6 : memref<16x128xi32, #tpu.memory_space<vmem>>)
      tpu.yield
    }) : () -> ()
    "tpu.region"() ({
      %run_scoped3A = tpu.sem_alloc : memref<!tpu.dma_semaphore, #tpu.memory_space<semaphore_mem>>
      %dma_start3A_102 = arith.constant 0 : i32
      %dma_start3A_103 = tpu.memref_slice %arg4[%add3A_29, %dma_start3A_102] : memref<2560x128xi32, #tpu.memory_space<hbm>> -> memref<16x128xi32, #tpu.memory_space<hbm>>
      %dma_start3A_104 = arith.constant 0 : i32
      %dma_start3A_105 = tpu.memref_slice %arg4[%add3A_29, %dma_start3A_104] : memref<2560x128xi32, #tpu.memory_space<hbm>> -> memref<16x128xi32, #tpu.memory_space<hbm>>
      tpu.enqueue_dma source(%dma_start3A_105 : memref<16x128xi32, #tpu.memory_space<hbm>>) target(%arg7 : memref<16x128xi32, #tpu.memory_space<vmem>>) target_semaphore(%run_scoped3A : memref<!tpu.dma_semaphore, #tpu.memory_space<semaphore_mem>>)
      %dma_wait3A = arith.constant 0 : i32
      %dma_wait3A_106 = tpu.memref_slice %arg4[%add3A_29, %dma_wait3A] : memref<2560x128xi32, #tpu.memory_space<hbm>> -> memref<16x128xi32, #tpu.memory_space<hbm>>
      %dma_wait3A_107 = arith.constant 0 : i32
      %dma_wait3A_108 = tpu.memref_slice %arg4[%add3A_29, %dma_wait3A_107] : memref<2560x128xi32, #tpu.memory_space<hbm>> -> memref<16x128xi32, #tpu.memory_space<hbm>>
      tpu.wait_dma2 semaphore(%run_scoped3A : memref<!tpu.dma_semaphore, #tpu.memory_space<semaphore_mem>>) src(%dma_wait3A_108 : memref<16x128xi32, #tpu.memory_space<hbm>>) dst(%arg7 : memref<16x128xi32, #tpu.memory_space<vmem>>)
      tpu.yield
    }) : () -> ()
    %dma_start3A = arith.constant 0 : i32
    %dma_start3A_30 = arith.constant 0 : i32
    %dma_start3A_31 = tpu.memref_slice %arg6[%dma_start3A, %dma_start3A_30] : memref<16x128xi32, #tpu.memory_space<vmem>> -> memref<1x128xi32, #tpu.memory_space<vmem>>
    %dma_start3A_32 = tpu.memref_squeeze %dma_start3A_31 : memref<1x128xi32, #tpu.memory_space<vmem>> -> memref<128xi32, #tpu.memory_space<vmem>>
    %dma_start3A_33 = arith.constant 0 : i32
    %dma_start3A_34 = arith.constant 0 : i32
    %dma_start3A_35 = tpu.memref_slice %arg2[%dma_start3A_33, %dma_start3A_34] : memref<10000x128xf32, #tpu.memory_space<hbm>> -> memref<10000x128xf32, #tpu.memory_space<hbm>>
    tpu.enqueue_indirect_dma source(%dma_start3A_35 : memref<10000x128xf32, #tpu.memory_space<hbm>>) target(%arg8 : memref<128x128xf32, #tpu.memory_space<vmem>>) offsets(%dma_start3A_32 : memref<128xi32, #tpu.memory_space<vmem>>) semaphore(%arg11 : memref<!tpu.dma_semaphore, #tpu.memory_space<semaphore_mem>>)
    %scan3A_36 = arith.constant 0 : i32
    %scan3A_37 = arith.constant 8 : i32
    %scan3A_38 = arith.addi %scan3A_36, %scan3A_37 : i32
    %scan3A_39 = arith.constant 1 : i32
    scf.for %scan3A_102 = %scan3A_36 to %scan3A_38 step %scan3A_39  : i32 {
      %mul3A_103 = arith.constant 2 : i32
      %mul3A_104 = arith.muli %scan3A_102, %mul3A_103 : i32
      %add3A_105 = arith.constant 0 : i32
      %add3A_106 = arith.addi %add3A_105, %mul3A_104 : i32
      %add3A_107 = arith.constant 1 : i32
      %add3A_108 = arith.addi %add3A_106, %add3A_107 : i32
      %dma_start3A_109 = arith.constant 0 : i32
      %dma_start3A_110 = tpu.memref_slice %arg6[%add3A_108, %dma_start3A_109] : memref<16x128xi32, #tpu.memory_space<vmem>> -> memref<1x128xi32, #tpu.memory_space<vmem>>
      %dma_start3A_111 = tpu.memref_squeeze %dma_start3A_110 : memref<1x128xi32, #tpu.memory_space<vmem>> -> memref<128xi32, #tpu.memory_space<vmem>>
      %dma_start3A_112 = arith.constant 0 : i32
      %dma_start3A_113 = arith.constant 0 : i32
      %dma_start3A_114 = tpu.memref_slice %arg2[%dma_start3A_112, %dma_start3A_113] : memref<10000x128xf32, #tpu.memory_space<hbm>> -> memref<10000x128xf32, #tpu.memory_space<hbm>>
      tpu.enqueue_indirect_dma source(%dma_start3A_114 : memref<10000x128xf32, #tpu.memory_space<hbm>>) target(%arg9 : memref<128x128xf32, #tpu.memory_space<vmem>>) offsets(%dma_start3A_111 : memref<128xi32, #tpu.memory_space<vmem>>) semaphore(%arg12 : memref<!tpu.dma_semaphore, #tpu.memory_space<semaphore_mem>>)
      %dma_wait3A = arith.constant 0 : i32
      %dma_wait3A_115 = arith.constant 0 : i32
      %dma_wait3A_116 = tpu.memref_slice %arg2[%dma_wait3A, %dma_wait3A_115] : memref<10000x128xf32, #tpu.memory_space<hbm>> -> memref<128x128xf32, #tpu.memory_space<hbm>>
      %dma_wait3A_117 = arith.constant 0 : i32
      %dma_wait3A_118 = arith.constant 0 : i32
      %dma_wait3A_119 = tpu.memref_slice %arg2[%dma_wait3A_117, %dma_wait3A_118] : memref<10000x128xf32, #tpu.memory_space<hbm>> -> memref<128x128xf32, #tpu.memory_space<hbm>>
      tpu.wait_dma2 semaphore(%arg11 : memref<!tpu.dma_semaphore, #tpu.memory_space<semaphore_mem>>) src(%dma_wait3A_119 : memref<128x128xf32, #tpu.memory_space<hbm>>) dst(%arg8 : memref<128x128xf32, #tpu.memory_space<vmem>>)
      "tpu.region"() ({
        %run_scoped3A = tpu.sem_alloc : memref<!tpu.dma_semaphore, #tpu.memory_space<semaphore_mem>>
        %dma_start3A_132 = arith.constant 0 : i32
        %dma_start3A_133 = tpu.memref_slice %arg7[%add3A_106, %dma_start3A_132] : memref<16x128xi32, #tpu.memory_space<vmem>> -> memref<1x128xi32, #tpu.memory_space<vmem>>
        %dma_start3A_134 = tpu.memref_squeeze %dma_start3A_133 : memref<1x128xi32, #tpu.memory_space<vmem>> -> memref<128xi32, #tpu.memory_space<vmem>>
        %dma_start3A_135 = arith.constant 0 : i32
        %dma_start3A_136 = arith.constant 0 : i32
        %dma_start3A_137 = tpu.memref_slice %arg10[%dma_start3A_135, %dma_start3A_136] : memref<10240x128xf32, #tpu.memory_space<vmem_shared>> -> memref<10240x128xf32, #tpu.memory_space<vmem_shared>>
        tpu.enqueue_indirect_dma source(%arg8 : memref<128x128xf32, #tpu.memory_space<vmem>>) target(%dma_start3A_137 : memref<10240x128xf32, #tpu.memory_space<vmem_shared>>) offsets(%dma_start3A_134 : memref<128xi32, #tpu.memory_space<vmem>>) semaphore(%run_scoped3A : memref<!tpu.dma_semaphore, #tpu.memory_space<semaphore_mem>>) {add = true}
        %dma_wait3A_138 = arith.constant 0 : i32
        %dma_wait3A_139 = tpu.memref_slice %arg7[%add3A_106, %dma_wait3A_138] : memref<16x128xi32, #tpu.memory_space<vmem>> -> memref<1x128xi32, #tpu.memory_space<vmem>>
        %dma_wait3A_140 = tpu.memref_squeeze %dma_wait3A_139 : memref<1x128xi32, #tpu.memory_space<vmem>> -> memref<128xi32, #tpu.memory_space<vmem>>
        %dma_wait3A_141 = arith.constant 0 : i32
        %dma_wait3A_142 = arith.constant 0 : i32
        %dma_wait3A_143 = tpu.memref_slice %arg10[%dma_wait3A_141, %dma_wait3A_142] : memref<10240x128xf32, #tpu.memory_space<vmem_shared>> -> memref<10240x128xf32, #tpu.memory_space<vmem_shared>>
        tpu.wait_indirect_dma semaphore(%run_scoped3A : memref<!tpu.dma_semaphore, #tpu.memory_space<semaphore_mem>>) src(%arg8 : memref<128x128xf32, #tpu.memory_space<vmem>>) dst(%dma_wait3A_143 : memref<10240x128xf32, #tpu.memory_space<vmem_shared>>)
        tpu.yield
      }) : () -> ()
      %add3A_120 = arith.constant 2 : i32
      %add3A_121 = arith.addi %add3A_106, %add3A_120 : i32
      %lt3A = arith.constant 16 : i32
      %lt3A_122 = arith.cmpi slt, %add3A_121, %lt3A : i32
      %convert_element_type3A = arith.extui %lt3A_122 : i1 to i32
      %cond3A = arith.constant 0 : i32
      %cond3A_123 = arith.cmpi ne, %convert_element_type3A, %cond3A : i32
      scf.if %cond3A_123 {
        %add3A_132 = arith.constant 2 : i32
        %add3A_133 = arith.addi %add3A_106, %add3A_132 : i32
        %dma_start3A_134 = arith.constant 0 : i32
        %dma_start3A_135 = tpu.memref_slice %arg6[%add3A_133, %dma_start3A_134] : memref<16x128xi32, #tpu.memory_space<vmem>> -> memref<1x128xi32, #tpu.memory_space<vmem>>
        %dma_start3A_136 = tpu.memref_squeeze %dma_start3A_135 : memref<1x128xi32, #tpu.memory_space<vmem>> -> memref<128xi32, #tpu.memory_space<vmem>>
        %dma_start3A_137 = arith.constant 0 : i32
        %dma_start3A_138 = arith.constant 0 : i32
        %dma_start3A_139 = tpu.memref_slice %arg2[%dma_start3A_137, %dma_start3A_138] : memref<10000x128xf32, #tpu.memory_space<hbm>> -> memref<10000x128xf32, #tpu.memory_space<hbm>>
        tpu.enqueue_indirect_dma source(%dma_start3A_139 : memref<10000x128xf32, #tpu.memory_space<hbm>>) target(%arg8 : memref<128x128xf32, #tpu.memory_space<vmem>>) offsets(%dma_start3A_136 : memref<128xi32, #tpu.memory_space<vmem>>) semaphore(%arg11 : memref<!tpu.dma_semaphore, #tpu.memory_space<semaphore_mem>>)
      } else {
      }
      %dma_wait3A_124 = arith.constant 0 : i32
      %dma_wait3A_125 = arith.constant 0 : i32
      %dma_wait3A_126 = tpu.memref_slice %arg2[%dma_wait3A_124, %dma_wait3A_125] : memref<10000x128xf32, #tpu.memory_space<hbm>> -> memref<128x128xf32, #tpu.memory_space<hbm>>
      %dma_wait3A_127 = arith.constant 0 : i32
      %dma_wait3A_128 = arith.constant 0 : i32
      %dma_wait3A_129 = tpu.memref_slice %arg2[%dma_wait3A_127, %dma_wait3A_128] : memref<10000x128xf32, #tpu.memory_space<hbm>> -> memref<128x128xf32, #tpu.memory_space<hbm>>
      tpu.wait_dma2 semaphore(%arg12 : memref<!tpu.dma_semaphore, #tpu.memory_space<semaphore_mem>>) src(%dma_wait3A_129 : memref<128x128xf32, #tpu.memory_space<hbm>>) dst(%arg9 : memref<128x128xf32, #tpu.memory_space<vmem>>)
      %add3A_130 = arith.constant 1 : i32
      %add3A_131 = arith.addi %add3A_106, %add3A_130 : i32
      "tpu.region"() ({
        %run_scoped3A = tpu.sem_alloc : memref<!tpu.dma_semaphore, #tpu.memory_space<semaphore_mem>>
        %dma_start3A_132 = arith.constant 0 : i32
        %dma_start3A_133 = tpu.memref_slice %arg7[%add3A_131, %dma_start3A_132] : memref<16x128xi32, #tpu.memory_space<vmem>> -> memref<1x128xi32, #tpu.memory_space<vmem>>
        %dma_start3A_134 = tpu.memref_squeeze %dma_start3A_133 : memref<1x128xi32, #tpu.memory_space<vmem>> -> memref<128xi32, #tpu.memory_space<vmem>>
        %dma_start3A_135 = arith.constant 0 : i32
        %dma_start3A_136 = arith.constant 0 : i32
        %dma_start3A_137 = tpu.memref_slice %arg10[%dma_start3A_135, %dma_start3A_136] : memref<10240x128xf32, #tpu.memory_space<vmem_shared>> -> memref<10240x128xf32, #tpu.memory_space<vmem_shared>>
        tpu.enqueue_indirect_dma source(%arg9 : memref<128x128xf32, #tpu.memory_space<vmem>>) target(%dma_start3A_137 : memref<10240x128xf32, #tpu.memory_space<vmem_shared>>) offsets(%dma_start3A_134 : memref<128xi32, #tpu.memory_space<vmem>>) semaphore(%run_scoped3A : memref<!tpu.dma_semaphore, #tpu.memory_space<semaphore_mem>>) {add = true}
        %dma_wait3A_138 = arith.constant 0 : i32
        %dma_wait3A_139 = tpu.memref_slice %arg7[%add3A_131, %dma_wait3A_138] : memref<16x128xi32, #tpu.memory_space<vmem>> -> memref<1x128xi32, #tpu.memory_space<vmem>>
        %dma_wait3A_140 = tpu.memref_squeeze %dma_wait3A_139 : memref<1x128xi32, #tpu.memory_space<vmem>> -> memref<128xi32, #tpu.memory_space<vmem>>
        %dma_wait3A_141 = arith.constant 0 : i32
        %dma_wait3A_142 = arith.constant 0 : i32
        %dma_wait3A_143 = tpu.memref_slice %arg10[%dma_wait3A_141, %dma_wait3A_142] : memref<10240x128xf32, #tpu.memory_space<vmem_shared>> -> memref<10240x128xf32, #tpu.memory_space<vmem_shared>>
        tpu.wait_indirect_dma semaphore(%run_scoped3A : memref<!tpu.dma_semaphore, #tpu.memory_space<semaphore_mem>>) src(%arg9 : memref<128x128xf32, #tpu.memory_space<vmem>>) dst(%dma_wait3A_143 : memref<10240x128xf32, #tpu.memory_space<vmem_shared>>)
        tpu.yield
      }) : () -> ()
    }
    %scan3A_40 = arith.constant 8 : i32
    %add3A_41 = arith.constant 16 : i32
    %add3A_42 = arith.addi %mul3A_2, %add3A_41 : i32
    "tpu.region"() ({
      %run_scoped3A = tpu.sem_alloc : memref<!tpu.dma_semaphore, #tpu.memory_space<semaphore_mem>>
      %dma_start3A_102 = arith.constant 0 : i32
      %dma_start3A_103 = tpu.memref_slice %arg3[%add3A_42, %dma_start3A_102] : memref<2560x128xi32, #tpu.memory_space<hbm>> -> memref<16x128xi32, #tpu.memory_space<hbm>>
      %dma_start3A_104 = arith.constant 0 : i32
      %dma_start3A_105 = tpu.memref_slice %arg3[%add3A_42, %dma_start3A_104] : memref<2560x128xi32, #tpu.memory_space<hbm>> -> memref<16x128xi32, #tpu.memory_space<hbm>>
      tpu.enqueue_dma source(%dma_start3A_105 : memref<16x128xi32, #tpu.memory_space<hbm>>) target(%arg6 : memref<16x128xi32, #tpu.memory_space<vmem>>) target_semaphore(%run_scoped3A : memref<!tpu.dma_semaphore, #tpu.memory_space<semaphore_mem>>)
      %dma_wait3A = arith.constant 0 : i32
      %dma_wait3A_106 = tpu.memref_slice %arg3[%add3A_42, %dma_wait3A] : memref<2560x128xi32, #tpu.memory_space<hbm>> -> memref<16x128xi32, #tpu.memory_space<hbm>>
      %dma_wait3A_107 = arith.constant 0 : i32
      %dma_wait3A_108 = tpu.memref_slice %arg3[%add3A_42, %dma_wait3A_107] : memref<2560x128xi32, #tpu.memory_space<hbm>> -> memref<16x128xi32, #tpu.memory_space<hbm>>
      tpu.wait_dma2 semaphore(%run_scoped3A : memref<!tpu.dma_semaphore, #tpu.memory_space<semaphore_mem>>) src(%dma_wait3A_108 : memref<16x128xi32, #tpu.memory_space<hbm>>) dst(%arg6 : memref<16x128xi32, #tpu.memory_space<vmem>>)
      tpu.yield
    }) : () -> ()
    "tpu.region"() ({
      %run_scoped3A = tpu.sem_alloc : memref<!tpu.dma_semaphore, #tpu.memory_space<semaphore_mem>>
      %dma_start3A_102 = arith.constant 0 : i32
      %dma_start3A_103 = tpu.memref_slice %arg4[%add3A_42, %dma_start3A_102] : memref<2560x128xi32, #tpu.memory_space<hbm>> -> memref<16x128xi32, #tpu.memory_space<hbm>>
      %dma_start3A_104 = arith.constant 0 : i32
      %dma_start3A_105 = tpu.memref_slice %arg4[%add3A_42, %dma_start3A_104] : memref<2560x128xi32, #tpu.memory_space<hbm>> -> memref<16x128xi32, #tpu.memory_space<hbm>>
      tpu.enqueue_dma source(%dma_start3A_105 : memref<16x128xi32, #tpu.memory_space<hbm>>) target(%arg7 : memref<16x128xi32, #tpu.memory_space<vmem>>) target_semaphore(%run_scoped3A : memref<!tpu.dma_semaphore, #tpu.memory_space<semaphore_mem>>)
      %dma_wait3A = arith.constant 0 : i32
      %dma_wait3A_106 = tpu.memref_slice %arg4[%add3A_42, %dma_wait3A] : memref<2560x128xi32, #tpu.memory_space<hbm>> -> memref<16x128xi32, #tpu.memory_space<hbm>>
      %dma_wait3A_107 = arith.constant 0 : i32
      %dma_wait3A_108 = tpu.memref_slice %arg4[%add3A_42, %dma_wait3A_107] : memref<2560x128xi32, #tpu.memory_space<hbm>> -> memref<16x128xi32, #tpu.memory_space<hbm>>
      tpu.wait_dma2 semaphore(%run_scoped3A : memref<!tpu.dma_semaphore, #tpu.memory_space<semaphore_mem>>) src(%dma_wait3A_108 : memref<16x128xi32, #tpu.memory_space<hbm>>) dst(%arg7 : memref<16x128xi32, #tpu.memory_space<vmem>>)
      tpu.yield
    }) : () -> ()
    %dma_start3A_43 = arith.constant 0 : i32
    %dma_start3A_44 = arith.constant 0 : i32
    %dma_start3A_45 = tpu.memref_slice %arg6[%dma_start3A_43, %dma_start3A_44] : memref<16x128xi32, #tpu.memory_space<vmem>> -> memref<1x128xi32, #tpu.memory_space<vmem>>
    %dma_start3A_46 = tpu.memref_squeeze %dma_start3A_45 : memref<1x128xi32, #tpu.memory_space<vmem>> -> memref<128xi32, #tpu.memory_space<vmem>>
    %dma_start3A_47 = arith.constant 0 : i32
    %dma_start3A_48 = arith.constant 0 : i32
    %dma_start3A_49 = tpu.memref_slice %arg2[%dma_start3A_47, %dma_start3A_48] : memref<10000x128xf32, #tpu.memory_space<hbm>> -> memref<10000x128xf32, #tpu.memory_space<hbm>>
    tpu.enqueue_indirect_dma source(%dma_start3A_49 : memref<10000x128xf32, #tpu.memory_space<hbm>>) target(%arg8 : memref<128x128xf32, #tpu.memory_space<vmem>>) offsets(%dma_start3A_46 : memref<128xi32, #tpu.memory_space<vmem>>) semaphore(%arg11 : memref<!tpu.dma_semaphore, #tpu.memory_space<semaphore_mem>>)
    %scan3A_50 = arith.constant 0 : i32
    %scan3A_51 = arith.constant 8 : i32
    %scan3A_52 = arith.addi %scan3A_50, %scan3A_51 : i32
    %scan3A_53 = arith.constant 1 : i32
    scf.for %scan3A_102 = %scan3A_50 to %scan3A_52 step %scan3A_53  : i32 {
      %mul3A_103 = arith.constant 2 : i32
      %mul3A_104 = arith.muli %scan3A_102, %mul3A_103 : i32
      %add3A_105 = arith.constant 0 : i32
      %add3A_106 = arith.addi %add3A_105, %mul3A_104 : i32
      %add3A_107 = arith.constant 1 : i32
      %add3A_108 = arith.addi %add3A_106, %add3A_107 : i32
      %dma_start3A_109 = arith.constant 0 : i32
      %dma_start3A_110 = tpu.memref_slice %arg6[%add3A_108, %dma_start3A_109] : memref<16x128xi32, #tpu.memory_space<vmem>> -> memref<1x128xi32, #tpu.memory_space<vmem>>
      %dma_start3A_111 = tpu.memref_squeeze %dma_start3A_110 : memref<1x128xi32, #tpu.memory_space<vmem>> -> memref<128xi32, #tpu.memory_space<vmem>>
      %dma_start3A_112 = arith.constant 0 : i32
      %dma_start3A_113 = arith.constant 0 : i32
      %dma_start3A_114 = tpu.memref_slice %arg2[%dma_start3A_112, %dma_start3A_113] : memref<10000x128xf32, #tpu.memory_space<hbm>> -> memref<10000x128xf32, #tpu.memory_space<hbm>>
      tpu.enqueue_indirect_dma source(%dma_start3A_114 : memref<10000x128xf32, #tpu.memory_space<hbm>>) target(%arg9 : memref<128x128xf32, #tpu.memory_space<vmem>>) offsets(%dma_start3A_111 : memref<128xi32, #tpu.memory_space<vmem>>) semaphore(%arg12 : memref<!tpu.dma_semaphore, #tpu.memory_space<semaphore_mem>>)
      %dma_wait3A = arith.constant 0 : i32
      %dma_wait3A_115 = arith.constant 0 : i32
      %dma_wait3A_116 = tpu.memref_slice %arg2[%dma_wait3A, %dma_wait3A_115] : memref<10000x128xf32, #tpu.memory_space<hbm>> -> memref<128x128xf32, #tpu.memory_space<hbm>>
      %dma_wait3A_117 = arith.constant 0 : i32
      %dma_wait3A_118 = arith.constant 0 : i32
      %dma_wait3A_119 = tpu.memref_slice %arg2[%dma_wait3A_117, %dma_wait3A_118] : memref<10000x128xf32, #tpu.memory_space<hbm>> -> memref<128x128xf32, #tpu.memory_space<hbm>>
      tpu.wait_dma2 semaphore(%arg11 : memref<!tpu.dma_semaphore, #tpu.memory_space<semaphore_mem>>) src(%dma_wait3A_119 : memref<128x128xf32, #tpu.memory_space<hbm>>) dst(%arg8 : memref<128x128xf32, #tpu.memory_space<vmem>>)
      "tpu.region"() ({
        %run_scoped3A = tpu.sem_alloc : memref<!tpu.dma_semaphore, #tpu.memory_space<semaphore_mem>>
        %dma_start3A_132 = arith.constant 0 : i32
        %dma_start3A_133 = tpu.memref_slice %arg7[%add3A_106, %dma_start3A_132] : memref<16x128xi32, #tpu.memory_space<vmem>> -> memref<1x128xi32, #tpu.memory_space<vmem>>
        %dma_start3A_134 = tpu.memref_squeeze %dma_start3A_133 : memref<1x128xi32, #tpu.memory_space<vmem>> -> memref<128xi32, #tpu.memory_space<vmem>>
        %dma_start3A_135 = arith.constant 0 : i32
        %dma_start3A_136 = arith.constant 0 : i32
        %dma_start3A_137 = tpu.memref_slice %arg10[%dma_start3A_135, %dma_start3A_136] : memref<10240x128xf32, #tpu.memory_space<vmem_shared>> -> memref<10240x128xf32, #tpu.memory_space<vmem_shared>>
        tpu.enqueue_indirect_dma source(%arg8 : memref<128x128xf32, #tpu.memory_space<vmem>>) target(%dma_start3A_137 : memref<10240x128xf32, #tpu.memory_space<vmem_shared>>) offsets(%dma_start3A_134 : memref<128xi32, #tpu.memory_space<vmem>>) semaphore(%run_scoped3A : memref<!tpu.dma_semaphore, #tpu.memory_space<semaphore_mem>>) {add = true}
        %dma_wait3A_138 = arith.constant 0 : i32
        %dma_wait3A_139 = tpu.memref_slice %arg7[%add3A_106, %dma_wait3A_138] : memref<16x128xi32, #tpu.memory_space<vmem>> -> memref<1x128xi32, #tpu.memory_space<vmem>>
        %dma_wait3A_140 = tpu.memref_squeeze %dma_wait3A_139 : memref<1x128xi32, #tpu.memory_space<vmem>> -> memref<128xi32, #tpu.memory_space<vmem>>
        %dma_wait3A_141 = arith.constant 0 : i32
        %dma_wait3A_142 = arith.constant 0 : i32
        %dma_wait3A_143 = tpu.memref_slice %arg10[%dma_wait3A_141, %dma_wait3A_142] : memref<10240x128xf32, #tpu.memory_space<vmem_shared>> -> memref<10240x128xf32, #tpu.memory_space<vmem_shared>>
        tpu.wait_indirect_dma semaphore(%run_scoped3A : memref<!tpu.dma_semaphore, #tpu.memory_space<semaphore_mem>>) src(%arg8 : memref<128x128xf32, #tpu.memory_space<vmem>>) dst(%dma_wait3A_143 : memref<10240x128xf32, #tpu.memory_space<vmem_shared>>)
        tpu.yield
      }) : () -> ()
      %add3A_120 = arith.constant 2 : i32
      %add3A_121 = arith.addi %add3A_106, %add3A_120 : i32
      %lt3A = arith.constant 16 : i32
      %lt3A_122 = arith.cmpi slt, %add3A_121, %lt3A : i32
      %convert_element_type3A = arith.extui %lt3A_122 : i1 to i32
      %cond3A = arith.constant 0 : i32
      %cond3A_123 = arith.cmpi ne, %convert_element_type3A, %cond3A : i32
      scf.if %cond3A_123 {
        %add3A_132 = arith.constant 2 : i32
        %add3A_133 = arith.addi %add3A_106, %add3A_132 : i32
        %dma_start3A_134 = arith.constant 0 : i32
        %dma_start3A_135 = tpu.memref_slice %arg6[%add3A_133, %dma_start3A_134] : memref<16x128xi32, #tpu.memory_space<vmem>> -> memref<1x128xi32, #tpu.memory_space<vmem>>
        %dma_start3A_136 = tpu.memref_squeeze %dma_start3A_135 : memref<1x128xi32, #tpu.memory_space<vmem>> -> memref<128xi32, #tpu.memory_space<vmem>>
        %dma_start3A_137 = arith.constant 0 : i32
        %dma_start3A_138 = arith.constant 0 : i32
        %dma_start3A_139 = tpu.memref_slice %arg2[%dma_start3A_137, %dma_start3A_138] : memref<10000x128xf32, #tpu.memory_space<hbm>> -> memref<10000x128xf32, #tpu.memory_space<hbm>>
        tpu.enqueue_indirect_dma source(%dma_start3A_139 : memref<10000x128xf32, #tpu.memory_space<hbm>>) target(%arg8 : memref<128x128xf32, #tpu.memory_space<vmem>>) offsets(%dma_start3A_136 : memref<128xi32, #tpu.memory_space<vmem>>) semaphore(%arg11 : memref<!tpu.dma_semaphore, #tpu.memory_space<semaphore_mem>>)
      } else {
      }
      %dma_wait3A_124 = arith.constant 0 : i32
      %dma_wait3A_125 = arith.constant 0 : i32
      %dma_wait3A_126 = tpu.memref_slice %arg2[%dma_wait3A_124, %dma_wait3A_125] : memref<10000x128xf32, #tpu.memory_space<hbm>> -> memref<128x128xf32, #tpu.memory_space<hbm>>
      %dma_wait3A_127 = arith.constant 0 : i32
      %dma_wait3A_128 = arith.constant 0 : i32
      %dma_wait3A_129 = tpu.memref_slice %arg2[%dma_wait3A_127, %dma_wait3A_128] : memref<10000x128xf32, #tpu.memory_space<hbm>> -> memref<128x128xf32, #tpu.memory_space<hbm>>
      tpu.wait_dma2 semaphore(%arg12 : memref<!tpu.dma_semaphore, #tpu.memory_space<semaphore_mem>>) src(%dma_wait3A_129 : memref<128x128xf32, #tpu.memory_space<hbm>>) dst(%arg9 : memref<128x128xf32, #tpu.memory_space<vmem>>)
      %add3A_130 = arith.constant 1 : i32
      %add3A_131 = arith.addi %add3A_106, %add3A_130 : i32
      "tpu.region"() ({
        %run_scoped3A = tpu.sem_alloc : memref<!tpu.dma_semaphore, #tpu.memory_space<semaphore_mem>>
        %dma_start3A_132 = arith.constant 0 : i32
        %dma_start3A_133 = tpu.memref_slice %arg7[%add3A_131, %dma_start3A_132] : memref<16x128xi32, #tpu.memory_space<vmem>> -> memref<1x128xi32, #tpu.memory_space<vmem>>
        %dma_start3A_134 = tpu.memref_squeeze %dma_start3A_133 : memref<1x128xi32, #tpu.memory_space<vmem>> -> memref<128xi32, #tpu.memory_space<vmem>>
        %dma_start3A_135 = arith.constant 0 : i32
        %dma_start3A_136 = arith.constant 0 : i32
        %dma_start3A_137 = tpu.memref_slice %arg10[%dma_start3A_135, %dma_start3A_136] : memref<10240x128xf32, #tpu.memory_space<vmem_shared>> -> memref<10240x128xf32, #tpu.memory_space<vmem_shared>>
        tpu.enqueue_indirect_dma source(%arg9 : memref<128x128xf32, #tpu.memory_space<vmem>>) target(%dma_start3A_137 : memref<10240x128xf32, #tpu.memory_space<vmem_shared>>) offsets(%dma_start3A_134 : memref<128xi32, #tpu.memory_space<vmem>>) semaphore(%run_scoped3A : memref<!tpu.dma_semaphore, #tpu.memory_space<semaphore_mem>>) {add = true}
        %dma_wait3A_138 = arith.constant 0 : i32
        %dma_wait3A_139 = tpu.memref_slice %arg7[%add3A_131, %dma_wait3A_138] : memref<16x128xi32, #tpu.memory_space<vmem>> -> memref<1x128xi32, #tpu.memory_space<vmem>>
        %dma_wait3A_140 = tpu.memref_squeeze %dma_wait3A_139 : memref<1x128xi32, #tpu.memory_space<vmem>> -> memref<128xi32, #tpu.memory_space<vmem>>
        %dma_wait3A_141 = arith.constant 0 : i32
        %dma_wait3A_142 = arith.constant 0 : i32
        %dma_wait3A_143 = tpu.memref_slice %arg10[%dma_wait3A_141, %dma_wait3A_142] : memref<10240x128xf32, #tpu.memory_space<vmem_shared>> -> memref<10240x128xf32, #tpu.memory_space<vmem_shared>>
        tpu.wait_indirect_dma semaphore(%run_scoped3A : memref<!tpu.dma_semaphore, #tpu.memory_space<semaphore_mem>>) src(%arg9 : memref<128x128xf32, #tpu.memory_space<vmem>>) dst(%dma_wait3A_143 : memref<10240x128xf32, #tpu.memory_space<vmem_shared>>)
        tpu.yield
      }) : () -> ()
    }
    %scan3A_54 = arith.constant 8 : i32
    %add3A_55 = arith.constant 32 : i32
    %add3A_56 = arith.addi %mul3A_2, %add3A_55 : i32
    "tpu.region"() ({
      %run_scoped3A = tpu.sem_alloc : memref<!tpu.dma_semaphore, #tpu.memory_space<semaphore_mem>>
      %dma_start3A_102 = arith.constant 0 : i32
      %dma_start3A_103 = tpu.memref_slice %arg3[%add3A_56, %dma_start3A_102] : memref<2560x128xi32, #tpu.memory_space<hbm>> -> memref<16x128xi32, #tpu.memory_space<hbm>>
      %dma_start3A_104 = arith.constant 0 : i32
      %dma_start3A_105 = tpu.memref_slice %arg3[%add3A_56, %dma_start3A_104] : memref<2560x128xi32, #tpu.memory_space<hbm>> -> memref<16x128xi32, #tpu.memory_space<hbm>>
      tpu.enqueue_dma source(%dma_start3A_105 : memref<16x128xi32, #tpu.memory_space<hbm>>) target(%arg6 : memref<16x128xi32, #tpu.memory_space<vmem>>) target_semaphore(%run_scoped3A : memref<!tpu.dma_semaphore, #tpu.memory_space<semaphore_mem>>)
      %dma_wait3A = arith.constant 0 : i32
      %dma_wait3A_106 = tpu.memref_slice %arg3[%add3A_56, %dma_wait3A] : memref<2560x128xi32, #tpu.memory_space<hbm>> -> memref<16x128xi32, #tpu.memory_space<hbm>>
      %dma_wait3A_107 = arith.constant 0 : i32
      %dma_wait3A_108 = tpu.memref_slice %arg3[%add3A_56, %dma_wait3A_107] : memref<2560x128xi32, #tpu.memory_space<hbm>> -> memref<16x128xi32, #tpu.memory_space<hbm>>
      tpu.wait_dma2 semaphore(%run_scoped3A : memref<!tpu.dma_semaphore, #tpu.memory_space<semaphore_mem>>) src(%dma_wait3A_108 : memref<16x128xi32, #tpu.memory_space<hbm>>) dst(%arg6 : memref<16x128xi32, #tpu.memory_space<vmem>>)
      tpu.yield
    }) : () -> ()
    "tpu.region"() ({
      %run_scoped3A = tpu.sem_alloc : memref<!tpu.dma_semaphore, #tpu.memory_space<semaphore_mem>>
      %dma_start3A_102 = arith.constant 0 : i32
      %dma_start3A_103 = tpu.memref_slice %arg4[%add3A_56, %dma_start3A_102] : memref<2560x128xi32, #tpu.memory_space<hbm>> -> memref<16x128xi32, #tpu.memory_space<hbm>>
      %dma_start3A_104 = arith.constant 0 : i32
      %dma_start3A_105 = tpu.memref_slice %arg4[%add3A_56, %dma_start3A_104] : memref<2560x128xi32, #tpu.memory_space<hbm>> -> memref<16x128xi32, #tpu.memory_space<hbm>>
      tpu.enqueue_dma source(%dma_start3A_105 : memref<16x128xi32, #tpu.memory_space<hbm>>) target(%arg7 : memref<16x128xi32, #tpu.memory_space<vmem>>) target_semaphore(%run_scoped3A : memref<!tpu.dma_semaphore, #tpu.memory_space<semaphore_mem>>)
      %dma_wait3A = arith.constant 0 : i32
      %dma_wait3A_106 = tpu.memref_slice %arg4[%add3A_56, %dma_wait3A] : memref<2560x128xi32, #tpu.memory_space<hbm>> -> memref<16x128xi32, #tpu.memory_space<hbm>>
      %dma_wait3A_107 = arith.constant 0 : i32
      %dma_wait3A_108 = tpu.memref_slice %arg4[%add3A_56, %dma_wait3A_107] : memref<2560x128xi32, #tpu.memory_space<hbm>> -> memref<16x128xi32, #tpu.memory_space<hbm>>
      tpu.wait_dma2 semaphore(%run_scoped3A : memref<!tpu.dma_semaphore, #tpu.memory_space<semaphore_mem>>) src(%dma_wait3A_108 : memref<16x128xi32, #tpu.memory_space<hbm>>) dst(%arg7 : memref<16x128xi32, #tpu.memory_space<vmem>>)
      tpu.yield
    }) : () -> ()
    %dma_start3A_57 = arith.constant 0 : i32
    %dma_start3A_58 = arith.constant 0 : i32
    %dma_start3A_59 = tpu.memref_slice %arg6[%dma_start3A_57, %dma_start3A_58] : memref<16x128xi32, #tpu.memory_space<vmem>> -> memref<1x128xi32, #tpu.memory_space<vmem>>
    %dma_start3A_60 = tpu.memref_squeeze %dma_start3A_59 : memref<1x128xi32, #tpu.memory_space<vmem>> -> memref<128xi32, #tpu.memory_space<vmem>>
    %dma_start3A_61 = arith.constant 0 : i32
    %dma_start3A_62 = arith.constant 0 : i32
    %dma_start3A_63 = tpu.memref_slice %arg2[%dma_start3A_61, %dma_start3A_62] : memref<10000x128xf32, #tpu.memory_space<hbm>> -> memref<10000x128xf32, #tpu.memory_space<hbm>>
    tpu.enqueue_indirect_dma source(%dma_start3A_63 : memref<10000x128xf32, #tpu.memory_space<hbm>>) target(%arg8 : memref<128x128xf32, #tpu.memory_space<vmem>>) offsets(%dma_start3A_60 : memref<128xi32, #tpu.memory_space<vmem>>) semaphore(%arg11 : memref<!tpu.dma_semaphore, #tpu.memory_space<semaphore_mem>>)
    %scan3A_64 = arith.constant 0 : i32
    %scan3A_65 = arith.constant 8 : i32
    %scan3A_66 = arith.addi %scan3A_64, %scan3A_65 : i32
    %scan3A_67 = arith.constant 1 : i32
    scf.for %scan3A_102 = %scan3A_64 to %scan3A_66 step %scan3A_67  : i32 {
      %mul3A_103 = arith.constant 2 : i32
      %mul3A_104 = arith.muli %scan3A_102, %mul3A_103 : i32
      %add3A_105 = arith.constant 0 : i32
      %add3A_106 = arith.addi %add3A_105, %mul3A_104 : i32
      %add3A_107 = arith.constant 1 : i32
      %add3A_108 = arith.addi %add3A_106, %add3A_107 : i32
      %dma_start3A_109 = arith.constant 0 : i32
      %dma_start3A_110 = tpu.memref_slice %arg6[%add3A_108, %dma_start3A_109] : memref<16x128xi32, #tpu.memory_space<vmem>> -> memref<1x128xi32, #tpu.memory_space<vmem>>
      %dma_start3A_111 = tpu.memref_squeeze %dma_start3A_110 : memref<1x128xi32, #tpu.memory_space<vmem>> -> memref<128xi32, #tpu.memory_space<vmem>>
      %dma_start3A_112 = arith.constant 0 : i32
      %dma_start3A_113 = arith.constant 0 : i32
      %dma_start3A_114 = tpu.memref_slice %arg2[%dma_start3A_112, %dma_start3A_113] : memref<10000x128xf32, #tpu.memory_space<hbm>> -> memref<10000x128xf32, #tpu.memory_space<hbm>>
      tpu.enqueue_indirect_dma source(%dma_start3A_114 : memref<10000x128xf32, #tpu.memory_space<hbm>>) target(%arg9 : memref<128x128xf32, #tpu.memory_space<vmem>>) offsets(%dma_start3A_111 : memref<128xi32, #tpu.memory_space<vmem>>) semaphore(%arg12 : memref<!tpu.dma_semaphore, #tpu.memory_space<semaphore_mem>>)
      %dma_wait3A = arith.constant 0 : i32
      %dma_wait3A_115 = arith.constant 0 : i32
      %dma_wait3A_116 = tpu.memref_slice %arg2[%dma_wait3A, %dma_wait3A_115] : memref<10000x128xf32, #tpu.memory_space<hbm>> -> memref<128x128xf32, #tpu.memory_space<hbm>>
      %dma_wait3A_117 = arith.constant 0 : i32
      %dma_wait3A_118 = arith.constant 0 : i32
      %dma_wait3A_119 = tpu.memref_slice %arg2[%dma_wait3A_117, %dma_wait3A_118] : memref<10000x128xf32, #tpu.memory_space<hbm>> -> memref<128x128xf32, #tpu.memory_space<hbm>>
      tpu.wait_dma2 semaphore(%arg11 : memref<!tpu.dma_semaphore, #tpu.memory_space<semaphore_mem>>) src(%dma_wait3A_119 : memref<128x128xf32, #tpu.memory_space<hbm>>) dst(%arg8 : memref<128x128xf32, #tpu.memory_space<vmem>>)
      "tpu.region"() ({
        %run_scoped3A = tpu.sem_alloc : memref<!tpu.dma_semaphore, #tpu.memory_space<semaphore_mem>>
        %dma_start3A_132 = arith.constant 0 : i32
        %dma_start3A_133 = tpu.memref_slice %arg7[%add3A_106, %dma_start3A_132] : memref<16x128xi32, #tpu.memory_space<vmem>> -> memref<1x128xi32, #tpu.memory_space<vmem>>
        %dma_start3A_134 = tpu.memref_squeeze %dma_start3A_133 : memref<1x128xi32, #tpu.memory_space<vmem>> -> memref<128xi32, #tpu.memory_space<vmem>>
        %dma_start3A_135 = arith.constant 0 : i32
        %dma_start3A_136 = arith.constant 0 : i32
        %dma_start3A_137 = tpu.memref_slice %arg10[%dma_start3A_135, %dma_start3A_136] : memref<10240x128xf32, #tpu.memory_space<vmem_shared>> -> memref<10240x128xf32, #tpu.memory_space<vmem_shared>>
        tpu.enqueue_indirect_dma source(%arg8 : memref<128x128xf32, #tpu.memory_space<vmem>>) target(%dma_start3A_137 : memref<10240x128xf32, #tpu.memory_space<vmem_shared>>) offsets(%dma_start3A_134 : memref<128xi32, #tpu.memory_space<vmem>>) semaphore(%run_scoped3A : memref<!tpu.dma_semaphore, #tpu.memory_space<semaphore_mem>>) {add = true}
        %dma_wait3A_138 = arith.constant 0 : i32
        %dma_wait3A_139 = tpu.memref_slice %arg7[%add3A_106, %dma_wait3A_138] : memref<16x128xi32, #tpu.memory_space<vmem>> -> memref<1x128xi32, #tpu.memory_space<vmem>>
        %dma_wait3A_140 = tpu.memref_squeeze %dma_wait3A_139 : memref<1x128xi32, #tpu.memory_space<vmem>> -> memref<128xi32, #tpu.memory_space<vmem>>
        %dma_wait3A_141 = arith.constant 0 : i32
        %dma_wait3A_142 = arith.constant 0 : i32
        %dma_wait3A_143 = tpu.memref_slice %arg10[%dma_wait3A_141, %dma_wait3A_142] : memref<10240x128xf32, #tpu.memory_space<vmem_shared>> -> memref<10240x128xf32, #tpu.memory_space<vmem_shared>>
        tpu.wait_indirect_dma semaphore(%run_scoped3A : memref<!tpu.dma_semaphore, #tpu.memory_space<semaphore_mem>>) src(%arg8 : memref<128x128xf32, #tpu.memory_space<vmem>>) dst(%dma_wait3A_143 : memref<10240x128xf32, #tpu.memory_space<vmem_shared>>)
        tpu.yield
      }) : () -> ()
      %add3A_120 = arith.constant 2 : i32
      %add3A_121 = arith.addi %add3A_106, %add3A_120 : i32
      %lt3A = arith.constant 16 : i32
      %lt3A_122 = arith.cmpi slt, %add3A_121, %lt3A : i32
      %convert_element_type3A = arith.extui %lt3A_122 : i1 to i32
      %cond3A = arith.constant 0 : i32
      %cond3A_123 = arith.cmpi ne, %convert_element_type3A, %cond3A : i32
      scf.if %cond3A_123 {
        %add3A_132 = arith.constant 2 : i32
        %add3A_133 = arith.addi %add3A_106, %add3A_132 : i32
        %dma_start3A_134 = arith.constant 0 : i32
        %dma_start3A_135 = tpu.memref_slice %arg6[%add3A_133, %dma_start3A_134] : memref<16x128xi32, #tpu.memory_space<vmem>> -> memref<1x128xi32, #tpu.memory_space<vmem>>
        %dma_start3A_136 = tpu.memref_squeeze %dma_start3A_135 : memref<1x128xi32, #tpu.memory_space<vmem>> -> memref<128xi32, #tpu.memory_space<vmem>>
        %dma_start3A_137 = arith.constant 0 : i32
        %dma_start3A_138 = arith.constant 0 : i32
        %dma_start3A_139 = tpu.memref_slice %arg2[%dma_start3A_137, %dma_start3A_138] : memref<10000x128xf32, #tpu.memory_space<hbm>> -> memref<10000x128xf32, #tpu.memory_space<hbm>>
        tpu.enqueue_indirect_dma source(%dma_start3A_139 : memref<10000x128xf32, #tpu.memory_space<hbm>>) target(%arg8 : memref<128x128xf32, #tpu.memory_space<vmem>>) offsets(%dma_start3A_136 : memref<128xi32, #tpu.memory_space<vmem>>) semaphore(%arg11 : memref<!tpu.dma_semaphore, #tpu.memory_space<semaphore_mem>>)
      } else {
      }
      %dma_wait3A_124 = arith.constant 0 : i32
      %dma_wait3A_125 = arith.constant 0 : i32
      %dma_wait3A_126 = tpu.memref_slice %arg2[%dma_wait3A_124, %dma_wait3A_125] : memref<10000x128xf32, #tpu.memory_space<hbm>> -> memref<128x128xf32, #tpu.memory_space<hbm>>
      %dma_wait3A_127 = arith.constant 0 : i32
      %dma_wait3A_128 = arith.constant 0 : i32
      %dma_wait3A_129 = tpu.memref_slice %arg2[%dma_wait3A_127, %dma_wait3A_128] : memref<10000x128xf32, #tpu.memory_space<hbm>> -> memref<128x128xf32, #tpu.memory_space<hbm>>
      tpu.wait_dma2 semaphore(%arg12 : memref<!tpu.dma_semaphore, #tpu.memory_space<semaphore_mem>>) src(%dma_wait3A_129 : memref<128x128xf32, #tpu.memory_space<hbm>>) dst(%arg9 : memref<128x128xf32, #tpu.memory_space<vmem>>)
      %add3A_130 = arith.constant 1 : i32
      %add3A_131 = arith.addi %add3A_106, %add3A_130 : i32
      "tpu.region"() ({
        %run_scoped3A = tpu.sem_alloc : memref<!tpu.dma_semaphore, #tpu.memory_space<semaphore_mem>>
        %dma_start3A_132 = arith.constant 0 : i32
        %dma_start3A_133 = tpu.memref_slice %arg7[%add3A_131, %dma_start3A_132] : memref<16x128xi32, #tpu.memory_space<vmem>> -> memref<1x128xi32, #tpu.memory_space<vmem>>
        %dma_start3A_134 = tpu.memref_squeeze %dma_start3A_133 : memref<1x128xi32, #tpu.memory_space<vmem>> -> memref<128xi32, #tpu.memory_space<vmem>>
        %dma_start3A_135 = arith.constant 0 : i32
        %dma_start3A_136 = arith.constant 0 : i32
        %dma_start3A_137 = tpu.memref_slice %arg10[%dma_start3A_135, %dma_start3A_136] : memref<10240x128xf32, #tpu.memory_space<vmem_shared>> -> memref<10240x128xf32, #tpu.memory_space<vmem_shared>>
        tpu.enqueue_indirect_dma source(%arg9 : memref<128x128xf32, #tpu.memory_space<vmem>>) target(%dma_start3A_137 : memref<10240x128xf32, #tpu.memory_space<vmem_shared>>) offsets(%dma_start3A_134 : memref<128xi32, #tpu.memory_space<vmem>>) semaphore(%run_scoped3A : memref<!tpu.dma_semaphore, #tpu.memory_space<semaphore_mem>>) {add = true}
        %dma_wait3A_138 = arith.constant 0 : i32
        %dma_wait3A_139 = tpu.memref_slice %arg7[%add3A_131, %dma_wait3A_138] : memref<16x128xi32, #tpu.memory_space<vmem>> -> memref<1x128xi32, #tpu.memory_space<vmem>>
        %dma_wait3A_140 = tpu.memref_squeeze %dma_wait3A_139 : memref<1x128xi32, #tpu.memory_space<vmem>> -> memref<128xi32, #tpu.memory_space<vmem>>
        %dma_wait3A_141 = arith.constant 0 : i32
        %dma_wait3A_142 = arith.constant 0 : i32
        %dma_wait3A_143 = tpu.memref_slice %arg10[%dma_wait3A_141, %dma_wait3A_142] : memref<10240x128xf32, #tpu.memory_space<vmem_shared>> -> memref<10240x128xf32, #tpu.memory_space<vmem_shared>>
        tpu.wait_indirect_dma semaphore(%run_scoped3A : memref<!tpu.dma_semaphore, #tpu.memory_space<semaphore_mem>>) src(%arg9 : memref<128x128xf32, #tpu.memory_space<vmem>>) dst(%dma_wait3A_143 : memref<10240x128xf32, #tpu.memory_space<vmem_shared>>)
        tpu.yield
      }) : () -> ()
    }
    %scan3A_68 = arith.constant 8 : i32
    %add3A_69 = arith.constant 48 : i32
    %add3A_70 = arith.addi %mul3A_2, %add3A_69 : i32
    "tpu.region"() ({
      %run_scoped3A = tpu.sem_alloc : memref<!tpu.dma_semaphore, #tpu.memory_space<semaphore_mem>>
      %dma_start3A_102 = arith.constant 0 : i32
      %dma_start3A_103 = tpu.memref_slice %arg3[%add3A_70, %dma_start3A_102] : memref<2560x128xi32, #tpu.memory_space<hbm>> -> memref<16x128xi32, #tpu.memory_space<hbm>>
      %dma_start3A_104 = arith.constant 0 : i32
      %dma_start3A_105 = tpu.memref_slice %arg3[%add3A_70, %dma_start3A_104] : memref<2560x128xi32, #tpu.memory_space<hbm>> -> memref<16x128xi32, #tpu.memory_space<hbm>>
      tpu.enqueue_dma source(%dma_start3A_105 : memref<16x128xi32, #tpu.memory_space<hbm>>) target(%arg6 : memref<16x128xi32, #tpu.memory_space<vmem>>) target_semaphore(%run_scoped3A : memref<!tpu.dma_semaphore, #tpu.memory_space<semaphore_mem>>)
      %dma_wait3A = arith.constant 0 : i32
      %dma_wait3A_106 = tpu.memref_slice %arg3[%add3A_70, %dma_wait3A] : memref<2560x128xi32, #tpu.memory_space<hbm>> -> memref<16x128xi32, #tpu.memory_space<hbm>>
      %dma_wait3A_107 = arith.constant 0 : i32
      %dma_wait3A_108 = tpu.memref_slice %arg3[%add3A_70, %dma_wait3A_107] : memref<2560x128xi32, #tpu.memory_space<hbm>> -> memref<16x128xi32, #tpu.memory_space<hbm>>
      tpu.wait_dma2 semaphore(%run_scoped3A : memref<!tpu.dma_semaphore, #tpu.memory_space<semaphore_mem>>) src(%dma_wait3A_108 : memref<16x128xi32, #tpu.memory_space<hbm>>) dst(%arg6 : memref<16x128xi32, #tpu.memory_space<vmem>>)
      tpu.yield
    }) : () -> ()
    "tpu.region"() ({
      %run_scoped3A = tpu.sem_alloc : memref<!tpu.dma_semaphore, #tpu.memory_space<semaphore_mem>>
      %dma_start3A_102 = arith.constant 0 : i32
      %dma_start3A_103 = tpu.memref_slice %arg4[%add3A_70, %dma_start3A_102] : memref<2560x128xi32, #tpu.memory_space<hbm>> -> memref<16x128xi32, #tpu.memory_space<hbm>>
      %dma_start3A_104 = arith.constant 0 : i32
      %dma_start3A_105 = tpu.memref_slice %arg4[%add3A_70, %dma_start3A_104] : memref<2560x128xi32, #tpu.memory_space<hbm>> -> memref<16x128xi32, #tpu.memory_space<hbm>>
      tpu.enqueue_dma source(%dma_start3A_105 : memref<16x128xi32, #tpu.memory_space<hbm>>) target(%arg7 : memref<16x128xi32, #tpu.memory_space<vmem>>) target_semaphore(%run_scoped3A : memref<!tpu.dma_semaphore, #tpu.memory_space<semaphore_mem>>)
      %dma_wait3A = arith.constant 0 : i32
      %dma_wait3A_106 = tpu.memref_slice %arg4[%add3A_70, %dma_wait3A] : memref<2560x128xi32, #tpu.memory_space<hbm>> -> memref<16x128xi32, #tpu.memory_space<hbm>>
      %dma_wait3A_107 = arith.constant 0 : i32
      %dma_wait3A_108 = tpu.memref_slice %arg4[%add3A_70, %dma_wait3A_107] : memref<2560x128xi32, #tpu.memory_space<hbm>> -> memref<16x128xi32, #tpu.memory_space<hbm>>
      tpu.wait_dma2 semaphore(%run_scoped3A : memref<!tpu.dma_semaphore, #tpu.memory_space<semaphore_mem>>) src(%dma_wait3A_108 : memref<16x128xi32, #tpu.memory_space<hbm>>) dst(%arg7 : memref<16x128xi32, #tpu.memory_space<vmem>>)
      tpu.yield
    }) : () -> ()
    %dma_start3A_71 = arith.constant 0 : i32
    %dma_start3A_72 = arith.constant 0 : i32
    %dma_start3A_73 = tpu.memref_slice %arg6[%dma_start3A_71, %dma_start3A_72] : memref<16x128xi32, #tpu.memory_space<vmem>> -> memref<1x128xi32, #tpu.memory_space<vmem>>
    %dma_start3A_74 = tpu.memref_squeeze %dma_start3A_73 : memref<1x128xi32, #tpu.memory_space<vmem>> -> memref<128xi32, #tpu.memory_space<vmem>>
    %dma_start3A_75 = arith.constant 0 : i32
    %dma_start3A_76 = arith.constant 0 : i32
    %dma_start3A_77 = tpu.memref_slice %arg2[%dma_start3A_75, %dma_start3A_76] : memref<10000x128xf32, #tpu.memory_space<hbm>> -> memref<10000x128xf32, #tpu.memory_space<hbm>>
    tpu.enqueue_indirect_dma source(%dma_start3A_77 : memref<10000x128xf32, #tpu.memory_space<hbm>>) target(%arg8 : memref<128x128xf32, #tpu.memory_space<vmem>>) offsets(%dma_start3A_74 : memref<128xi32, #tpu.memory_space<vmem>>) semaphore(%arg11 : memref<!tpu.dma_semaphore, #tpu.memory_space<semaphore_mem>>)
    %scan3A_78 = arith.constant 0 : i32
    %scan3A_79 = arith.constant 8 : i32
    %scan3A_80 = arith.addi %scan3A_78, %scan3A_79 : i32
    %scan3A_81 = arith.constant 1 : i32
    scf.for %scan3A_102 = %scan3A_78 to %scan3A_80 step %scan3A_81  : i32 {
      %mul3A_103 = arith.constant 2 : i32
      %mul3A_104 = arith.muli %scan3A_102, %mul3A_103 : i32
      %add3A_105 = arith.constant 0 : i32
      %add3A_106 = arith.addi %add3A_105, %mul3A_104 : i32
      %add3A_107 = arith.constant 1 : i32
      %add3A_108 = arith.addi %add3A_106, %add3A_107 : i32
      %dma_start3A_109 = arith.constant 0 : i32
      %dma_start3A_110 = tpu.memref_slice %arg6[%add3A_108, %dma_start3A_109] : memref<16x128xi32, #tpu.memory_space<vmem>> -> memref<1x128xi32, #tpu.memory_space<vmem>>
      %dma_start3A_111 = tpu.memref_squeeze %dma_start3A_110 : memref<1x128xi32, #tpu.memory_space<vmem>> -> memref<128xi32, #tpu.memory_space<vmem>>
      %dma_start3A_112 = arith.constant 0 : i32
      %dma_start3A_113 = arith.constant 0 : i32
      %dma_start3A_114 = tpu.memref_slice %arg2[%dma_start3A_112, %dma_start3A_113] : memref<10000x128xf32, #tpu.memory_space<hbm>> -> memref<10000x128xf32, #tpu.memory_space<hbm>>
      tpu.enqueue_indirect_dma source(%dma_start3A_114 : memref<10000x128xf32, #tpu.memory_space<hbm>>) target(%arg9 : memref<128x128xf32, #tpu.memory_space<vmem>>) offsets(%dma_start3A_111 : memref<128xi32, #tpu.memory_space<vmem>>) semaphore(%arg12 : memref<!tpu.dma_semaphore, #tpu.memory_space<semaphore_mem>>)
      %dma_wait3A = arith.constant 0 : i32
      %dma_wait3A_115 = arith.constant 0 : i32
      %dma_wait3A_116 = tpu.memref_slice %arg2[%dma_wait3A, %dma_wait3A_115] : memref<10000x128xf32, #tpu.memory_space<hbm>> -> memref<128x128xf32, #tpu.memory_space<hbm>>
      %dma_wait3A_117 = arith.constant 0 : i32
      %dma_wait3A_118 = arith.constant 0 : i32
      %dma_wait3A_119 = tpu.memref_slice %arg2[%dma_wait3A_117, %dma_wait3A_118] : memref<10000x128xf32, #tpu.memory_space<hbm>> -> memref<128x128xf32, #tpu.memory_space<hbm>>
      tpu.wait_dma2 semaphore(%arg11 : memref<!tpu.dma_semaphore, #tpu.memory_space<semaphore_mem>>) src(%dma_wait3A_119 : memref<128x128xf32, #tpu.memory_space<hbm>>) dst(%arg8 : memref<128x128xf32, #tpu.memory_space<vmem>>)
      "tpu.region"() ({
        %run_scoped3A = tpu.sem_alloc : memref<!tpu.dma_semaphore, #tpu.memory_space<semaphore_mem>>
        %dma_start3A_132 = arith.constant 0 : i32
        %dma_start3A_133 = tpu.memref_slice %arg7[%add3A_106, %dma_start3A_132] : memref<16x128xi32, #tpu.memory_space<vmem>> -> memref<1x128xi32, #tpu.memory_space<vmem>>
        %dma_start3A_134 = tpu.memref_squeeze %dma_start3A_133 : memref<1x128xi32, #tpu.memory_space<vmem>> -> memref<128xi32, #tpu.memory_space<vmem>>
        %dma_start3A_135 = arith.constant 0 : i32
        %dma_start3A_136 = arith.constant 0 : i32
        %dma_start3A_137 = tpu.memref_slice %arg10[%dma_start3A_135, %dma_start3A_136] : memref<10240x128xf32, #tpu.memory_space<vmem_shared>> -> memref<10240x128xf32, #tpu.memory_space<vmem_shared>>
        tpu.enqueue_indirect_dma source(%arg8 : memref<128x128xf32, #tpu.memory_space<vmem>>) target(%dma_start3A_137 : memref<10240x128xf32, #tpu.memory_space<vmem_shared>>) offsets(%dma_start3A_134 : memref<128xi32, #tpu.memory_space<vmem>>) semaphore(%run_scoped3A : memref<!tpu.dma_semaphore, #tpu.memory_space<semaphore_mem>>) {add = true}
        %dma_wait3A_138 = arith.constant 0 : i32
        %dma_wait3A_139 = tpu.memref_slice %arg7[%add3A_106, %dma_wait3A_138] : memref<16x128xi32, #tpu.memory_space<vmem>> -> memref<1x128xi32, #tpu.memory_space<vmem>>
        %dma_wait3A_140 = tpu.memref_squeeze %dma_wait3A_139 : memref<1x128xi32, #tpu.memory_space<vmem>> -> memref<128xi32, #tpu.memory_space<vmem>>
        %dma_wait3A_141 = arith.constant 0 : i32
        %dma_wait3A_142 = arith.constant 0 : i32
        %dma_wait3A_143 = tpu.memref_slice %arg10[%dma_wait3A_141, %dma_wait3A_142] : memref<10240x128xf32, #tpu.memory_space<vmem_shared>> -> memref<10240x128xf32, #tpu.memory_space<vmem_shared>>
        tpu.wait_indirect_dma semaphore(%run_scoped3A : memref<!tpu.dma_semaphore, #tpu.memory_space<semaphore_mem>>) src(%arg8 : memref<128x128xf32, #tpu.memory_space<vmem>>) dst(%dma_wait3A_143 : memref<10240x128xf32, #tpu.memory_space<vmem_shared>>)
        tpu.yield
      }) : () -> ()
      %add3A_120 = arith.constant 2 : i32
      %add3A_121 = arith.addi %add3A_106, %add3A_120 : i32
      %lt3A = arith.constant 16 : i32
      %lt3A_122 = arith.cmpi slt, %add3A_121, %lt3A : i32
      %convert_element_type3A = arith.extui %lt3A_122 : i1 to i32
      %cond3A = arith.constant 0 : i32
      %cond3A_123 = arith.cmpi ne, %convert_element_type3A, %cond3A : i32
      scf.if %cond3A_123 {
        %add3A_132 = arith.constant 2 : i32
        %add3A_133 = arith.addi %add3A_106, %add3A_132 : i32
        %dma_start3A_134 = arith.constant 0 : i32
        %dma_start3A_135 = tpu.memref_slice %arg6[%add3A_133, %dma_start3A_134] : memref<16x128xi32, #tpu.memory_space<vmem>> -> memref<1x128xi32, #tpu.memory_space<vmem>>
        %dma_start3A_136 = tpu.memref_squeeze %dma_start3A_135 : memref<1x128xi32, #tpu.memory_space<vmem>> -> memref<128xi32, #tpu.memory_space<vmem>>
        %dma_start3A_137 = arith.constant 0 : i32
        %dma_start3A_138 = arith.constant 0 : i32
        %dma_start3A_139 = tpu.memref_slice %arg2[%dma_start3A_137, %dma_start3A_138] : memref<10000x128xf32, #tpu.memory_space<hbm>> -> memref<10000x128xf32, #tpu.memory_space<hbm>>
        tpu.enqueue_indirect_dma source(%dma_start3A_139 : memref<10000x128xf32, #tpu.memory_space<hbm>>) target(%arg8 : memref<128x128xf32, #tpu.memory_space<vmem>>) offsets(%dma_start3A_136 : memref<128xi32, #tpu.memory_space<vmem>>) semaphore(%arg11 : memref<!tpu.dma_semaphore, #tpu.memory_space<semaphore_mem>>)
      } else {
      }
      %dma_wait3A_124 = arith.constant 0 : i32
      %dma_wait3A_125 = arith.constant 0 : i32
      %dma_wait3A_126 = tpu.memref_slice %arg2[%dma_wait3A_124, %dma_wait3A_125] : memref<10000x128xf32, #tpu.memory_space<hbm>> -> memref<128x128xf32, #tpu.memory_space<hbm>>
      %dma_wait3A_127 = arith.constant 0 : i32
      %dma_wait3A_128 = arith.constant 0 : i32
      %dma_wait3A_129 = tpu.memref_slice %arg2[%dma_wait3A_127, %dma_wait3A_128] : memref<10000x128xf32, #tpu.memory_space<hbm>> -> memref<128x128xf32, #tpu.memory_space<hbm>>
      tpu.wait_dma2 semaphore(%arg12 : memref<!tpu.dma_semaphore, #tpu.memory_space<semaphore_mem>>) src(%dma_wait3A_129 : memref<128x128xf32, #tpu.memory_space<hbm>>) dst(%arg9 : memref<128x128xf32, #tpu.memory_space<vmem>>)
      %add3A_130 = arith.constant 1 : i32
      %add3A_131 = arith.addi %add3A_106, %add3A_130 : i32
      "tpu.region"() ({
        %run_scoped3A = tpu.sem_alloc : memref<!tpu.dma_semaphore, #tpu.memory_space<semaphore_mem>>
        %dma_start3A_132 = arith.constant 0 : i32
        %dma_start3A_133 = tpu.memref_slice %arg7[%add3A_131, %dma_start3A_132] : memref<16x128xi32, #tpu.memory_space<vmem>> -> memref<1x128xi32, #tpu.memory_space<vmem>>
        %dma_start3A_134 = tpu.memref_squeeze %dma_start3A_133 : memref<1x128xi32, #tpu.memory_space<vmem>> -> memref<128xi32, #tpu.memory_space<vmem>>
        %dma_start3A_135 = arith.constant 0 : i32
        %dma_start3A_136 = arith.constant 0 : i32
        %dma_start3A_137 = tpu.memref_slice %arg10[%dma_start3A_135, %dma_start3A_136] : memref<10240x128xf32, #tpu.memory_space<vmem_shared>> -> memref<10240x128xf32, #tpu.memory_space<vmem_shared>>
        tpu.enqueue_indirect_dma source(%arg9 : memref<128x128xf32, #tpu.memory_space<vmem>>) target(%dma_start3A_137 : memref<10240x128xf32, #tpu.memory_space<vmem_shared>>) offsets(%dma_start3A_134 : memref<128xi32, #tpu.memory_space<vmem>>) semaphore(%run_scoped3A : memref<!tpu.dma_semaphore, #tpu.memory_space<semaphore_mem>>) {add = true}
        %dma_wait3A_138 = arith.constant 0 : i32
        %dma_wait3A_139 = tpu.memref_slice %arg7[%add3A_131, %dma_wait3A_138] : memref<16x128xi32, #tpu.memory_space<vmem>> -> memref<1x128xi32, #tpu.memory_space<vmem>>
        %dma_wait3A_140 = tpu.memref_squeeze %dma_wait3A_139 : memref<1x128xi32, #tpu.memory_space<vmem>> -> memref<128xi32, #tpu.memory_space<vmem>>
        %dma_wait3A_141 = arith.constant 0 : i32
        %dma_wait3A_142 = arith.constant 0 : i32
        %dma_wait3A_143 = tpu.memref_slice %arg10[%dma_wait3A_141, %dma_wait3A_142] : memref<10240x128xf32, #tpu.memory_space<vmem_shared>> -> memref<10240x128xf32, #tpu.memory_space<vmem_shared>>
        tpu.wait_indirect_dma semaphore(%run_scoped3A : memref<!tpu.dma_semaphore, #tpu.memory_space<semaphore_mem>>) src(%arg9 : memref<128x128xf32, #tpu.memory_space<vmem>>) dst(%dma_wait3A_143 : memref<10240x128xf32, #tpu.memory_space<vmem_shared>>)
        tpu.yield
      }) : () -> ()
    }
    %scan3A_82 = arith.constant 8 : i32
    %add3A_83 = arith.constant 64 : i32
    %add3A_84 = arith.addi %mul3A_2, %add3A_83 : i32
    "tpu.region"() ({
      %run_scoped3A = tpu.sem_alloc : memref<!tpu.dma_semaphore, #tpu.memory_space<semaphore_mem>>
      %dma_start3A_102 = arith.constant 0 : i32
      %dma_start3A_103 = tpu.memref_slice %arg3[%add3A_84, %dma_start3A_102] : memref<2560x128xi32, #tpu.memory_space<hbm>> -> memref<16x128xi32, #tpu.memory_space<hbm>>
      %dma_start3A_104 = arith.constant 0 : i32
      %dma_start3A_105 = tpu.memref_slice %arg3[%add3A_84, %dma_start3A_104] : memref<2560x128xi32, #tpu.memory_space<hbm>> -> memref<16x128xi32, #tpu.memory_space<hbm>>
      tpu.enqueue_dma source(%dma_start3A_105 : memref<16x128xi32, #tpu.memory_space<hbm>>) target(%arg6 : memref<16x128xi32, #tpu.memory_space<vmem>>) target_semaphore(%run_scoped3A : memref<!tpu.dma_semaphore, #tpu.memory_space<semaphore_mem>>)
      %dma_wait3A = arith.constant 0 : i32
      %dma_wait3A_106 = tpu.memref_slice %arg3[%add3A_84, %dma_wait3A] : memref<2560x128xi32, #tpu.memory_space<hbm>> -> memref<16x128xi32, #tpu.memory_space<hbm>>
      %dma_wait3A_107 = arith.constant 0 : i32
      %dma_wait3A_108 = tpu.memref_slice %arg3[%add3A_84, %dma_wait3A_107] : memref<2560x128xi32, #tpu.memory_space<hbm>> -> memref<16x128xi32, #tpu.memory_space<hbm>>
      tpu.wait_dma2 semaphore(%run_scoped3A : memref<!tpu.dma_semaphore, #tpu.memory_space<semaphore_mem>>) src(%dma_wait3A_108 : memref<16x128xi32, #tpu.memory_space<hbm>>) dst(%arg6 : memref<16x128xi32, #tpu.memory_space<vmem>>)
      tpu.yield
    }) : () -> ()
    "tpu.region"() ({
      %run_scoped3A = tpu.sem_alloc : memref<!tpu.dma_semaphore, #tpu.memory_space<semaphore_mem>>
      %dma_start3A_102 = arith.constant 0 : i32
      %dma_start3A_103 = tpu.memref_slice %arg4[%add3A_84, %dma_start3A_102] : memref<2560x128xi32, #tpu.memory_space<hbm>> -> memref<16x128xi32, #tpu.memory_space<hbm>>
      %dma_start3A_104 = arith.constant 0 : i32
      %dma_start3A_105 = tpu.memref_slice %arg4[%add3A_84, %dma_start3A_104] : memref<2560x128xi32, #tpu.memory_space<hbm>> -> memref<16x128xi32, #tpu.memory_space<hbm>>
      tpu.enqueue_dma source(%dma_start3A_105 : memref<16x128xi32, #tpu.memory_space<hbm>>) target(%arg7 : memref<16x128xi32, #tpu.memory_space<vmem>>) target_semaphore(%run_scoped3A : memref<!tpu.dma_semaphore, #tpu.memory_space<semaphore_mem>>)
      %dma_wait3A = arith.constant 0 : i32
      %dma_wait3A_106 = tpu.memref_slice %arg4[%add3A_84, %dma_wait3A] : memref<2560x128xi32, #tpu.memory_space<hbm>> -> memref<16x128xi32, #tpu.memory_space<hbm>>
      %dma_wait3A_107 = arith.constant 0 : i32
      %dma_wait3A_108 = tpu.memref_slice %arg4[%add3A_84, %dma_wait3A_107] : memref<2560x128xi32, #tpu.memory_space<hbm>> -> memref<16x128xi32, #tpu.memory_space<hbm>>
      tpu.wait_dma2 semaphore(%run_scoped3A : memref<!tpu.dma_semaphore, #tpu.memory_space<semaphore_mem>>) src(%dma_wait3A_108 : memref<16x128xi32, #tpu.memory_space<hbm>>) dst(%arg7 : memref<16x128xi32, #tpu.memory_space<vmem>>)
      tpu.yield
    }) : () -> ()
    %dma_start3A_85 = arith.constant 0 : i32
    %dma_start3A_86 = arith.constant 0 : i32
    %dma_start3A_87 = tpu.memref_slice %arg6[%dma_start3A_85, %dma_start3A_86] : memref<16x128xi32, #tpu.memory_space<vmem>> -> memref<1x128xi32, #tpu.memory_space<vmem>>
    %dma_start3A_88 = tpu.memref_squeeze %dma_start3A_87 : memref<1x128xi32, #tpu.memory_space<vmem>> -> memref<128xi32, #tpu.memory_space<vmem>>
    %dma_start3A_89 = arith.constant 0 : i32
    %dma_start3A_90 = arith.constant 0 : i32
    %dma_start3A_91 = tpu.memref_slice %arg2[%dma_start3A_89, %dma_start3A_90] : memref<10000x128xf32, #tpu.memory_space<hbm>> -> memref<10000x128xf32, #tpu.memory_space<hbm>>
    tpu.enqueue_indirect_dma source(%dma_start3A_91 : memref<10000x128xf32, #tpu.memory_space<hbm>>) target(%arg8 : memref<128x128xf32, #tpu.memory_space<vmem>>) offsets(%dma_start3A_88 : memref<128xi32, #tpu.memory_space<vmem>>) semaphore(%arg11 : memref<!tpu.dma_semaphore, #tpu.memory_space<semaphore_mem>>)
    %scan3A_92 = arith.constant 0 : i32
    %scan3A_93 = arith.constant 8 : i32
    %scan3A_94 = arith.addi %scan3A_92, %scan3A_93 : i32
    %scan3A_95 = arith.constant 1 : i32
    scf.for %scan3A_102 = %scan3A_92 to %scan3A_94 step %scan3A_95  : i32 {
      %mul3A_103 = arith.constant 2 : i32
      %mul3A_104 = arith.muli %scan3A_102, %mul3A_103 : i32
      %add3A_105 = arith.constant 0 : i32
      %add3A_106 = arith.addi %add3A_105, %mul3A_104 : i32
      %add3A_107 = arith.constant 1 : i32
      %add3A_108 = arith.addi %add3A_106, %add3A_107 : i32
      %dma_start3A_109 = arith.constant 0 : i32
      %dma_start3A_110 = tpu.memref_slice %arg6[%add3A_108, %dma_start3A_109] : memref<16x128xi32, #tpu.memory_space<vmem>> -> memref<1x128xi32, #tpu.memory_space<vmem>>
      %dma_start3A_111 = tpu.memref_squeeze %dma_start3A_110 : memref<1x128xi32, #tpu.memory_space<vmem>> -> memref<128xi32, #tpu.memory_space<vmem>>
      %dma_start3A_112 = arith.constant 0 : i32
      %dma_start3A_113 = arith.constant 0 : i32
      %dma_start3A_114 = tpu.memref_slice %arg2[%dma_start3A_112, %dma_start3A_113] : memref<10000x128xf32, #tpu.memory_space<hbm>> -> memref<10000x128xf32, #tpu.memory_space<hbm>>
      tpu.enqueue_indirect_dma source(%dma_start3A_114 : memref<10000x128xf32, #tpu.memory_space<hbm>>) target(%arg9 : memref<128x128xf32, #tpu.memory_space<vmem>>) offsets(%dma_start3A_111 : memref<128xi32, #tpu.memory_space<vmem>>) semaphore(%arg12 : memref<!tpu.dma_semaphore, #tpu.memory_space<semaphore_mem>>)
      %dma_wait3A = arith.constant 0 : i32
      %dma_wait3A_115 = arith.constant 0 : i32
      %dma_wait3A_116 = tpu.memref_slice %arg2[%dma_wait3A, %dma_wait3A_115] : memref<10000x128xf32, #tpu.memory_space<hbm>> -> memref<128x128xf32, #tpu.memory_space<hbm>>
      %dma_wait3A_117 = arith.constant 0 : i32
      %dma_wait3A_118 = arith.constant 0 : i32
      %dma_wait3A_119 = tpu.memref_slice %arg2[%dma_wait3A_117, %dma_wait3A_118] : memref<10000x128xf32, #tpu.memory_space<hbm>> -> memref<128x128xf32, #tpu.memory_space<hbm>>
      tpu.wait_dma2 semaphore(%arg11 : memref<!tpu.dma_semaphore, #tpu.memory_space<semaphore_mem>>) src(%dma_wait3A_119 : memref<128x128xf32, #tpu.memory_space<hbm>>) dst(%arg8 : memref<128x128xf32, #tpu.memory_space<vmem>>)
      "tpu.region"() ({
        %run_scoped3A = tpu.sem_alloc : memref<!tpu.dma_semaphore, #tpu.memory_space<semaphore_mem>>
        %dma_start3A_132 = arith.constant 0 : i32
        %dma_start3A_133 = tpu.memref_slice %arg7[%add3A_106, %dma_start3A_132] : memref<16x128xi32, #tpu.memory_space<vmem>> -> memref<1x128xi32, #tpu.memory_space<vmem>>
        %dma_start3A_134 = tpu.memref_squeeze %dma_start3A_133 : memref<1x128xi32, #tpu.memory_space<vmem>> -> memref<128xi32, #tpu.memory_space<vmem>>
        %dma_start3A_135 = arith.constant 0 : i32
        %dma_start3A_136 = arith.constant 0 : i32
        %dma_start3A_137 = tpu.memref_slice %arg10[%dma_start3A_135, %dma_start3A_136] : memref<10240x128xf32, #tpu.memory_space<vmem_shared>> -> memref<10240x128xf32, #tpu.memory_space<vmem_shared>>
        tpu.enqueue_indirect_dma source(%arg8 : memref<128x128xf32, #tpu.memory_space<vmem>>) target(%dma_start3A_137 : memref<10240x128xf32, #tpu.memory_space<vmem_shared>>) offsets(%dma_start3A_134 : memref<128xi32, #tpu.memory_space<vmem>>) semaphore(%run_scoped3A : memref<!tpu.dma_semaphore, #tpu.memory_space<semaphore_mem>>) {add = true}
        %dma_wait3A_138 = arith.constant 0 : i32
        %dma_wait3A_139 = tpu.memref_slice %arg7[%add3A_106, %dma_wait3A_138] : memref<16x128xi32, #tpu.memory_space<vmem>> -> memref<1x128xi32, #tpu.memory_space<vmem>>
        %dma_wait3A_140 = tpu.memref_squeeze %dma_wait3A_139 : memref<1x128xi32, #tpu.memory_space<vmem>> -> memref<128xi32, #tpu.memory_space<vmem>>
        %dma_wait3A_141 = arith.constant 0 : i32
        %dma_wait3A_142 = arith.constant 0 : i32
        %dma_wait3A_143 = tpu.memref_slice %arg10[%dma_wait3A_141, %dma_wait3A_142] : memref<10240x128xf32, #tpu.memory_space<vmem_shared>> -> memref<10240x128xf32, #tpu.memory_space<vmem_shared>>
        tpu.wait_indirect_dma semaphore(%run_scoped3A : memref<!tpu.dma_semaphore, #tpu.memory_space<semaphore_mem>>) src(%arg8 : memref<128x128xf32, #tpu.memory_space<vmem>>) dst(%dma_wait3A_143 : memref<10240x128xf32, #tpu.memory_space<vmem_shared>>)
        tpu.yield
      }) : () -> ()
      %add3A_120 = arith.constant 2 : i32
      %add3A_121 = arith.addi %add3A_106, %add3A_120 : i32
      %lt3A = arith.constant 16 : i32
      %lt3A_122 = arith.cmpi slt, %add3A_121, %lt3A : i32
      %convert_element_type3A = arith.extui %lt3A_122 : i1 to i32
      %cond3A = arith.constant 0 : i32
      %cond3A_123 = arith.cmpi ne, %convert_element_type3A, %cond3A : i32
      scf.if %cond3A_123 {
        %add3A_132 = arith.constant 2 : i32
        %add3A_133 = arith.addi %add3A_106, %add3A_132 : i32
        %dma_start3A_134 = arith.constant 0 : i32
        %dma_start3A_135 = tpu.memref_slice %arg6[%add3A_133, %dma_start3A_134] : memref<16x128xi32, #tpu.memory_space<vmem>> -> memref<1x128xi32, #tpu.memory_space<vmem>>
        %dma_start3A_136 = tpu.memref_squeeze %dma_start3A_135 : memref<1x128xi32, #tpu.memory_space<vmem>> -> memref<128xi32, #tpu.memory_space<vmem>>
        %dma_start3A_137 = arith.constant 0 : i32
        %dma_start3A_138 = arith.constant 0 : i32
        %dma_start3A_139 = tpu.memref_slice %arg2[%dma_start3A_137, %dma_start3A_138] : memref<10000x128xf32, #tpu.memory_space<hbm>> -> memref<10000x128xf32, #tpu.memory_space<hbm>>
        tpu.enqueue_indirect_dma source(%dma_start3A_139 : memref<10000x128xf32, #tpu.memory_space<hbm>>) target(%arg8 : memref<128x128xf32, #tpu.memory_space<vmem>>) offsets(%dma_start3A_136 : memref<128xi32, #tpu.memory_space<vmem>>) semaphore(%arg11 : memref<!tpu.dma_semaphore, #tpu.memory_space<semaphore_mem>>)
      } else {
      }
      %dma_wait3A_124 = arith.constant 0 : i32
      %dma_wait3A_125 = arith.constant 0 : i32
      %dma_wait3A_126 = tpu.memref_slice %arg2[%dma_wait3A_124, %dma_wait3A_125] : memref<10000x128xf32, #tpu.memory_space<hbm>> -> memref<128x128xf32, #tpu.memory_space<hbm>>
      %dma_wait3A_127 = arith.constant 0 : i32
      %dma_wait3A_128 = arith.constant 0 : i32
      %dma_wait3A_129 = tpu.memref_slice %arg2[%dma_wait3A_127, %dma_wait3A_128] : memref<10000x128xf32, #tpu.memory_space<hbm>> -> memref<128x128xf32, #tpu.memory_space<hbm>>
      tpu.wait_dma2 semaphore(%arg12 : memref<!tpu.dma_semaphore, #tpu.memory_space<semaphore_mem>>) src(%dma_wait3A_129 : memref<128x128xf32, #tpu.memory_space<hbm>>) dst(%arg9 : memref<128x128xf32, #tpu.memory_space<vmem>>)
      %add3A_130 = arith.constant 1 : i32
      %add3A_131 = arith.addi %add3A_106, %add3A_130 : i32
      "tpu.region"() ({
        %run_scoped3A = tpu.sem_alloc : memref<!tpu.dma_semaphore, #tpu.memory_space<semaphore_mem>>
        %dma_start3A_132 = arith.constant 0 : i32
        %dma_start3A_133 = tpu.memref_slice %arg7[%add3A_131, %dma_start3A_132] : memref<16x128xi32, #tpu.memory_space<vmem>> -> memref<1x128xi32, #tpu.memory_space<vmem>>
        %dma_start3A_134 = tpu.memref_squeeze %dma_start3A_133 : memref<1x128xi32, #tpu.memory_space<vmem>> -> memref<128xi32, #tpu.memory_space<vmem>>
        %dma_start3A_135 = arith.constant 0 : i32
        %dma_start3A_136 = arith.constant 0 : i32
        %dma_start3A_137 = tpu.memref_slice %arg10[%dma_start3A_135, %dma_start3A_136] : memref<10240x128xf32, #tpu.memory_space<vmem_shared>> -> memref<10240x128xf32, #tpu.memory_space<vmem_shared>>
        tpu.enqueue_indirect_dma source(%arg9 : memref<128x128xf32, #tpu.memory_space<vmem>>) target(%dma_start3A_137 : memref<10240x128xf32, #tpu.memory_space<vmem_shared>>) offsets(%dma_start3A_134 : memref<128xi32, #tpu.memory_space<vmem>>) semaphore(%run_scoped3A : memref<!tpu.dma_semaphore, #tpu.memory_space<semaphore_mem>>) {add = true}
        %dma_wait3A_138 = arith.constant 0 : i32
        %dma_wait3A_139 = tpu.memref_slice %arg7[%add3A_131, %dma_wait3A_138] : memref<16x128xi32, #tpu.memory_space<vmem>> -> memref<1x128xi32, #tpu.memory_space<vmem>>
        %dma_wait3A_140 = tpu.memref_squeeze %dma_wait3A_139 : memref<1x128xi32, #tpu.memory_space<vmem>> -> memref<128xi32, #tpu.memory_space<vmem>>
        %dma_wait3A_141 = arith.constant 0 : i32
        %dma_wait3A_142 = arith.constant 0 : i32
        %dma_wait3A_143 = tpu.memref_slice %arg10[%dma_wait3A_141, %dma_wait3A_142] : memref<10240x128xf32, #tpu.memory_space<vmem_shared>> -> memref<10240x128xf32, #tpu.memory_space<vmem_shared>>
        tpu.wait_indirect_dma semaphore(%run_scoped3A : memref<!tpu.dma_semaphore, #tpu.memory_space<semaphore_mem>>) src(%arg9 : memref<128x128xf32, #tpu.memory_space<vmem>>) dst(%dma_wait3A_143 : memref<10240x128xf32, #tpu.memory_space<vmem_shared>>)
        tpu.yield
      }) : () -> ()
    }
    %scan3A_96 = arith.constant 8 : i32
    "tpu.trace_stop"() : () -> ()
    "tpu.trace_start"() <{level = 10 : i32, message = "agg_wout"}> : () -> ()
    %barrier3A_97 = arith.constant 0 : index
    tpu.barrier barrier_id(%barrier3A_97)
    %mul3A_98 = arith.constant 640 : i32
    %mul3A_99 = arith.muli %arg1, %mul3A_98 : i32
    %mul3A_100 = arith.constant 640 : i32
    %mul3A_101 = arith.muli %arg1, %mul3A_100 : i32
    "tpu.region"() ({
      %run_scoped3A = tpu.sem_alloc : memref<!tpu.dma_semaphore, #tpu.memory_space<semaphore_mem>>
      %dma_start3A_102 = arith.constant 0 : i32
      %dma_start3A_103 = tpu.memref_slice %arg5[%arg0, %mul3A_101, %dma_start3A_102] : memref<2x10240x128xf32, #tpu.memory_space<hbm>> -> memref<1x640x128xf32, #tpu.memory_space<hbm>>
      %dma_start3A_104 = tpu.memref_squeeze %dma_start3A_103 : memref<1x640x128xf32, #tpu.memory_space<hbm>> -> memref<640x128xf32, #tpu.memory_space<hbm>>
      %dma_start3A_105 = arith.constant 0 : i32
      %dma_start3A_106 = tpu.memref_slice %arg10[%mul3A_99, %dma_start3A_105] : memref<10240x128xf32, #tpu.memory_space<vmem_shared>> -> memref<640x128xf32, #tpu.memory_space<vmem_shared>>
      tpu.enqueue_dma source(%dma_start3A_106 : memref<640x128xf32, #tpu.memory_space<vmem_shared>>) target(%dma_start3A_104 : memref<640x128xf32, #tpu.memory_space<hbm>>) target_semaphore(%run_scoped3A : memref<!tpu.dma_semaphore, #tpu.memory_space<semaphore_mem>>)
      %dma_wait3A = arith.constant 0 : i32
      %dma_wait3A_107 = tpu.memref_slice %arg5[%arg0, %mul3A_101, %dma_wait3A] : memref<2x10240x128xf32, #tpu.memory_space<hbm>> -> memref<1x640x128xf32, #tpu.memory_space<hbm>>
      %dma_wait3A_108 = tpu.memref_squeeze %dma_wait3A_107 : memref<1x640x128xf32, #tpu.memory_space<hbm>> -> memref<640x128xf32, #tpu.memory_space<hbm>>
      %dma_wait3A_109 = arith.constant 0 : i32
      %dma_wait3A_110 = tpu.memref_slice %arg10[%mul3A_99, %dma_wait3A_109] : memref<10240x128xf32, #tpu.memory_space<vmem_shared>> -> memref<640x128xf32, #tpu.memory_space<vmem_shared>>
      tpu.wait_dma2 semaphore(%run_scoped3A : memref<!tpu.dma_semaphore, #tpu.memory_space<semaphore_mem>>) src(%dma_wait3A_110 : memref<640x128xf32, #tpu.memory_space<vmem_shared>>) dst(%dma_wait3A_108 : memref<640x128xf32, #tpu.memory_space<hbm>>)
      tpu.yield
    }) : () -> ()
    "tpu.trace_stop"() : () -> ()
    return
  }
}

module attributes {stable_mosaic.version = 14 : i64} {
  func.func @_mlp_body(%arg0: i32, %arg1: memref<1000x128xf32, #tpu.memory_space<vmem>>, %arg2: memref<1000x128xf32, #tpu.memory_space<vmem>>, %arg3: memref<1000x128xf32, #tpu.memory_space<vmem>>, %arg4: memref<128x128xf32, #tpu.memory_space<vmem>>, %arg5: memref<1x128xf32, #tpu.memory_space<vmem>>, %arg6: memref<128x128xf32, #tpu.memory_space<vmem>>, %arg7: memref<1x128xf32, #tpu.memory_space<vmem>>, %arg8: memref<1000x128xf32, #tpu.memory_space<vmem>>) attributes {dimension_semantics = [#tpu.dimension_semantics<arbitrary>], iteration_bounds = array<i64: 10>, scalar_prefetch = 0 : i64, scratch_operands = 0 : i64, tpu.core_type = #tpu.core_type<tc>, window_params = [{transform_indices = @transform_0, window_bounds = array<i64: 1000, 128>}, {transform_indices = @transform_1, window_bounds = array<i64: 1000, 128>}, {transform_indices = @transform_2, window_bounds = array<i64: 1000, 128>}, {pipeline_mode = #tpu.pipeline_mode<synchronous>, transform_indices = @transform_3, window_bounds = array<i64: 128, 128>}, {pipeline_mode = #tpu.pipeline_mode<synchronous>, transform_indices = @transform_4, window_bounds = array<i64: 1, 128>}, {pipeline_mode = #tpu.pipeline_mode<synchronous>, transform_indices = @transform_5, window_bounds = array<i64: 128, 128>}, {pipeline_mode = #tpu.pipeline_mode<synchronous>, transform_indices = @transform_6, window_bounds = array<i64: 1, 128>}, {transform_indices = @transform_7, window_bounds = array<i64: 1000, 128>}]} {
    %get3A = arith.constant 0 : index
    %get3A_0 = arith.constant 0 : index
    %get3A_1 = vector.load %arg1[%get3A, %get3A_0] : memref<1000x128xf32, #tpu.memory_space<vmem>>, vector<1000x128xf32>
    %get3A_2 = arith.constant 0 : index
    %get3A_3 = arith.constant 0 : index
    %get3A_4 = vector.load %arg2[%get3A_2, %get3A_3] : memref<1000x128xf32, #tpu.memory_space<vmem>>, vector<1000x128xf32>
    %add3A = arith.addf %get3A_1, %get3A_4 : vector<1000x128xf32>
    %get3A_5 = arith.constant 0 : index
    %get3A_6 = arith.constant 0 : index
    %get3A_7 = vector.load %arg3[%get3A_5, %get3A_6] : memref<1000x128xf32, #tpu.memory_space<vmem>>, vector<1000x128xf32>
    %add3A_8 = arith.addf %add3A, %get3A_7 : vector<1000x128xf32>
    %get3A_9 = arith.constant 0 : index
    %get3A_10 = arith.constant 0 : index
    %get3A_11 = vector.load %arg4[%get3A_9, %get3A_10] : memref<128x128xf32, #tpu.memory_space<vmem>>, vector<128x128xf32>
    %dot_general3A = arith.constant dense<0.000000e+00> : vector<1000x128xf32>
    %dot_general3A_12 = tpu.matmul %add3A_8, %get3A_11, %dot_general3A {dimension_numbers = #tpu.dot_dimension_numbers<[1], [0], [0], [1], [0, 0, 1, 1], [], []>, transpose_lhs_hint = false} : vector<1000x128xf32>, vector<128x128xf32>, vector<1000x128xf32> -> vector<1000x128xf32>
    %get3A_13 = arith.constant 0 : index
    %get3A_14 = arith.constant 0 : index
    %get3A_15 = vector.load %arg5[%get3A_13, %get3A_14] : memref<1x128xf32, #tpu.memory_space<vmem>>, vector<1x128xf32>
    %add3A_16 = vector.broadcast %get3A_15 : vector<1x128xf32> to vector<1000x128xf32>
    %add3A_17 = arith.addf %dot_general3A_12, %add3A_16 : vector<1000x128xf32>
    %get3A_18 = arith.constant 0 : index
    %get3A_19 = arith.constant 0 : index
    %get3A_20 = vector.load %arg6[%get3A_18, %get3A_19] : memref<128x128xf32, #tpu.memory_space<vmem>>, vector<128x128xf32>
    %dot_general3A_21 = arith.constant dense<0.000000e+00> : vector<1000x128xf32>
    %dot_general3A_22 = tpu.matmul %add3A_17, %get3A_20, %dot_general3A_21 {dimension_numbers = #tpu.dot_dimension_numbers<[1], [0], [0], [1], [0, 0, 1, 1], [], []>, transpose_lhs_hint = false} : vector<1000x128xf32>, vector<128x128xf32>, vector<1000x128xf32> -> vector<1000x128xf32>
    %get3A_23 = arith.constant 0 : index
    %get3A_24 = arith.constant 0 : index
    %get3A_25 = vector.load %arg7[%get3A_23, %get3A_24] : memref<1x128xf32, #tpu.memory_space<vmem>>, vector<1x128xf32>
    %add3A_26 = vector.broadcast %get3A_25 : vector<1x128xf32> to vector<1000x128xf32>
    %add3A_27 = arith.addf %dot_general3A_22, %add3A_26 : vector<1000x128xf32>
    %swap3A = arith.constant 0 : index
    %swap3A_28 = arith.constant 0 : index
    %swap3A_29 = vector.load %arg8[%swap3A, %swap3A_28] : memref<1000x128xf32, #tpu.memory_space<vmem>>, vector<1000x128xf32>
    tpu.vector_store %arg8[%swap3A, %swap3A_28], %add3A_27 {strides = array<i32>} : memref<1000x128xf32, #tpu.memory_space<vmem>>, vector<1000x128xf32>,
    return
  }
  func.func @transform_0(%arg0: i32) -> (i32, i32) {
    %c0_i32 = arith.constant 0 : i32
    %c0_i32_0 = arith.constant 0 : i32
    return %arg0, %c0_i32 : i32, i32
  }
  func.func @transform_1(%arg0: i32) -> (i32, i32) {
    %c0_i32 = arith.constant 0 : i32
    %c0_i32_0 = arith.constant 0 : i32
    return %arg0, %c0_i32 : i32, i32
  }
  func.func @transform_2(%arg0: i32) -> (i32, i32) {
    %c0_i32 = arith.constant 0 : i32
    %c0_i32_0 = arith.constant 0 : i32
    return %arg0, %c0_i32 : i32, i32
  }
  func.func @transform_3(%arg0: i32) -> (i32, i32) {
    %c0_i32 = arith.constant 0 : i32
    %c0_i32_0 = arith.constant 0 : i32
    %c0_i32_1 = arith.constant 0 : i32
    return %c0_i32, %c0_i32_0 : i32, i32
  }
  func.func @transform_4(%arg0: i32) -> (i32, i32) {
    %c0_i32 = arith.constant 0 : i32
    %c0_i32_0 = arith.constant 0 : i32
    %c0_i32_1 = arith.constant 0 : i32
    return %c0_i32, %c0_i32_0 : i32, i32
  }
  func.func @transform_5(%arg0: i32) -> (i32, i32) {
    %c0_i32 = arith.constant 0 : i32
    %c0_i32_0 = arith.constant 0 : i32
    %c0_i32_1 = arith.constant 0 : i32
    return %c0_i32, %c0_i32_0 : i32, i32
  }
  func.func @transform_6(%arg0: i32) -> (i32, i32) {
    %c0_i32 = arith.constant 0 : i32
    %c0_i32_0 = arith.constant 0 : i32
    %c0_i32_1 = arith.constant 0 : i32
    return %c0_i32, %c0_i32_0 : i32, i32
  }
  func.func @transform_7(%arg0: i32) -> (i32, i32) {
    %c0_i32 = arith.constant 0 : i32
    %c0_i32_0 = arith.constant 0 : i32
    return %arg0, %c0_i32 : i32, i32
  }
}

module attributes {stable_mosaic.version = 14 : i64} {
  func.func @_mlp_head_body(%arg0: i32, %arg1: memref<1000x128xf32, #tpu.memory_space<vmem>>, %arg2: memref<1000x128xf32, #tpu.memory_space<vmem>>, %arg3: memref<1000x128xf32, #tpu.memory_space<vmem>>, %arg4: memref<128x128xf32, #tpu.memory_space<vmem>>, %arg5: memref<1x128xf32, #tpu.memory_space<vmem>>, %arg6: memref<128x128xf32, #tpu.memory_space<vmem>>, %arg7: memref<1x128xf32, #tpu.memory_space<vmem>>, %arg8: memref<128x128xf32, #tpu.memory_space<vmem>>, %arg9: memref<1x128xf32, #tpu.memory_space<vmem>>, %arg10: memref<128x1xf32, #tpu.memory_space<vmem>>, %arg11: memref<1x1xf32, #tpu.memory_space<vmem>>, %arg12: memref<1000x1xf32, #tpu.memory_space<vmem>>) attributes {dimension_semantics = [#tpu.dimension_semantics<arbitrary>], iteration_bounds = array<i64: 10>, scalar_prefetch = 0 : i64, scratch_operands = 0 : i64, tpu.core_type = #tpu.core_type<tc>, window_params = [{transform_indices = @transform_0, window_bounds = array<i64: 1000, 128>}, {transform_indices = @transform_1, window_bounds = array<i64: 1000, 128>}, {transform_indices = @transform_2, window_bounds = array<i64: 1000, 128>}, {pipeline_mode = #tpu.pipeline_mode<synchronous>, transform_indices = @transform_3, window_bounds = array<i64: 128, 128>}, {pipeline_mode = #tpu.pipeline_mode<synchronous>, transform_indices = @transform_4, window_bounds = array<i64: 1, 128>}, {pipeline_mode = #tpu.pipeline_mode<synchronous>, transform_indices = @transform_5, window_bounds = array<i64: 128, 128>}, {pipeline_mode = #tpu.pipeline_mode<synchronous>, transform_indices = @transform_6, window_bounds = array<i64: 1, 128>}, {pipeline_mode = #tpu.pipeline_mode<synchronous>, transform_indices = @transform_7, window_bounds = array<i64: 128, 128>}, {pipeline_mode = #tpu.pipeline_mode<synchronous>, transform_indices = @transform_8, window_bounds = array<i64: 1, 128>}, {pipeline_mode = #tpu.pipeline_mode<synchronous>, transform_indices = @transform_9, window_bounds = array<i64: 128, 1>}, {pipeline_mode = #tpu.pipeline_mode<synchronous>, transform_indices = @transform_10, window_bounds = array<i64: 1, 1>}, {transform_indices = @transform_11, window_bounds = array<i64: 1000, 1>}]} {
    %get3A = arith.constant 0 : index
    %get3A_0 = arith.constant 0 : index
    %get3A_1 = vector.load %arg1[%get3A, %get3A_0] : memref<1000x128xf32, #tpu.memory_space<vmem>>, vector<1000x128xf32>
    %get3A_2 = arith.constant 0 : index
    %get3A_3 = arith.constant 0 : index
    %get3A_4 = vector.load %arg2[%get3A_2, %get3A_3] : memref<1000x128xf32, #tpu.memory_space<vmem>>, vector<1000x128xf32>
    %add3A = arith.addf %get3A_1, %get3A_4 : vector<1000x128xf32>
    %get3A_5 = arith.constant 0 : index
    %get3A_6 = arith.constant 0 : index
    %get3A_7 = vector.load %arg3[%get3A_5, %get3A_6] : memref<1000x128xf32, #tpu.memory_space<vmem>>, vector<1000x128xf32>
    %add3A_8 = arith.addf %add3A, %get3A_7 : vector<1000x128xf32>
    %get3A_9 = arith.constant 0 : index
    %get3A_10 = arith.constant 0 : index
    %get3A_11 = vector.load %arg4[%get3A_9, %get3A_10] : memref<128x128xf32, #tpu.memory_space<vmem>>, vector<128x128xf32>
    %dot_general3A = arith.constant dense<0.000000e+00> : vector<1000x128xf32>
    %dot_general3A_12 = tpu.matmul %add3A_8, %get3A_11, %dot_general3A {dimension_numbers = #tpu.dot_dimension_numbers<[1], [0], [0], [1], [0, 0, 1, 1], [], []>, transpose_lhs_hint = false} : vector<1000x128xf32>, vector<128x128xf32>, vector<1000x128xf32> -> vector<1000x128xf32>
    %get3A_13 = arith.constant 0 : index
    %get3A_14 = arith.constant 0 : index
    %get3A_15 = vector.load %arg5[%get3A_13, %get3A_14] : memref<1x128xf32, #tpu.memory_space<vmem>>, vector<1x128xf32>
    %add3A_16 = vector.broadcast %get3A_15 : vector<1x128xf32> to vector<1000x128xf32>
    %add3A_17 = arith.addf %dot_general3A_12, %add3A_16 : vector<1000x128xf32>
    %get3A_18 = arith.constant 0 : index
    %get3A_19 = arith.constant 0 : index
    %get3A_20 = vector.load %arg6[%get3A_18, %get3A_19] : memref<128x128xf32, #tpu.memory_space<vmem>>, vector<128x128xf32>
    %dot_general3A_21 = arith.constant dense<0.000000e+00> : vector<1000x128xf32>
    %dot_general3A_22 = tpu.matmul %add3A_17, %get3A_20, %dot_general3A_21 {dimension_numbers = #tpu.dot_dimension_numbers<[1], [0], [0], [1], [0, 0, 1, 1], [], []>, transpose_lhs_hint = false} : vector<1000x128xf32>, vector<128x128xf32>, vector<1000x128xf32> -> vector<1000x128xf32>
    %get3A_23 = arith.constant 0 : index
    %get3A_24 = arith.constant 0 : index
    %get3A_25 = vector.load %arg7[%get3A_23, %get3A_24] : memref<1x128xf32, #tpu.memory_space<vmem>>, vector<1x128xf32>
    %add3A_26 = vector.broadcast %get3A_25 : vector<1x128xf32> to vector<1000x128xf32>
    %add3A_27 = arith.addf %dot_general3A_22, %add3A_26 : vector<1000x128xf32>
    %get3A_28 = arith.constant 0 : index
    %get3A_29 = arith.constant 0 : index
    %get3A_30 = vector.load %arg8[%get3A_28, %get3A_29] : memref<128x128xf32, #tpu.memory_space<vmem>>, vector<128x128xf32>
    %dot_general3A_31 = arith.constant dense<0.000000e+00> : vector<1000x128xf32>
    %dot_general3A_32 = tpu.matmul %add3A_27, %get3A_30, %dot_general3A_31 {dimension_numbers = #tpu.dot_dimension_numbers<[1], [0], [0], [1], [0, 0, 1, 1], [], []>, transpose_lhs_hint = false} : vector<1000x128xf32>, vector<128x128xf32>, vector<1000x128xf32> -> vector<1000x128xf32>
    %get3A_33 = arith.constant 0 : index
    %get3A_34 = arith.constant 0 : index
    %get3A_35 = vector.load %arg9[%get3A_33, %get3A_34] : memref<1x128xf32, #tpu.memory_space<vmem>>, vector<1x128xf32>
    %add3A_36 = vector.broadcast %get3A_35 : vector<1x128xf32> to vector<1000x128xf32>
    %add3A_37 = arith.addf %dot_general3A_32, %add3A_36 : vector<1000x128xf32>
    %max3A = arith.constant 0.000000e+00 : f32
    %max3A_38 = vector.broadcast %max3A : f32 to vector<1000x128xf32>
    %max3A_39 = arith.maximumf %add3A_37, %max3A_38 : vector<1000x128xf32>
    %get3A_40 = arith.constant 0 : index
    %get3A_41 = arith.constant 0 : index
    %get3A_42 = vector.load %arg10[%get3A_40, %get3A_41] : memref<128x1xf32, #tpu.memory_space<vmem>>, vector<128x1xf32>
    %dot_general3A_43 = arith.constant dense<0.000000e+00> : vector<1000x1xf32>
    %dot_general3A_44 = tpu.matmul %max3A_39, %get3A_42, %dot_general3A_43 {dimension_numbers = #tpu.dot_dimension_numbers<[1], [0], [0], [1], [0, 0, 1, 1], [], []>, transpose_lhs_hint = false} : vector<1000x128xf32>, vector<128x1xf32>, vector<1000x1xf32> -> vector<1000x1xf32>
    %get3A_45 = arith.constant 0 : index
    %get3A_46 = arith.constant 0 : index
    %get3A_47 = vector.load %arg11[%get3A_45, %get3A_46] : memref<1x1xf32, #tpu.memory_space<vmem>>, vector<1x1xf32>
    %add3A_48 = vector.broadcast %get3A_47 : vector<1x1xf32> to vector<1000x1xf32>
    %add3A_49 = arith.addf %dot_general3A_44, %add3A_48 : vector<1000x1xf32>
    %swap3A = arith.constant 0 : index
    %swap3A_50 = arith.constant 0 : index
    %swap3A_51 = vector.load %arg12[%swap3A, %swap3A_50] : memref<1000x1xf32, #tpu.memory_space<vmem>>, vector<1000x1xf32>
    tpu.vector_store %arg12[%swap3A, %swap3A_50], %add3A_49 {strides = array<i32>} : memref<1000x1xf32, #tpu.memory_space<vmem>>, vector<1000x1xf32>,
    return
  }
  func.func @transform_0(%arg0: i32) -> (i32, i32) {
    %c0_i32 = arith.constant 0 : i32
    %c0_i32_0 = arith.constant 0 : i32
    return %arg0, %c0_i32 : i32, i32
  }
  func.func @transform_1(%arg0: i32) -> (i32, i32) {
    %c0_i32 = arith.constant 0 : i32
    %c0_i32_0 = arith.constant 0 : i32
    return %arg0, %c0_i32 : i32, i32
  }
  func.func @transform_2(%arg0: i32) -> (i32, i32) {
    %c0_i32 = arith.constant 0 : i32
    %c0_i32_0 = arith.constant 0 : i32
    return %arg0, %c0_i32 : i32, i32
  }
  func.func @transform_3(%arg0: i32) -> (i32, i32) {
    %c0_i32 = arith.constant 0 : i32
    %c0_i32_0 = arith.constant 0 : i32
    %c0_i32_1 = arith.constant 0 : i32
    return %c0_i32, %c0_i32_0 : i32, i32
  }
  func.func @transform_4(%arg0: i32) -> (i32, i32) {
    %c0_i32 = arith.constant 0 : i32
    %c0_i32_0 = arith.constant 0 : i32
    %c0_i32_1 = arith.constant 0 : i32
    return %c0_i32, %c0_i32_0 : i32, i32
  }
  func.func @transform_5(%arg0: i32) -> (i32, i32) {
    %c0_i32 = arith.constant 0 : i32
    %c0_i32_0 = arith.constant 0 : i32
    %c0_i32_1 = arith.constant 0 : i32
    return %c0_i32, %c0_i32_0 : i32, i32
  }
  func.func @transform_6(%arg0: i32) -> (i32, i32) {
    %c0_i32 = arith.constant 0 : i32
    %c0_i32_0 = arith.constant 0 : i32
    %c0_i32_1 = arith.constant 0 : i32
    return %c0_i32, %c0_i32_0 : i32, i32
  }
  func.func @transform_7(%arg0: i32) -> (i32, i32) {
    %c0_i32 = arith.constant 0 : i32
    %c0_i32_0 = arith.constant 0 : i32
    %c0_i32_1 = arith.constant 0 : i32
    return %c0_i32, %c0_i32_0 : i32, i32
  }
  func.func @transform_8(%arg0: i32) -> (i32, i32) {
    %c0_i32 = arith.constant 0 : i32
    %c0_i32_0 = arith.constant 0 : i32
    %c0_i32_1 = arith.constant 0 : i32
    return %c0_i32, %c0_i32_0 : i32, i32
  }
  func.func @transform_9(%arg0: i32) -> (i32, i32) {
    %c0_i32 = arith.constant 0 : i32
    %c0_i32_0 = arith.constant 0 : i32
    %c0_i32_1 = arith.constant 0 : i32
    return %c0_i32, %c0_i32_0 : i32, i32
  }
  func.func @transform_10(%arg0: i32) -> (i32, i32) {
    %c0_i32 = arith.constant 0 : i32
    %c0_i32_0 = arith.constant 0 : i32
    %c0_i32_1 = arith.constant 0 : i32
    return %c0_i32, %c0_i32_0 : i32, i32
  }
  func.func @transform_11(%arg0: i32) -> (i32, i32) {
    %c0_i32 = arith.constant 0 : i32
    %c0_i32_0 = arith.constant 0 : i32
    return %arg0, %c0_i32 : i32, i32
  }
}

</mosaic_0001>

<sc_bundles>
// kernel: kernel.6.cloned.1.call-start
scs
__scs_entry_jumppad:
0x0: {  	(pc) =	sbr.rel $0x88, $3  }
0x1: {  	(tag) =	ssettag $0x0;
	lr =	simm.s32 $0x1  }
0x2: {  	[smem:$0x3F93] =	sst lr;
	_ =	strace $0xD0000000  }
0x3: {  	_ = 	snop  }
0x4: {  	_ = 	snop  }
0x5: {  	_ = 	snop  }
0x6: {  	_ = 	snop  }
0x7: {  	_ = 	snop  }
__scs_overlays_trampoline_lowered:
0x8: {  	[smem:$0x3FA2] =	sst s0  }
0x9: {  	[smem:$0x3FA3] =	sst s1  }
0xa: {  	[smem:$0x3FA4] =	sst s2  }
0xb: {  	[smem:$0x3FA5] =	sst s3  }
0xc: {  	[smem:$0x3FA6] =	sst s4  }
0xd: {  	[smem:$0x3FA7] =	sst s5  }
0xe: {  	[smem:$0x3FA8] =	sst s6  }
0xf: {  	[smem:$0x3FA9] =	sst s7  }
0x10: {  	[smem:$0x3FAA] =	sst s8  }
0x11: {  	[smem:$0x3FAB] =	sst s9;
	s0 =	simm.s32 @!p0 $0x0  }
0x12: {  	s1 =	sld [smem:$0x3F91];
	s0 =	simm.s32 @p0 $0x1  }
0x13: {  	[smem:$0x3FAC] =	sst s0;
	s0 =	simm.s32 @!p1 $0x0  }
0x14: {  	s2 =	sld [smem:$0x3F90];
	s0 =	simm.s32 @p1 $0x1  }
0x15: {  	[smem:$0x3FAD] =	sst s0;
	s0 =	simm.s32 @!p2 $0x0  }
0x16: {  	s3 =	sld [smem:$0x3FDB];
	s0 =	simm.s32 @p2 $0x1  }
0x17: {  	s4 =	simm.s32 $0x1BF5;
	[smem:$0x3FAF] =	sst s0  }
0x18: {  	s0 =	sld [smem:$0x3F92];
	_ =	swait.ge [sflag:s4], $0x0  }
0x19: {  	s7 =	sld [smem:$0x3F93]  }
0x1a: {  	s8 =	sadd.s32 $0xFFFFE003, lr  }
0x1b: {  	s9 =	sadd.s32 $0xFFFFFEF7, lr;
	s5 =	simm.s32 $0xFFFFFFFF;
	p2 =	slt.u32 s8, $0xFFFFF086  }
0x1c: {  	p1 =	slt.u32 s9, $0xF7A;
	s5 =	simm.s32 @!p2 $0x0  }
0x1d: {  	s5 =	simm.s32 @p1 $0x1;
	p0 =	seq.s32 s7, s2  }
0x1e: {  	s7 =	smul.u32 @!p0 $0xF7A, s2;
	p2 =	seq.s32 @!p0 s5, $0x0  }
0x1f: {  	s9 =	smul.u32 $0xF7A, s1;
	s8 =	simm.s32 @!p0 $0x1BF5;
	p2 =	por !p2, p0  }
0x20: {  	[sflag:s8] =	ssyncset.s32 @!p0 $0xFFFFF086;
	s6 =	sadd.s32 @!p0 s3, s7;
	s7 =	simm.s32 @!p0 $0x108  }
0x21: {  	s3 =	sadd.s32 s3, s9;
	s6 =	sadd.s32 @!p0 $0x88, s6;
	s7 =	simm.s32 @p2 $0x1082  }
0x22: {  	[simem:s7], [sflag:s8] =	dma.local @!p0 [hbm:s6], $0xF7A  }
0x23: {  	s9 =	sor.u32 $0xD0000000, s2;
	s6 =	simm.s32 $0x108;
	_ =	swait.ge @!p0 [sflag:s8], $0x0  }
0x24: {  	s3 =	sadd.s32 $0x88, s3;
	s6 =	simm.s32 @!p1 $0x1082;
	[sflag:s4] =	ssyncset.s32 $0xFFFFF086  }
0x25: {  	[simem:s6], [sflag:s4] =	dma.local [hbm:s3], $0xF7A  }
0x26: {  	[smem:$0x3F93] =	sst s1;
	(tag) =	ssettag s2;
	_ =	strace s9  }
0x27: {  	s1 =	sld [smem:$0x3FA3]  }
0x28: {  	s2 =	sld [smem:$0x3FA4]  }
0x29: {  	s4 =	sld [smem:$0x3FA6]  }
0x2a: {  	p0 =	seq.s32 s5, $0x0;
	s5 =	sld [smem:$0x3FA7]  }
0x2b: {  	s6 =	sld [smem:$0x3FA8]  }
0x2c: {  	s7 =	sld [smem:$0x3FA9]  }
0x2d: {  	s3 =	simm.s32 $0x108;
	s8 =	sld [smem:$0x3FAA]  }
0x2e: {  	s3 =	simm.s32 @!p0 $0x1082;
	s9 =	sld [smem:$0x3FAB]  }
0x2f: {  	lr =	sadd.s32 s0, s3;
	s0 =	sld [smem:$0x3FA2]  }
0x30: {  	s3 =	sld [smem:$0x3FA5]  }
0x31: {  	[smem:$0x3FAE] =	sst s10  }
0x32: {  	s10 =	sld [smem:$0x3FAC];
	_ =	sdelay $0x3  }
0x33: {  	p0 =	seq.s32 s10, $0x1;
	s10 =	sld [smem:$0x3FAE];
	_ =	sdelay $0x3  }
0x34: {  	[smem:$0x3FAE] =	sst s10  }
0x35: {  	s10 =	sld [smem:$0x3FAD];
	_ =	sdelay $0x3  }
0x36: {  	p1 =	seq.s32 s10, $0x1;
	s10 =	sld [smem:$0x3FAE];
	_ =	sdelay $0x3  }
0x37: {  	[smem:$0x3FAE] =	sst s10  }
0x38: {  	s10 =	sld [smem:$0x3FAF]  }
0x39: {  	_ = 	snop;
	(pc) =	sbr.ind lr, $3  }
0x3a: {  	_ = 	snop  }
0x3b: {  	_ = 	snop  }
0x3c: {  	p2 =	seq.s32 s10, $0x1;
	s10 =	sld [smem:$0x3FAE]  }
0x3d: {  	_ =	shalt  }
0x3e: {  	_ =	shalt  }
0x3f: {  	_ =	shalt  }
0x40: {  	_ =	shalt  }
0x41: {  	_ =	shalt  }
0x42: {  	_ =	shalt  }
0x43: {  	_ =	shalt  }
0x44: {  	_ =	shalt  }
0x45: {  	_ =	shalt  }
0x46: {  	_ =	shalt  }
0x47: {  	_ =	shalt  }
0x48: {  	_ =	shalt  }
0x49: {  	_ =	shalt  }
0x4a: {  	_ =	shalt  }
0x4b: {  	_ =	shalt  }
0x4c: {  	_ =	shalt  }
0x4d: {  	_ =	shalt  }
0x4e: {  	_ =	shalt  }
0x4f: {  	_ =	shalt  }
0x50: {  	_ =	shalt  }
0x51: {  	_ =	shalt  }
0x52: {  	_ =	shalt  }
0x53: {  	_ =	shalt  }
0x54: {  	_ =	shalt  }
0x55: {  	_ =	shalt  }
0x56: {  	_ =	shalt  }
0x57: {  	_ =	shalt  }
0x58: {  	_ =	shalt  }
0x59: {  	_ =	shalt  }
0x5a: {  	_ =	shalt  }
0x5b: {  	_ =	shalt  }
0x5c: {  	_ =	shalt  }
0x5d: {  	_ =	shalt  }
0x5e: {  	_ =	shalt  }
0x5f: {  	_ =	shalt  }
0x60: {  	_ =	shalt  }
0x61: {  	_ =	shalt  }
0x62: {  	_ =	shalt  }
0x63: {  	_ =	shalt  }
0x64: {  	_ =	shalt  }
0x65: {  	_ =	shalt  }
0x66: {  	_ =	shalt  }
0x67: {  	_ =	shalt  }
0x68: {  	_ =	shalt  }
0x69: {  	_ =	shalt  }
0x6a: {  	_ =	shalt  }
0x6b: {  	_ =	shalt  }
0x6c: {  	_ =	shalt  }
0x6d: {  	_ =	shalt  }
0x6e: {  	_ =	shalt  }
0x6f: {  	_ =	shalt  }
0x70: {  	_ =	shalt  }
0x71: {  	_ =	shalt  }
0x72: {  	_ =	shalt  }
0x73: {  	_ =	shalt  }
0x74: {  	_ =	shalt  }
0x75: {  	_ =	shalt  }
0x76: {  	_ =	shalt  }
0x77: {  	_ =	shalt  }
0x78: {  	_ =	shalt  }
0x79: {  	_ =	shalt  }
0x7a: {  	_ =	shalt  }
0x7b: {  	_ =	shalt  }
0x7c: {  	_ =	shalt  }
0x7d: {  	_ =	shalt  }
0x7e: {  	_ =	shalt  }
0x7f: {  	_ =	shalt  }
0x80: {  	_ =	shalt  }
0x81: {  	_ =	shalt  }
0x82: {  	_ =	shalt  }
0x83: {  	_ =	shalt  }
0x84: {  	_ =	shalt  }
0x85: {  	_ =	shalt  }
0x86: {  	_ =	shalt  }
0x87: {  	_ =	shalt  }
.Lfunc_end0:
.L_simem_size_0:
called_computation_lowered:
.L_overlay_start_0:
0x88: {  	s2 =	sld [smem:$0x3FD9]  }
0x89: {  	s3 =	sld [smem:$0x3FFE];
	_ =	sdelay $0x1  }
0x8a: {  	s1 =	srdreg.scid  }
0x8b: {  	s0 =	sand.u32 $0x1, s1  }
0x8c: {  	s17 =	sshll.u32 s0, $0xA;
	s2 =	sadd.s32 s3, s2  }
0x8d: {  	s2 =	sadd.s32 s2, s17  }
0x8e: {  	[smem:$0x3FBA] =	sst s2  }
0x8f: {  	_ = 	snop  }
0x90: {  	s2 =	sld [smem:$0x3FC9];
	(tm) =	ssettm $0x1  }
0x91: {  	s18 =	sld [smem:$0x3FFB];
	_ =	sdelay $0x3  }
0x92: {  	_ =	strace s18  }
0x93: {  	s3 =	sld [smem:$0x3FFC];
	_ =	sdelay $0x3  }
0x94: {  	_ =	strace s3  }
0x95: {  	s3 =	sld [smem:$0x3FFD];
	_ =	sdelay $0x3  }
0x96: {  	_ =	strace s3  }
0x97: {  	_ =	strace $0x8FFFFFFF  }
0x98: {  	s19 =	sld [smem:$0x3FDB];
	_ =	sdelay $0x1  }
0x99: {  	s4 =	simm.s32 $_scs_section_size  }
0x9a: {  	s5 =	simm.s32 $_size__tile_overlayer_lowered;
	s6 =	simm.s32 $_tile_overlayer_lowered  }
0x9b: {  	s22 =	simm.s32 $0x1BFF;
	s21 =	sshll.u32 s6, $0x1;
	s3 =	sadd.s32 s4, s19  }
0x9c: {  	s7 =	simm.s32 $0x0;
	s20 =	sshll.u32 s5, $0x1;
	s5 =	sadd.s32 s21, s3  }
0x9d: {  	[timem:s7], [sflag:s22] =	dma.local [hbm:s5], s20  }
0x9e: {  	_ =	swait.ge [sflag:s22], s20  }
0x9f: {  	s4 =	ssub.s32 $0x0, s20;
	[sflag:s22] =	ssyncset.done $0x0  }
0xa0: {  	[sflag:s22] =	ssyncadd.s32 s4;
	_ =	sdelay $0x1  }
0xa1: {  	s23 =	simm.s32 $0x1B8B  }
0xa2: {  	_ =	swait.ge [sflag:s23], $0x1  }
0xa3: {  	[sflag:s23] =	ssyncset.done $0x0  }
0xa4: {  	s25 =	simm.s32 $0x1B8E;
	s24 =	sld [smem:$0x3FFE];
	[sflag:s23] =	ssyncadd.s32 $0xFFFFFFFF  }
0xa5: {  	s26 =	simm.s32 $execute0_lowered;
	[smem:$0x3FD2] =	sst s25  }
0xa6: {  	s5 =	sshll.u32 s26, $0x1;
	_ =	strace $0x80000046;
	[dreg:$0x1] =	wrdreg $0xFFFFFFFF  }
0xa7: {  	s28 =	simm.s32 $_size_execute0_lowered;
	s3 =	sadd.s32 s3, s5;
	[dreg:$0x0] =	wrdreg $0x0  }
0xa8: {  	s5 =	sshll.u32 s28, $0x1;
	[dreg:$0x2] =	wrdreg s3  }
0xa9: {  	[dreg:$0x3] =	wrdreg s5  }
0xaa: {  	[dreg:$0x4] =	wrdreg $0xC0  }
0xab: {  	_ =	task [dreg:s7], $0x5FFFF  }
0xac: {  	[dreg:$0x1] =	wrdreg $0xFFFFFFFF  }
0xad: {  	[dreg:$0x0] =	wrdreg $0x60  }
0xae: {  	[dreg:$0x2] =	wrdreg s2  }
0xaf: {  	[dreg:$0x3] =	wrdreg s24  }
0xb0: {  	[dreg:$0x4] =	wrdreg $0x90000  }
0xb1: {  	[dreg:$0x5] =	wrdreg $0x9  }
0xb2: {  	_ =	task.clear_ibuf [dreg:s7], $0x6FFFF;
	_ =	strace $0x90000046  }
0xb3: {  	s29 =	simm.s32 $0x9;
	_ =	strace $0x8000004B  }
0xb4: {  	_ =	swait.ge [sflag:s29], $0x1  }
0xb5: {  	[sflag:s29] =	ssyncadd.s32 $0xFFFFFFFF  }
0xb6: {  	_ =	strace $0x9000004B  }
0xb7: {  	_ =	sfence  }
0xb8: {  	s30 =	sld [smem:$0x0];
	_ =	sdelay $0x2  }
0xb9: {  	s31 =	sshll.u32 s1, $0xD;
	s1 =	sshrl.u32 s1, $0x2  }
0xba: {  	s3 =	sand.u32 $0x4000, s31;
	s1 =	sadd.s32 s1, s30  }
0xbb: {  	s0 =	sor.u32 s3, s0;
	s1 =	sshll.u32 s1, $0x11  }
0xbc: {  	s0 =	sor.u32 s1, s0  }
0xbd: {  	s0 =	sadd.s32 $0x8F2B, s0  }
0xbe: {  	[sflag:s0] =	ssyncadd.remote.s32 $0x1  }
0xbf: {  	_ =	sfence.sel $0xFFFF  }
0xc0: {  	[dreg:$0x0] =	wrdreg $0xFFFFFFFF;
	(pc) =	sbr.abs _section_cstart, $3  }
0xc1: {  	[dreg:$0x1] =	wrdreg $0xFFFFFFFF  }
0xc2: {  	_ =	task.clear_ibuf [dreg:s7], $0x2FFFF;
	_ =	strace $0x9FFFFFFF  }
0xc3: {  	(tm) =	ssettm $0x7FFFFFFF  }
tec
execute0_lowered:
.L_overlay_start_1:
0x0: {  	(tag) =	ssettag $0x1  }
0x1: {  	s0 =	rddreg [dreg:$0x0]  }
0x2: {  	s1 =	rddreg [dreg:$0x1];
	s2 =	srdreg.scid  }
0x3: {  	s3 =	rddreg [dreg:$0x2];
	s9 =	stileid.u32;
	s8 =	simm.s32 $0x0  }
0x4: {  	s2 =	sand.u32 $0x1, s2;
	s6 =	smul.u32 $0x14000, s9;
	[smem:$0x7FF] =	sst s8  }
0x5: {  	s11 =	sadd.s32 $0x2E00, s1;
	s7 =	smul.u32 $0x50000, s9;
	s4 =	sadd.s32 $0xCE00, s1  }
0x6: {  	s5 =	smul.u32 $0x140000, s2;
	s12 =	sshll.u32 s2, $0x4;
	s2 =	ssub.s32 $0x2, s2  }
0x7: {  	_ =	strace $0x80000047;
	s7 =	sshrl.u32 s7, $0x2;
	s13 =	sshrl.u32 s2, $0x1  }
0x8: {  	s5 =	sadd.s32 s6, s5;
	s10 =	sadd.s32 s7, s3;
	s2 =	ssub.s32 s2, s13  }
0x9: {  	s5 =	sshrl.u32 s5, $0x3;
	s15 =	sadd.s32 $0x4000, s10;
	[dreg:$0x4] =	wrdreg s10  }
0xa: {  	s16 =	sadd.s32 $0x8000, s10;
	s17 =	sadd.s32 $0xC000, s10;
	[dreg:$0x5] =	wrdreg s15  }
0xb: {  	s1 =	sadd.s32 s5, s1;
	s5 =	sor.u32 s9, s12;
	[dreg:$0x6] =	wrdreg s16  }
0xc: {  	s18 =	sadd.s32 $0x10000, s10;
	[dreg:$0x7] =	wrdreg s17;
	s14 =	smul.u32 $0x2800, s5  }
0xd: {  	s31 =	smax.u32 s2, $0x1;
	[dreg:$0x8] =	wrdreg s18;
	s5 =	smul.u32 $0x500, s5  }
0xe: {  	[dreg:$0x14] =	wrdreg s31;
	s1 =	sadd.s32 $0x16E00, s1  }
0xf: {  	[dreg:$0x13] =	wrdreg s1;
	s7 =	sshrl.u32 s14, $0x3;
	s19 =	sadd.s32 s11, s5  }
0x10: {  	s5 =	sadd.s32 s4, s5;
	[dreg:$0x9] =	wrdreg s19;
	s20 =	sadd.s32 $0x100, s7  }
0x11: {  	s28 =	simm.s32 $0x1;
	[dreg:$0xa] =	wrdreg s5;
	s21 =	sadd.s32 s11, s20  }
0x12: {  	s22 =	sadd.s32 $0x200, s7;
	s9 =	sadd.s32 s4, s20;
	[dreg:$0xb] =	wrdreg s21  }
0x13: {  	s30 =	simm.s32 $0x2;
	s23 =	sadd.s32 s11, s22;
	[dreg:$0xc] =	wrdreg s9  }
0x14: {  	s24 =	sadd.s32 $0x300, s7;
	s5 =	sadd.s32 s4, s22;
	[dreg:$0xd] =	wrdreg s23  }
0x15: {  	s10 =	simm.s32 $0x0;
	s25 =	sadd.s32 s11, s24;
	[dreg:$0xe] =	wrdreg s5  }
0x16: {  	s26 =	sadd.s32 $0x400, s7;
	s29 =	sadd.s32 s4, s24;
	[dreg:$0xf] =	wrdreg s25  }
0x17: {  	s6 =	sadd.s32 s11, s26;
	s22 =	simm.s32 $0x1000;
	[dreg:$0x10] =	wrdreg s29  }
0x18: {  	[dreg:$0x11] =	wrdreg s6;
	s5 =	sadd.s32 s4, s26;
	s23 =	simm.s32 $0x3  }
0x19: {  	v0 =	vimm.f32 $0.0e+00;
	s25 =	simm.s32 $0x80;
	s26 =	simm.s32 $0x5000;
	[dreg:$0x12] =	wrdreg s5  }
.LBB2_1:
0x1a: {  	_ =	strace $0x80000048;
	s11 =	simm.s32 $0x0;
	s12 =	simm.s32 $0x200  }
.LBB2_2:
0x1b: {  	p0 =	sne.s32 s12, $0xFE00;
	[tilespmem:s11+$0x1070] =	vst v0  }
0x1c: {  	[tilespmem:s11+$0x1000] =	vst v0  }
0x1d: {  	[tilespmem:s11+$0x1010] =	vst v0  }
.Ltmp0:
0x1e: {  	[tilespmem:s11+$0x1020] =	vst v0;
	(pc) =	sbr.rel @p0 .LBB2_2-.Ltmp0, $4  }
0x1f: {  	[tilespmem:s11+$0x1030] =	vst v0  }
0x20: {  	[tilespmem:s11+$0x1040] =	vst v0  }
0x21: {  	[tilespmem:s11+$0x1050] =	vst v0  }
0x22: {  	[tilespmem:s11+$0x1060] =	vst v0;
	s11 =	sshra.s32 s12, $0x2;
	s12 =	sadd.s32 $0x200, s12  }
0x23: {  	[tilespmem:s11+$0x1070] =	vst v0  }
0x24: {  	[tilespmem:s11+$0x1000] =	vst v0  }
0x25: {  	[tilespmem:s11+$0x1010] =	vst v0  }
0x26: {  	[tilespmem:s11+$0x1020] =	vst v0  }
0x27: {  	[tilespmem:s11+$0x1030] =	vst v0  }
0x28: {  	[tilespmem:s11+$0x1040] =	vst v0  }
0x29: {  	[tilespmem:s11+$0x1050] =	vst v0  }
0x2a: {  	[tilespmem:s11+$0x1060] =	vst v0;
	s1 =	rddreg [dreg:$0x4]  }
0x2b: {  	[spmem:s1] =	stream.linear.scatter [tilespmem:s22], [sflag:$0x3], $0x4000, $0x200038;
	[tilespmem:$0x1D000] =	vst v63  }
0x2c: {  	_ =	swait.ge [sflag:s23], $0x4000  }
0x2d: {  	[sflag:s23] =	ssyncset.done $0x0  }
0x2e: {  	s15 =	rddreg [dreg:$0x5];
	[sflag:s23] =	ssyncadd.s32 $0xFFFFC000  }
0x2f: {  	[spmem:s15] =	stream.linear.scatter [tilespmem:s22], [sflag:$0x3], $0x4000, $0x200038;
	[tilespmem:$0x1D000] =	vst v63  }
0x30: {  	_ =	swait.ge [sflag:s23], $0x4000  }
0x31: {  	[sflag:s23] =	ssyncset.done $0x0  }
0x32: {  	s16 =	rddreg [dreg:$0x6];
	[sflag:s23] =	ssyncadd.s32 $0xFFFFC000  }
0x33: {  	[spmem:s16] =	stream.linear.scatter [tilespmem:s22], [sflag:$0x3], $0x4000, $0x200038;
	[tilespmem:$0x1D000] =	vst v63  }
0x34: {  	_ =	swait.ge [sflag:s23], $0x4000  }
0x35: {  	[sflag:s23] =	ssyncset.done $0x0  }
0x36: {  	s17 =	rddreg [dreg:$0x7];
	[sflag:s23] =	ssyncadd.s32 $0xFFFFC000  }
0x37: {  	[spmem:s17] =	stream.linear.scatter [tilespmem:s22], [sflag:$0x3], $0x4000, $0x200038;
	[tilespmem:$0x1D000] =	vst v63  }
0x38: {  	_ =	swait.ge [sflag:s23], $0x4000  }
0x39: {  	[sflag:s23] =	ssyncset.done $0x0  }
0x3a: {  	s18 =	rddreg [dreg:$0x8];
	[sflag:s23] =	ssyncadd.s32 $0xFFFFC000  }
0x3b: {  	[spmem:s18] =	stream.linear.scatter [tilespmem:s22], [sflag:$0x3], $0x4000, $0x200038;
	[tilespmem:$0x1D000] =	vst v63  }
0x3c: {  	_ =	swait.ge [sflag:s23], $0x4000  }
0x3d: {  	[sflag:s23] =	ssyncset.done $0x0  }
0x3e: {  	[sflag:s23] =	ssyncadd.s32 $0xFFFFC000  }
0x3f: {  	[bflag:$0x0] =	sbarrier.arrive $0xFFFF  }
0x40: {  	_ =	strace $0x90000048  }
0x41: {  	_ =	strace $0x80000049  }
0x42: {  	s19 =	rddreg [dreg:$0x9]  }
0x43: {  	[tilespmem:s8], [sflag:$0x3] =	stream.linear.gather [hbm4b:s19+s8], $0x800, $0x200038;
	[tilespmem:$0x1D000] =	vst v63  }
0x44: {  	_ =	swait.ge [sflag:s23], $0x800  }
0x45: {  	[sflag:s23] =	ssyncset.done $0x0  }
0x46: {  	s2 =	simm.s32 $0x800;
	s20 =	rddreg [dreg:$0xa];
	[sflag:s23] =	ssyncadd.s32 $0xFFFFF800  }
0x47: {  	[tilespmem:s2], [sflag:$0x3] =	stream.linear.gather [hbm4b:s20+s8], $0x800, $0x200038;
	[tilespmem:$0x1D000] =	vst v63  }
0x48: {  	_ =	swait.ge [sflag:s23], $0x800  }
0x49: {  	[sflag:s23] =	ssyncset.done $0x0  }
0x4a: {  	[sflag:s23] =	ssyncadd.s32 $0xFFFFF800  }
0x4b: {  	[tilespmem:s22], [sflag:$0x1] =	stream.indirect.gather [hbm4b:s0+s25], $0x80, s8, s25, $0x2000b8;
	[tilespmem:$0x1D000] =	vst v63  }
0x4c: {  	_ = 	snop  }
0x4d: {  	[tilespmem:s26], [sflag:$0x2] =	stream.indirect.gather [hbm4b:s0+s25], $0x80, s25, s25, $0x2000b8;
	[tilespmem:$0x1D000] =	vst v63  }
0x4e: {  	_ =	swait.ge [sflag:s28], $0x4000  }
0x4f: {  	[sflag:s28] =	ssyncset.done $0x0  }
0x50: {  	[sflag:s28] =	ssyncadd.s32 $0xFFFFC000  }
0x51: {  	[spmem:s3] =	stream.indirect.scatter.add.f32 [tilespmem:s22], [sflag:$0x3], $0x80, s2, s25, $0x2000b8;
	[tilespmem:$0x1D000] =	vst v63  }
0x52: {  	_ =	swait.ge [sflag:s23], $0x4000  }
0x53: {  	[sflag:s23] =	ssyncset.done $0x0  }
0x54: {  	s21 =	simm.s32 $0x100;
	[sflag:s23] =	ssyncadd.s32 $0xFFFFC000  }
0x55: {  	[tilespmem:s22], [sflag:$0x1] =	stream.indirect.gather [hbm4b:s0+s25], $0x80, s21, s25, $0x2000b8;
	[tilespmem:$0x1D000] =	vst v63  }
0x56: {  	_ =	swait.ge [sflag:s30], $0x4000  }
0x57: {  	[sflag:s30] =	ssyncset.done $0x0  }
0x58: {  	s24 =	simm.s32 $0x880;
	[sflag:s30] =	ssyncadd.s32 $0xFFFFC000  }
0x59: {  	[spmem:s3] =	stream.indirect.scatter.add.f32 [tilespmem:s26], [sflag:$0x3], $0x80, s24, s25, $0x2000b8;
	[tilespmem:$0x1D000] =	vst v63  }
0x5a: {  	_ =	swait.ge [sflag:s23], $0x4000  }
0x5b: {  	[sflag:s23] =	ssyncset.done $0x0  }
0x5c: {  	s29 =	simm.s32 $0x180;
	[sflag:s23] =	ssyncadd.s32 $0xFFFFC000  }
0x5d: {  	[tilespmem:s26], [sflag:$0x2] =	stream.indirect.gather [hbm4b:s0+s25], $0x80, s29, s25, $0x2000b8;
	[tilespmem:$0x1D000] =	vst v63  }
0x5e: {  	_ =	swait.ge [sflag:s28], $0x4000  }
0x5f: {  	[sflag:s28] =	ssyncset.done $0x0  }
0x60: {  	s31 =	simm.s32 $0x900;
	[sflag:s28] =	ssyncadd.s32 $0xFFFFC000  }
0x61: {  	[spmem:s3] =	stream.indirect.scatter.add.f32 [tilespmem:s22], [sflag:$0x3], $0x80, s31, s25, $0x2000b8;
	[tilespmem:$0x1D000] =	vst v63  }
0x62: {  	_ =	swait.ge [sflag:s23], $0x4000  }
0x63: {  	[sflag:s23] =	ssyncset.done $0x0  }
0x64: {  	s4 =	simm.s32 $0x200;
	[sflag:s23] =	ssyncadd.s32 $0xFFFFC000  }
0x65: {  	[tilespmem:s22], [sflag:$0x1] =	stream.indirect.gather [hbm4b:s0+s25], $0x80, s4, s25, $0x2000b8;
	[tilespmem:$0x1D000] =	vst v63  }
0x66: {  	_ =	swait.ge [sflag:s30], $0x4000  }
0x67: {  	[sflag:s30] =	ssyncset.done $0x0  }
0x68: {  	s5 =	simm.s32 $0x980;
	[sflag:s30] =	ssyncadd.s32 $0xFFFFC000  }
0x69: {  	[spmem:s3] =	stream.indirect.scatter.add.f32 [tilespmem:s26], [sflag:$0x3], $0x80, s5, s25, $0x2000b8;
	[tilespmem:$0x1D000] =	vst v63  }
0x6a: {  	_ =	swait.ge [sflag:s23], $0x4000  }
0x6b: {  	[sflag:s23] =	ssyncset.done $0x0  }
0x6c: {  	s6 =	simm.s32 $0x280;
	[sflag:s23] =	ssyncadd.s32 $0xFFFFC000  }
0x6d: {  	[tilespmem:s26], [sflag:$0x2] =	stream.indirect.gather [hbm4b:s0+s25], $0x80, s6, s25, $0x2000b8;
	[tilespmem:$0x1D000] =	vst v63  }
0x6e: {  	_ =	swait.ge [sflag:s28], $0x4000  }
0x6f: {  	[sflag:s28] =	ssyncset.done $0x0  }
0x70: {  	s7 =	simm.s32 $0xA00;
	[sflag:s28] =	ssyncadd.s32 $0xFFFFC000  }
0x71: {  	[spmem:s3] =	stream.indirect.scatter.add.f32 [tilespmem:s22], [sflag:$0x3], $0x80, s7, s25, $0x2000b8;
	[tilespmem:$0x1D000] =	vst v63  }
0x72: {  	_ =	swait.ge [sflag:s23], $0x4000  }
0x73: {  	[sflag:s23] =	ssyncset.done $0x0  }
0x74: {  	s9 =	simm.s32 $0x300;
	[sflag:s23] =	ssyncadd.s32 $0xFFFFC000  }
0x75: {  	[tilespmem:s22], [sflag:$0x1] =	stream.indirect.gather [hbm4b:s0+s25], $0x80, s9, s25, $0x2000b8;
	[tilespmem:$0x1D000] =	vst v63  }
0x76: {  	_ =	swait.ge [sflag:s30], $0x4000  }
0x77: {  	[sflag:s30] =	ssyncset.done $0x0  }
0x78: {  	s11 =	simm.s32 $0xA80;
	[sflag:s30] =	ssyncadd.s32 $0xFFFFC000  }
0x79: {  	[spmem:s3] =	stream.indirect.scatter.add.f32 [tilespmem:s26], [sflag:$0x3], $0x80, s11, s25, $0x2000b8;
	[tilespmem:$0x1D000] =	vst v63  }
0x7a: {  	_ =	swait.ge [sflag:s23], $0x4000  }
0x7b: {  	[sflag:s23] =	ssyncset.done $0x0  }
0x7c: {  	s12 =	simm.s32 $0x380;
	[sflag:s23] =	ssyncadd.s32 $0xFFFFC000  }
0x7d: {  	[tilespmem:s26], [sflag:$0x2] =	stream.indirect.gather [hbm4b:s0+s25], $0x80, s12, s25, $0x2000b8;
	[tilespmem:$0x1D000] =	vst v63  }
0x7e: {  	_ =	swait.ge [sflag:s28], $0x4000  }
0x7f: {  	[sflag:s28] =	ssyncset.done $0x0  }
0x80: {  	s13 =	simm.s32 $0xB00;
	[sflag:s28] =	ssyncadd.s32 $0xFFFFC000  }
0x81: {  	[spmem:s3] =	stream.indirect.scatter.add.f32 [tilespmem:s22], [sflag:$0x3], $0x80, s13, s25, $0x2000b8;
	[tilespmem:$0x1D000] =	vst v63  }
0x82: {  	_ =	swait.ge [sflag:s23], $0x4000  }
0x83: {  	[sflag:s23] =	ssyncset.done $0x0  }
0x84: {  	s14 =	simm.s32 $0x400;
	[sflag:s23] =	ssyncadd.s32 $0xFFFFC000  }
0x85: {  	[tilespmem:s22], [sflag:$0x1] =	stream.indirect.gather [hbm4b:s0+s25], $0x80, s14, s25, $0x2000b8;
	[tilespmem:$0x1D000] =	vst v63  }
0x86: {  	_ =	swait.ge [sflag:s30], $0x4000  }
0x87: {  	[sflag:s30] =	ssyncset.done $0x0  }
0x88: {  	s20 =	simm.s32 $0xB80;
	[sflag:s30] =	ssyncadd.s32 $0xFFFFC000  }
0x89: {  	[spmem:s3] =	stream.indirect.scatter.add.f32 [tilespmem:s26], [sflag:$0x3], $0x80, s20, s25, $0x2000b8;
	[tilespmem:$0x1D000] =	vst v63  }
0x8a: {  	_ =	swait.ge [sflag:s23], $0x4000  }
0x8b: {  	[sflag:s23] =	ssyncset.done $0x0  }
0x8c: {  	s21 =	simm.s32 $0x480;
	[sflag:s23] =	ssyncadd.s32 $0xFFFFC000  }
0x8d: {  	[tilespmem:s26], [sflag:$0x2] =	stream.indirect.gather [hbm4b:s0+s25], $0x80, s21, s25, $0x2000b8;
	[tilespmem:$0x1D000] =	vst v63  }
0x8e: {  	_ =	swait.ge [sflag:s28], $0x4000  }
0x8f: {  	[sflag:s28] =	ssyncset.done $0x0  }
0x90: {  	s29 =	simm.s32 $0xC00;
	[sflag:s28] =	ssyncadd.s32 $0xFFFFC000  }
0x91: {  	[spmem:s3] =	stream.indirect.scatter.add.f32 [tilespmem:s22], [sflag:$0x3], $0x80, s29, s25, $0x2000b8;
	[tilespmem:$0x1D000] =	vst v63  }
0x92: {  	_ =	swait.ge [sflag:s23], $0x4000  }
0x93: {  	[sflag:s23] =	ssyncset.done $0x0  }
0x94: {  	s31 =	simm.s32 $0x500;
	[sflag:s23] =	ssyncadd.s32 $0xFFFFC000  }
0x95: {  	[tilespmem:s22], [sflag:$0x1] =	stream.indirect.gather [hbm4b:s0+s25], $0x80, s31, s25, $0x2000b8;
	[tilespmem:$0x1D000] =	vst v63  }
0x96: {  	_ =	swait.ge [sflag:s30], $0x4000  }
0x97: {  	[sflag:s30] =	ssyncset.done $0x0  }
0x98: {  	s4 =	simm.s32 $0xC80;
	[sflag:s30] =	ssyncadd.s32 $0xFFFFC000  }
0x99: {  	[spmem:s3] =	stream.indirect.scatter.add.f32 [tilespmem:s26], [sflag:$0x3], $0x80, s4, s25, $0x2000b8;
	[tilespmem:$0x1D000] =	vst v63  }
0x9a: {  	_ =	swait.ge [sflag:s23], $0x4000  }
0x9b: {  	[sflag:s23] =	ssyncset.done $0x0  }
0x9c: {  	s5 =	simm.s32 $0x580;
	[sflag:s23] =	ssyncadd.s32 $0xFFFFC000  }
0x9d: {  	[tilespmem:s26], [sflag:$0x2] =	stream.indirect.gather [hbm4b:s0+s25], $0x80, s5, s25, $0x2000b8;
	[tilespmem:$0x1D000] =	vst v63  }
0x9e: {  	_ =	swait.ge [sflag:s28], $0x4000  }
0x9f: {  	[sflag:s28] =	ssyncset.done $0x0  }
0xa0: {  	s6 =	simm.s32 $0xD00;
	[sflag:s28] =	ssyncadd.s32 $0xFFFFC000  }
0xa1: {  	[spmem:s3] =	stream.indirect.scatter.add.f32 [tilespmem:s22], [sflag:$0x3], $0x80, s6, s25, $0x2000b8;
	[tilespmem:$0x1D000] =	vst v63  }
0xa2: {  	_ =	swait.ge [sflag:s23], $0x4000  }
0xa3: {  	[sflag:s23] =	ssyncset.done $0x0  }
0xa4: {  	s7 =	simm.s32 $0x600;
	[sflag:s23] =	ssyncadd.s32 $0xFFFFC000  }
0xa5: {  	[tilespmem:s22], [sflag:$0x1] =	stream.indirect.gather [hbm4b:s0+s25], $0x80, s7, s25, $0x2000b8;
	[tilespmem:$0x1D000] =	vst v63  }
0xa6: {  	_ =	swait.ge [sflag:s30], $0x4000  }
0xa7: {  	[sflag:s30] =	ssyncset.done $0x0  }
0xa8: {  	s9 =	simm.s32 $0xD80;
	[sflag:s30] =	ssyncadd.s32 $0xFFFFC000  }
0xa9: {  	[spmem:s3] =	stream.indirect.scatter.add.f32 [tilespmem:s26], [sflag:$0x3], $0x80, s9, s25, $0x2000b8;
	[tilespmem:$0x1D000] =	vst v63  }
0xaa: {  	_ =	swait.ge [sflag:s23], $0x4000  }
0xab: {  	[sflag:s23] =	ssyncset.done $0x0  }
0xac: {  	s12 =	simm.s32 $0x680;
	[sflag:s23] =	ssyncadd.s32 $0xFFFFC000  }
0xad: {  	[tilespmem:s26], [sflag:$0x2] =	stream.indirect.gather [hbm4b:s0+s25], $0x80, s12, s25, $0x2000b8;
	[tilespmem:$0x1D000] =	vst v63  }
0xae: {  	_ =	swait.ge [sflag:s28], $0x4000  }
0xaf: {  	[sflag:s28] =	ssyncset.done $0x0  }
0xb0: {  	s13 =	simm.s32 $0xE00;
	[sflag:s28] =	ssyncadd.s32 $0xFFFFC000  }
0xb1: {  	[spmem:s3] =	stream.indirect.scatter.add.f32 [tilespmem:s22], [sflag:$0x3], $0x80, s13, s25, $0x2000b8;
	[tilespmem:$0x1D000] =	vst v63  }
0xb2: {  	_ =	swait.ge [sflag:s23], $0x4000  }
0xb3: {  	[sflag:s23] =	ssyncset.done $0x0  }
0xb4: {  	s14 =	simm.s32 $0x700;
	[sflag:s23] =	ssyncadd.s32 $0xFFFFC000  }
0xb5: {  	[tilespmem:s22], [sflag:$0x1] =	stream.indirect.gather [hbm4b:s0+s25], $0x80, s14, s25, $0x2000b8;
	[tilespmem:$0x1D000] =	vst v63  }
0xb6: {  	_ =	swait.ge [sflag:s30], $0x4000  }
0xb7: {  	[sflag:s30] =	ssyncset.done $0x0  }
0xb8: {  	s21 =	simm.s32 $0xE80;
	[sflag:s30] =	ssyncadd.s32 $0xFFFFC000  }
0xb9: {  	[spmem:s3] =	stream.indirect.scatter.add.f32 [tilespmem:s26], [sflag:$0x3], $0x80, s21, s25, $0x2000b8;
	[tilespmem:$0x1D000] =	vst v63  }
0xba: {  	_ =	swait.ge [sflag:s23], $0x4000  }
0xbb: {  	[sflag:s23] =	ssyncset.done $0x0  }
0xbc: {  	s29 =	simm.s32 $0x780;
	[sflag:s23] =	ssyncadd.s32 $0xFFFFC000  }
0xbd: {  	[tilespmem:s26], [sflag:$0x2] =	stream.indirect.gather [hbm4b:s0+s25], $0x80, s29, s25, $0x2000b8;
	[tilespmem:$0x1D000] =	vst v63  }
0xbe: {  	_ =	swait.ge [sflag:s28], $0x4000  }
0xbf: {  	[sflag:s28] =	ssyncset.done $0x0  }
0xc0: {  	s31 =	simm.s32 $0xF00;
	[sflag:s28] =	ssyncadd.s32 $0xFFFFC000  }
0xc1: {  	[spmem:s3] =	stream.indirect.scatter.add.f32 [tilespmem:s22], [sflag:$0x3], $0x80, s31, s25, $0x2000b8;
	[tilespmem:$0x1D000] =	vst v63  }
0xc2: {  	_ =	swait.ge [sflag:s23], $0x4000  }
0xc3: {  	[sflag:s23] =	ssyncset.done $0x0  }
0xc4: {  	[sflag:s23] =	ssyncadd.s32 $0xFFFFC000  }
0xc5: {  	_ =	swait.ge [sflag:s30], $0x4000  }
0xc6: {  	[sflag:s30] =	ssyncset.done $0x0  }
0xc7: {  	s1 =	simm.s32 $0xF80;
	[sflag:s30] =	ssyncadd.s32 $0xFFFFC000  }
0xc8: {  	[spmem:s3] =	stream.indirect.scatter.add.f32 [tilespmem:s26], [sflag:$0x3], $0x80, s1, s25, $0x2000b8;
	[tilespmem:$0x1D000] =	vst v63  }
0xc9: {  	_ =	swait.ge [sflag:s23], $0x4000  }
0xca: {  	[sflag:s23] =	ssyncset.done $0x0  }
0xcb: {  	s4 =	rddreg [dreg:$0xb];
	[sflag:s23] =	ssyncadd.s32 $0xFFFFC000  }
0xcc: {  	[tilespmem:s8], [sflag:$0x3] =	stream.linear.gather [hbm4b:s4+s8], $0x800, $0x200038;
	[tilespmem:$0x1D000] =	vst v63  }
0xcd: {  	_ =	swait.ge [sflag:s23], $0x800  }
0xce: {  	[sflag:s23] =	ssyncset.done $0x0  }
0xcf: {  	s5 =	rddreg [dreg:$0xc];
	[sflag:s23] =	ssyncadd.s32 $0xFFFFF800  }
0xd0: {  	[tilespmem:s2], [sflag:$0x3] =	stream.linear.gather [hbm4b:s5+s8], $0x800, $0x200038;
	[tilespmem:$0x1D000] =	vst v63  }
0xd1: {  	_ =	swait.ge [sflag:s23], $0x800  }
0xd2: {  	[sflag:s23] =	ssyncset.done $0x0  }
0xd3: {  	[sflag:s23] =	ssyncadd.s32 $0xFFFFF800  }
0xd4: {  	[tilespmem:s22], [sflag:$0x1] =	stream.indirect.gather [hbm4b:s0+s25], $0x80, s8, s25, $0x2000b8;
	[tilespmem:$0x1D000] =	vst v63  }
0xd5: {  	_ = 	snop  }
0xd6: {  	[tilespmem:s26], [sflag:$0x2] =	stream.indirect.gather [hbm4b:s0+s25], $0x80, s25, s25, $0x2000b8;
	[tilespmem:$0x1D000] =	vst v63  }
0xd7: {  	_ =	swait.ge [sflag:s28], $0x4000  }
0xd8: {  	[sflag:s28] =	ssyncset.done $0x0  }
0xd9: {  	[sflag:s28] =	ssyncadd.s32 $0xFFFFC000  }
0xda: {  	[spmem:s3] =	stream.indirect.scatter.add.f32 [tilespmem:s22], [sflag:$0x3], $0x80, s2, s25, $0x2000b8;
	[tilespmem:$0x1D000] =	vst v63  }
0xdb: {  	_ =	swait.ge [sflag:s23], $0x4000  }
0xdc: {  	[sflag:s23] =	ssyncset.done $0x0  }
0xdd: {  	s16 =	simm.s32 $0x100;
	[sflag:s23] =	ssyncadd.s32 $0xFFFFC000  }
0xde: {  	[tilespmem:s22], [sflag:$0x1] =	stream.indirect.gather [hbm4b:s0+s25], $0x80, s16, s25, $0x2000b8;
	[tilespmem:$0x1D000] =	vst v63  }
0xdf: {  	_ =	swait.ge [sflag:s30], $0x4000  }
0xe0: {  	[sflag:s30] =	ssyncset.done $0x0  }
0xe1: {  	s17 =	simm.s32 $0x880;
	[sflag:s30] =	ssyncadd.s32 $0xFFFFC000  }
0xe2: {  	[spmem:s3] =	stream.indirect.scatter.add.f32 [tilespmem:s26], [sflag:$0x3], $0x80, s17, s25, $0x2000b8;
	[tilespmem:$0x1D000] =	vst v63  }
0xe3: {  	_ =	swait.ge [sflag:s23], $0x4000  }
0xe4: {  	[sflag:s23] =	ssyncset.done $0x0  }
0xe5: {  	s18 =	simm.s32 $0x180;
	[sflag:s23] =	ssyncadd.s32 $0xFFFFC000  }
0xe6: {  	[tilespmem:s26], [sflag:$0x2] =	stream.indirect.gather [hbm4b:s0+s25], $0x80, s18, s25, $0x2000b8;
	[tilespmem:$0x1D000] =	vst v63  }
0xe7: {  	_ =	swait.ge [sflag:s28], $0x4000  }
0xe8: {  	[sflag:s28] =	ssyncset.done $0x0  }
0xe9: {  	s19 =	simm.s32 $0x900;
	[sflag:s28] =	ssyncadd.s32 $0xFFFFC000  }
0xea: {  	[spmem:s3] =	stream.indirect.scatter.add.f32 [tilespmem:s22], [sflag:$0x3], $0x80, s19, s25, $0x2000b8;
	[tilespmem:$0x1D000] =	vst v63  }
0xeb: {  	_ =	swait.ge [sflag:s23], $0x4000  }
0xec: {  	[sflag:s23] =	ssyncset.done $0x0  }
0xed: {  	s24 =	simm.s32 $0x200;
	[sflag:s23] =	ssyncadd.s32 $0xFFFFC000  }
0xee: {  	[tilespmem:s22], [sflag:$0x1] =	stream.indirect.gather [hbm4b:s0+s25], $0x80, s24, s25, $0x2000b8;
	[tilespmem:$0x1D000] =	vst v63  }
0xef: {  	_ =	swait.ge [sflag:s30], $0x4000  }
0xf0: {  	[sflag:s30] =	ssyncset.done $0x0  }
0xf1: {  	s21 =	simm.s32 $0x980;
	[sflag:s30] =	ssyncadd.s32 $0xFFFFC000  }
0xf2: {  	[spmem:s3] =	stream.indirect.scatter.add.f32 [tilespmem:s26], [sflag:$0x3], $0x80, s21, s25, $0x2000b8;
	[tilespmem:$0x1D000] =	vst v63  }
0xf3: {  	_ =	swait.ge [sflag:s23], $0x4000  }
0xf4: {  	[sflag:s23] =	ssyncset.done $0x0  }
0xf5: {  	s29 =	simm.s32 $0x280;
	[sflag:s23] =	ssyncadd.s32 $0xFFFFC000  }
0xf6: {  	[tilespmem:s26], [sflag:$0x2] =	stream.indirect.gather [hbm4b:s0+s25], $0x80, s29, s25, $0x2000b8;
	[tilespmem:$0x1D000] =	vst v63  }
0xf7: {  	_ =	swait.ge [sflag:s28], $0x4000  }
0xf8: {  	[sflag:s28] =	ssyncset.done $0x0  }
0xf9: {  	s31 =	simm.s32 $0xA00;
	[sflag:s28] =	ssyncadd.s32 $0xFFFFC000  }
0xfa: {  	[spmem:s3] =	stream.indirect.scatter.add.f32 [tilespmem:s22], [sflag:$0x3], $0x80, s31, s25, $0x2000b8;
	[tilespmem:$0x1D000] =	vst v63  }
0xfb: {  	_ =	swait.ge [sflag:s23], $0x4000  }
0xfc: {  	[sflag:s23] =	ssyncset.done $0x0  }
0xfd: {  	s1 =	simm.s32 $0x300;
	[sflag:s23] =	ssyncadd.s32 $0xFFFFC000  }
0xfe: {  	[tilespmem:s22], [sflag:$0x1] =	stream.indirect.gather [hbm4b:s0+s25], $0x80, s1, s25, $0x2000b8;
	[tilespmem:$0x1D000] =	vst v63  }
0xff: {  	_ =	swait.ge [sflag:s30], $0x4000  }
0x100: {  	[sflag:s30] =	ssyncset.done $0x0  }
0x101: {  	s15 =	simm.s32 $0xA80;
	[sflag:s30] =	ssyncadd.s32 $0xFFFFC000  }
0x102: {  	[spmem:s3] =	stream.indirect.scatter.add.f32 [tilespmem:s26], [sflag:$0x3], $0x80, s15, s25, $0x2000b8;
	[tilespmem:$0x1D000] =	vst v63  }
0x103: {  	_ =	swait.ge [sflag:s23], $0x4000  }
0x104: {  	[sflag:s23] =	ssyncset.done $0x0  }
0x105: {  	s4 =	simm.s32 $0x380;
	[sflag:s23] =	ssyncadd.s32 $0xFFFFC000  }
0x106: {  	[tilespmem:s26], [sflag:$0x2] =	stream.indirect.gather [hbm4b:s0+s25], $0x80, s4, s25, $0x2000b8;
	[tilespmem:$0x1D000] =	vst v63  }
0x107: {  	_ =	swait.ge [sflag:s28], $0x4000  }
0x108: {  	[sflag:s28] =	ssyncset.done $0x0  }
0x109: {  	s5 =	simm.s32 $0xB00;
	[sflag:s28] =	ssyncadd.s32 $0xFFFFC000  }
0x10a: {  	[spmem:s3] =	stream.indirect.scatter.add.f32 [tilespmem:s22], [sflag:$0x3], $0x80, s5, s25, $0x2000b8;
	[tilespmem:$0x1D000] =	vst v63  }
0x10b: {  	_ =	swait.ge [sflag:s23], $0x4000  }
0x10c: {  	[sflag:s23] =	ssyncset.done $0x0  }
0x10d: {  	s24 =	simm.s32 $0x400;
	[sflag:s23] =	ssyncadd.s32 $0xFFFFC000  }
0x10e: {  	[tilespmem:s22], [sflag:$0x1] =	stream.indirect.gather [hbm4b:s0+s25], $0x80, s24, s25, $0x2000b8;
	[tilespmem:$0x1D000] =	vst v63  }
0x10f: {  	_ =	swait.ge [sflag:s30], $0x4000  }
0x110: {  	[sflag:s30] =	ssyncset.done $0x0  }
0x111: {  	s15 =	simm.s32 $0xB80;
	[sflag:s30] =	ssyncadd.s32 $0xFFFFC000  }
0x112: {  	[spmem:s3] =	stream.indirect.scatter.add.f32 [tilespmem:s26], [sflag:$0x3], $0x80, s15, s25, $0x2000b8;
	[tilespmem:$0x1D000] =	vst v63  }
0x113: {  	_ =	swait.ge [sflag:s23], $0x4000  }
0x114: {  	[sflag:s23] =	ssyncset.done $0x0  }
0x115: {  	s16 =	simm.s32 $0x480;
	[sflag:s23] =	ssyncadd.s32 $0xFFFFC000  }
0x116: {  	[tilespmem:s26], [sflag:$0x2] =	stream.indirect.gather [hbm4b:s0+s25], $0x80, s16, s25, $0x2000b8;
	[tilespmem:$0x1D000] =	vst v63  }
0x117: {  	_ =	swait.ge [sflag:s28], $0x4000  }
0x118: {  	[sflag:s28] =	ssyncset.done $0x0  }
0x119: {  	s17 =	simm.s32 $0xC00;
	[sflag:s28] =	ssyncadd.s32 $0xFFFFC000  }
0x11a: {  	[spmem:s3] =	stream.indirect.scatter.add.f32 [tilespmem:s22], [sflag:$0x3], $0x80, s17, s25, $0x2000b8;
	[tilespmem:$0x1D000] =	vst v63  }
0x11b: {  	_ =	swait.ge [sflag:s23], $0x4000  }
0x11c: {  	[sflag:s23] =	ssyncset.done $0x0  }
0x11d: {  	s18 =	simm.s32 $0x500;
	[sflag:s23] =	ssyncadd.s32 $0xFFFFC000  }
0x11e: {  	[tilespmem:s22], [sflag:$0x1] =	stream.indirect.gather [hbm4b:s0+s25], $0x80, s18, s25, $0x2000b8;
	[tilespmem:$0x1D000] =	vst v63  }
0x11f: {  	_ =	swait.ge [sflag:s30], $0x4000  }
0x120: {  	[sflag:s30] =	ssyncset.done $0x0  }
0x121: {  	s19 =	simm.s32 $0xC80;
	[sflag:s30] =	ssyncadd.s32 $0xFFFFC000  }
0x122: {  	[spmem:s3] =	stream.indirect.scatter.add.f32 [tilespmem:s26], [sflag:$0x3], $0x80, s19, s25, $0x2000b8;
	[tilespmem:$0x1D000] =	vst v63  }
0x123: {  	_ =	swait.ge [sflag:s23], $0x4000  }
0x124: {  	[sflag:s23] =	ssyncset.done $0x0  }
0x125: {  	s20 =	simm.s32 $0x580;
	[sflag:s23] =	ssyncadd.s32 $0xFFFFC000  }
0x126: {  	[tilespmem:s26], [sflag:$0x2] =	stream.indirect.gather [hbm4b:s0+s25], $0x80, s20, s25, $0x2000b8;
	[tilespmem:$0x1D000] =	vst v63  }
0x127: {  	_ =	swait.ge [sflag:s28], $0x4000  }
0x128: {  	[sflag:s28] =	ssyncset.done $0x0  }
0x129: {  	s20 =	simm.s32 $0xD00;
	[sflag:s28] =	ssyncadd.s32 $0xFFFFC000  }
0x12a: {  	[spmem:s3] =	stream.indirect.scatter.add.f32 [tilespmem:s22], [sflag:$0x3], $0x80, s20, s25, $0x2000b8;
	[tilespmem:$0x1D000] =	vst v63  }
0x12b: {  	_ =	swait.ge [sflag:s23], $0x4000  }
0x12c: {  	[sflag:s23] =	ssyncset.done $0x0  }
0x12d: {  	s11 =	simm.s32 $0x600;
	[sflag:s23] =	ssyncadd.s32 $0xFFFFC000  }
0x12e: {  	[tilespmem:s22], [sflag:$0x1] =	stream.indirect.gather [hbm4b:s0+s25], $0x80, s11, s25, $0x2000b8;
	[tilespmem:$0x1D000] =	vst v63  }
0x12f: {  	_ =	swait.ge [sflag:s30], $0x4000  }
0x130: {  	[sflag:s30] =	ssyncset.done $0x0  }
0x131: {  	s11 =	simm.s32 $0xD80;
	[sflag:s30] =	ssyncadd.s32 $0xFFFFC000  }
0x132: {  	[spmem:s3] =	stream.indirect.scatter.add.f32 [tilespmem:s26], [sflag:$0x3], $0x80, s11, s25, $0x2000b8;
	[tilespmem:$0x1D000] =	vst v63  }
0x133: {  	_ =	swait.ge [sflag:s23], $0x4000  }
0x134: {  	[sflag:s23] =	ssyncset.done $0x0  }
0x135: {  	s6 =	simm.s32 $0x680;
	[sflag:s23] =	ssyncadd.s32 $0xFFFFC000  }
0x136: {  	[tilespmem:s26], [sflag:$0x2] =	stream.indirect.gather [hbm4b:s0+s25], $0x80, s6, s25, $0x2000b8;
	[tilespmem:$0x1D000] =	vst v63  }
0x137: {  	_ =	swait.ge [sflag:s28], $0x4000  }
0x138: {  	[sflag:s28] =	ssyncset.done $0x0  }
0x139: {  	s7 =	simm.s32 $0xE00;
	[sflag:s28] =	ssyncadd.s32 $0xFFFFC000  }
0x13a: {  	[spmem:s3] =	stream.indirect.scatter.add.f32 [tilespmem:s22], [sflag:$0x3], $0x80, s7, s25, $0x2000b8;
	[tilespmem:$0x1D000] =	vst v63  }
0x13b: {  	_ =	swait.ge [sflag:s23], $0x4000  }
0x13c: {  	[sflag:s23] =	ssyncset.done $0x0  }
0x13d: {  	s11 =	simm.s32 $0x700;
	[sflag:s23] =	ssyncadd.s32 $0xFFFFC000  }
0x13e: {  	[tilespmem:s22], [sflag:$0x1] =	stream.indirect.gather [hbm4b:s0+s25], $0x80, s11, s25, $0x2000b8;
	[tilespmem:$0x1D000] =	vst v63  }
0x13f: {  	_ =	swait.ge [sflag:s30], $0x4000  }
0x140: {  	[sflag:s30] =	ssyncset.done $0x0  }
0x141: {  	s9 =	simm.s32 $0xE80;
	[sflag:s30] =	ssyncadd.s32 $0xFFFFC000  }
0x142: {  	[spmem:s3] =	stream.indirect.scatter.add.f32 [tilespmem:s26], [sflag:$0x3], $0x80, s9, s25, $0x2000b8;
	[tilespmem:$0x1D000] =	vst v63  }
0x143: {  	_ =	swait.ge [sflag:s23], $0x4000  }
0x144: {  	[sflag:s23] =	ssyncset.done $0x0  }
0x145: {  	s12 =	simm.s32 $0x780;
	[sflag:s23] =	ssyncadd.s32 $0xFFFFC000  }
0x146: {  	[tilespmem:s26], [sflag:$0x2] =	stream.indirect.gather [hbm4b:s0+s25], $0x80, s12, s25, $0x2000b8;
	[tilespmem:$0x1D000] =	vst v63  }
0x147: {  	_ =	swait.ge [sflag:s28], $0x4000  }
0x148: {  	[sflag:s28] =	ssyncset.done $0x0  }
0x149: {  	s13 =	simm.s32 $0xF00;
	[sflag:s28] =	ssyncadd.s32 $0xFFFFC000  }
0x14a: {  	[spmem:s3] =	stream.indirect.scatter.add.f32 [tilespmem:s22], [sflag:$0x3], $0x80, s13, s25, $0x2000b8;
	[tilespmem:$0x1D000] =	vst v63  }
0x14b: {  	_ =	swait.ge [sflag:s23], $0x4000  }
0x14c: {  	[sflag:s23] =	ssyncset.done $0x0  }
0x14d: {  	[sflag:s23] =	ssyncadd.s32 $0xFFFFC000  }
0x14e: {  	_ =	swait.ge [sflag:s30], $0x4000  }
0x14f: {  	[sflag:s30] =	ssyncset.done $0x0  }
0x150: {  	s14 =	simm.s32 $0xF80;
	[sflag:s30] =	ssyncadd.s32 $0xFFFFC000  }
0x151: {  	[spmem:s3] =	stream.indirect.scatter.add.f32 [tilespmem:s26], [sflag:$0x3], $0x80, s14, s25, $0x2000b8;
	[tilespmem:$0x1D000] =	vst v63  }
0x152: {  	_ =	swait.ge [sflag:s23], $0x4000  }
0x153: {  	[sflag:s23] =	ssyncset.done $0x0  }
0x154: {  	s11 =	rddreg [dreg:$0xd];
	[sflag:s23] =	ssyncadd.s32 $0xFFFFC000  }
0x155: {  	[tilespmem:s8], [sflag:$0x3] =	stream.linear.gather [hbm4b:s11+s8], $0x800, $0x200038;
	[tilespmem:$0x1D000] =	vst v63  }
0x156: {  	_ =	swait.ge [sflag:s23], $0x800  }
0x157: {  	[sflag:s23] =	ssyncset.done $0x0  }
0x158: {  	s11 =	rddreg [dreg:$0xe];
	[sflag:s23] =	ssyncadd.s32 $0xFFFFF800  }
0x159: {  	[tilespmem:s2], [sflag:$0x3] =	stream.linear.gather [hbm4b:s11+s8], $0x800, $0x200038;
	[tilespmem:$0x1D000] =	vst v63  }
0x15a: {  	_ =	swait.ge [sflag:s23], $0x800  }
0x15b: {  	[sflag:s23] =	ssyncset.done $0x0  }
0x15c: {  	[sflag:s23] =	ssyncadd.s32 $0xFFFFF800  }
0x15d: {  	[tilespmem:s22], [sflag:$0x1] =	stream.indirect.gather [hbm4b:s0+s25], $0x80, s8, s25, $0x2000b8;
	[tilespmem:$0x1D000] =	vst v63  }
0x15e: {  	_ = 	snop  }
0x15f: {  	[tilespmem:s26], [sflag:$0x2] =	stream.indirect.gather [hbm4b:s0+s25], $0x80, s25, s25, $0x2000b8;
	[tilespmem:$0x1D000] =	vst v63  }
0x160: {  	_ =	swait.ge [sflag:s28], $0x4000  }
0x161: {  	[sflag:s28] =	ssyncset.done $0x0  }
0x162: {  	[sflag:s28] =	ssyncadd.s32 $0xFFFFC000  }
0x163: {  	[spmem:s3] =	stream.indirect.scatter.add.f32 [tilespmem:s22], [sflag:$0x3], $0x80, s2, s25, $0x2000b8;
	[tilespmem:$0x1D000] =	vst v63  }
0x164: {  	_ =	swait.ge [sflag:s23], $0x4000  }
0x165: {  	[sflag:s23] =	ssyncset.done $0x0  }
0x166: {  	s11 =	simm.s32 $0x100;
	[sflag:s23] =	ssyncadd.s32 $0xFFFFC000  }
0x167: {  	[tilespmem:s22], [sflag:$0x1] =	stream.indirect.gather [hbm4b:s0+s25], $0x80, s11, s25, $0x2000b8;
	[tilespmem:$0x1D000] =	vst v63  }
0x168: {  	_ =	swait.ge [sflag:s30], $0x4000  }
0x169: {  	[sflag:s30] =	ssyncset.done $0x0  }
0x16a: {  	s11 =	simm.s32 $0x880;
	[sflag:s30] =	ssyncadd.s32 $0xFFFFC000  }
0x16b: {  	[spmem:s3] =	stream.indirect.scatter.add.f32 [tilespmem:s26], [sflag:$0x3], $0x80, s11, s25, $0x2000b8;
	[tilespmem:$0x1D000] =	vst v63  }
0x16c: {  	_ =	swait.ge [sflag:s23], $0x4000  }
0x16d: {  	[sflag:s23] =	ssyncset.done $0x0  }
0x16e: {  	s11 =	simm.s32 $0x180;
	[sflag:s23] =	ssyncadd.s32 $0xFFFFC000  }
0x16f: {  	[tilespmem:s26], [sflag:$0x2] =	stream.indirect.gather [hbm4b:s0+s25], $0x80, s11, s25, $0x2000b8;
	[tilespmem:$0x1D000] =	vst v63  }
0x170: {  	_ =	swait.ge [sflag:s28], $0x4000  }
0x171: {  	[sflag:s28] =	ssyncset.done $0x0  }
0x172: {  	s11 =	simm.s32 $0x900;
	[sflag:s28] =	ssyncadd.s32 $0xFFFFC000  }
0x173: {  	[spmem:s3] =	stream.indirect.scatter.add.f32 [tilespmem:s22], [sflag:$0x3], $0x80, s11, s25, $0x2000b8;
	[tilespmem:$0x1D000] =	vst v63  }
0x174: {  	_ =	swait.ge [sflag:s23], $0x4000  }
0x175: {  	[sflag:s23] =	ssyncset.done $0x0  }
0x176: {  	s11 =	simm.s32 $0x200;
	[sflag:s23] =	ssyncadd.s32 $0xFFFFC000  }
0x177: {  	[tilespmem:s22], [sflag:$0x1] =	stream.indirect.gather [hbm4b:s0+s25], $0x80, s11, s25, $0x2000b8;
	[tilespmem:$0x1D000] =	vst v63  }
0x178: {  	_ =	swait.ge [sflag:s30], $0x4000  }
0x179: {  	[sflag:s30] =	ssyncset.done $0x0  }
0x17a: {  	[sflag:s30] =	ssyncadd.s32 $0xFFFFC000  }
0x17b: {  	[spmem:s3] =	stream.indirect.scatter.add.f32 [tilespmem:s26], [sflag:$0x3], $0x80, s21, s25, $0x2000b8;
	[tilespmem:$0x1D000] =	vst v63  }
0x17c: {  	_ =	swait.ge [sflag:s23], $0x4000  }
0x17d: {  	[sflag:s23] =	ssyncset.done $0x0  }
0x17e: {  	[sflag:s23] =	ssyncadd.s32 $0xFFFFC000  }
0x17f: {  	[tilespmem:s26], [sflag:$0x2] =	stream.indirect.gather [hbm4b:s0+s25], $0x80, s29, s25, $0x2000b8;
	[tilespmem:$0x1D000] =	vst v63  }
0x180: {  	_ =	swait.ge [sflag:s28], $0x4000  }
0x181: {  	[sflag:s28] =	ssyncset.done $0x0  }
0x182: {  	[sflag:s28] =	ssyncadd.s32 $0xFFFFC000  }
0x183: {  	[spmem:s3] =	stream.indirect.scatter.add.f32 [tilespmem:s22], [sflag:$0x3], $0x80, s31, s25, $0x2000b8;
	[tilespmem:$0x1D000] =	vst v63  }
0x184: {  	_ =	swait.ge [sflag:s23], $0x4000  }
0x185: {  	[sflag:s23] =	ssyncset.done $0x0  }
0x186: {  	[sflag:s23] =	ssyncadd.s32 $0xFFFFC000  }
0x187: {  	[tilespmem:s22], [sflag:$0x1] =	stream.indirect.gather [hbm4b:s0+s25], $0x80, s1, s25, $0x2000b8;
	[tilespmem:$0x1D000] =	vst v63  }
0x188: {  	_ =	swait.ge [sflag:s30], $0x4000  }
0x189: {  	[sflag:s30] =	ssyncset.done $0x0  }
0x18a: {  	s11 =	simm.s32 $0xA80;
	[sflag:s30] =	ssyncadd.s32 $0xFFFFC000  }
0x18b: {  	[spmem:s3] =	stream.indirect.scatter.add.f32 [tilespmem:s26], [sflag:$0x3], $0x80, s11, s25, $0x2000b8;
	[tilespmem:$0x1D000] =	vst v63  }
0x18c: {  	_ =	swait.ge [sflag:s23], $0x4000  }
0x18d: {  	[sflag:s23] =	ssyncset.done $0x0  }
0x18e: {  	[sflag:s23] =	ssyncadd.s32 $0xFFFFC000  }
0x18f: {  	[tilespmem:s26], [sflag:$0x2] =	stream.indirect.gather [hbm4b:s0+s25], $0x80, s4, s25, $0x2000b8;
	[tilespmem:$0x1D000] =	vst v63  }
0x190: {  	_ =	swait.ge [sflag:s28], $0x4000  }
0x191: {  	[sflag:s28] =	ssyncset.done $0x0  }
0x192: {  	[sflag:s28] =	ssyncadd.s32 $0xFFFFC000  }
0x193: {  	[spmem:s3] =	stream.indirect.scatter.add.f32 [tilespmem:s22], [sflag:$0x3], $0x80, s5, s25, $0x2000b8;
	[tilespmem:$0x1D000] =	vst v63  }
0x194: {  	_ =	swait.ge [sflag:s23], $0x4000  }
0x195: {  	[sflag:s23] =	ssyncset.done $0x0  }
0x196: {  	[sflag:s23] =	ssyncadd.s32 $0xFFFFC000  }
0x197: {  	[tilespmem:s22], [sflag:$0x1] =	stream.indirect.gather [hbm4b:s0+s25], $0x80, s24, s25, $0x2000b8;
	[tilespmem:$0x1D000] =	vst v63  }
0x198: {  	_ =	swait.ge [sflag:s30], $0x4000  }
0x199: {  	[sflag:s30] =	ssyncset.done $0x0  }
0x19a: {  	[sflag:s30] =	ssyncadd.s32 $0xFFFFC000  }
0x19b: {  	[spmem:s3] =	stream.indirect.scatter.add.f32 [tilespmem:s26], [sflag:$0x3], $0x80, s15, s25, $0x2000b8;
	[tilespmem:$0x1D000] =	vst v63  }
0x19c: {  	_ =	swait.ge [sflag:s23], $0x4000  }
0x19d: {  	[sflag:s23] =	ssyncset.done $0x0  }
0x19e: {  	[sflag:s23] =	ssyncadd.s32 $0xFFFFC000  }
0x19f: {  	[tilespmem:s26], [sflag:$0x2] =	stream.indirect.gather [hbm4b:s0+s25], $0x80, s16, s25, $0x2000b8;
	[tilespmem:$0x1D000] =	vst v63  }
0x1a0: {  	_ =	swait.ge [sflag:s28], $0x4000  }
0x1a1: {  	[sflag:s28] =	ssyncset.done $0x0  }
0x1a2: {  	[sflag:s28] =	ssyncadd.s32 $0xFFFFC000  }
0x1a3: {  	[spmem:s3] =	stream.indirect.scatter.add.f32 [tilespmem:s22], [sflag:$0x3], $0x80, s17, s25, $0x2000b8;
	[tilespmem:$0x1D000] =	vst v63  }
0x1a4: {  	_ =	swait.ge [sflag:s23], $0x4000  }
0x1a5: {  	[sflag:s23] =	ssyncset.done $0x0  }
0x1a6: {  	[sflag:s23] =	ssyncadd.s32 $0xFFFFC000  }
0x1a7: {  	[tilespmem:s22], [sflag:$0x1] =	stream.indirect.gather [hbm4b:s0+s25], $0x80, s18, s25, $0x2000b8;
	[tilespmem:$0x1D000] =	vst v63  }
0x1a8: {  	_ =	swait.ge [sflag:s30], $0x4000  }
0x1a9: {  	[sflag:s30] =	ssyncset.done $0x0  }
0x1aa: {  	[sflag:s30] =	ssyncadd.s32 $0xFFFFC000  }
0x1ab: {  	[spmem:s3] =	stream.indirect.scatter.add.f32 [tilespmem:s26], [sflag:$0x3], $0x80, s19, s25, $0x2000b8;
	[tilespmem:$0x1D000] =	vst v63  }
0x1ac: {  	_ =	swait.ge [sflag:s23], $0x4000  }
0x1ad: {  	[sflag:s23] =	ssyncset.done $0x0  }
0x1ae: {  	s15 =	simm.s32 $0x580;
	[sflag:s23] =	ssyncadd.s32 $0xFFFFC000  }
0x1af: {  	[tilespmem:s26], [sflag:$0x2] =	stream.indirect.gather [hbm4b:s0+s25], $0x80, s15, s25, $0x2000b8;
	[tilespmem:$0x1D000] =	vst v63  }
0x1b0: {  	_ =	swait.ge [sflag:s28], $0x4000  }
0x1b1: {  	[sflag:s28] =	ssyncset.done $0x0  }
0x1b2: {  	s20 =	simm.s32 $0xD00;
	[sflag:s28] =	ssyncadd.s32 $0xFFFFC000  }
0x1b3: {  	[spmem:s3] =	stream.indirect.scatter.add.f32 [tilespmem:s22], [sflag:$0x3], $0x80, s20, s25, $0x2000b8;
	[tilespmem:$0x1D000] =	vst v63  }
0x1b4: {  	_ =	swait.ge [sflag:s23], $0x4000  }
0x1b5: {  	[sflag:s23] =	ssyncset.done $0x0  }
0x1b6: {  	s24 =	simm.s32 $0x600;
	[sflag:s23] =	ssyncadd.s32 $0xFFFFC000  }
0x1b7: {  	[tilespmem:s22], [sflag:$0x1] =	stream.indirect.gather [hbm4b:s0+s25], $0x80, s24, s25, $0x2000b8;
	[tilespmem:$0x1D000] =	vst v63  }
0x1b8: {  	_ =	swait.ge [sflag:s30], $0x4000  }
0x1b9: {  	[sflag:s30] =	ssyncset.done $0x0  }
0x1ba: {  	s5 =	simm.s32 $0xD80;
	[sflag:s30] =	ssyncadd.s32 $0xFFFFC000  }
0x1bb: {  	[spmem:s3] =	stream.indirect.scatter.add.f32 [tilespmem:s26], [sflag:$0x3], $0x80, s5, s25, $0x2000b8;
	[tilespmem:$0x1D000] =	vst v63  }
0x1bc: {  	_ =	swait.ge [sflag:s23], $0x4000  }
0x1bd: {  	[sflag:s23] =	ssyncset.done $0x0  }
0x1be: {  	s6 =	simm.s32 $0x680;
	[sflag:s23] =	ssyncadd.s32 $0xFFFFC000  }
0x1bf: {  	[tilespmem:s26], [sflag:$0x2] =	stream.indirect.gather [hbm4b:s0+s25], $0x80, s6, s25, $0x2000b8;
	[tilespmem:$0x1D000] =	vst v63  }
0x1c0: {  	_ =	swait.ge [sflag:s28], $0x4000  }
0x1c1: {  	[sflag:s28] =	ssyncset.done $0x0  }
0x1c2: {  	s7 =	simm.s32 $0xE00;
	[sflag:s28] =	ssyncadd.s32 $0xFFFFC000  }
0x1c3: {  	[spmem:s3] =	stream.indirect.scatter.add.f32 [tilespmem:s22], [sflag:$0x3], $0x80, s7, s25, $0x2000b8;
	[tilespmem:$0x1D000] =	vst v63  }
0x1c4: {  	_ =	swait.ge [sflag:s23], $0x4000  }
0x1c5: {  	[sflag:s23] =	ssyncset.done $0x0  }
0x1c6: {  	s6 =	simm.s32 $0x700;
	[sflag:s23] =	ssyncadd.s32 $0xFFFFC000  }
0x1c7: {  	[tilespmem:s22], [sflag:$0x1] =	stream.indirect.gather [hbm4b:s0+s25], $0x80, s6, s25, $0x2000b8;
	[tilespmem:$0x1D000] =	vst v63  }
0x1c8: {  	_ =	swait.ge [sflag:s30], $0x4000  }
0x1c9: {  	[sflag:s30] =	ssyncset.done $0x0  }
0x1ca: {  	s9 =	simm.s32 $0xE80;
	[sflag:s30] =	ssyncadd.s32 $0xFFFFC000  }
0x1cb: {  	[spmem:s3] =	stream.indirect.scatter.add.f32 [tilespmem:s26], [sflag:$0x3], $0x80, s9, s25, $0x2000b8;
	[tilespmem:$0x1D000] =	vst v63  }
0x1cc: {  	_ =	swait.ge [sflag:s23], $0x4000  }
0x1cd: {  	[sflag:s23] =	ssyncset.done $0x0  }
0x1ce: {  	s12 =	simm.s32 $0x780;
	[sflag:s23] =	ssyncadd.s32 $0xFFFFC000  }
0x1cf: {  	[tilespmem:s26], [sflag:$0x2] =	stream.indirect.gather [hbm4b:s0+s25], $0x80, s12, s25, $0x2000b8;
	[tilespmem:$0x1D000] =	vst v63  }
0x1d0: {  	_ =	swait.ge [sflag:s28], $0x4000  }
0x1d1: {  	[sflag:s28] =	ssyncset.done $0x0  }
0x1d2: {  	s13 =	simm.s32 $0xF00;
	[sflag:s28] =	ssyncadd.s32 $0xFFFFC000  }
0x1d3: {  	[spmem:s3] =	stream.indirect.scatter.add.f32 [tilespmem:s22], [sflag:$0x3], $0x80, s13, s25, $0x2000b8;
	[tilespmem:$0x1D000] =	vst v63  }
0x1d4: {  	_ =	swait.ge [sflag:s23], $0x4000  }
0x1d5: {  	[sflag:s23] =	ssyncset.done $0x0  }
0x1d6: {  	[sflag:s23] =	ssyncadd.s32 $0xFFFFC000  }
0x1d7: {  	_ =	swait.ge [sflag:s30], $0x4000  }
0x1d8: {  	[sflag:s30] =	ssyncset.done $0x0  }
0x1d9: {  	s14 =	simm.s32 $0xF80;
	[sflag:s30] =	ssyncadd.s32 $0xFFFFC000  }
0x1da: {  	[spmem:s3] =	stream.indirect.scatter.add.f32 [tilespmem:s26], [sflag:$0x3], $0x80, s14, s25, $0x2000b8;
	[tilespmem:$0x1D000] =	vst v63  }
0x1db: {  	_ =	swait.ge [sflag:s23], $0x4000  }
0x1dc: {  	[sflag:s23] =	ssyncset.done $0x0  }
0x1dd: {  	s7 =	rddreg [dreg:$0xf];
	[sflag:s23] =	ssyncadd.s32 $0xFFFFC000  }
0x1de: {  	[tilespmem:s8], [sflag:$0x3] =	stream.linear.gather [hbm4b:s7+s8], $0x800, $0x200038;
	[tilespmem:$0x1D000] =	vst v63  }
0x1df: {  	_ =	swait.ge [sflag:s23], $0x800  }
0x1e0: {  	[sflag:s23] =	ssyncset.done $0x0  }
0x1e1: {  	s9 =	rddreg [dreg:$0x10];
	[sflag:s23] =	ssyncadd.s32 $0xFFFFF800  }
0x1e2: {  	[tilespmem:s2], [sflag:$0x3] =	stream.linear.gather [hbm4b:s9+s8], $0x800, $0x200038;
	[tilespmem:$0x1D000] =	vst v63  }
0x1e3: {  	_ =	swait.ge [sflag:s23], $0x800  }
0x1e4: {  	[sflag:s23] =	ssyncset.done $0x0  }
0x1e5: {  	[sflag:s23] =	ssyncadd.s32 $0xFFFFF800  }
0x1e6: {  	[tilespmem:s22], [sflag:$0x1] =	stream.indirect.gather [hbm4b:s0+s25], $0x80, s8, s25, $0x2000b8;
	[tilespmem:$0x1D000] =	vst v63  }
0x1e7: {  	_ = 	snop  }
0x1e8: {  	[tilespmem:s26], [sflag:$0x2] =	stream.indirect.gather [hbm4b:s0+s25], $0x80, s25, s25, $0x2000b8;
	[tilespmem:$0x1D000] =	vst v63  }
0x1e9: {  	_ =	swait.ge [sflag:s28], $0x4000  }
0x1ea: {  	[sflag:s28] =	ssyncset.done $0x0  }
0x1eb: {  	[sflag:s28] =	ssyncadd.s32 $0xFFFFC000  }
0x1ec: {  	[spmem:s3] =	stream.indirect.scatter.add.f32 [tilespmem:s22], [sflag:$0x3], $0x80, s2, s25, $0x2000b8;
	[tilespmem:$0x1D000] =	vst v63  }
0x1ed: {  	_ =	swait.ge [sflag:s23], $0x4000  }
0x1ee: {  	[sflag:s23] =	ssyncset.done $0x0  }
0x1ef: {  	s12 =	simm.s32 $0x100;
	[sflag:s23] =	ssyncadd.s32 $0xFFFFC000  }
0x1f0: {  	[tilespmem:s22], [sflag:$0x1] =	stream.indirect.gather [hbm4b:s0+s25], $0x80, s12, s25, $0x2000b8;
	[tilespmem:$0x1D000] =	vst v63  }
0x1f1: {  	_ =	swait.ge [sflag:s30], $0x4000  }
0x1f2: {  	[sflag:s30] =	ssyncset.done $0x0  }
0x1f3: {  	s13 =	simm.s32 $0x880;
	[sflag:s30] =	ssyncadd.s32 $0xFFFFC000  }
0x1f4: {  	[spmem:s3] =	stream.indirect.scatter.add.f32 [tilespmem:s26], [sflag:$0x3], $0x80, s13, s25, $0x2000b8;
	[tilespmem:$0x1D000] =	vst v63  }
0x1f5: {  	_ =	swait.ge [sflag:s23], $0x4000  }
0x1f6: {  	[sflag:s23] =	ssyncset.done $0x0  }
0x1f7: {  	s14 =	simm.s32 $0x180;
	[sflag:s23] =	ssyncadd.s32 $0xFFFFC000  }
0x1f8: {  	[tilespmem:s26], [sflag:$0x2] =	stream.indirect.gather [hbm4b:s0+s25], $0x80, s14, s25, $0x2000b8;
	[tilespmem:$0x1D000] =	vst v63  }
0x1f9: {  	_ =	swait.ge [sflag:s28], $0x4000  }
0x1fa: {  	[sflag:s28] =	ssyncset.done $0x0  }
0x1fb: {  	s5 =	simm.s32 $0x900;
	[sflag:s28] =	ssyncadd.s32 $0xFFFFC000  }
0x1fc: {  	[spmem:s3] =	stream.indirect.scatter.add.f32 [tilespmem:s22], [sflag:$0x3], $0x80, s5, s25, $0x2000b8;
	[tilespmem:$0x1D000] =	vst v63  }
0x1fd: {  	_ =	swait.ge [sflag:s23], $0x4000  }
0x1fe: {  	[sflag:s23] =	ssyncset.done $0x0  }
0x1ff: {  	s6 =	simm.s32 $0x200;
	[sflag:s23] =	ssyncadd.s32 $0xFFFFC000  }
0x200: {  	[tilespmem:s22], [sflag:$0x1] =	stream.indirect.gather [hbm4b:s0+s25], $0x80, s6, s25, $0x2000b8;
	[tilespmem:$0x1D000] =	vst v63  }
0x201: {  	_ =	swait.ge [sflag:s30], $0x4000  }
0x202: {  	[sflag:s30] =	ssyncset.done $0x0  }
0x203: {  	s21 =	simm.s32 $0x980;
	[sflag:s30] =	ssyncadd.s32 $0xFFFFC000  }
0x204: {  	[spmem:s3] =	stream.indirect.scatter.add.f32 [tilespmem:s26], [sflag:$0x3], $0x80, s21, s25, $0x2000b8;
	[tilespmem:$0x1D000] =	vst v63  }
0x205: {  	_ =	swait.ge [sflag:s23], $0x4000  }
0x206: {  	[sflag:s23] =	ssyncset.done $0x0  }
0x207: {  	s29 =	simm.s32 $0x280;
	[sflag:s23] =	ssyncadd.s32 $0xFFFFC000  }
0x208: {  	[tilespmem:s26], [sflag:$0x2] =	stream.indirect.gather [hbm4b:s0+s25], $0x80, s29, s25, $0x2000b8;
	[tilespmem:$0x1D000] =	vst v63  }
0x209: {  	_ =	swait.ge [sflag:s28], $0x4000  }
0x20a: {  	[sflag:s28] =	ssyncset.done $0x0  }
0x20b: {  	s31 =	simm.s32 $0xA00;
	[sflag:s28] =	ssyncadd.s32 $0xFFFFC000  }
0x20c: {  	[spmem:s3] =	stream.indirect.scatter.add.f32 [tilespmem:s22], [sflag:$0x3], $0x80, s31, s25, $0x2000b8;
	[tilespmem:$0x1D000] =	vst v63  }
0x20d: {  	_ =	swait.ge [sflag:s23], $0x4000  }
0x20e: {  	[sflag:s23] =	ssyncset.done $0x0  }
0x20f: {  	s7 =	simm.s32 $0x300;
	[sflag:s23] =	ssyncadd.s32 $0xFFFFC000  }
0x210: {  	[tilespmem:s22], [sflag:$0x1] =	stream.indirect.gather [hbm4b:s0+s25], $0x80, s7, s25, $0x2000b8;
	[tilespmem:$0x1D000] =	vst v63  }
0x211: {  	_ =	swait.ge [sflag:s30], $0x4000  }
0x212: {  	[sflag:s30] =	ssyncset.done $0x0  }
0x213: {  	s9 =	simm.s32 $0xA80;
	[sflag:s30] =	ssyncadd.s32 $0xFFFFC000  }
0x214: {  	[spmem:s3] =	stream.indirect.scatter.add.f32 [tilespmem:s26], [sflag:$0x3], $0x80, s9, s25, $0x2000b8;
	[tilespmem:$0x1D000] =	vst v63  }
0x215: {  	_ =	swait.ge [sflag:s23], $0x4000  }
0x216: {  	[sflag:s23] =	ssyncset.done $0x0  }
0x217: {  	s11 =	simm.s32 $0x380;
	[sflag:s23] =	ssyncadd.s32 $0xFFFFC000  }
0x218: {  	[tilespmem:s26], [sflag:$0x2] =	stream.indirect.gather [hbm4b:s0+s25], $0x80, s11, s25, $0x2000b8;
	[tilespmem:$0x1D000] =	vst v63  }
0x219: {  	_ =	swait.ge [sflag:s28], $0x4000  }
0x21a: {  	[sflag:s28] =	ssyncset.done $0x0  }
0x21b: {  	s12 =	simm.s32 $0xB00;
	[sflag:s28] =	ssyncadd.s32 $0xFFFFC000  }
0x21c: {  	[spmem:s3] =	stream.indirect.scatter.add.f32 [tilespmem:s22], [sflag:$0x3], $0x80, s12, s25, $0x2000b8;
	[tilespmem:$0x1D000] =	vst v63  }
0x21d: {  	_ =	swait.ge [sflag:s23], $0x4000  }
0x21e: {  	[sflag:s23] =	ssyncset.done $0x0  }
0x21f: {  	s1 =	simm.s32 $0x400;
	[sflag:s23] =	ssyncadd.s32 $0xFFFFC000  }
0x220: {  	[tilespmem:s22], [sflag:$0x1] =	stream.indirect.gather [hbm4b:s0+s25], $0x80, s1, s25, $0x2000b8;
	[tilespmem:$0x1D000] =	vst v63  }
0x221: {  	_ =	swait.ge [sflag:s30], $0x4000  }
0x222: {  	[sflag:s30] =	ssyncset.done $0x0  }
0x223: {  	s13 =	simm.s32 $0xB80;
	[sflag:s30] =	ssyncadd.s32 $0xFFFFC000  }
0x224: {  	[spmem:s3] =	stream.indirect.scatter.add.f32 [tilespmem:s26], [sflag:$0x3], $0x80, s13, s25, $0x2000b8;
	[tilespmem:$0x1D000] =	vst v63  }
0x225: {  	_ =	swait.ge [sflag:s23], $0x4000  }
0x226: {  	[sflag:s23] =	ssyncset.done $0x0  }
0x227: {  	s16 =	simm.s32 $0x480;
	[sflag:s23] =	ssyncadd.s32 $0xFFFFC000  }
0x228: {  	[tilespmem:s26], [sflag:$0x2] =	stream.indirect.gather [hbm4b:s0+s25], $0x80, s16, s25, $0x2000b8;
	[tilespmem:$0x1D000] =	vst v63  }
0x229: {  	_ =	swait.ge [sflag:s28], $0x4000  }
0x22a: {  	[sflag:s28] =	ssyncset.done $0x0  }
0x22b: {  	s17 =	simm.s32 $0xC00;
	[sflag:s28] =	ssyncadd.s32 $0xFFFFC000  }
0x22c: {  	[spmem:s3] =	stream.indirect.scatter.add.f32 [tilespmem:s22], [sflag:$0x3], $0x80, s17, s25, $0x2000b8;
	[tilespmem:$0x1D000] =	vst v63  }
0x22d: {  	_ =	swait.ge [sflag:s23], $0x4000  }
0x22e: {  	[sflag:s23] =	ssyncset.done $0x0  }
0x22f: {  	s18 =	simm.s32 $0x500;
	[sflag:s23] =	ssyncadd.s32 $0xFFFFC000  }
0x230: {  	[tilespmem:s22], [sflag:$0x1] =	stream.indirect.gather [hbm4b:s0+s25], $0x80, s18, s25, $0x2000b8;
	[tilespmem:$0x1D000] =	vst v63  }
0x231: {  	_ =	swait.ge [sflag:s30], $0x4000  }
0x232: {  	[sflag:s30] =	ssyncset.done $0x0  }
0x233: {  	s19 =	simm.s32 $0xC80;
	[sflag:s30] =	ssyncadd.s32 $0xFFFFC000  }
0x234: {  	[spmem:s3] =	stream.indirect.scatter.add.f32 [tilespmem:s26], [sflag:$0x3], $0x80, s19, s25, $0x2000b8;
	[tilespmem:$0x1D000] =	vst v63  }
0x235: {  	_ =	swait.ge [sflag:s23], $0x4000  }
0x236: {  	[sflag:s23] =	ssyncset.done $0x0  }
0x237: {  	s19 =	simm.s32 $0x580;
	[sflag:s23] =	ssyncadd.s32 $0xFFFFC000  }
0x238: {  	[tilespmem:s26], [sflag:$0x2] =	stream.indirect.gather [hbm4b:s0+s25], $0x80, s19, s25, $0x2000b8;
	[tilespmem:$0x1D000] =	vst v63  }
0x239: {  	_ =	swait.ge [sflag:s28], $0x4000  }
0x23a: {  	[sflag:s28] =	ssyncset.done $0x0  }
0x23b: {  	s15 =	simm.s32 $0xD00;
	[sflag:s28] =	ssyncadd.s32 $0xFFFFC000  }
0x23c: {  	[spmem:s3] =	stream.indirect.scatter.add.f32 [tilespmem:s22], [sflag:$0x3], $0x80, s15, s25, $0x2000b8;
	[tilespmem:$0x1D000] =	vst v63  }
0x23d: {  	_ =	swait.ge [sflag:s23], $0x4000  }
0x23e: {  	[sflag:s23] =	ssyncset.done $0x0  }
0x23f: {  	s20 =	simm.s32 $0x600;
	[sflag:s23] =	ssyncadd.s32 $0xFFFFC000  }
0x240: {  	[tilespmem:s22], [sflag:$0x1] =	stream.indirect.gather [hbm4b:s0+s25], $0x80, s20, s25, $0x2000b8;
	[tilespmem:$0x1D000] =	vst v63  }
0x241: {  	_ =	swait.ge [sflag:s30], $0x4000  }
0x242: {  	[sflag:s30] =	ssyncset.done $0x0  }
0x243: {  	s24 =	simm.s32 $0xD80;
	[sflag:s30] =	ssyncadd.s32 $0xFFFFC000  }
0x244: {  	[spmem:s3] =	stream.indirect.scatter.add.f32 [tilespmem:s26], [sflag:$0x3], $0x80, s24, s25, $0x2000b8;
	[tilespmem:$0x1D000] =	vst v63  }
0x245: {  	_ =	swait.ge [sflag:s23], $0x4000  }
0x246: {  	[sflag:s23] =	ssyncset.done $0x0  }
0x247: {  	s20 =	simm.s32 $0x680;
	[sflag:s23] =	ssyncadd.s32 $0xFFFFC000  }
0x248: {  	[tilespmem:s26], [sflag:$0x2] =	stream.indirect.gather [hbm4b:s0+s25], $0x80, s20, s25, $0x2000b8;
	[tilespmem:$0x1D000] =	vst v63  }
0x249: {  	_ =	swait.ge [sflag:s28], $0x4000  }
0x24a: {  	[sflag:s28] =	ssyncset.done $0x0  }
0x24b: {  	s24 =	simm.s32 $0xE00;
	[sflag:s28] =	ssyncadd.s32 $0xFFFFC000  }
0x24c: {  	[spmem:s3] =	stream.indirect.scatter.add.f32 [tilespmem:s22], [sflag:$0x3], $0x80, s24, s25, $0x2000b8;
	[tilespmem:$0x1D000] =	vst v63  }
0x24d: {  	_ =	swait.ge [sflag:s23], $0x4000  }
0x24e: {  	[sflag:s23] =	ssyncset.done $0x0  }
0x24f: {  	s12 =	simm.s32 $0x700;
	[sflag:s23] =	ssyncadd.s32 $0xFFFFC000  }
0x250: {  	[tilespmem:s22], [sflag:$0x1] =	stream.indirect.gather [hbm4b:s0+s25], $0x80, s12, s25, $0x2000b8;
	[tilespmem:$0x1D000] =	vst v63  }
0x251: {  	_ =	swait.ge [sflag:s30], $0x4000  }
0x252: {  	[sflag:s30] =	ssyncset.done $0x0  }
0x253: {  	s13 =	simm.s32 $0xE80;
	[sflag:s30] =	ssyncadd.s32 $0xFFFFC000  }
0x254: {  	[spmem:s3] =	stream.indirect.scatter.add.f32 [tilespmem:s26], [sflag:$0x3], $0x80, s13, s25, $0x2000b8;
	[tilespmem:$0x1D000] =	vst v63  }
0x255: {  	_ =	swait.ge [sflag:s23], $0x4000  }
0x256: {  	[sflag:s23] =	ssyncset.done $0x0  }
0x257: {  	s11 =	simm.s32 $0x780;
	[sflag:s23] =	ssyncadd.s32 $0xFFFFC000  }
0x258: {  	[tilespmem:s26], [sflag:$0x2] =	stream.indirect.gather [hbm4b:s0+s25], $0x80, s11, s25, $0x2000b8;
	[tilespmem:$0x1D000] =	vst v63  }
0x259: {  	_ =	swait.ge [sflag:s28], $0x4000  }
0x25a: {  	[sflag:s28] =	ssyncset.done $0x0  }
0x25b: {  	s11 =	simm.s32 $0xF00;
	[sflag:s28] =	ssyncadd.s32 $0xFFFFC000  }
0x25c: {  	[spmem:s3] =	stream.indirect.scatter.add.f32 [tilespmem:s22], [sflag:$0x3], $0x80, s11, s25, $0x2000b8;
	[tilespmem:$0x1D000] =	vst v63  }
0x25d: {  	_ =	swait.ge [sflag:s23], $0x4000  }
0x25e: {  	[sflag:s23] =	ssyncset.done $0x0  }
0x25f: {  	[sflag:s23] =	ssyncadd.s32 $0xFFFFC000  }
0x260: {  	_ =	swait.ge [sflag:s30], $0x4000  }
0x261: {  	[sflag:s30] =	ssyncset.done $0x0  }
0x262: {  	s11 =	simm.s32 $0xF80;
	[sflag:s30] =	ssyncadd.s32 $0xFFFFC000  }
0x263: {  	[spmem:s3] =	stream.indirect.scatter.add.f32 [tilespmem:s26], [sflag:$0x3], $0x80, s11, s25, $0x2000b8;
	[tilespmem:$0x1D000] =	vst v63  }
0x264: {  	_ =	swait.ge [sflag:s23], $0x4000  }
0x265: {  	[sflag:s23] =	ssyncset.done $0x0  }
0x266: {  	s11 =	rddreg [dreg:$0x11];
	[sflag:s23] =	ssyncadd.s32 $0xFFFFC000  }
0x267: {  	[tilespmem:s8], [sflag:$0x3] =	stream.linear.gather [hbm4b:s11+s8], $0x800, $0x200038;
	[tilespmem:$0x1D000] =	vst v63  }
0x268: {  	_ =	swait.ge [sflag:s23], $0x800  }
0x269: {  	[sflag:s23] =	ssyncset.done $0x0  }
0x26a: {  	s11 =	rddreg [dreg:$0x12];
	[sflag:s23] =	ssyncadd.s32 $0xFFFFF800  }
0x26b: {  	[tilespmem:s2], [sflag:$0x3] =	stream.linear.gather [hbm4b:s11+s8], $0x800, $0x200038;
	[tilespmem:$0x1D000] =	vst v63  }
0x26c: {  	_ =	swait.ge [sflag:s23], $0x800  }
0x26d: {  	[sflag:s23] =	ssyncset.done $0x0  }
0x26e: {  	[sflag:s23] =	ssyncadd.s32 $0xFFFFF800  }
0x26f: {  	[tilespmem:s22], [sflag:$0x1] =	stream.indirect.gather [hbm4b:s0+s25], $0x80, s8, s25, $0x2000b8;
	[tilespmem:$0x1D000] =	vst v63  }
0x270: {  	_ = 	snop  }
0x271: {  	[tilespmem:s26], [sflag:$0x2] =	stream.indirect.gather [hbm4b:s0+s25], $0x80, s25, s25, $0x2000b8;
	[tilespmem:$0x1D000] =	vst v63  }
0x272: {  	_ =	swait.ge [sflag:s28], $0x4000  }
0x273: {  	[sflag:s28] =	ssyncset.done $0x0  }
0x274: {  	[sflag:s28] =	ssyncadd.s32 $0xFFFFC000  }
0x275: {  	[spmem:s3] =	stream.indirect.scatter.add.f32 [tilespmem:s22], [sflag:$0x3], $0x80, s2, s25, $0x2000b8;
	[tilespmem:$0x1D000] =	vst v63  }
0x276: {  	_ =	swait.ge [sflag:s23], $0x4000  }
0x277: {  	[sflag:s23] =	ssyncset.done $0x0  }
0x278: {  	s11 =	simm.s32 $0x100;
	[sflag:s23] =	ssyncadd.s32 $0xFFFFC000  }
0x279: {  	[tilespmem:s22], [sflag:$0x1] =	stream.indirect.gather [hbm4b:s0+s25], $0x80, s11, s25, $0x2000b8;
	[tilespmem:$0x1D000] =	vst v63  }
0x27a: {  	_ =	swait.ge [sflag:s30], $0x4000  }
0x27b: {  	[sflag:s30] =	ssyncset.done $0x0  }
0x27c: {  	s11 =	simm.s32 $0x880;
	[sflag:s30] =	ssyncadd.s32 $0xFFFFC000  }
0x27d: {  	[spmem:s3] =	stream.indirect.scatter.add.f32 [tilespmem:s26], [sflag:$0x3], $0x80, s11, s25, $0x2000b8;
	[tilespmem:$0x1D000] =	vst v63  }
0x27e: {  	_ =	swait.ge [sflag:s23], $0x4000  }
0x27f: {  	[sflag:s23] =	ssyncset.done $0x0  }
0x280: {  	s11 =	simm.s32 $0x180;
	[sflag:s23] =	ssyncadd.s32 $0xFFFFC000  }
0x281: {  	[tilespmem:s26], [sflag:$0x2] =	stream.indirect.gather [hbm4b:s0+s25], $0x80, s11, s25, $0x2000b8;
	[tilespmem:$0x1D000] =	vst v63  }
0x282: {  	_ =	swait.ge [sflag:s28], $0x4000  }
0x283: {  	[sflag:s28] =	ssyncset.done $0x0  }
0x284: {  	s11 =	simm.s32 $0x900;
	[sflag:s28] =	ssyncadd.s32 $0xFFFFC000  }
0x285: {  	[spmem:s3] =	stream.indirect.scatter.add.f32 [tilespmem:s22], [sflag:$0x3], $0x80, s11, s25, $0x2000b8;
	[tilespmem:$0x1D000] =	vst v63  }
0x286: {  	_ =	swait.ge [sflag:s23], $0x4000  }
0x287: {  	[sflag:s23] =	ssyncset.done $0x0  }
0x288: {  	s11 =	simm.s32 $0x200;
	[sflag:s23] =	ssyncadd.s32 $0xFFFFC000  }
0x289: {  	[tilespmem:s22], [sflag:$0x1] =	stream.indirect.gather [hbm4b:s0+s25], $0x80, s11, s25, $0x2000b8;
	[tilespmem:$0x1D000] =	vst v63  }
0x28a: {  	_ =	swait.ge [sflag:s30], $0x4000  }
0x28b: {  	[sflag:s30] =	ssyncset.done $0x0  }
0x28c: {  	s4 =	simm.s32 $0x980;
	[sflag:s30] =	ssyncadd.s32 $0xFFFFC000  }
0x28d: {  	[spmem:s3] =	stream.indirect.scatter.add.f32 [tilespmem:s26], [sflag:$0x3], $0x80, s4, s25, $0x2000b8;
	[tilespmem:$0x1D000] =	vst v63  }
0x28e: {  	_ =	swait.ge [sflag:s23], $0x4000  }
0x28f: {  	[sflag:s23] =	ssyncset.done $0x0  }
0x290: {  	s21 =	simm.s32 $0x280;
	[sflag:s23] =	ssyncadd.s32 $0xFFFFC000  }
0x291: {  	[tilespmem:s26], [sflag:$0x2] =	stream.indirect.gather [hbm4b:s0+s25], $0x80, s21, s25, $0x2000b8;
	[tilespmem:$0x1D000] =	vst v63  }
0x292: {  	_ =	swait.ge [sflag:s28], $0x4000  }
0x293: {  	[sflag:s28] =	ssyncset.done $0x0  }
0x294: {  	s29 =	simm.s32 $0xA00;
	[sflag:s28] =	ssyncadd.s32 $0xFFFFC000  }
0x295: {  	[spmem:s3] =	stream.indirect.scatter.add.f32 [tilespmem:s22], [sflag:$0x3], $0x80, s29, s25, $0x2000b8;
	[tilespmem:$0x1D000] =	vst v63  }
0x296: {  	_ =	swait.ge [sflag:s23], $0x4000  }
0x297: {  	[sflag:s23] =	ssyncset.done $0x0  }
0x298: {  	s31 =	simm.s32 $0x300;
	[sflag:s23] =	ssyncadd.s32 $0xFFFFC000  }
0x299: {  	[tilespmem:s22], [sflag:$0x1] =	stream.indirect.gather [hbm4b:s0+s25], $0x80, s31, s25, $0x2000b8;
	[tilespmem:$0x1D000] =	vst v63  }
0x29a: {  	_ =	swait.ge [sflag:s30], $0x4000  }
0x29b: {  	[sflag:s30] =	ssyncset.done $0x0  }
0x29c: {  	s11 =	simm.s32 $0xA80;
	[sflag:s30] =	ssyncadd.s32 $0xFFFFC000  }
0x29d: {  	[spmem:s3] =	stream.indirect.scatter.add.f32 [tilespmem:s26], [sflag:$0x3], $0x80, s11, s25, $0x2000b8;
	[tilespmem:$0x1D000] =	vst v63  }
0x29e: {  	_ =	swait.ge [sflag:s23], $0x4000  }
0x29f: {  	[sflag:s23] =	ssyncset.done $0x0  }
0x2a0: {  	s5 =	simm.s32 $0x380;
	[sflag:s23] =	ssyncadd.s32 $0xFFFFC000  }
0x2a1: {  	[tilespmem:s26], [sflag:$0x2] =	stream.indirect.gather [hbm4b:s0+s25], $0x80, s5, s25, $0x2000b8;
	[tilespmem:$0x1D000] =	vst v63  }
0x2a2: {  	_ =	swait.ge [sflag:s28], $0x4000  }
0x2a3: {  	[sflag:s28] =	ssyncset.done $0x0  }
0x2a4: {  	s6 =	simm.s32 $0xB00;
	[sflag:s28] =	ssyncadd.s32 $0xFFFFC000  }
0x2a5: {  	[spmem:s3] =	stream.indirect.scatter.add.f32 [tilespmem:s22], [sflag:$0x3], $0x80, s6, s25, $0x2000b8;
	[tilespmem:$0x1D000] =	vst v63  }
0x2a6: {  	_ =	swait.ge [sflag:s23], $0x4000  }
0x2a7: {  	[sflag:s23] =	ssyncset.done $0x0  }
0x2a8: {  	s14 =	simm.s32 $0x400;
	[sflag:s23] =	ssyncadd.s32 $0xFFFFC000  }
0x2a9: {  	[tilespmem:s22], [sflag:$0x1] =	stream.indirect.gather [hbm4b:s0+s25], $0x80, s14, s25, $0x2000b8;
	[tilespmem:$0x1D000] =	vst v63  }
0x2aa: {  	_ =	swait.ge [sflag:s30], $0x4000  }
0x2ab: {  	[sflag:s30] =	ssyncset.done $0x0  }
0x2ac: {  	s9 =	simm.s32 $0xB80;
	[sflag:s30] =	ssyncadd.s32 $0xFFFFC000  }
0x2ad: {  	[spmem:s3] =	stream.indirect.scatter.add.f32 [tilespmem:s26], [sflag:$0x3], $0x80, s9, s25, $0x2000b8;
	[tilespmem:$0x1D000] =	vst v63  }
0x2ae: {  	_ =	swait.ge [sflag:s23], $0x4000  }
0x2af: {  	[sflag:s23] =	ssyncset.done $0x0  }
0x2b0: {  	s7 =	simm.s32 $0x480;
	[sflag:s23] =	ssyncadd.s32 $0xFFFFC000  }
0x2b1: {  	[tilespmem:s26], [sflag:$0x2] =	stream.indirect.gather [hbm4b:s0+s25], $0x80, s7, s25, $0x2000b8;
	[tilespmem:$0x1D000] =	vst v63  }
0x2b2: {  	_ =	swait.ge [sflag:s28], $0x4000  }
0x2b3: {  	[sflag:s28] =	ssyncset.done $0x0  }
0x2b4: {  	s16 =	simm.s32 $0xC00;
	[sflag:s28] =	ssyncadd.s32 $0xFFFFC000  }
0x2b5: {  	[spmem:s3] =	stream.indirect.scatter.add.f32 [tilespmem:s22], [sflag:$0x3], $0x80, s16, s25, $0x2000b8;
	[tilespmem:$0x1D000] =	vst v63  }
0x2b6: {  	_ =	swait.ge [sflag:s23], $0x4000  }
0x2b7: {  	[sflag:s23] =	ssyncset.done $0x0  }
0x2b8: {  	s17 =	simm.s32 $0x500;
	[sflag:s23] =	ssyncadd.s32 $0xFFFFC000  }
0x2b9: {  	[tilespmem:s22], [sflag:$0x1] =	stream.indirect.gather [hbm4b:s0+s25], $0x80, s17, s25, $0x2000b8;
	[tilespmem:$0x1D000] =	vst v63  }
0x2ba: {  	_ =	swait.ge [sflag:s30], $0x4000  }
0x2bb: {  	[sflag:s30] =	ssyncset.done $0x0  }
0x2bc: {  	s18 =	simm.s32 $0xC80;
	[sflag:s30] =	ssyncadd.s32 $0xFFFFC000  }
0x2bd: {  	[spmem:s3] =	stream.indirect.scatter.add.f32 [tilespmem:s26], [sflag:$0x3], $0x80, s18, s25, $0x2000b8;
	[tilespmem:$0x1D000] =	vst v63  }
0x2be: {  	_ =	swait.ge [sflag:s23], $0x4000  }
0x2bf: {  	[sflag:s23] =	ssyncset.done $0x0  }
0x2c0: {  	s16 =	simm.s32 $0x580;
	[sflag:s23] =	ssyncadd.s32 $0xFFFFC000  }
0x2c1: {  	[tilespmem:s26], [sflag:$0x2] =	stream.indirect.gather [hbm4b:s0+s25], $0x80, s16, s25, $0x2000b8;
	[tilespmem:$0x1D000] =	vst v63  }
0x2c2: {  	_ =	swait.ge [sflag:s28], $0x4000  }
0x2c3: {  	[sflag:s28] =	ssyncset.done $0x0  }
0x2c4: {  	s1 =	simm.s32 $0xD00;
	[sflag:s28] =	ssyncadd.s32 $0xFFFFC000  }
0x2c5: {  	[spmem:s3] =	stream.indirect.scatter.add.f32 [tilespmem:s22], [sflag:$0x3], $0x80, s1, s25, $0x2000b8;
	[tilespmem:$0x1D000] =	vst v63  }
0x2c6: {  	_ =	swait.ge [sflag:s23], $0x4000  }
0x2c7: {  	[sflag:s23] =	ssyncset.done $0x0  }
0x2c8: {  	s15 =	simm.s32 $0x600;
	[sflag:s23] =	ssyncadd.s32 $0xFFFFC000  }
0x2c9: {  	[tilespmem:s22], [sflag:$0x1] =	stream.indirect.gather [hbm4b:s0+s25], $0x80, s15, s25, $0x2000b8;
	[tilespmem:$0x1D000] =	vst v63  }
0x2ca: {  	_ =	swait.ge [sflag:s30], $0x4000  }
0x2cb: {  	[sflag:s30] =	ssyncset.done $0x0  }
0x2cc: {  	s19 =	simm.s32 $0xD80;
	[sflag:s30] =	ssyncadd.s32 $0xFFFFC000  }
0x2cd: {  	[spmem:s3] =	stream.indirect.scatter.add.f32 [tilespmem:s26], [sflag:$0x3], $0x80, s19, s25, $0x2000b8;
	[tilespmem:$0x1D000] =	vst v63  }
0x2ce: {  	_ =	swait.ge [sflag:s23], $0x4000  }
0x2cf: {  	[sflag:s23] =	ssyncset.done $0x0  }
0x2d0: {  	s20 =	simm.s32 $0x680;
	[sflag:s23] =	ssyncadd.s32 $0xFFFFC000  }
0x2d1: {  	[tilespmem:s26], [sflag:$0x2] =	stream.indirect.gather [hbm4b:s0+s25], $0x80, s20, s25, $0x2000b8;
	[tilespmem:$0x1D000] =	vst v63  }
0x2d2: {  	_ =	swait.ge [sflag:s28], $0x4000  }
0x2d3: {  	[sflag:s28] =	ssyncset.done $0x0  }
0x2d4: {  	s24 =	simm.s32 $0xE00;
	[sflag:s28] =	ssyncadd.s32 $0xFFFFC000  }
0x2d5: {  	[spmem:s3] =	stream.indirect.scatter.add.f32 [tilespmem:s22], [sflag:$0x3], $0x80, s24, s25, $0x2000b8;
	[tilespmem:$0x1D000] =	vst v63  }
0x2d6: {  	_ =	swait.ge [sflag:s23], $0x4000  }
0x2d7: {  	[sflag:s23] =	ssyncset.done $0x0  }
0x2d8: {  	s12 =	simm.s32 $0x700;
	[sflag:s23] =	ssyncadd.s32 $0xFFFFC000  }
0x2d9: {  	[tilespmem:s22], [sflag:$0x1] =	stream.indirect.gather [hbm4b:s0+s25], $0x80, s12, s25, $0x2000b8;
	[tilespmem:$0x1D000] =	vst v63  }
0x2da: {  	_ =	swait.ge [sflag:s30], $0x4000  }
0x2db: {  	[sflag:s30] =	ssyncset.done $0x0  }
0x2dc: {  	s13 =	simm.s32 $0xE80;
	[sflag:s30] =	ssyncadd.s32 $0xFFFFC000  }
0x2dd: {  	[spmem:s3] =	stream.indirect.scatter.add.f32 [tilespmem:s26], [sflag:$0x3], $0x80, s13, s25, $0x2000b8;
	[tilespmem:$0x1D000] =	vst v63  }
0x2de: {  	_ =	swait.ge [sflag:s23], $0x4000  }
0x2df: {  	[sflag:s23] =	ssyncset.done $0x0  }
0x2e0: {  	s17 =	simm.s32 $0x780;
	[sflag:s23] =	ssyncadd.s32 $0xFFFFC000  }
0x2e1: {  	[tilespmem:s26], [sflag:$0x2] =	stream.indirect.gather [hbm4b:s0+s25], $0x80, s17, s25, $0x2000b8;
	[tilespmem:$0x1D000] =	vst v63  }
0x2e2: {  	_ =	swait.ge [sflag:s28], $0x4000  }
0x2e3: {  	[sflag:s28] =	ssyncset.done $0x0  }
0x2e4: {  	s18 =	simm.s32 $0xF00;
	[sflag:s28] =	ssyncadd.s32 $0xFFFFC000  }
0x2e5: {  	[spmem:s3] =	stream.indirect.scatter.add.f32 [tilespmem:s22], [sflag:$0x3], $0x80, s18, s25, $0x2000b8;
	[tilespmem:$0x1D000] =	vst v63  }
0x2e6: {  	_ =	swait.ge [sflag:s23], $0x4000  }
0x2e7: {  	[sflag:s23] =	ssyncset.done $0x0  }
0x2e8: {  	[sflag:s23] =	ssyncadd.s32 $0xFFFFC000  }
0x2e9: {  	_ =	swait.ge [sflag:s30], $0x4000  }
0x2ea: {  	[sflag:s30] =	ssyncset.done $0x0  }
0x2eb: {  	s19 =	simm.s32 $0xF80;
	[sflag:s30] =	ssyncadd.s32 $0xFFFFC000  }
0x2ec: {  	[spmem:s3] =	stream.indirect.scatter.add.f32 [tilespmem:s26], [sflag:$0x3], $0x80, s19, s25, $0x2000b8;
	[tilespmem:$0x1D000] =	vst v63  }
0x2ed: {  	_ =	swait.ge [sflag:s23], $0x4000  }
0x2ee: {  	[sflag:s23] =	ssyncset.done $0x0  }
0x2ef: {  	[sflag:s23] =	ssyncadd.s32 $0xFFFFC000  }
0x2f0: {  	_ =	strace $0x90000049  }
0x2f1: {  	_ =	strace $0x8000004A  }
0x2f2: {  	s20 =	stileid.u32;
	[bflag:$0x0] =	sbarrier.arrive $0xFFFF  }
0x2f3: {  	s11 =	sshll.u32 s20, $0x6;
	s21 =	rddreg [dreg:$0x4]  }
0x2f4: {  	s11 =	sor.u32 $0x1C03, s11;
	s29 =	rddreg [dreg:$0x13];
	s24 =	sshrl.u32 s21, $0x3  }
0x2f5: {  	[hbm:s29], [sflag:s11] =	dma.local [spmem:s24], $0x2800  }
0x2f6: {  	_ =	swait.ge [sflag:s23], $0x2800  }
0x2f7: {  	s10 =	sadd.s32 $0x1, s10;
	s31 =	rddreg [dreg:$0x14]  }
0x2f8: {  	p0 =	sne.s32 s10, s31  }
.Ltmp1:
0x2f9: {  	_ = 	snop;
	(pc) =	sbr.rel @p0 .LBB2_1-.Ltmp1, $4  }
0x2fa: {  	_ = 	snop  }
0x2fb: {  	[sflag:s23] =	ssyncset.done $0x0  }
0x2fc: {  	[sflag:s23] =	ssyncadd.s32 $0xFFFFD800  }
0x2fd: {  	_ =	strace $0x9000004A  }
0x2fe: {  	_ =	sfence.sel $0x180000  }
0x2ff: {  	[bflag:$0x0] =	sbarrier.arrive $0xFFFF  }
0x300: {  	_ =	strace $0x90000047  }
0x301: {  	s0 =	stileid.u32;
	[bflag:$0x2] =	sbarrier.arrive $0xFFFF  }
0x302: {  	p0 =	sne.s32 s0, $0x0;
	s0 =	rddreg [dreg:$0x3]  }
0x303: {  	s0 =	sadd.s32 @!p0 $0x100000, s0  }
0x304: {  	[sflag:s0] =	ssyncadd.tile.s32 @!p0 $0x1;
	_ =	shalt  }
.Lfunc_end2:
_tile_overlayer_lowered:
.L_overlay_start_2:
0x305: {  	(tag) =	ssettag $0x2  }
0x306: {  	s0 =	rddreg [dreg:$0x0];
	s2 =	stileid.u32  }
0x307: {  	s1 =	rddreg [dreg:$0x1];
	p0 =	sne.s32 s2, $0x0  }
0x308: {  	s3 =	rddreg [dreg:$0x2];
	[bflag:$0x3] =	sbarrier.arrive $0xFFFF;
	s2 =	simm.s32 @!p0 $0x1C03  }
0x309: {  	[timem:s3], [sflag:s2] =	dma.local @!p0 [hbm:s0], s1  }
0x30a: {  	s0 =	simm.s32 @!p0 $0x3  }
0x30b: {  	_ =	swait.ge @!p0 [sflag:s0], s1  }
0x30c: {  	s1 =	ssub.s32 @!p0 $0x0, s1;
	[sflag:s0] =	ssyncset.done @!p0 $0x0  }
0x30d: {  	[sflag:s0] =	ssyncadd.s32 @!p0 s1  }
0x30e: {  	[bflag:$0x3] =	sbarrier.arrive $0xFFFF  }
0x30f: {  	_ =	shalt  }

// kernel: kernel.9.cloned.1.call-start
scs
__scs_entry_jumppad:
0x0: {  	(pc) =	sbr.rel $0x88, $3  }
0x1: {  	(tag) =	ssettag $0x0;
	lr =	simm.s32 $0x1  }
0x2: {  	[smem:$0x3F93] =	sst lr;
	_ =	strace $0xD0000000  }
0x3: {  	_ = 	snop  }
0x4: {  	_ = 	snop  }
0x5: {  	_ = 	snop  }
0x6: {  	_ = 	snop  }
0x7: {  	_ = 	snop  }
__scs_overlays_trampoline_lowered:
0x8: {  	[smem:$0x3FA2] =	sst s0  }
0x9: {  	[smem:$0x3FA3] =	sst s1  }
0xa: {  	[smem:$0x3FA4] =	sst s2  }
0xb: {  	[smem:$0x3FA5] =	sst s3  }
0xc: {  	[smem:$0x3FA6] =	sst s4  }
0xd: {  	[smem:$0x3FA7] =	sst s5  }
0xe: {  	[smem:$0x3FA8] =	sst s6  }
0xf: {  	[smem:$0x3FA9] =	sst s7  }
0x10: {  	[smem:$0x3FAA] =	sst s8  }
0x11: {  	[smem:$0x3FAB] =	sst s9;
	s0 =	simm.s32 @!p0 $0x0  }
0x12: {  	s1 =	sld [smem:$0x3F91];
	s0 =	simm.s32 @p0 $0x1  }
0x13: {  	[smem:$0x3FAC] =	sst s0;
	s0 =	simm.s32 @!p1 $0x0  }
0x14: {  	s2 =	sld [smem:$0x3F90];
	s0 =	simm.s32 @p1 $0x1  }
0x15: {  	[smem:$0x3FAD] =	sst s0;
	s0 =	simm.s32 @!p2 $0x0  }
0x16: {  	s3 =	sld [smem:$0x3FDB];
	s0 =	simm.s32 @p2 $0x1  }
0x17: {  	s4 =	simm.s32 $0x1BF5;
	[smem:$0x3FAF] =	sst s0  }
0x18: {  	s0 =	sld [smem:$0x3F92];
	_ =	swait.ge [sflag:s4], $0x0  }
0x19: {  	s7 =	sld [smem:$0x3F93]  }
0x1a: {  	s8 =	sadd.s32 $0xFFFFE003, lr  }
0x1b: {  	s9 =	sadd.s32 $0xFFFFFEF7, lr;
	s5 =	simm.s32 $0xFFFFFFFF;
	p2 =	slt.u32 s8, $0xFFFFF086  }
0x1c: {  	p1 =	slt.u32 s9, $0xF7A;
	s5 =	simm.s32 @!p2 $0x0  }
0x1d: {  	s5 =	simm.s32 @p1 $0x1;
	p0 =	seq.s32 s7, s2  }
0x1e: {  	s7 =	smul.u32 @!p0 $0xF7A, s2;
	p2 =	seq.s32 @!p0 s5, $0x0  }
0x1f: {  	s9 =	smul.u32 $0xF7A, s1;
	s8 =	simm.s32 @!p0 $0x1BF5;
	p2 =	por !p2, p0  }
0x20: {  	[sflag:s8] =	ssyncset.s32 @!p0 $0xFFFFF086;
	s6 =	sadd.s32 @!p0 s3, s7;
	s7 =	simm.s32 @!p0 $0x108  }
0x21: {  	s3 =	sadd.s32 s3, s9;
	s6 =	sadd.s32 @!p0 $0x88, s6;
	s7 =	simm.s32 @p2 $0x1082  }
0x22: {  	[simem:s7], [sflag:s8] =	dma.local @!p0 [hbm:s6], $0xF7A  }
0x23: {  	s9 =	sor.u32 $0xD0000000, s2;
	s6 =	simm.s32 $0x108;
	_ =	swait.ge @!p0 [sflag:s8], $0x0  }
0x24: {  	s3 =	sadd.s32 $0x88, s3;
	s6 =	simm.s32 @!p1 $0x1082;
	[sflag:s4] =	ssyncset.s32 $0xFFFFF086  }
0x25: {  	[simem:s6], [sflag:s4] =	dma.local [hbm:s3], $0xF7A  }
0x26: {  	[smem:$0x3F93] =	sst s1;
	(tag) =	ssettag s2;
	_ =	strace s9  }
0x27: {  	s1 =	sld [smem:$0x3FA3]  }
0x28: {  	s2 =	sld [smem:$0x3FA4]  }
0x29: {  	s4 =	sld [smem:$0x3FA6]  }
0x2a: {  	p0 =	seq.s32 s5, $0x0;
	s5 =	sld [smem:$0x3FA7]  }
0x2b: {  	s6 =	sld [smem:$0x3FA8]  }
0x2c: {  	s7 =	sld [smem:$0x3FA9]  }
0x2d: {  	s3 =	simm.s32 $0x108;
	s8 =	sld [smem:$0x3FAA]  }
0x2e: {  	s3 =	simm.s32 @!p0 $0x1082;
	s9 =	sld [smem:$0x3FAB]  }
0x2f: {  	lr =	sadd.s32 s0, s3;
	s0 =	sld [smem:$0x3FA2]  }
0x30: {  	s3 =	sld [smem:$0x3FA5]  }
0x31: {  	[smem:$0x3FAE] =	sst s10  }
0x32: {  	s10 =	sld [smem:$0x3FAC];
	_ =	sdelay $0x3  }
0x33: {  	p0 =	seq.s32 s10, $0x1;
	s10 =	sld [smem:$0x3FAE];
	_ =	sdelay $0x3  }
0x34: {  	[smem:$0x3FAE] =	sst s10  }
0x35: {  	s10 =	sld [smem:$0x3FAD];
	_ =	sdelay $0x3  }
0x36: {  	p1 =	seq.s32 s10, $0x1;
	s10 =	sld [smem:$0x3FAE];
	_ =	sdelay $0x3  }
0x37: {  	[smem:$0x3FAE] =	sst s10  }
0x38: {  	s10 =	sld [smem:$0x3FAF]  }
0x39: {  	_ = 	snop;
	(pc) =	sbr.ind lr, $3  }
0x3a: {  	_ = 	snop  }
0x3b: {  	_ = 	snop  }
0x3c: {  	p2 =	seq.s32 s10, $0x1;
	s10 =	sld [smem:$0x3FAE]  }
0x3d: {  	_ =	shalt  }
0x3e: {  	_ =	shalt  }
0x3f: {  	_ =	shalt  }
0x40: {  	_ =	shalt  }
0x41: {  	_ =	shalt  }
0x42: {  	_ =	shalt  }
0x43: {  	_ =	shalt  }
0x44: {  	_ =	shalt  }
0x45: {  	_ =	shalt  }
0x46: {  	_ =	shalt  }
0x47: {  	_ =	shalt  }
0x48: {  	_ =	shalt  }
0x49: {  	_ =	shalt  }
0x4a: {  	_ =	shalt  }
0x4b: {  	_ =	shalt  }
0x4c: {  	_ =	shalt  }
0x4d: {  	_ =	shalt  }
0x4e: {  	_ =	shalt  }
0x4f: {  	_ =	shalt  }
0x50: {  	_ =	shalt  }
0x51: {  	_ =	shalt  }
0x52: {  	_ =	shalt  }
0x53: {  	_ =	shalt  }
0x54: {  	_ =	shalt  }
0x55: {  	_ =	shalt  }
0x56: {  	_ =	shalt  }
0x57: {  	_ =	shalt  }
0x58: {  	_ =	shalt  }
0x59: {  	_ =	shalt  }
0x5a: {  	_ =	shalt  }
0x5b: {  	_ =	shalt  }
0x5c: {  	_ =	shalt  }
0x5d: {  	_ =	shalt  }
0x5e: {  	_ =	shalt  }
0x5f: {  	_ =	shalt  }
0x60: {  	_ =	shalt  }
0x61: {  	_ =	shalt  }
0x62: {  	_ =	shalt  }
0x63: {  	_ =	shalt  }
0x64: {  	_ =	shalt  }
0x65: {  	_ =	shalt  }
0x66: {  	_ =	shalt  }
0x67: {  	_ =	shalt  }
0x68: {  	_ =	shalt  }
0x69: {  	_ =	shalt  }
0x6a: {  	_ =	shalt  }
0x6b: {  	_ =	shalt  }
0x6c: {  	_ =	shalt  }
0x6d: {  	_ =	shalt  }
0x6e: {  	_ =	shalt  }
0x6f: {  	_ =	shalt  }
0x70: {  	_ =	shalt  }
0x71: {  	_ =	shalt  }
0x72: {  	_ =	shalt  }
0x73: {  	_ =	shalt  }
0x74: {  	_ =	shalt  }
0x75: {  	_ =	shalt  }
0x76: {  	_ =	shalt  }
0x77: {  	_ =	shalt  }
0x78: {  	_ =	shalt  }
0x79: {  	_ =	shalt  }
0x7a: {  	_ =	shalt  }
0x7b: {  	_ =	shalt  }
0x7c: {  	_ =	shalt  }
0x7d: {  	_ =	shalt  }
0x7e: {  	_ =	shalt  }
0x7f: {  	_ =	shalt  }
0x80: {  	_ =	shalt  }
0x81: {  	_ =	shalt  }
0x82: {  	_ =	shalt  }
0x83: {  	_ =	shalt  }
0x84: {  	_ =	shalt  }
0x85: {  	_ =	shalt  }
0x86: {  	_ =	shalt  }
0x87: {  	_ =	shalt  }
.Lfunc_end0:
.L_simem_size_0:
called_computation.1_lowered:
.L_overlay_start_0:
0x88: {  	s2 =	sld [smem:$0x3FD9]  }
0x89: {  	s3 =	sld [smem:$0x3FFE];
	_ =	sdelay $0x1  }
0x8a: {  	s1 =	srdreg.scid  }
0x8b: {  	s0 =	sand.u32 $0x1, s1  }
0x8c: {  	s16 =	sshll.u32 s0, $0xA;
	s2 =	sadd.s32 s3, s2  }
0x8d: {  	s2 =	sadd.s32 s2, s16  }
0x8e: {  	[smem:$0x3FBA] =	sst s2  }
0x8f: {  	_ = 	snop  }
0x90: {  	(tm) =	ssettm $0x1  }
0x91: {  	s17 =	sld [smem:$0x3FFB];
	_ =	sdelay $0x3  }
0x92: {  	_ =	strace s17  }
0x93: {  	s2 =	sld [smem:$0x3FFC];
	_ =	sdelay $0x3  }
0x94: {  	_ =	strace s2  }
0x95: {  	s2 =	sld [smem:$0x3FFD];
	_ =	sdelay $0x3  }
0x96: {  	_ =	strace s2  }
0x97: {  	_ =	strace $0x8FFFFFFF  }
0x98: {  	s18 =	sld [smem:$0x3FDB];
	_ =	sdelay $0x1  }
0x99: {  	s19 =	simm.s32 $_scs_section_size  }
0x9a: {  	s4 =	simm.s32 $_size__tile_overlayer_lowered;
	s5 =	simm.s32 $_tile_overlayer_lowered  }
0x9b: {  	s22 =	simm.s32 $0x1BFF;
	s21 =	sshll.u32 s5, $0x1;
	s2 =	sadd.s32 s19, s18  }
0x9c: {  	s6 =	simm.s32 $0x0;
	s20 =	sshll.u32 s4, $0x1;
	s4 =	sadd.s32 s21, s2  }
0x9d: {  	[timem:s6], [sflag:s22] =	dma.local [hbm:s4], s20  }
0x9e: {  	_ =	swait.ge [sflag:s22], s20  }
0x9f: {  	s3 =	ssub.s32 $0x0, s20;
	[sflag:s22] =	ssyncset.done $0x0  }
0xa0: {  	[sflag:s22] =	ssyncadd.s32 s3;
	_ =	sdelay $0x1  }
0xa1: {  	s23 =	simm.s32 $0x1B8B  }
0xa2: {  	_ =	swait.ge [sflag:s23], $0x1  }
0xa3: {  	[sflag:s23] =	ssyncset.done $0x0  }
0xa4: {  	s25 =	simm.s32 $0x1B8E;
	s24 =	sld [smem:$0x3FFE];
	[sflag:s23] =	ssyncadd.s32 $0xFFFFFFFF  }
0xa5: {  	s26 =	simm.s32 $execute0_lowered;
	[smem:$0x3FD2] =	sst s25  }
0xa6: {  	s4 =	sshll.u32 s26, $0x1;
	_ =	strace $0x8000004C;
	[dreg:$0x1] =	wrdreg $0xFFFFFFFF  }
0xa7: {  	s28 =	simm.s32 $_size_execute0_lowered;
	s2 =	sadd.s32 s2, s4;
	[dreg:$0x0] =	wrdreg $0x0  }
0xa8: {  	s4 =	sshll.u32 s28, $0x1;
	[dreg:$0x2] =	wrdreg s2  }
0xa9: {  	[dreg:$0x3] =	wrdreg s4  }
0xaa: {  	[dreg:$0x4] =	wrdreg $0xC0  }
0xab: {  	_ =	task [dreg:s6], $0x5FFFF  }
0xac: {  	[dreg:$0x1] =	wrdreg $0xFFFFFFFF  }
0xad: {  	[dreg:$0x0] =	wrdreg $0x60  }
0xae: {  	[dreg:$0x2] =	wrdreg s24  }
0xaf: {  	[dreg:$0x3] =	wrdreg $0x90000  }
0xb0: {  	[dreg:$0x4] =	wrdreg $0x9  }
0xb1: {  	_ =	task.clear_ibuf [dreg:s6], $0x5FFFF;
	_ =	strace $0x9000004C  }
0xb2: {  	s29 =	simm.s32 $0x9;
	_ =	strace $0x80000051  }
0xb3: {  	_ =	swait.ge [sflag:s29], $0x1  }
0xb4: {  	[sflag:s29] =	ssyncadd.s32 $0xFFFFFFFF  }
0xb5: {  	_ =	strace $0x90000051  }
0xb6: {  	_ =	sfence  }
0xb7: {  	s30 =	sld [smem:$0x0];
	_ =	sdelay $0x2  }
0xb8: {  	s31 =	sshll.u32 s1, $0xD;
	s1 =	sshrl.u32 s1, $0x2  }
0xb9: {  	s3 =	sand.u32 $0x4000, s31;
	s1 =	sadd.s32 s1, s30  }
0xba: {  	s0 =	sor.u32 s3, s0;
	s1 =	sshll.u32 s1, $0x11  }
0xbb: {  	s0 =	sor.u32 s1, s0  }
0xbc: {  	s0 =	sadd.s32 $0x8F2B, s0  }
0xbd: {  	[sflag:s0] =	ssyncadd.remote.s32 $0x1  }
0xbe: {  	_ =	sfence.sel $0xFFFF  }
0xbf: {  	[dreg:$0x0] =	wrdreg $0xFFFFFFFF;
	(pc) =	sbr.abs _section_cstart, $3  }
0xc0: {  	[dreg:$0x1] =	wrdreg $0xFFFFFFFF  }
0xc1: {  	_ =	task.clear_ibuf [dreg:s6], $0x2FFFF;
	_ =	strace $0x9FFFFFFF  }
0xc2: {  	(tm) =	ssettm $0x7FFFFFFF  }
0xc3: {  	_ =	shalt  }
tec
execute0_lowered:
.L_overlay_start_1:
0x0: {  	(tag) =	ssettag $0x1  }
0x1: {  	s0 =	rddreg [dreg:$0x0]  }
0x2: {  	s1 =	srdreg.scid;
	s2 =	rddreg [dreg:$0x1]  }
0x3: {  	s9 =	stileid.u32;
	s8 =	simm.s32 $0x0;
	s1 =	sand.u32 $0x1, s1  }
0x4: {  	s6 =	smul.u32 $0x14000, s9;
	[smem:$0x7FF] =	sst s8;
	s4 =	sadd.s32 $0x16E00, s0  }
0x5: {  	s11 =	sadd.s32 $0x2E00, s0;
	s7 =	smul.u32 $0x50000, s9;
	s3 =	sadd.s32 $0xCE00, s0  }
0x6: {  	s5 =	smul.u32 $0x140000, s1;
	s12 =	sshll.u32 s1, $0x4;
	s1 =	ssub.s32 $0x2, s1  }
0x7: {  	_ =	strace $0x8000004D;
	s7 =	sshrl.u32 s7, $0x2;
	s13 =	sshrl.u32 s1, $0x1  }
0x8: {  	s5 =	sadd.s32 s6, s5;
	s10 =	sadd.s32 s7, s2;
	s1 =	ssub.s32 s1, s13  }
0x9: {  	s5 =	sshrl.u32 s5, $0x3;
	s15 =	sadd.s32 $0x4000, s10;
	[dreg:$0x3] =	wrdreg s10  }
0xa: {  	s16 =	sadd.s32 $0x8000, s10;
	s17 =	sadd.s32 $0xC000, s10;
	[dreg:$0x4] =	wrdreg s15  }
0xb: {  	s0 =	sadd.s32 s5, s0;
	s5 =	sor.u32 s9, s12;
	[dreg:$0x5] =	wrdreg s16  }
0xc: {  	s18 =	sadd.s32 $0x10000, s10;
	[dreg:$0x6] =	wrdreg s17;
	s14 =	smul.u32 $0x2800, s5  }
0xd: {  	s31 =	smax.u32 s1, $0x1;
	[dreg:$0x7] =	wrdreg s18;
	s5 =	smul.u32 $0x500, s5  }
0xe: {  	[dreg:$0x13] =	wrdreg s31;
	s0 =	sadd.s32 $0x3E000, s0  }
0xf: {  	[dreg:$0x12] =	wrdreg s0;
	s7 =	sshrl.u32 s14, $0x3;
	s19 =	sadd.s32 s11, s5  }
0x10: {  	s5 =	sadd.s32 s3, s5;
	[dreg:$0x8] =	wrdreg s19;
	s20 =	sadd.s32 $0x100, s7  }
0x11: {  	s28 =	simm.s32 $0x1;
	[dreg:$0x9] =	wrdreg s5;
	s21 =	sadd.s32 s11, s20  }
0x12: {  	s22 =	sadd.s32 $0x200, s7;
	s9 =	sadd.s32 s3, s20;
	[dreg:$0xa] =	wrdreg s21  }
0x13: {  	s30 =	simm.s32 $0x2;
	s23 =	sadd.s32 s11, s22;
	[dreg:$0xb] =	wrdreg s9  }
0x14: {  	s24 =	sadd.s32 $0x300, s7;
	s5 =	sadd.s32 s3, s22;
	[dreg:$0xc] =	wrdreg s23  }
0x15: {  	s10 =	simm.s32 $0x0;
	s25 =	sadd.s32 s11, s24;
	[dreg:$0xd] =	wrdreg s5  }
0x16: {  	s26 =	sadd.s32 $0x400, s7;
	s29 =	sadd.s32 s3, s24;
	[dreg:$0xe] =	wrdreg s25  }
0x17: {  	s6 =	sadd.s32 s11, s26;
	s22 =	simm.s32 $0x1000;
	[dreg:$0xf] =	wrdreg s29  }
0x18: {  	[dreg:$0x10] =	wrdreg s6;
	s5 =	sadd.s32 s3, s26;
	s23 =	simm.s32 $0x3  }
0x19: {  	v0 =	vimm.f32 $0.0e+00;
	s25 =	simm.s32 $0x80;
	s26 =	simm.s32 $0x5000;
	[dreg:$0x11] =	wrdreg s5  }
.LBB2_1:
0x1a: {  	_ =	strace $0x8000004E;
	s11 =	simm.s32 $0x0;
	s12 =	simm.s32 $0x200  }
.LBB2_2:
0x1b: {  	p0 =	sne.s32 s12, $0xFE00;
	[tilespmem:s11+$0x1070] =	vst v0  }
0x1c: {  	[tilespmem:s11+$0x1000] =	vst v0  }
0x1d: {  	[tilespmem:s11+$0x1010] =	vst v0  }
.Ltmp0:
0x1e: {  	[tilespmem:s11+$0x1020] =	vst v0;
	(pc) =	sbr.rel @p0 .LBB2_2-.Ltmp0, $4  }
0x1f: {  	[tilespmem:s11+$0x1030] =	vst v0  }
0x20: {  	[tilespmem:s11+$0x1040] =	vst v0  }
0x21: {  	[tilespmem:s11+$0x1050] =	vst v0  }
0x22: {  	[tilespmem:s11+$0x1060] =	vst v0;
	s11 =	sshra.s32 s12, $0x2;
	s12 =	sadd.s32 $0x200, s12  }
0x23: {  	[tilespmem:s11+$0x1070] =	vst v0  }
0x24: {  	[tilespmem:s11+$0x1000] =	vst v0  }
0x25: {  	[tilespmem:s11+$0x1010] =	vst v0  }
0x26: {  	[tilespmem:s11+$0x1020] =	vst v0  }
0x27: {  	[tilespmem:s11+$0x1030] =	vst v0  }
0x28: {  	[tilespmem:s11+$0x1040] =	vst v0  }
0x29: {  	[tilespmem:s11+$0x1050] =	vst v0  }
0x2a: {  	[tilespmem:s11+$0x1060] =	vst v0;
	s0 =	rddreg [dreg:$0x3]  }
0x2b: {  	[spmem:s0] =	stream.linear.scatter [tilespmem:s22], [sflag:$0x3], $0x4000, $0x200038;
	[tilespmem:$0x1D000] =	vst v63  }
0x2c: {  	_ =	swait.ge [sflag:s23], $0x4000  }
0x2d: {  	[sflag:s23] =	ssyncset.done $0x0  }
0x2e: {  	s15 =	rddreg [dreg:$0x4];
	[sflag:s23] =	ssyncadd.s32 $0xFFFFC000  }
0x2f: {  	[spmem:s15] =	stream.linear.scatter [tilespmem:s22], [sflag:$0x3], $0x4000, $0x200038;
	[tilespmem:$0x1D000] =	vst v63  }
0x30: {  	_ =	swait.ge [sflag:s23], $0x4000  }
0x31: {  	[sflag:s23] =	ssyncset.done $0x0  }
0x32: {  	s16 =	rddreg [dreg:$0x5];
	[sflag:s23] =	ssyncadd.s32 $0xFFFFC000  }
0x33: {  	[spmem:s16] =	stream.linear.scatter [tilespmem:s22], [sflag:$0x3], $0x4000, $0x200038;
	[tilespmem:$0x1D000] =	vst v63  }
0x34: {  	_ =	swait.ge [sflag:s23], $0x4000  }
0x35: {  	[sflag:s23] =	ssyncset.done $0x0  }
0x36: {  	s17 =	rddreg [dreg:$0x6];
	[sflag:s23] =	ssyncadd.s32 $0xFFFFC000  }
0x37: {  	[spmem:s17] =	stream.linear.scatter [tilespmem:s22], [sflag:$0x3], $0x4000, $0x200038;
	[tilespmem:$0x1D000] =	vst v63  }
0x38: {  	_ =	swait.ge [sflag:s23], $0x4000  }
0x39: {  	[sflag:s23] =	ssyncset.done $0x0  }
0x3a: {  	s18 =	rddreg [dreg:$0x7];
	[sflag:s23] =	ssyncadd.s32 $0xFFFFC000  }
0x3b: {  	[spmem:s18] =	stream.linear.scatter [tilespmem:s22], [sflag:$0x3], $0x4000, $0x200038;
	[tilespmem:$0x1D000] =	vst v63  }
0x3c: {  	_ =	swait.ge [sflag:s23], $0x4000  }
0x3d: {  	[sflag:s23] =	ssyncset.done $0x0  }
0x3e: {  	[sflag:s23] =	ssyncadd.s32 $0xFFFFC000  }
0x3f: {  	[bflag:$0x0] =	sbarrier.arrive $0xFFFF  }
0x40: {  	_ =	strace $0x9000004E  }
0x41: {  	_ =	strace $0x8000004F  }
0x42: {  	s19 =	rddreg [dreg:$0x8]  }
0x43: {  	[tilespmem:s8], [sflag:$0x3] =	stream.linear.gather [hbm4b:s19+s8], $0x800, $0x200038;
	[tilespmem:$0x1D000] =	vst v63  }
0x44: {  	_ =	swait.ge [sflag:s23], $0x800  }
0x45: {  	[sflag:s23] =	ssyncset.done $0x0  }
0x46: {  	s1 =	simm.s32 $0x800;
	s20 =	rddreg [dreg:$0x9];
	[sflag:s23] =	ssyncadd.s32 $0xFFFFF800  }
0x47: {  	[tilespmem:s1], [sflag:$0x3] =	stream.linear.gather [hbm4b:s20+s8], $0x800, $0x200038;
	[tilespmem:$0x1D000] =	vst v63  }
0x48: {  	_ =	swait.ge [sflag:s23], $0x800  }
0x49: {  	[sflag:s23] =	ssyncset.done $0x0  }
0x4a: {  	[sflag:s23] =	ssyncadd.s32 $0xFFFFF800  }
0x4b: {  	[tilespmem:s22], [sflag:$0x1] =	stream.indirect.gather [hbm4b:s4+s25], $0x80, s8, s25, $0x2000b8;
	[tilespmem:$0x1D000] =	vst v63  }
0x4c: {  	_ = 	snop  }
0x4d: {  	[tilespmem:s26], [sflag:$0x2] =	stream.indirect.gather [hbm4b:s4+s25], $0x80, s25, s25, $0x2000b8;
	[tilespmem:$0x1D000] =	vst v63  }
0x4e: {  	_ =	swait.ge [sflag:s28], $0x4000  }
0x4f: {  	[sflag:s28] =	ssyncset.done $0x0  }
0x50: {  	[sflag:s28] =	ssyncadd.s32 $0xFFFFC000  }
0x51: {  	[spmem:s2] =	stream.indirect.scatter.add.f32 [tilespmem:s22], [sflag:$0x3], $0x80, s1, s25, $0x2000b8;
	[tilespmem:$0x1D000] =	vst v63  }
0x52: {  	_ =	swait.ge [sflag:s23], $0x4000  }
0x53: {  	[sflag:s23] =	ssyncset.done $0x0  }
0x54: {  	s21 =	simm.s32 $0x100;
	[sflag:s23] =	ssyncadd.s32 $0xFFFFC000  }
0x55: {  	[tilespmem:s22], [sflag:$0x1] =	stream.indirect.gather [hbm4b:s4+s25], $0x80, s21, s25, $0x2000b8;
	[tilespmem:$0x1D000] =	vst v63  }
0x56: {  	_ =	swait.ge [sflag:s30], $0x4000  }
0x57: {  	[sflag:s30] =	ssyncset.done $0x0  }
0x58: {  	s24 =	simm.s32 $0x880;
	[sflag:s30] =	ssyncadd.s32 $0xFFFFC000  }
0x59: {  	[spmem:s2] =	stream.indirect.scatter.add.f32 [tilespmem:s26], [sflag:$0x3], $0x80, s24, s25, $0x2000b8;
	[tilespmem:$0x1D000] =	vst v63  }
0x5a: {  	_ =	swait.ge [sflag:s23], $0x4000  }
0x5b: {  	[sflag:s23] =	ssyncset.done $0x0  }
0x5c: {  	s29 =	simm.s32 $0x180;
	[sflag:s23] =	ssyncadd.s32 $0xFFFFC000  }
0x5d: {  	[tilespmem:s26], [sflag:$0x2] =	stream.indirect.gather [hbm4b:s4+s25], $0x80, s29, s25, $0x2000b8;
	[tilespmem:$0x1D000] =	vst v63  }
0x5e: {  	_ =	swait.ge [sflag:s28], $0x4000  }
0x5f: {  	[sflag:s28] =	ssyncset.done $0x0  }
0x60: {  	s31 =	simm.s32 $0x900;
	[sflag:s28] =	ssyncadd.s32 $0xFFFFC000  }
0x61: {  	[spmem:s2] =	stream.indirect.scatter.add.f32 [tilespmem:s22], [sflag:$0x3], $0x80, s31, s25, $0x2000b8;
	[tilespmem:$0x1D000] =	vst v63  }
0x62: {  	_ =	swait.ge [sflag:s23], $0x4000  }
0x63: {  	[sflag:s23] =	ssyncset.done $0x0  }
0x64: {  	s3 =	simm.s32 $0x200;
	[sflag:s23] =	ssyncadd.s32 $0xFFFFC000  }
0x65: {  	[tilespmem:s22], [sflag:$0x1] =	stream.indirect.gather [hbm4b:s4+s25], $0x80, s3, s25, $0x2000b8;
	[tilespmem:$0x1D000] =	vst v63  }
0x66: {  	_ =	swait.ge [sflag:s30], $0x4000  }
0x67: {  	[sflag:s30] =	ssyncset.done $0x0  }
0x68: {  	s5 =	simm.s32 $0x980;
	[sflag:s30] =	ssyncadd.s32 $0xFFFFC000  }
0x69: {  	[spmem:s2] =	stream.indirect.scatter.add.f32 [tilespmem:s26], [sflag:$0x3], $0x80, s5, s25, $0x2000b8;
	[tilespmem:$0x1D000] =	vst v63  }
0x6a: {  	_ =	swait.ge [sflag:s23], $0x4000  }
0x6b: {  	[sflag:s23] =	ssyncset.done $0x0  }
0x6c: {  	s6 =	simm.s32 $0x280;
	[sflag:s23] =	ssyncadd.s32 $0xFFFFC000  }
0x6d: {  	[tilespmem:s26], [sflag:$0x2] =	stream.indirect.gather [hbm4b:s4+s25], $0x80, s6, s25, $0x2000b8;
	[tilespmem:$0x1D000] =	vst v63  }
0x6e: {  	_ =	swait.ge [sflag:s28], $0x4000  }
0x6f: {  	[sflag:s28] =	ssyncset.done $0x0  }
0x70: {  	s7 =	simm.s32 $0xA00;
	[sflag:s28] =	ssyncadd.s32 $0xFFFFC000  }
0x71: {  	[spmem:s2] =	stream.indirect.scatter.add.f32 [tilespmem:s22], [sflag:$0x3], $0x80, s7, s25, $0x2000b8;
	[tilespmem:$0x1D000] =	vst v63  }
0x72: {  	_ =	swait.ge [sflag:s23], $0x4000  }
0x73: {  	[sflag:s23] =	ssyncset.done $0x0  }
0x74: {  	s9 =	simm.s32 $0x300;
	[sflag:s23] =	ssyncadd.s32 $0xFFFFC000  }
0x75: {  	[tilespmem:s22], [sflag:$0x1] =	stream.indirect.gather [hbm4b:s4+s25], $0x80, s9, s25, $0x2000b8;
	[tilespmem:$0x1D000] =	vst v63  }
0x76: {  	_ =	swait.ge [sflag:s30], $0x4000  }
0x77: {  	[sflag:s30] =	ssyncset.done $0x0  }
0x78: {  	s11 =	simm.s32 $0xA80;
	[sflag:s30] =	ssyncadd.s32 $0xFFFFC000  }
0x79: {  	[spmem:s2] =	stream.indirect.scatter.add.f32 [tilespmem:s26], [sflag:$0x3], $0x80, s11, s25, $0x2000b8;
	[tilespmem:$0x1D000] =	vst v63  }
0x7a: {  	_ =	swait.ge [sflag:s23], $0x4000  }
0x7b: {  	[sflag:s23] =	ssyncset.done $0x0  }
0x7c: {  	s12 =	simm.s32 $0x380;
	[sflag:s23] =	ssyncadd.s32 $0xFFFFC000  }
0x7d: {  	[tilespmem:s26], [sflag:$0x2] =	stream.indirect.gather [hbm4b:s4+s25], $0x80, s12, s25, $0x2000b8;
	[tilespmem:$0x1D000] =	vst v63  }
0x7e: {  	_ =	swait.ge [sflag:s28], $0x4000  }
0x7f: {  	[sflag:s28] =	ssyncset.done $0x0  }
0x80: {  	s13 =	simm.s32 $0xB00;
	[sflag:s28] =	ssyncadd.s32 $0xFFFFC000  }
0x81: {  	[spmem:s2] =	stream.indirect.scatter.add.f32 [tilespmem:s22], [sflag:$0x3], $0x80, s13, s25, $0x2000b8;
	[tilespmem:$0x1D000] =	vst v63  }
0x82: {  	_ =	swait.ge [sflag:s23], $0x4000  }
0x83: {  	[sflag:s23] =	ssyncset.done $0x0  }
0x84: {  	s14 =	simm.s32 $0x400;
	[sflag:s23] =	ssyncadd.s32 $0xFFFFC000  }
0x85: {  	[tilespmem:s22], [sflag:$0x1] =	stream.indirect.gather [hbm4b:s4+s25], $0x80, s14, s25, $0x2000b8;
	[tilespmem:$0x1D000] =	vst v63  }
0x86: {  	_ =	swait.ge [sflag:s30], $0x4000  }
0x87: {  	[sflag:s30] =	ssyncset.done $0x0  }
0x88: {  	s20 =	simm.s32 $0xB80;
	[sflag:s30] =	ssyncadd.s32 $0xFFFFC000  }
0x89: {  	[spmem:s2] =	stream.indirect.scatter.add.f32 [tilespmem:s26], [sflag:$0x3], $0x80, s20, s25, $0x2000b8;
	[tilespmem:$0x1D000] =	vst v63  }
0x8a: {  	_ =	swait.ge [sflag:s23], $0x4000  }
0x8b: {  	[sflag:s23] =	ssyncset.done $0x0  }
0x8c: {  	s21 =	simm.s32 $0x480;
	[sflag:s23] =	ssyncadd.s32 $0xFFFFC000  }
0x8d: {  	[tilespmem:s26], [sflag:$0x2] =	stream.indirect.gather [hbm4b:s4+s25], $0x80, s21, s25, $0x2000b8;
	[tilespmem:$0x1D000] =	vst v63  }
0x8e: {  	_ =	swait.ge [sflag:s28], $0x4000  }
0x8f: {  	[sflag:s28] =	ssyncset.done $0x0  }
0x90: {  	s29 =	simm.s32 $0xC00;
	[sflag:s28] =	ssyncadd.s32 $0xFFFFC000  }
0x91: {  	[spmem:s2] =	stream.indirect.scatter.add.f32 [tilespmem:s22], [sflag:$0x3], $0x80, s29, s25, $0x2000b8;
	[tilespmem:$0x1D000] =	vst v63  }
0x92: {  	_ =	swait.ge [sflag:s23], $0x4000  }
0x93: {  	[sflag:s23] =	ssyncset.done $0x0  }
0x94: {  	s31 =	simm.s32 $0x500;
	[sflag:s23] =	ssyncadd.s32 $0xFFFFC000  }
0x95: {  	[tilespmem:s22], [sflag:$0x1] =	stream.indirect.gather [hbm4b:s4+s25], $0x80, s31, s25, $0x2000b8;
	[tilespmem:$0x1D000] =	vst v63  }
0x96: {  	_ =	swait.ge [sflag:s30], $0x4000  }
0x97: {  	[sflag:s30] =	ssyncset.done $0x0  }
0x98: {  	s3 =	simm.s32 $0xC80;
	[sflag:s30] =	ssyncadd.s32 $0xFFFFC000  }
0x99: {  	[spmem:s2] =	stream.indirect.scatter.add.f32 [tilespmem:s26], [sflag:$0x3], $0x80, s3, s25, $0x2000b8;
	[tilespmem:$0x1D000] =	vst v63  }
0x9a: {  	_ =	swait.ge [sflag:s23], $0x4000  }
0x9b: {  	[sflag:s23] =	ssyncset.done $0x0  }
0x9c: {  	s5 =	simm.s32 $0x580;
	[sflag:s23] =	ssyncadd.s32 $0xFFFFC000  }
0x9d: {  	[tilespmem:s26], [sflag:$0x2] =	stream.indirect.gather [hbm4b:s4+s25], $0x80, s5, s25, $0x2000b8;
	[tilespmem:$0x1D000] =	vst v63  }
0x9e: {  	_ =	swait.ge [sflag:s28], $0x4000  }
0x9f: {  	[sflag:s28] =	ssyncset.done $0x0  }
0xa0: {  	s6 =	simm.s32 $0xD00;
	[sflag:s28] =	ssyncadd.s32 $0xFFFFC000  }
0xa1: {  	[spmem:s2] =	stream.indirect.scatter.add.f32 [tilespmem:s22], [sflag:$0x3], $0x80, s6, s25, $0x2000b8;
	[tilespmem:$0x1D000] =	vst v63  }
0xa2: {  	_ =	swait.ge [sflag:s23], $0x4000  }
0xa3: {  	[sflag:s23] =	ssyncset.done $0x0  }
0xa4: {  	s7 =	simm.s32 $0x600;
	[sflag:s23] =	ssyncadd.s32 $0xFFFFC000  }
0xa5: {  	[tilespmem:s22], [sflag:$0x1] =	stream.indirect.gather [hbm4b:s4+s25], $0x80, s7, s25, $0x2000b8;
	[tilespmem:$0x1D000] =	vst v63  }
0xa6: {  	_ =	swait.ge [sflag:s30], $0x4000  }
0xa7: {  	[sflag:s30] =	ssyncset.done $0x0  }
0xa8: {  	s9 =	simm.s32 $0xD80;
	[sflag:s30] =	ssyncadd.s32 $0xFFFFC000  }
0xa9: {  	[spmem:s2] =	stream.indirect.scatter.add.f32 [tilespmem:s26], [sflag:$0x3], $0x80, s9, s25, $0x2000b8;
	[tilespmem:$0x1D000] =	vst v63  }
0xaa: {  	_ =	swait.ge [sflag:s23], $0x4000  }
0xab: {  	[sflag:s23] =	ssyncset.done $0x0  }
0xac: {  	s12 =	simm.s32 $0x680;
	[sflag:s23] =	ssyncadd.s32 $0xFFFFC000  }
0xad: {  	[tilespmem:s26], [sflag:$0x2] =	stream.indirect.gather [hbm4b:s4+s25], $0x80, s12, s25, $0x2000b8;
	[tilespmem:$0x1D000] =	vst v63  }
0xae: {  	_ =	swait.ge [sflag:s28], $0x4000  }
0xaf: {  	[sflag:s28] =	ssyncset.done $0x0  }
0xb0: {  	s13 =	simm.s32 $0xE00;
	[sflag:s28] =	ssyncadd.s32 $0xFFFFC000  }
0xb1: {  	[spmem:s2] =	stream.indirect.scatter.add.f32 [tilespmem:s22], [sflag:$0x3], $0x80, s13, s25, $0x2000b8;
	[tilespmem:$0x1D000] =	vst v63  }
0xb2: {  	_ =	swait.ge [sflag:s23], $0x4000  }
0xb3: {  	[sflag:s23] =	ssyncset.done $0x0  }
0xb4: {  	s14 =	simm.s32 $0x700;
	[sflag:s23] =	ssyncadd.s32 $0xFFFFC000  }
0xb5: {  	[tilespmem:s22], [sflag:$0x1] =	stream.indirect.gather [hbm4b:s4+s25], $0x80, s14, s25, $0x2000b8;
	[tilespmem:$0x1D000] =	vst v63  }
0xb6: {  	_ =	swait.ge [sflag:s30], $0x4000  }
0xb7: {  	[sflag:s30] =	ssyncset.done $0x0  }
0xb8: {  	s21 =	simm.s32 $0xE80;
	[sflag:s30] =	ssyncadd.s32 $0xFFFFC000  }
0xb9: {  	[spmem:s2] =	stream.indirect.scatter.add.f32 [tilespmem:s26], [sflag:$0x3], $0x80, s21, s25, $0x2000b8;
	[tilespmem:$0x1D000] =	vst v63  }
0xba: {  	_ =	swait.ge [sflag:s23], $0x4000  }
0xbb: {  	[sflag:s23] =	ssyncset.done $0x0  }
0xbc: {  	s29 =	simm.s32 $0x780;
	[sflag:s23] =	ssyncadd.s32 $0xFFFFC000  }
0xbd: {  	[tilespmem:s26], [sflag:$0x2] =	stream.indirect.gather [hbm4b:s4+s25], $0x80, s29, s25, $0x2000b8;
	[tilespmem:$0x1D000] =	vst v63  }
0xbe: {  	_ =	swait.ge [sflag:s28], $0x4000  }
0xbf: {  	[sflag:s28] =	ssyncset.done $0x0  }
0xc0: {  	s31 =	simm.s32 $0xF00;
	[sflag:s28] =	ssyncadd.s32 $0xFFFFC000  }
0xc1: {  	[spmem:s2] =	stream.indirect.scatter.add.f32 [tilespmem:s22], [sflag:$0x3], $0x80, s31, s25, $0x2000b8;
	[tilespmem:$0x1D000] =	vst v63  }
0xc2: {  	_ =	swait.ge [sflag:s23], $0x4000  }
0xc3: {  	[sflag:s23] =	ssyncset.done $0x0  }
0xc4: {  	[sflag:s23] =	ssyncadd.s32 $0xFFFFC000  }
0xc5: {  	_ =	swait.ge [sflag:s30], $0x4000  }
0xc6: {  	[sflag:s30] =	ssyncset.done $0x0  }
0xc7: {  	s0 =	simm.s32 $0xF80;
	[sflag:s30] =	ssyncadd.s32 $0xFFFFC000  }
0xc8: {  	[spmem:s2] =	stream.indirect.scatter.add.f32 [tilespmem:s26], [sflag:$0x3], $0x80, s0, s25, $0x2000b8;
	[tilespmem:$0x1D000] =	vst v63  }
0xc9: {  	_ =	swait.ge [sflag:s23], $0x4000  }
0xca: {  	[sflag:s23] =	ssyncset.done $0x0  }
0xcb: {  	s3 =	rddreg [dreg:$0xa];
	[sflag:s23] =	ssyncadd.s32 $0xFFFFC000  }
0xcc: {  	[tilespmem:s8], [sflag:$0x3] =	stream.linear.gather [hbm4b:s3+s8], $0x800, $0x200038;
	[tilespmem:$0x1D000] =	vst v63  }
0xcd: {  	_ =	swait.ge [sflag:s23], $0x800  }
0xce: {  	[sflag:s23] =	ssyncset.done $0x0  }
0xcf: {  	s5 =	rddreg [dreg:$0xb];
	[sflag:s23] =	ssyncadd.s32 $0xFFFFF800  }
0xd0: {  	[tilespmem:s1], [sflag:$0x3] =	stream.linear.gather [hbm4b:s5+s8], $0x800, $0x200038;
	[tilespmem:$0x1D000] =	vst v63  }
0xd1: {  	_ =	swait.ge [sflag:s23], $0x800  }
0xd2: {  	[sflag:s23] =	ssyncset.done $0x0  }
0xd3: {  	[sflag:s23] =	ssyncadd.s32 $0xFFFFF800  }
0xd4: {  	[tilespmem:s22], [sflag:$0x1] =	stream.indirect.gather [hbm4b:s4+s25], $0x80, s8, s25, $0x2000b8;
	[tilespmem:$0x1D000] =	vst v63  }
0xd5: {  	_ = 	snop  }
0xd6: {  	[tilespmem:s26], [sflag:$0x2] =	stream.indirect.gather [hbm4b:s4+s25], $0x80, s25, s25, $0x2000b8;
	[tilespmem:$0x1D000] =	vst v63  }
0xd7: {  	_ =	swait.ge [sflag:s28], $0x4000  }
0xd8: {  	[sflag:s28] =	ssyncset.done $0x0  }
0xd9: {  	[sflag:s28] =	ssyncadd.s32 $0xFFFFC000  }
0xda: {  	[spmem:s2] =	stream.indirect.scatter.add.f32 [tilespmem:s22], [sflag:$0x3], $0x80, s1, s25, $0x2000b8;
	[tilespmem:$0x1D000] =	vst v63  }
0xdb: {  	_ =	swait.ge [sflag:s23], $0x4000  }
0xdc: {  	[sflag:s23] =	ssyncset.done $0x0  }
0xdd: {  	s16 =	simm.s32 $0x100;
	[sflag:s23] =	ssyncadd.s32 $0xFFFFC000  }
0xde: {  	[tilespmem:s22], [sflag:$0x1] =	stream.indirect.gather [hbm4b:s4+s25], $0x80, s16, s25, $0x2000b8;
	[tilespmem:$0x1D000] =	vst v63  }
0xdf: {  	_ =	swait.ge [sflag:s30], $0x4000  }
0xe0: {  	[sflag:s30] =	ssyncset.done $0x0  }
0xe1: {  	s17 =	simm.s32 $0x880;
	[sflag:s30] =	ssyncadd.s32 $0xFFFFC000  }
0xe2: {  	[spmem:s2] =	stream.indirect.scatter.add.f32 [tilespmem:s26], [sflag:$0x3], $0x80, s17, s25, $0x2000b8;
	[tilespmem:$0x1D000] =	vst v63  }
0xe3: {  	_ =	swait.ge [sflag:s23], $0x4000  }
0xe4: {  	[sflag:s23] =	ssyncset.done $0x0  }
0xe5: {  	s18 =	simm.s32 $0x180;
	[sflag:s23] =	ssyncadd.s32 $0xFFFFC000  }
0xe6: {  	[tilespmem:s26], [sflag:$0x2] =	stream.indirect.gather [hbm4b:s4+s25], $0x80, s18, s25, $0x2000b8;
	[tilespmem:$0x1D000] =	vst v63  }
0xe7: {  	_ =	swait.ge [sflag:s28], $0x4000  }
0xe8: {  	[sflag:s28] =	ssyncset.done $0x0  }
0xe9: {  	s19 =	simm.s32 $0x900;
	[sflag:s28] =	ssyncadd.s32 $0xFFFFC000  }
0xea: {  	[spmem:s2] =	stream.indirect.scatter.add.f32 [tilespmem:s22], [sflag:$0x3], $0x80, s19, s25, $0x2000b8;
	[tilespmem:$0x1D000] =	vst v63  }
0xeb: {  	_ =	swait.ge [sflag:s23], $0x4000  }
0xec: {  	[sflag:s23] =	ssyncset.done $0x0  }
0xed: {  	s24 =	simm.s32 $0x200;
	[sflag:s23] =	ssyncadd.s32 $0xFFFFC000  }
0xee: {  	[tilespmem:s22], [sflag:$0x1] =	stream.indirect.gather [hbm4b:s4+s25], $0x80, s24, s25, $0x2000b8;
	[tilespmem:$0x1D000] =	vst v63  }
0xef: {  	_ =	swait.ge [sflag:s30], $0x4000  }
0xf0: {  	[sflag:s30] =	ssyncset.done $0x0  }
0xf1: {  	s21 =	simm.s32 $0x980;
	[sflag:s30] =	ssyncadd.s32 $0xFFFFC000  }
0xf2: {  	[spmem:s2] =	stream.indirect.scatter.add.f32 [tilespmem:s26], [sflag:$0x3], $0x80, s21, s25, $0x2000b8;
	[tilespmem:$0x1D000] =	vst v63  }
0xf3: {  	_ =	swait.ge [sflag:s23], $0x4000  }
0xf4: {  	[sflag:s23] =	ssyncset.done $0x0  }
0xf5: {  	s29 =	simm.s32 $0x280;
	[sflag:s23] =	ssyncadd.s32 $0xFFFFC000  }
0xf6: {  	[tilespmem:s26], [sflag:$0x2] =	stream.indirect.gather [hbm4b:s4+s25], $0x80, s29, s25, $0x2000b8;
	[tilespmem:$0x1D000] =	vst v63  }
0xf7: {  	_ =	swait.ge [sflag:s28], $0x4000  }
0xf8: {  	[sflag:s28] =	ssyncset.done $0x0  }
0xf9: {  	s31 =	simm.s32 $0xA00;
	[sflag:s28] =	ssyncadd.s32 $0xFFFFC000  }
0xfa: {  	[spmem:s2] =	stream.indirect.scatter.add.f32 [tilespmem:s22], [sflag:$0x3], $0x80, s31, s25, $0x2000b8;
	[tilespmem:$0x1D000] =	vst v63  }
0xfb: {  	_ =	swait.ge [sflag:s23], $0x4000  }
0xfc: {  	[sflag:s23] =	ssyncset.done $0x0  }
0xfd: {  	s0 =	simm.s32 $0x300;
	[sflag:s23] =	ssyncadd.s32 $0xFFFFC000  }
0xfe: {  	[tilespmem:s22], [sflag:$0x1] =	stream.indirect.gather [hbm4b:s4+s25], $0x80, s0, s25, $0x2000b8;
	[tilespmem:$0x1D000] =	vst v63  }
0xff: {  	_ =	swait.ge [sflag:s30], $0x4000  }
0x100: {  	[sflag:s30] =	ssyncset.done $0x0  }
0x101: {  	s15 =	simm.s32 $0xA80;
	[sflag:s30] =	ssyncadd.s32 $0xFFFFC000  }
0x102: {  	[spmem:s2] =	stream.indirect.scatter.add.f32 [tilespmem:s26], [sflag:$0x3], $0x80, s15, s25, $0x2000b8;
	[tilespmem:$0x1D000] =	vst v63  }
0x103: {  	_ =	swait.ge [sflag:s23], $0x4000  }
0x104: {  	[sflag:s23] =	ssyncset.done $0x0  }
0x105: {  	s3 =	simm.s32 $0x380;
	[sflag:s23] =	ssyncadd.s32 $0xFFFFC000  }
0x106: {  	[tilespmem:s26], [sflag:$0x2] =	stream.indirect.gather [hbm4b:s4+s25], $0x80, s3, s25, $0x2000b8;
	[tilespmem:$0x1D000] =	vst v63  }
0x107: {  	_ =	swait.ge [sflag:s28], $0x4000  }
0x108: {  	[sflag:s28] =	ssyncset.done $0x0  }
0x109: {  	s5 =	simm.s32 $0xB00;
	[sflag:s28] =	ssyncadd.s32 $0xFFFFC000  }
0x10a: {  	[spmem:s2] =	stream.indirect.scatter.add.f32 [tilespmem:s22], [sflag:$0x3], $0x80, s5, s25, $0x2000b8;
	[tilespmem:$0x1D000] =	vst v63  }
0x10b: {  	_ =	swait.ge [sflag:s23], $0x4000  }
0x10c: {  	[sflag:s23] =	ssyncset.done $0x0  }
0x10d: {  	s24 =	simm.s32 $0x400;
	[sflag:s23] =	ssyncadd.s32 $0xFFFFC000  }
0x10e: {  	[tilespmem:s22], [sflag:$0x1] =	stream.indirect.gather [hbm4b:s4+s25], $0x80, s24, s25, $0x2000b8;
	[tilespmem:$0x1D000] =	vst v63  }
0x10f: {  	_ =	swait.ge [sflag:s30], $0x4000  }
0x110: {  	[sflag:s30] =	ssyncset.done $0x0  }
0x111: {  	s15 =	simm.s32 $0xB80;
	[sflag:s30] =	ssyncadd.s32 $0xFFFFC000  }
0x112: {  	[spmem:s2] =	stream.indirect.scatter.add.f32 [tilespmem:s26], [sflag:$0x3], $0x80, s15, s25, $0x2000b8;
	[tilespmem:$0x1D000] =	vst v63  }
0x113: {  	_ =	swait.ge [sflag:s23], $0x4000  }
0x114: {  	[sflag:s23] =	ssyncset.done $0x0  }
0x115: {  	s16 =	simm.s32 $0x480;
	[sflag:s23] =	ssyncadd.s32 $0xFFFFC000  }
0x116: {  	[tilespmem:s26], [sflag:$0x2] =	stream.indirect.gather [hbm4b:s4+s25], $0x80, s16, s25, $0x2000b8;
	[tilespmem:$0x1D000] =	vst v63  }
0x117: {  	_ =	swait.ge [sflag:s28], $0x4000  }
0x118: {  	[sflag:s28] =	ssyncset.done $0x0  }
0x119: {  	s17 =	simm.s32 $0xC00;
	[sflag:s28] =	ssyncadd.s32 $0xFFFFC000  }
0x11a: {  	[spmem:s2] =	stream.indirect.scatter.add.f32 [tilespmem:s22], [sflag:$0x3], $0x80, s17, s25, $0x2000b8;
	[tilespmem:$0x1D000] =	vst v63  }
0x11b: {  	_ =	swait.ge [sflag:s23], $0x4000  }
0x11c: {  	[sflag:s23] =	ssyncset.done $0x0  }
0x11d: {  	s18 =	simm.s32 $0x500;
	[sflag:s23] =	ssyncadd.s32 $0xFFFFC000  }
0x11e: {  	[tilespmem:s22], [sflag:$0x1] =	stream.indirect.gather [hbm4b:s4+s25], $0x80, s18, s25, $0x2000b8;
	[tilespmem:$0x1D000] =	vst v63  }
0x11f: {  	_ =	swait.ge [sflag:s30], $0x4000  }
0x120: {  	[sflag:s30] =	ssyncset.done $0x0  }
0x121: {  	s19 =	simm.s32 $0xC80;
	[sflag:s30] =	ssyncadd.s32 $0xFFFFC000  }
0x122: {  	[spmem:s2] =	stream.indirect.scatter.add.f32 [tilespmem:s26], [sflag:$0x3], $0x80, s19, s25, $0x2000b8;
	[tilespmem:$0x1D000] =	vst v63  }
0x123: {  	_ =	swait.ge [sflag:s23], $0x4000  }
0x124: {  	[sflag:s23] =	ssyncset.done $0x0  }
0x125: {  	s20 =	simm.s32 $0x580;
	[sflag:s23] =	ssyncadd.s32 $0xFFFFC000  }
0x126: {  	[tilespmem:s26], [sflag:$0x2] =	stream.indirect.gather [hbm4b:s4+s25], $0x80, s20, s25, $0x2000b8;
	[tilespmem:$0x1D000] =	vst v63  }
0x127: {  	_ =	swait.ge [sflag:s28], $0x4000  }
0x128: {  	[sflag:s28] =	ssyncset.done $0x0  }
0x129: {  	s20 =	simm.s32 $0xD00;
	[sflag:s28] =	ssyncadd.s32 $0xFFFFC000  }
0x12a: {  	[spmem:s2] =	stream.indirect.scatter.add.f32 [tilespmem:s22], [sflag:$0x3], $0x80, s20, s25, $0x2000b8;
	[tilespmem:$0x1D000] =	vst v63  }
0x12b: {  	_ =	swait.ge [sflag:s23], $0x4000  }
0x12c: {  	[sflag:s23] =	ssyncset.done $0x0  }
0x12d: {  	s11 =	simm.s32 $0x600;
	[sflag:s23] =	ssyncadd.s32 $0xFFFFC000  }
0x12e: {  	[tilespmem:s22], [sflag:$0x1] =	stream.indirect.gather [hbm4b:s4+s25], $0x80, s11, s25, $0x2000b8;
	[tilespmem:$0x1D000] =	vst v63  }
0x12f: {  	_ =	swait.ge [sflag:s30], $0x4000  }
0x130: {  	[sflag:s30] =	ssyncset.done $0x0  }
0x131: {  	s11 =	simm.s32 $0xD80;
	[sflag:s30] =	ssyncadd.s32 $0xFFFFC000  }
0x132: {  	[spmem:s2] =	stream.indirect.scatter.add.f32 [tilespmem:s26], [sflag:$0x3], $0x80, s11, s25, $0x2000b8;
	[tilespmem:$0x1D000] =	vst v63  }
0x133: {  	_ =	swait.ge [sflag:s23], $0x4000  }
0x134: {  	[sflag:s23] =	ssyncset.done $0x0  }
0x135: {  	s6 =	simm.s32 $0x680;
	[sflag:s23] =	ssyncadd.s32 $0xFFFFC000  }
0x136: {  	[tilespmem:s26], [sflag:$0x2] =	stream.indirect.gather [hbm4b:s4+s25], $0x80, s6, s25, $0x2000b8;
	[tilespmem:$0x1D000] =	vst v63  }
0x137: {  	_ =	swait.ge [sflag:s28], $0x4000  }
0x138: {  	[sflag:s28] =	ssyncset.done $0x0  }
0x139: {  	s7 =	simm.s32 $0xE00;
	[sflag:s28] =	ssyncadd.s32 $0xFFFFC000  }
0x13a: {  	[spmem:s2] =	stream.indirect.scatter.add.f32 [tilespmem:s22], [sflag:$0x3], $0x80, s7, s25, $0x2000b8;
	[tilespmem:$0x1D000] =	vst v63  }
0x13b: {  	_ =	swait.ge [sflag:s23], $0x4000  }
0x13c: {  	[sflag:s23] =	ssyncset.done $0x0  }
0x13d: {  	s11 =	simm.s32 $0x700;
	[sflag:s23] =	ssyncadd.s32 $0xFFFFC000  }
0x13e: {  	[tilespmem:s22], [sflag:$0x1] =	stream.indirect.gather [hbm4b:s4+s25], $0x80, s11, s25, $0x2000b8;
	[tilespmem:$0x1D000] =	vst v63  }
0x13f: {  	_ =	swait.ge [sflag:s30], $0x4000  }
0x140: {  	[sflag:s30] =	ssyncset.done $0x0  }
0x141: {  	s9 =	simm.s32 $0xE80;
	[sflag:s30] =	ssyncadd.s32 $0xFFFFC000  }
0x142: {  	[spmem:s2] =	stream.indirect.scatter.add.f32 [tilespmem:s26], [sflag:$0x3], $0x80, s9, s25, $0x2000b8;
	[tilespmem:$0x1D000] =	vst v63  }
0x143: {  	_ =	swait.ge [sflag:s23], $0x4000  }
0x144: {  	[sflag:s23] =	ssyncset.done $0x0  }
0x145: {  	s12 =	simm.s32 $0x780;
	[sflag:s23] =	ssyncadd.s32 $0xFFFFC000  }
0x146: {  	[tilespmem:s26], [sflag:$0x2] =	stream.indirect.gather [hbm4b:s4+s25], $0x80, s12, s25, $0x2000b8;
	[tilespmem:$0x1D000] =	vst v63  }
0x147: {  	_ =	swait.ge [sflag:s28], $0x4000  }
0x148: {  	[sflag:s28] =	ssyncset.done $0x0  }
0x149: {  	s13 =	simm.s32 $0xF00;
	[sflag:s28] =	ssyncadd.s32 $0xFFFFC000  }
0x14a: {  	[spmem:s2] =	stream.indirect.scatter.add.f32 [tilespmem:s22], [sflag:$0x3], $0x80, s13, s25, $0x2000b8;
	[tilespmem:$0x1D000] =	vst v63  }
0x14b: {  	_ =	swait.ge [sflag:s23], $0x4000  }
0x14c: {  	[sflag:s23] =	ssyncset.done $0x0  }
0x14d: {  	[sflag:s23] =	ssyncadd.s32 $0xFFFFC000  }
0x14e: {  	_ =	swait.ge [sflag:s30], $0x4000  }
0x14f: {  	[sflag:s30] =	ssyncset.done $0x0  }
0x150: {  	s14 =	simm.s32 $0xF80;
	[sflag:s30] =	ssyncadd.s32 $0xFFFFC000  }
0x151: {  	[spmem:s2] =	stream.indirect.scatter.add.f32 [tilespmem:s26], [sflag:$0x3], $0x80, s14, s25, $0x2000b8;
	[tilespmem:$0x1D000] =	vst v63  }
0x152: {  	_ =	swait.ge [sflag:s23], $0x4000  }
0x153: {  	[sflag:s23] =	ssyncset.done $0x0  }
0x154: {  	s11 =	rddreg [dreg:$0xc];
	[sflag:s23] =	ssyncadd.s32 $0xFFFFC000  }
0x155: {  	[tilespmem:s8], [sflag:$0x3] =	stream.linear.gather [hbm4b:s11+s8], $0x800, $0x200038;
	[tilespmem:$0x1D000] =	vst v63  }
0x156: {  	_ =	swait.ge [sflag:s23], $0x800  }
0x157: {  	[sflag:s23] =	ssyncset.done $0x0  }
0x158: {  	s11 =	rddreg [dreg:$0xd];
	[sflag:s23] =	ssyncadd.s32 $0xFFFFF800  }
0x159: {  	[tilespmem:s1], [sflag:$0x3] =	stream.linear.gather [hbm4b:s11+s8], $0x800, $0x200038;
	[tilespmem:$0x1D000] =	vst v63  }
0x15a: {  	_ =	swait.ge [sflag:s23], $0x800  }
0x15b: {  	[sflag:s23] =	ssyncset.done $0x0  }
0x15c: {  	[sflag:s23] =	ssyncadd.s32 $0xFFFFF800  }
0x15d: {  	[tilespmem:s22], [sflag:$0x1] =	stream.indirect.gather [hbm4b:s4+s25], $0x80, s8, s25, $0x2000b8;
	[tilespmem:$0x1D000] =	vst v63  }
0x15e: {  	_ = 	snop  }
0x15f: {  	[tilespmem:s26], [sflag:$0x2] =	stream.indirect.gather [hbm4b:s4+s25], $0x80, s25, s25, $0x2000b8;
	[tilespmem:$0x1D000] =	vst v63  }
0x160: {  	_ =	swait.ge [sflag:s28], $0x4000  }
0x161: {  	[sflag:s28] =	ssyncset.done $0x0  }
0x162: {  	[sflag:s28] =	ssyncadd.s32 $0xFFFFC000  }
0x163: {  	[spmem:s2] =	stream.indirect.scatter.add.f32 [tilespmem:s22], [sflag:$0x3], $0x80, s1, s25, $0x2000b8;
	[tilespmem:$0x1D000] =	vst v63  }
0x164: {  	_ =	swait.ge [sflag:s23], $0x4000  }
0x165: {  	[sflag:s23] =	ssyncset.done $0x0  }
0x166: {  	s11 =	simm.s32 $0x100;
	[sflag:s23] =	ssyncadd.s32 $0xFFFFC000  }
0x167: {  	[tilespmem:s22], [sflag:$0x1] =	stream.indirect.gather [hbm4b:s4+s25], $0x80, s11, s25, $0x2000b8;
	[tilespmem:$0x1D000] =	vst v63  }
0x168: {  	_ =	swait.ge [sflag:s30], $0x4000  }
0x169: {  	[sflag:s30] =	ssyncset.done $0x0  }
0x16a: {  	s11 =	simm.s32 $0x880;
	[sflag:s30] =	ssyncadd.s32 $0xFFFFC000  }
0x16b: {  	[spmem:s2] =	stream.indirect.scatter.add.f32 [tilespmem:s26], [sflag:$0x3], $0x80, s11, s25, $0x2000b8;
	[tilespmem:$0x1D000] =	vst v63  }
0x16c: {  	_ =	swait.ge [sflag:s23], $0x4000  }
0x16d: {  	[sflag:s23] =	ssyncset.done $0x0  }
0x16e: {  	s11 =	simm.s32 $0x180;
	[sflag:s23] =	ssyncadd.s32 $0xFFFFC000  }
0x16f: {  	[tilespmem:s26], [sflag:$0x2] =	stream.indirect.gather [hbm4b:s4+s25], $0x80, s11, s25, $0x2000b8;
	[tilespmem:$0x1D000] =	vst v63  }
0x170: {  	_ =	swait.ge [sflag:s28], $0x4000  }
0x171: {  	[sflag:s28] =	ssyncset.done $0x0  }
0x172: {  	s11 =	simm.s32 $0x900;
	[sflag:s28] =	ssyncadd.s32 $0xFFFFC000  }
0x173: {  	[spmem:s2] =	stream.indirect.scatter.add.f32 [tilespmem:s22], [sflag:$0x3], $0x80, s11, s25, $0x2000b8;
	[tilespmem:$0x1D000] =	vst v63  }
0x174: {  	_ =	swait.ge [sflag:s23], $0x4000  }
0x175: {  	[sflag:s23] =	ssyncset.done $0x0  }
0x176: {  	s11 =	simm.s32 $0x200;
	[sflag:s23] =	ssyncadd.s32 $0xFFFFC000  }
0x177: {  	[tilespmem:s22], [sflag:$0x1] =	stream.indirect.gather [hbm4b:s4+s25], $0x80, s11, s25, $0x2000b8;
	[tilespmem:$0x1D000] =	vst v63  }
0x178: {  	_ =	swait.ge [sflag:s30], $0x4000  }
0x179: {  	[sflag:s30] =	ssyncset.done $0x0  }
0x17a: {  	[sflag:s30] =	ssyncadd.s32 $0xFFFFC000  }
0x17b: {  	[spmem:s2] =	stream.indirect.scatter.add.f32 [tilespmem:s26], [sflag:$0x3], $0x80, s21, s25, $0x2000b8;
	[tilespmem:$0x1D000] =	vst v63  }
0x17c: {  	_ =	swait.ge [sflag:s23], $0x4000  }
0x17d: {  	[sflag:s23] =	ssyncset.done $0x0  }
0x17e: {  	[sflag:s23] =	ssyncadd.s32 $0xFFFFC000  }
0x17f: {  	[tilespmem:s26], [sflag:$0x2] =	stream.indirect.gather [hbm4b:s4+s25], $0x80, s29, s25, $0x2000b8;
	[tilespmem:$0x1D000] =	vst v63  }
0x180: {  	_ =	swait.ge [sflag:s28], $0x4000  }
0x181: {  	[sflag:s28] =	ssyncset.done $0x0  }
0x182: {  	[sflag:s28] =	ssyncadd.s32 $0xFFFFC000  }
0x183: {  	[spmem:s2] =	stream.indirect.scatter.add.f32 [tilespmem:s22], [sflag:$0x3], $0x80, s31, s25, $0x2000b8;
	[tilespmem:$0x1D000] =	vst v63  }
0x184: {  	_ =	swait.ge [sflag:s23], $0x4000  }
0x185: {  	[sflag:s23] =	ssyncset.done $0x0  }
0x186: {  	[sflag:s23] =	ssyncadd.s32 $0xFFFFC000  }
0x187: {  	[tilespmem:s22], [sflag:$0x1] =	stream.indirect.gather [hbm4b:s4+s25], $0x80, s0, s25, $0x2000b8;
	[tilespmem:$0x1D000] =	vst v63  }
0x188: {  	_ =	swait.ge [sflag:s30], $0x4000  }
0x189: {  	[sflag:s30] =	ssyncset.done $0x0  }
0x18a: {  	s11 =	simm.s32 $0xA80;
	[sflag:s30] =	ssyncadd.s32 $0xFFFFC000  }
0x18b: {  	[spmem:s2] =	stream.indirect.scatter.add.f32 [tilespmem:s26], [sflag:$0x3], $0x80, s11, s25, $0x2000b8;
	[tilespmem:$0x1D000] =	vst v63  }
0x18c: {  	_ =	swait.ge [sflag:s23], $0x4000  }
0x18d: {  	[sflag:s23] =	ssyncset.done $0x0  }
0x18e: {  	[sflag:s23] =	ssyncadd.s32 $0xFFFFC000  }
0x18f: {  	[tilespmem:s26], [sflag:$0x2] =	stream.indirect.gather [hbm4b:s4+s25], $0x80, s3, s25, $0x2000b8;
	[tilespmem:$0x1D000] =	vst v63  }
0x190: {  	_ =	swait.ge [sflag:s28], $0x4000  }
0x191: {  	[sflag:s28] =	ssyncset.done $0x0  }
0x192: {  	[sflag:s28] =	ssyncadd.s32 $0xFFFFC000  }
0x193: {  	[spmem:s2] =	stream.indirect.scatter.add.f32 [tilespmem:s22], [sflag:$0x3], $0x80, s5, s25, $0x2000b8;
	[tilespmem:$0x1D000] =	vst v63  }
0x194: {  	_ =	swait.ge [sflag:s23], $0x4000  }
0x195: {  	[sflag:s23] =	ssyncset.done $0x0  }
0x196: {  	[sflag:s23] =	ssyncadd.s32 $0xFFFFC000  }
0x197: {  	[tilespmem:s22], [sflag:$0x1] =	stream.indirect.gather [hbm4b:s4+s25], $0x80, s24, s25, $0x2000b8;
	[tilespmem:$0x1D000] =	vst v63  }
0x198: {  	_ =	swait.ge [sflag:s30], $0x4000  }
0x199: {  	[sflag:s30] =	ssyncset.done $0x0  }
0x19a: {  	[sflag:s30] =	ssyncadd.s32 $0xFFFFC000  }
0x19b: {  	[spmem:s2] =	stream.indirect.scatter.add.f32 [tilespmem:s26], [sflag:$0x3], $0x80, s15, s25, $0x2000b8;
	[tilespmem:$0x1D000] =	vst v63  }
0x19c: {  	_ =	swait.ge [sflag:s23], $0x4000  }
0x19d: {  	[sflag:s23] =	ssyncset.done $0x0  }
0x19e: {  	[sflag:s23] =	ssyncadd.s32 $0xFFFFC000  }
0x19f: {  	[tilespmem:s26], [sflag:$0x2] =	stream.indirect.gather [hbm4b:s4+s25], $0x80, s16, s25, $0x2000b8;
	[tilespmem:$0x1D000] =	vst v63  }
0x1a0: {  	_ =	swait.ge [sflag:s28], $0x4000  }
0x1a1: {  	[sflag:s28] =	ssyncset.done $0x0  }
0x1a2: {  	[sflag:s28] =	ssyncadd.s32 $0xFFFFC000  }
0x1a3: {  	[spmem:s2] =	stream.indirect.scatter.add.f32 [tilespmem:s22], [sflag:$0x3], $0x80, s17, s25, $0x2000b8;
	[tilespmem:$0x1D000] =	vst v63  }
0x1a4: {  	_ =	swait.ge [sflag:s23], $0x4000  }
0x1a5: {  	[sflag:s23] =	ssyncset.done $0x0  }
0x1a6: {  	[sflag:s23] =	ssyncadd.s32 $0xFFFFC000  }
0x1a7: {  	[tilespmem:s22], [sflag:$0x1] =	stream.indirect.gather [hbm4b:s4+s25], $0x80, s18, s25, $0x2000b8;
	[tilespmem:$0x1D000] =	vst v63  }
0x1a8: {  	_ =	swait.ge [sflag:s30], $0x4000  }
0x1a9: {  	[sflag:s30] =	ssyncset.done $0x0  }
0x1aa: {  	[sflag:s30] =	ssyncadd.s32 $0xFFFFC000  }
0x1ab: {  	[spmem:s2] =	stream.indirect.scatter.add.f32 [tilespmem:s26], [sflag:$0x3], $0x80, s19, s25, $0x2000b8;
	[tilespmem:$0x1D000] =	vst v63  }
0x1ac: {  	_ =	swait.ge [sflag:s23], $0x4000  }
0x1ad: {  	[sflag:s23] =	ssyncset.done $0x0  }
0x1ae: {  	s15 =	simm.s32 $0x580;
	[sflag:s23] =	ssyncadd.s32 $0xFFFFC000  }
0x1af: {  	[tilespmem:s26], [sflag:$0x2] =	stream.indirect.gather [hbm4b:s4+s25], $0x80, s15, s25, $0x2000b8;
	[tilespmem:$0x1D000] =	vst v63  }
0x1b0: {  	_ =	swait.ge [sflag:s28], $0x4000  }
0x1b1: {  	[sflag:s28] =	ssyncset.done $0x0  }
0x1b2: {  	s20 =	simm.s32 $0xD00;
	[sflag:s28] =	ssyncadd.s32 $0xFFFFC000  }
0x1b3: {  	[spmem:s2] =	stream.indirect.scatter.add.f32 [tilespmem:s22], [sflag:$0x3], $0x80, s20, s25, $0x2000b8;
	[tilespmem:$0x1D000] =	vst v63  }
0x1b4: {  	_ =	swait.ge [sflag:s23], $0x4000  }
0x1b5: {  	[sflag:s23] =	ssyncset.done $0x0  }
0x1b6: {  	s24 =	simm.s32 $0x600;
	[sflag:s23] =	ssyncadd.s32 $0xFFFFC000  }
0x1b7: {  	[tilespmem:s22], [sflag:$0x1] =	stream.indirect.gather [hbm4b:s4+s25], $0x80, s24, s25, $0x2000b8;
	[tilespmem:$0x1D000] =	vst v63  }
0x1b8: {  	_ =	swait.ge [sflag:s30], $0x4000  }
0x1b9: {  	[sflag:s30] =	ssyncset.done $0x0  }
0x1ba: {  	s5 =	simm.s32 $0xD80;
	[sflag:s30] =	ssyncadd.s32 $0xFFFFC000  }
0x1bb: {  	[spmem:s2] =	stream.indirect.scatter.add.f32 [tilespmem:s26], [sflag:$0x3], $0x80, s5, s25, $0x2000b8;
	[tilespmem:$0x1D000] =	vst v63  }
0x1bc: {  	_ =	swait.ge [sflag:s23], $0x4000  }
0x1bd: {  	[sflag:s23] =	ssyncset.done $0x0  }
0x1be: {  	s6 =	simm.s32 $0x680;
	[sflag:s23] =	ssyncadd.s32 $0xFFFFC000  }
0x1bf: {  	[tilespmem:s26], [sflag:$0x2] =	stream.indirect.gather [hbm4b:s4+s25], $0x80, s6, s25, $0x2000b8;
	[tilespmem:$0x1D000] =	vst v63  }
0x1c0: {  	_ =	swait.ge [sflag:s28], $0x4000  }
0x1c1: {  	[sflag:s28] =	ssyncset.done $0x0  }
0x1c2: {  	s7 =	simm.s32 $0xE00;
	[sflag:s28] =	ssyncadd.s32 $0xFFFFC000  }
0x1c3: {  	[spmem:s2] =	stream.indirect.scatter.add.f32 [tilespmem:s22], [sflag:$0x3], $0x80, s7, s25, $0x2000b8;
	[tilespmem:$0x1D000] =	vst v63  }
0x1c4: {  	_ =	swait.ge [sflag:s23], $0x4000  }
0x1c5: {  	[sflag:s23] =	ssyncset.done $0x0  }
0x1c6: {  	s6 =	simm.s32 $0x700;
	[sflag:s23] =	ssyncadd.s32 $0xFFFFC000  }
0x1c7: {  	[tilespmem:s22], [sflag:$0x1] =	stream.indirect.gather [hbm4b:s4+s25], $0x80, s6, s25, $0x2000b8;
	[tilespmem:$0x1D000] =	vst v63  }
0x1c8: {  	_ =	swait.ge [sflag:s30], $0x4000  }
0x1c9: {  	[sflag:s30] =	ssyncset.done $0x0  }
0x1ca: {  	s9 =	simm.s32 $0xE80;
	[sflag:s30] =	ssyncadd.s32 $0xFFFFC000  }
0x1cb: {  	[spmem:s2] =	stream.indirect.scatter.add.f32 [tilespmem:s26], [sflag:$0x3], $0x80, s9, s25, $0x2000b8;
	[tilespmem:$0x1D000] =	vst v63  }
0x1cc: {  	_ =	swait.ge [sflag:s23], $0x4000  }
0x1cd: {  	[sflag:s23] =	ssyncset.done $0x0  }
0x1ce: {  	s12 =	simm.s32 $0x780;
	[sflag:s23] =	ssyncadd.s32 $0xFFFFC000  }
0x1cf: {  	[tilespmem:s26], [sflag:$0x2] =	stream.indirect.gather [hbm4b:s4+s25], $0x80, s12, s25, $0x2000b8;
	[tilespmem:$0x1D000] =	vst v63  }
0x1d0: {  	_ =	swait.ge [sflag:s28], $0x4000  }
0x1d1: {  	[sflag:s28] =	ssyncset.done $0x0  }
0x1d2: {  	s13 =	simm.s32 $0xF00;
	[sflag:s28] =	ssyncadd.s32 $0xFFFFC000  }
0x1d3: {  	[spmem:s2] =	stream.indirect.scatter.add.f32 [tilespmem:s22], [sflag:$0x3], $0x80, s13, s25, $0x2000b8;
	[tilespmem:$0x1D000] =	vst v63  }
0x1d4: {  	_ =	swait.ge [sflag:s23], $0x4000  }
0x1d5: {  	[sflag:s23] =	ssyncset.done $0x0  }
0x1d6: {  	[sflag:s23] =	ssyncadd.s32 $0xFFFFC000  }
0x1d7: {  	_ =	swait.ge [sflag:s30], $0x4000  }
0x1d8: {  	[sflag:s30] =	ssyncset.done $0x0  }
0x1d9: {  	s14 =	simm.s32 $0xF80;
	[sflag:s30] =	ssyncadd.s32 $0xFFFFC000  }
0x1da: {  	[spmem:s2] =	stream.indirect.scatter.add.f32 [tilespmem:s26], [sflag:$0x3], $0x80, s14, s25, $0x2000b8;
	[tilespmem:$0x1D000] =	vst v63  }
0x1db: {  	_ =	swait.ge [sflag:s23], $0x4000  }
0x1dc: {  	[sflag:s23] =	ssyncset.done $0x0  }
0x1dd: {  	s7 =	rddreg [dreg:$0xe];
	[sflag:s23] =	ssyncadd.s32 $0xFFFFC000  }
0x1de: {  	[tilespmem:s8], [sflag:$0x3] =	stream.linear.gather [hbm4b:s7+s8], $0x800, $0x200038;
	[tilespmem:$0x1D000] =	vst v63  }
0x1df: {  	_ =	swait.ge [sflag:s23], $0x800  }
0x1e0: {  	[sflag:s23] =	ssyncset.done $0x0  }
0x1e1: {  	s9 =	rddreg [dreg:$0xf];
	[sflag:s23] =	ssyncadd.s32 $0xFFFFF800  }
0x1e2: {  	[tilespmem:s1], [sflag:$0x3] =	stream.linear.gather [hbm4b:s9+s8], $0x800, $0x200038;
	[tilespmem:$0x1D000] =	vst v63  }
0x1e3: {  	_ =	swait.ge [sflag:s23], $0x800  }
0x1e4: {  	[sflag:s23] =	ssyncset.done $0x0  }
0x1e5: {  	[sflag:s23] =	ssyncadd.s32 $0xFFFFF800  }
0x1e6: {  	[tilespmem:s22], [sflag:$0x1] =	stream.indirect.gather [hbm4b:s4+s25], $0x80, s8, s25, $0x2000b8;
	[tilespmem:$0x1D000] =	vst v63  }
0x1e7: {  	_ = 	snop  }
0x1e8: {  	[tilespmem:s26], [sflag:$0x2] =	stream.indirect.gather [hbm4b:s4+s25], $0x80, s25, s25, $0x2000b8;
	[tilespmem:$0x1D000] =	vst v63  }
0x1e9: {  	_ =	swait.ge [sflag:s28], $0x4000  }
0x1ea: {  	[sflag:s28] =	ssyncset.done $0x0  }
0x1eb: {  	[sflag:s28] =	ssyncadd.s32 $0xFFFFC000  }
0x1ec: {  	[spmem:s2] =	stream.indirect.scatter.add.f32 [tilespmem:s22], [sflag:$0x3], $0x80, s1, s25, $0x2000b8;
	[tilespmem:$0x1D000] =	vst v63  }
0x1ed: {  	_ =	swait.ge [sflag:s23], $0x4000  }
0x1ee: {  	[sflag:s23] =	ssyncset.done $0x0  }
0x1ef: {  	s12 =	simm.s32 $0x100;
	[sflag:s23] =	ssyncadd.s32 $0xFFFFC000  }
0x1f0: {  	[tilespmem:s22], [sflag:$0x1] =	stream.indirect.gather [hbm4b:s4+s25], $0x80, s12, s25, $0x2000b8;
	[tilespmem:$0x1D000] =	vst v63  }
0x1f1: {  	_ =	swait.ge [sflag:s30], $0x4000  }
0x1f2: {  	[sflag:s30] =	ssyncset.done $0x0  }
0x1f3: {  	s13 =	simm.s32 $0x880;
	[sflag:s30] =	ssyncadd.s32 $0xFFFFC000  }
0x1f4: {  	[spmem:s2] =	stream.indirect.scatter.add.f32 [tilespmem:s26], [sflag:$0x3], $0x80, s13, s25, $0x2000b8;
	[tilespmem:$0x1D000] =	vst v63  }
0x1f5: {  	_ =	swait.ge [sflag:s23], $0x4000  }
0x1f6: {  	[sflag:s23] =	ssyncset.done $0x0  }
0x1f7: {  	s14 =	simm.s32 $0x180;
	[sflag:s23] =	ssyncadd.s32 $0xFFFFC000  }
0x1f8: {  	[tilespmem:s26], [sflag:$0x2] =	stream.indirect.gather [hbm4b:s4+s25], $0x80, s14, s25, $0x2000b8;
	[tilespmem:$0x1D000] =	vst v63  }
0x1f9: {  	_ =	swait.ge [sflag:s28], $0x4000  }
0x1fa: {  	[sflag:s28] =	ssyncset.done $0x0  }
0x1fb: {  	s5 =	simm.s32 $0x900;
	[sflag:s28] =	ssyncadd.s32 $0xFFFFC000  }
0x1fc: {  	[spmem:s2] =	stream.indirect.scatter.add.f32 [tilespmem:s22], [sflag:$0x3], $0x80, s5, s25, $0x2000b8;
	[tilespmem:$0x1D000] =	vst v63  }
0x1fd: {  	_ =	swait.ge [sflag:s23], $0x4000  }
0x1fe: {  	[sflag:s23] =	ssyncset.done $0x0  }
0x1ff: {  	s6 =	simm.s32 $0x200;
	[sflag:s23] =	ssyncadd.s32 $0xFFFFC000  }
0x200: {  	[tilespmem:s22], [sflag:$0x1] =	stream.indirect.gather [hbm4b:s4+s25], $0x80, s6, s25, $0x2000b8;
	[tilespmem:$0x1D000] =	vst v63  }
0x201: {  	_ =	swait.ge [sflag:s30], $0x4000  }
0x202: {  	[sflag:s30] =	ssyncset.done $0x0  }
0x203: {  	s21 =	simm.s32 $0x980;
	[sflag:s30] =	ssyncadd.s32 $0xFFFFC000  }
0x204: {  	[spmem:s2] =	stream.indirect.scatter.add.f32 [tilespmem:s26], [sflag:$0x3], $0x80, s21, s25, $0x2000b8;
	[tilespmem:$0x1D000] =	vst v63  }
0x205: {  	_ =	swait.ge [sflag:s23], $0x4000  }
0x206: {  	[sflag:s23] =	ssyncset.done $0x0  }
0x207: {  	s29 =	simm.s32 $0x280;
	[sflag:s23] =	ssyncadd.s32 $0xFFFFC000  }
0x208: {  	[tilespmem:s26], [sflag:$0x2] =	stream.indirect.gather [hbm4b:s4+s25], $0x80, s29, s25, $0x2000b8;
	[tilespmem:$0x1D000] =	vst v63  }
0x209: {  	_ =	swait.ge [sflag:s28], $0x4000  }
0x20a: {  	[sflag:s28] =	ssyncset.done $0x0  }
0x20b: {  	s31 =	simm.s32 $0xA00;
	[sflag:s28] =	ssyncadd.s32 $0xFFFFC000  }
0x20c: {  	[spmem:s2] =	stream.indirect.scatter.add.f32 [tilespmem:s22], [sflag:$0x3], $0x80, s31, s25, $0x2000b8;
	[tilespmem:$0x1D000] =	vst v63  }
0x20d: {  	_ =	swait.ge [sflag:s23], $0x4000  }
0x20e: {  	[sflag:s23] =	ssyncset.done $0x0  }
0x20f: {  	s7 =	simm.s32 $0x300;
	[sflag:s23] =	ssyncadd.s32 $0xFFFFC000  }
0x210: {  	[tilespmem:s22], [sflag:$0x1] =	stream.indirect.gather [hbm4b:s4+s25], $0x80, s7, s25, $0x2000b8;
	[tilespmem:$0x1D000] =	vst v63  }
0x211: {  	_ =	swait.ge [sflag:s30], $0x4000  }
0x212: {  	[sflag:s30] =	ssyncset.done $0x0  }
0x213: {  	s9 =	simm.s32 $0xA80;
	[sflag:s30] =	ssyncadd.s32 $0xFFFFC000  }
0x214: {  	[spmem:s2] =	stream.indirect.scatter.add.f32 [tilespmem:s26], [sflag:$0x3], $0x80, s9, s25, $0x2000b8;
	[tilespmem:$0x1D000] =	vst v63  }
0x215: {  	_ =	swait.ge [sflag:s23], $0x4000  }
0x216: {  	[sflag:s23] =	ssyncset.done $0x0  }
0x217: {  	s11 =	simm.s32 $0x380;
	[sflag:s23] =	ssyncadd.s32 $0xFFFFC000  }
0x218: {  	[tilespmem:s26], [sflag:$0x2] =	stream.indirect.gather [hbm4b:s4+s25], $0x80, s11, s25, $0x2000b8;
	[tilespmem:$0x1D000] =	vst v63  }
0x219: {  	_ =	swait.ge [sflag:s28], $0x4000  }
0x21a: {  	[sflag:s28] =	ssyncset.done $0x0  }
0x21b: {  	s12 =	simm.s32 $0xB00;
	[sflag:s28] =	ssyncadd.s32 $0xFFFFC000  }
0x21c: {  	[spmem:s2] =	stream.indirect.scatter.add.f32 [tilespmem:s22], [sflag:$0x3], $0x80, s12, s25, $0x2000b8;
	[tilespmem:$0x1D000] =	vst v63  }
0x21d: {  	_ =	swait.ge [sflag:s23], $0x4000  }
0x21e: {  	[sflag:s23] =	ssyncset.done $0x0  }
0x21f: {  	s0 =	simm.s32 $0x400;
	[sflag:s23] =	ssyncadd.s32 $0xFFFFC000  }
0x220: {  	[tilespmem:s22], [sflag:$0x1] =	stream.indirect.gather [hbm4b:s4+s25], $0x80, s0, s25, $0x2000b8;
	[tilespmem:$0x1D000] =	vst v63  }
0x221: {  	_ =	swait.ge [sflag:s30], $0x4000  }
0x222: {  	[sflag:s30] =	ssyncset.done $0x0  }
0x223: {  	s13 =	simm.s32 $0xB80;
	[sflag:s30] =	ssyncadd.s32 $0xFFFFC000  }
0x224: {  	[spmem:s2] =	stream.indirect.scatter.add.f32 [tilespmem:s26], [sflag:$0x3], $0x80, s13, s25, $0x2000b8;
	[tilespmem:$0x1D000] =	vst v63  }
0x225: {  	_ =	swait.ge [sflag:s23], $0x4000  }
0x226: {  	[sflag:s23] =	ssyncset.done $0x0  }
0x227: {  	s16 =	simm.s32 $0x480;
	[sflag:s23] =	ssyncadd.s32 $0xFFFFC000  }
0x228: {  	[tilespmem:s26], [sflag:$0x2] =	stream.indirect.gather [hbm4b:s4+s25], $0x80, s16, s25, $0x2000b8;
	[tilespmem:$0x1D000] =	vst v63  }
0x229: {  	_ =	swait.ge [sflag:s28], $0x4000  }
0x22a: {  	[sflag:s28] =	ssyncset.done $0x0  }
0x22b: {  	s17 =	simm.s32 $0xC00;
	[sflag:s28] =	ssyncadd.s32 $0xFFFFC000  }
0x22c: {  	[spmem:s2] =	stream.indirect.scatter.add.f32 [tilespmem:s22], [sflag:$0x3], $0x80, s17, s25, $0x2000b8;
	[tilespmem:$0x1D000] =	vst v63  }
0x22d: {  	_ =	swait.ge [sflag:s23], $0x4000  }
0x22e: {  	[sflag:s23] =	ssyncset.done $0x0  }
0x22f: {  	s18 =	simm.s32 $0x500;
	[sflag:s23] =	ssyncadd.s32 $0xFFFFC000  }
0x230: {  	[tilespmem:s22], [sflag:$0x1] =	stream.indirect.gather [hbm4b:s4+s25], $0x80, s18, s25, $0x2000b8;
	[tilespmem:$0x1D000] =	vst v63  }
0x231: {  	_ =	swait.ge [sflag:s30], $0x4000  }
0x232: {  	[sflag:s30] =	ssyncset.done $0x0  }
0x233: {  	s19 =	simm.s32 $0xC80;
	[sflag:s30] =	ssyncadd.s32 $0xFFFFC000  }
0x234: {  	[spmem:s2] =	stream.indirect.scatter.add.f32 [tilespmem:s26], [sflag:$0x3], $0x80, s19, s25, $0x2000b8;
	[tilespmem:$0x1D000] =	vst v63  }
0x235: {  	_ =	swait.ge [sflag:s23], $0x4000  }
0x236: {  	[sflag:s23] =	ssyncset.done $0x0  }
0x237: {  	s19 =	simm.s32 $0x580;
	[sflag:s23] =	ssyncadd.s32 $0xFFFFC000  }
0x238: {  	[tilespmem:s26], [sflag:$0x2] =	stream.indirect.gather [hbm4b:s4+s25], $0x80, s19, s25, $0x2000b8;
	[tilespmem:$0x1D000] =	vst v63  }
0x239: {  	_ =	swait.ge [sflag:s28], $0x4000  }
0x23a: {  	[sflag:s28] =	ssyncset.done $0x0  }
0x23b: {  	s15 =	simm.s32 $0xD00;
	[sflag:s28] =	ssyncadd.s32 $0xFFFFC000  }
0x23c: {  	[spmem:s2] =	stream.indirect.scatter.add.f32 [tilespmem:s22], [sflag:$0x3], $0x80, s15, s25, $0x2000b8;
	[tilespmem:$0x1D000] =	vst v63  }
0x23d: {  	_ =	swait.ge [sflag:s23], $0x4000  }
0x23e: {  	[sflag:s23] =	ssyncset.done $0x0  }
0x23f: {  	s20 =	simm.s32 $0x600;
	[sflag:s23] =	ssyncadd.s32 $0xFFFFC000  }
0x240: {  	[tilespmem:s22], [sflag:$0x1] =	stream.indirect.gather [hbm4b:s4+s25], $0x80, s20, s25, $0x2000b8;
	[tilespmem:$0x1D000] =	vst v63  }
0x241: {  	_ =	swait.ge [sflag:s30], $0x4000  }
0x242: {  	[sflag:s30] =	ssyncset.done $0x0  }
0x243: {  	s24 =	simm.s32 $0xD80;
	[sflag:s30] =	ssyncadd.s32 $0xFFFFC000  }
0x244: {  	[spmem:s2] =	stream.indirect.scatter.add.f32 [tilespmem:s26], [sflag:$0x3], $0x80, s24, s25, $0x2000b8;
	[tilespmem:$0x1D000] =	vst v63  }
0x245: {  	_ =	swait.ge [sflag:s23], $0x4000  }
0x246: {  	[sflag:s23] =	ssyncset.done $0x0  }
0x247: {  	s20 =	simm.s32 $0x680;
	[sflag:s23] =	ssyncadd.s32 $0xFFFFC000  }
0x248: {  	[tilespmem:s26], [sflag:$0x2] =	stream.indirect.gather [hbm4b:s4+s25], $0x80, s20, s25, $0x2000b8;
	[tilespmem:$0x1D000] =	vst v63  }
0x249: {  	_ =	swait.ge [sflag:s28], $0x4000  }
0x24a: {  	[sflag:s28] =	ssyncset.done $0x0  }
0x24b: {  	s24 =	simm.s32 $0xE00;
	[sflag:s28] =	ssyncadd.s32 $0xFFFFC000  }
0x24c: {  	[spmem:s2] =	stream.indirect.scatter.add.f32 [tilespmem:s22], [sflag:$0x3], $0x80, s24, s25, $0x2000b8;
	[tilespmem:$0x1D000] =	vst v63  }
0x24d: {  	_ =	swait.ge [sflag:s23], $0x4000  }
0x24e: {  	[sflag:s23] =	ssyncset.done $0x0  }
0x24f: {  	s12 =	simm.s32 $0x700;
	[sflag:s23] =	ssyncadd.s32 $0xFFFFC000  }
0x250: {  	[tilespmem:s22], [sflag:$0x1] =	stream.indirect.gather [hbm4b:s4+s25], $0x80, s12, s25, $0x2000b8;
	[tilespmem:$0x1D000] =	vst v63  }
0x251: {  	_ =	swait.ge [sflag:s30], $0x4000  }
0x252: {  	[sflag:s30] =	ssyncset.done $0x0  }
0x253: {  	s13 =	simm.s32 $0xE80;
	[sflag:s30] =	ssyncadd.s32 $0xFFFFC000  }
0x254: {  	[spmem:s2] =	stream.indirect.scatter.add.f32 [tilespmem:s26], [sflag:$0x3], $0x80, s13, s25, $0x2000b8;
	[tilespmem:$0x1D000] =	vst v63  }
0x255: {  	_ =	swait.ge [sflag:s23], $0x4000  }
0x256: {  	[sflag:s23] =	ssyncset.done $0x0  }
0x257: {  	s11 =	simm.s32 $0x780;
	[sflag:s23] =	ssyncadd.s32 $0xFFFFC000  }
0x258: {  	[tilespmem:s26], [sflag:$0x2] =	stream.indirect.gather [hbm4b:s4+s25], $0x80, s11, s25, $0x2000b8;
	[tilespmem:$0x1D000] =	vst v63  }
0x259: {  	_ =	swait.ge [sflag:s28], $0x4000  }
0x25a: {  	[sflag:s28] =	ssyncset.done $0x0  }
0x25b: {  	s11 =	simm.s32 $0xF00;
	[sflag:s28] =	ssyncadd.s32 $0xFFFFC000  }
0x25c: {  	[spmem:s2] =	stream.indirect.scatter.add.f32 [tilespmem:s22], [sflag:$0x3], $0x80, s11, s25, $0x2000b8;
	[tilespmem:$0x1D000] =	vst v63  }
0x25d: {  	_ =	swait.ge [sflag:s23], $0x4000  }
0x25e: {  	[sflag:s23] =	ssyncset.done $0x0  }
0x25f: {  	[sflag:s23] =	ssyncadd.s32 $0xFFFFC000  }
0x260: {  	_ =	swait.ge [sflag:s30], $0x4000  }
0x261: {  	[sflag:s30] =	ssyncset.done $0x0  }
0x262: {  	s11 =	simm.s32 $0xF80;
	[sflag:s30] =	ssyncadd.s32 $0xFFFFC000  }
0x263: {  	[spmem:s2] =	stream.indirect.scatter.add.f32 [tilespmem:s26], [sflag:$0x3], $0x80, s11, s25, $0x2000b8;
	[tilespmem:$0x1D000] =	vst v63  }
0x264: {  	_ =	swait.ge [sflag:s23], $0x4000  }
0x265: {  	[sflag:s23] =	ssyncset.done $0x0  }
0x266: {  	s11 =	rddreg [dreg:$0x10];
	[sflag:s23] =	ssyncadd.s32 $0xFFFFC000  }
0x267: {  	[tilespmem:s8], [sflag:$0x3] =	stream.linear.gather [hbm4b:s11+s8], $0x800, $0x200038;
	[tilespmem:$0x1D000] =	vst v63  }
0x268: {  	_ =	swait.ge [sflag:s23], $0x800  }
0x269: {  	[sflag:s23] =	ssyncset.done $0x0  }
0x26a: {  	s11 =	rddreg [dreg:$0x11];
	[sflag:s23] =	ssyncadd.s32 $0xFFFFF800  }
0x26b: {  	[tilespmem:s1], [sflag:$0x3] =	stream.linear.gather [hbm4b:s11+s8], $0x800, $0x200038;
	[tilespmem:$0x1D000] =	vst v63  }
0x26c: {  	_ =	swait.ge [sflag:s23], $0x800  }
0x26d: {  	[sflag:s23] =	ssyncset.done $0x0  }
0x26e: {  	[sflag:s23] =	ssyncadd.s32 $0xFFFFF800  }
0x26f: {  	[tilespmem:s22], [sflag:$0x1] =	stream.indirect.gather [hbm4b:s4+s25], $0x80, s8, s25, $0x2000b8;
	[tilespmem:$0x1D000] =	vst v63  }
0x270: {  	_ = 	snop  }
0x271: {  	[tilespmem:s26], [sflag:$0x2] =	stream.indirect.gather [hbm4b:s4+s25], $0x80, s25, s25, $0x2000b8;
	[tilespmem:$0x1D000] =	vst v63  }
0x272: {  	_ =	swait.ge [sflag:s28], $0x4000  }
0x273: {  	[sflag:s28] =	ssyncset.done $0x0  }
0x274: {  	[sflag:s28] =	ssyncadd.s32 $0xFFFFC000  }
0x275: {  	[spmem:s2] =	stream.indirect.scatter.add.f32 [tilespmem:s22], [sflag:$0x3], $0x80, s1, s25, $0x2000b8;
	[tilespmem:$0x1D000] =	vst v63  }
0x276: {  	_ =	swait.ge [sflag:s23], $0x4000  }
0x277: {  	[sflag:s23] =	ssyncset.done $0x0  }
0x278: {  	s11 =	simm.s32 $0x100;
	[sflag:s23] =	ssyncadd.s32 $0xFFFFC000  }
0x279: {  	[tilespmem:s22], [sflag:$0x1] =	stream.indirect.gather [hbm4b:s4+s25], $0x80, s11, s25, $0x2000b8;
	[tilespmem:$0x1D000] =	vst v63  }
0x27a: {  	_ =	swait.ge [sflag:s30], $0x4000  }
0x27b: {  	[sflag:s30] =	ssyncset.done $0x0  }
0x27c: {  	s11 =	simm.s32 $0x880;
	[sflag:s30] =	ssyncadd.s32 $0xFFFFC000  }
0x27d: {  	[spmem:s2] =	stream.indirect.scatter.add.f32 [tilespmem:s26], [sflag:$0x3], $0x80, s11, s25, $0x2000b8;
	[tilespmem:$0x1D000] =	vst v63  }
0x27e: {  	_ =	swait.ge [sflag:s23], $0x4000  }
0x27f: {  	[sflag:s23] =	ssyncset.done $0x0  }
0x280: {  	s11 =	simm.s32 $0x180;
	[sflag:s23] =	ssyncadd.s32 $0xFFFFC000  }
0x281: {  	[tilespmem:s26], [sflag:$0x2] =	stream.indirect.gather [hbm4b:s4+s25], $0x80, s11, s25, $0x2000b8;
	[tilespmem:$0x1D000] =	vst v63  }
0x282: {  	_ =	swait.ge [sflag:s28], $0x4000  }
0x283: {  	[sflag:s28] =	ssyncset.done $0x0  }
0x284: {  	s11 =	simm.s32 $0x900;
	[sflag:s28] =	ssyncadd.s32 $0xFFFFC000  }
0x285: {  	[spmem:s2] =	stream.indirect.scatter.add.f32 [tilespmem:s22], [sflag:$0x3], $0x80, s11, s25, $0x2000b8;
	[tilespmem:$0x1D000] =	vst v63  }
0x286: {  	_ =	swait.ge [sflag:s23], $0x4000  }
0x287: {  	[sflag:s23] =	ssyncset.done $0x0  }
0x288: {  	s11 =	simm.s32 $0x200;
	[sflag:s23] =	ssyncadd.s32 $0xFFFFC000  }
0x289: {  	[tilespmem:s22], [sflag:$0x1] =	stream.indirect.gather [hbm4b:s4+s25], $0x80, s11, s25, $0x2000b8;
	[tilespmem:$0x1D000] =	vst v63  }
0x28a: {  	_ =	swait.ge [sflag:s30], $0x4000  }
0x28b: {  	[sflag:s30] =	ssyncset.done $0x0  }
0x28c: {  	s3 =	simm.s32 $0x980;
	[sflag:s30] =	ssyncadd.s32 $0xFFFFC000  }
0x28d: {  	[spmem:s2] =	stream.indirect.scatter.add.f32 [tilespmem:s26], [sflag:$0x3], $0x80, s3, s25, $0x2000b8;
	[tilespmem:$0x1D000] =	vst v63  }
0x28e: {  	_ =	swait.ge [sflag:s23], $0x4000  }
0x28f: {  	[sflag:s23] =	ssyncset.done $0x0  }
0x290: {  	s21 =	simm.s32 $0x280;
	[sflag:s23] =	ssyncadd.s32 $0xFFFFC000  }
0x291: {  	[tilespmem:s26], [sflag:$0x2] =	stream.indirect.gather [hbm4b:s4+s25], $0x80, s21, s25, $0x2000b8;
	[tilespmem:$0x1D000] =	vst v63  }
0x292: {  	_ =	swait.ge [sflag:s28], $0x4000  }
0x293: {  	[sflag:s28] =	ssyncset.done $0x0  }
0x294: {  	s29 =	simm.s32 $0xA00;
	[sflag:s28] =	ssyncadd.s32 $0xFFFFC000  }
0x295: {  	[spmem:s2] =	stream.indirect.scatter.add.f32 [tilespmem:s22], [sflag:$0x3], $0x80, s29, s25, $0x2000b8;
	[tilespmem:$0x1D000] =	vst v63  }
0x296: {  	_ =	swait.ge [sflag:s23], $0x4000  }
0x297: {  	[sflag:s23] =	ssyncset.done $0x0  }
0x298: {  	s31 =	simm.s32 $0x300;
	[sflag:s23] =	ssyncadd.s32 $0xFFFFC000  }
0x299: {  	[tilespmem:s22], [sflag:$0x1] =	stream.indirect.gather [hbm4b:s4+s25], $0x80, s31, s25, $0x2000b8;
	[tilespmem:$0x1D000] =	vst v63  }
0x29a: {  	_ =	swait.ge [sflag:s30], $0x4000  }
0x29b: {  	[sflag:s30] =	ssyncset.done $0x0  }
0x29c: {  	s11 =	simm.s32 $0xA80;
	[sflag:s30] =	ssyncadd.s32 $0xFFFFC000  }
0x29d: {  	[spmem:s2] =	stream.indirect.scatter.add.f32 [tilespmem:s26], [sflag:$0x3], $0x80, s11, s25, $0x2000b8;
	[tilespmem:$0x1D000] =	vst v63  }
0x29e: {  	_ =	swait.ge [sflag:s23], $0x4000  }
0x29f: {  	[sflag:s23] =	ssyncset.done $0x0  }
0x2a0: {  	s5 =	simm.s32 $0x380;
	[sflag:s23] =	ssyncadd.s32 $0xFFFFC000  }
0x2a1: {  	[tilespmem:s26], [sflag:$0x2] =	stream.indirect.gather [hbm4b:s4+s25], $0x80, s5, s25, $0x2000b8;
	[tilespmem:$0x1D000] =	vst v63  }
0x2a2: {  	_ =	swait.ge [sflag:s28], $0x4000  }
0x2a3: {  	[sflag:s28] =	ssyncset.done $0x0  }
0x2a4: {  	s6 =	simm.s32 $0xB00;
	[sflag:s28] =	ssyncadd.s32 $0xFFFFC000  }
0x2a5: {  	[spmem:s2] =	stream.indirect.scatter.add.f32 [tilespmem:s22], [sflag:$0x3], $0x80, s6, s25, $0x2000b8;
	[tilespmem:$0x1D000] =	vst v63  }
0x2a6: {  	_ =	swait.ge [sflag:s23], $0x4000  }
0x2a7: {  	[sflag:s23] =	ssyncset.done $0x0  }
0x2a8: {  	s14 =	simm.s32 $0x400;
	[sflag:s23] =	ssyncadd.s32 $0xFFFFC000  }
0x2a9: {  	[tilespmem:s22], [sflag:$0x1] =	stream.indirect.gather [hbm4b:s4+s25], $0x80, s14, s25, $0x2000b8;
	[tilespmem:$0x1D000] =	vst v63  }
0x2aa: {  	_ =	swait.ge [sflag:s30], $0x4000  }
0x2ab: {  	[sflag:s30] =	ssyncset.done $0x0  }
0x2ac: {  	s9 =	simm.s32 $0xB80;
	[sflag:s30] =	ssyncadd.s32 $0xFFFFC000  }
0x2ad: {  	[spmem:s2] =	stream.indirect.scatter.add.f32 [tilespmem:s26], [sflag:$0x3], $0x80, s9, s25, $0x2000b8;
	[tilespmem:$0x1D000] =	vst v63  }
0x2ae: {  	_ =	swait.ge [sflag:s23], $0x4000  }
0x2af: {  	[sflag:s23] =	ssyncset.done $0x0  }
0x2b0: {  	s7 =	simm.s32 $0x480;
	[sflag:s23] =	ssyncadd.s32 $0xFFFFC000  }
0x2b1: {  	[tilespmem:s26], [sflag:$0x2] =	stream.indirect.gather [hbm4b:s4+s25], $0x80, s7, s25, $0x2000b8;
	[tilespmem:$0x1D000] =	vst v63  }
0x2b2: {  	_ =	swait.ge [sflag:s28], $0x4000  }
0x2b3: {  	[sflag:s28] =	ssyncset.done $0x0  }
0x2b4: {  	s16 =	simm.s32 $0xC00;
	[sflag:s28] =	ssyncadd.s32 $0xFFFFC000  }
0x2b5: {  	[spmem:s2] =	stream.indirect.scatter.add.f32 [tilespmem:s22], [sflag:$0x3], $0x80, s16, s25, $0x2000b8;
	[tilespmem:$0x1D000] =	vst v63  }
0x2b6: {  	_ =	swait.ge [sflag:s23], $0x4000  }
0x2b7: {  	[sflag:s23] =	ssyncset.done $0x0  }
0x2b8: {  	s17 =	simm.s32 $0x500;
	[sflag:s23] =	ssyncadd.s32 $0xFFFFC000  }
0x2b9: {  	[tilespmem:s22], [sflag:$0x1] =	stream.indirect.gather [hbm4b:s4+s25], $0x80, s17, s25, $0x2000b8;
	[tilespmem:$0x1D000] =	vst v63  }
0x2ba: {  	_ =	swait.ge [sflag:s30], $0x4000  }
0x2bb: {  	[sflag:s30] =	ssyncset.done $0x0  }
0x2bc: {  	s18 =	simm.s32 $0xC80;
	[sflag:s30] =	ssyncadd.s32 $0xFFFFC000  }
0x2bd: {  	[spmem:s2] =	stream.indirect.scatter.add.f32 [tilespmem:s26], [sflag:$0x3], $0x80, s18, s25, $0x2000b8;
	[tilespmem:$0x1D000] =	vst v63  }
0x2be: {  	_ =	swait.ge [sflag:s23], $0x4000  }
0x2bf: {  	[sflag:s23] =	ssyncset.done $0x0  }
0x2c0: {  	s16 =	simm.s32 $0x580;
	[sflag:s23] =	ssyncadd.s32 $0xFFFFC000  }
0x2c1: {  	[tilespmem:s26], [sflag:$0x2] =	stream.indirect.gather [hbm4b:s4+s25], $0x80, s16, s25, $0x2000b8;
	[tilespmem:$0x1D000] =	vst v63  }
0x2c2: {  	_ =	swait.ge [sflag:s28], $0x4000  }
0x2c3: {  	[sflag:s28] =	ssyncset.done $0x0  }
0x2c4: {  	s0 =	simm.s32 $0xD00;
	[sflag:s28] =	ssyncadd.s32 $0xFFFFC000  }
0x2c5: {  	[spmem:s2] =	stream.indirect.scatter.add.f32 [tilespmem:s22], [sflag:$0x3], $0x80, s0, s25, $0x2000b8;
	[tilespmem:$0x1D000] =	vst v63  }
0x2c6: {  	_ =	swait.ge [sflag:s23], $0x4000  }
0x2c7: {  	[sflag:s23] =	ssyncset.done $0x0  }
0x2c8: {  	s15 =	simm.s32 $0x600;
	[sflag:s23] =	ssyncadd.s32 $0xFFFFC000  }
0x2c9: {  	[tilespmem:s22], [sflag:$0x1] =	stream.indirect.gather [hbm4b:s4+s25], $0x80, s15, s25, $0x2000b8;
	[tilespmem:$0x1D000] =	vst v63  }
0x2ca: {  	_ =	swait.ge [sflag:s30], $0x4000  }
0x2cb: {  	[sflag:s30] =	ssyncset.done $0x0  }
0x2cc: {  	s19 =	simm.s32 $0xD80;
	[sflag:s30] =	ssyncadd.s32 $0xFFFFC000  }
0x2cd: {  	[spmem:s2] =	stream.indirect.scatter.add.f32 [tilespmem:s26], [sflag:$0x3], $0x80, s19, s25, $0x2000b8;
	[tilespmem:$0x1D000] =	vst v63  }
0x2ce: {  	_ =	swait.ge [sflag:s23], $0x4000  }
0x2cf: {  	[sflag:s23] =	ssyncset.done $0x0  }
0x2d0: {  	s20 =	simm.s32 $0x680;
	[sflag:s23] =	ssyncadd.s32 $0xFFFFC000  }
0x2d1: {  	[tilespmem:s26], [sflag:$0x2] =	stream.indirect.gather [hbm4b:s4+s25], $0x80, s20, s25, $0x2000b8;
	[tilespmem:$0x1D000] =	vst v63  }
0x2d2: {  	_ =	swait.ge [sflag:s28], $0x4000  }
0x2d3: {  	[sflag:s28] =	ssyncset.done $0x0  }
0x2d4: {  	s24 =	simm.s32 $0xE00;
	[sflag:s28] =	ssyncadd.s32 $0xFFFFC000  }
0x2d5: {  	[spmem:s2] =	stream.indirect.scatter.add.f32 [tilespmem:s22], [sflag:$0x3], $0x80, s24, s25, $0x2000b8;
	[tilespmem:$0x1D000] =	vst v63  }
0x2d6: {  	_ =	swait.ge [sflag:s23], $0x4000  }
0x2d7: {  	[sflag:s23] =	ssyncset.done $0x0  }
0x2d8: {  	s12 =	simm.s32 $0x700;
	[sflag:s23] =	ssyncadd.s32 $0xFFFFC000  }
0x2d9: {  	[tilespmem:s22], [sflag:$0x1] =	stream.indirect.gather [hbm4b:s4+s25], $0x80, s12, s25, $0x2000b8;
	[tilespmem:$0x1D000] =	vst v63  }
0x2da: {  	_ =	swait.ge [sflag:s30], $0x4000  }
0x2db: {  	[sflag:s30] =	ssyncset.done $0x0  }
0x2dc: {  	s13 =	simm.s32 $0xE80;
	[sflag:s30] =	ssyncadd.s32 $0xFFFFC000  }
0x2dd: {  	[spmem:s2] =	stream.indirect.scatter.add.f32 [tilespmem:s26], [sflag:$0x3], $0x80, s13, s25, $0x2000b8;
	[tilespmem:$0x1D000] =	vst v63  }
0x2de: {  	_ =	swait.ge [sflag:s23], $0x4000  }
0x2df: {  	[sflag:s23] =	ssyncset.done $0x0  }
0x2e0: {  	s17 =	simm.s32 $0x780;
	[sflag:s23] =	ssyncadd.s32 $0xFFFFC000  }
0x2e1: {  	[tilespmem:s26], [sflag:$0x2] =	stream.indirect.gather [hbm4b:s4+s25], $0x80, s17, s25, $0x2000b8;
	[tilespmem:$0x1D000] =	vst v63  }
0x2e2: {  	_ =	swait.ge [sflag:s28], $0x4000  }
0x2e3: {  	[sflag:s28] =	ssyncset.done $0x0  }
0x2e4: {  	s18 =	simm.s32 $0xF00;
	[sflag:s28] =	ssyncadd.s32 $0xFFFFC000  }
0x2e5: {  	[spmem:s2] =	stream.indirect.scatter.add.f32 [tilespmem:s22], [sflag:$0x3], $0x80, s18, s25, $0x2000b8;
	[tilespmem:$0x1D000] =	vst v63  }
0x2e6: {  	_ =	swait.ge [sflag:s23], $0x4000  }
0x2e7: {  	[sflag:s23] =	ssyncset.done $0x0  }
0x2e8: {  	[sflag:s23] =	ssyncadd.s32 $0xFFFFC000  }
0x2e9: {  	_ =	swait.ge [sflag:s30], $0x4000  }
0x2ea: {  	[sflag:s30] =	ssyncset.done $0x0  }
0x2eb: {  	s19 =	simm.s32 $0xF80;
	[sflag:s30] =	ssyncadd.s32 $0xFFFFC000  }
0x2ec: {  	[spmem:s2] =	stream.indirect.scatter.add.f32 [tilespmem:s26], [sflag:$0x3], $0x80, s19, s25, $0x2000b8;
	[tilespmem:$0x1D000] =	vst v63  }
0x2ed: {  	_ =	swait.ge [sflag:s23], $0x4000  }
0x2ee: {  	[sflag:s23] =	ssyncset.done $0x0  }
0x2ef: {  	[sflag:s23] =	ssyncadd.s32 $0xFFFFC000  }
0x2f0: {  	_ =	strace $0x9000004F  }
0x2f1: {  	_ =	strace $0x80000050  }
0x2f2: {  	s20 =	stileid.u32;
	[bflag:$0x0] =	sbarrier.arrive $0xFFFF  }
0x2f3: {  	s11 =	sshll.u32 s20, $0x6;
	s21 =	rddreg [dreg:$0x3]  }
0x2f4: {  	s11 =	sor.u32 $0x1C03, s11;
	s29 =	rddreg [dreg:$0x12];
	s24 =	sshrl.u32 s21, $0x3  }
0x2f5: {  	[hbm:s29], [sflag:s11] =	dma.local [spmem:s24], $0x2800  }
0x2f6: {  	_ =	swait.ge [sflag:s23], $0x2800  }
0x2f7: {  	s10 =	sadd.s32 $0x1, s10;
	s31 =	rddreg [dreg:$0x13]  }
0x2f8: {  	p0 =	sne.s32 s10, s31  }
.Ltmp1:
0x2f9: {  	_ = 	snop;
	(pc) =	sbr.rel @p0 .LBB2_1-.Ltmp1, $4  }
0x2fa: {  	_ = 	snop  }
0x2fb: {  	[sflag:s23] =	ssyncset.done $0x0  }
0x2fc: {  	[sflag:s23] =	ssyncadd.s32 $0xFFFFD800  }
0x2fd: {  	_ =	strace $0x90000050  }
0x2fe: {  	_ =	sfence.sel $0x180000  }
0x2ff: {  	[bflag:$0x0] =	sbarrier.arrive $0xFFFF  }
0x300: {  	_ =	strace $0x9000004D  }
0x301: {  	s0 =	stileid.u32;
	[bflag:$0x2] =	sbarrier.arrive $0xFFFF  }
0x302: {  	p0 =	sne.s32 s0, $0x0;
	s0 =	rddreg [dreg:$0x2]  }
0x303: {  	s0 =	sadd.s32 @!p0 $0x100000, s0  }
0x304: {  	[sflag:s0] =	ssyncadd.tile.s32 @!p0 $0x1;
	_ =	shalt  }
.Lfunc_end2:
_tile_overlayer_lowered:
.L_overlay_start_2:
0x305: {  	(tag) =	ssettag $0x2  }
0x306: {  	s0 =	rddreg [dreg:$0x0];
	s2 =	stileid.u32  }
0x307: {  	s1 =	rddreg [dreg:$0x1];
	p0 =	sne.s32 s2, $0x0  }
0x308: {  	s3 =	rddreg [dreg:$0x2];
	[bflag:$0x3] =	sbarrier.arrive $0xFFFF;
	s2 =	simm.s32 @!p0 $0x1C03  }
0x309: {  	[timem:s3], [sflag:s2] =	dma.local @!p0 [hbm:s0], s1  }
0x30a: {  	s0 =	simm.s32 @!p0 $0x3  }
0x30b: {  	_ =	swait.ge @!p0 [sflag:s0], s1  }
0x30c: {  	s1 =	ssub.s32 @!p0 $0x0, s1;
	[sflag:s0] =	ssyncset.done @!p0 $0x0  }
0x30d: {  	[sflag:s0] =	ssyncadd.s32 @!p0 s1  }
0x30e: {  	[bflag:$0x3] =	sbarrier.arrive $0xFFFF  }
0x30f: {  	_ =	shalt  }

</sc_bundles>
